<compile_context>
chip_gen: v7x
topology: tpu7x:2x2x1
jax: 0.10.2.dev20260603
libtpu: 0.0.44.dev20260713+nightly
codegen_flags: <defaults>
</compile_context>

<pallas_src>
import jax
import jax.numpy as jnp
from jax import lax
from jax.experimental import pallas as pl
from jax.experimental.pallas import tpu as pltpu
from jax.experimental.pallas import tpu_sc as plsc

N, E, D, G = 10000, 320000, 128, 64
NC, NS = 2, 16
NW = NC * NS
CH = 128
NCH = 80
EPW = NCH * CH
EPAD = NW * EPW
EPW_REAL = E // NW
NACC = N + CH
ZR = 624
ZTAIL = N - NS * ZR
BR = 1000

_mesh = plsc.VectorSubcoreMesh(
    core_axis_name="c", subcore_axis_name="s", num_cores=NC, num_subcores=NS)



def _deg_body(dst_hbm, out_hbm, idx_v, deg_v):
    wid = lax.axis_index("c") * NS + lax.axis_index("s")
    pltpu.sync_copy(dst_hbm.at[pl.ds(wid * EPW_REAL, EPW_REAL)], idx_v)

    def zero(i, _):
        deg_v[pl.ds(i * 16, 16)] = jnp.zeros((16,), jnp.float32)
        return 0
    lax.fori_loop(0, N // 16, zero, 0)

    ones = jnp.ones((16,), jnp.float32)

    def add(i, _):
        plsc.addupdate_scatter(deg_v, [idx_v[pl.ds(i * 16, 16)]], ones)
        return 0
    lax.fori_loop(0, EPW_REAL // 16, add, 0)
    pltpu.sync_copy(deg_v, out_hbm.at[wid])


def _deg_call(dst):
    k = pl.kernel(
        _deg_body,
        out_type=jax.ShapeDtypeStruct((NW, N), jnp.float32),
        mesh=_mesh,
        compiler_params=pltpu.CompilerParams(needs_layout_passes=False),
        scratch_types=[
            pltpu.VMEM((EPW_REAL,), jnp.int32),
            pltpu.VMEM((N,), jnp.float32),
        ],
    )
    return k(dst)


def _msg_body(ts_hbm, ec_hbm, out0, out1,
              eb0, eb1, rows0, rows1, shared, sg0, sg1, se0, se1):
    core = lax.axis_index("c")
    sub = lax.axis_index("s")
    wid = core * NS + sub

    def zrow(i, _):
        for j in range(8):
            rows0[i, pl.ds(j * 16, 16)] = jnp.zeros((16,), jnp.float32)
        return 0
    lax.fori_loop(0, CH, zrow, 0)
    zbase = sub * ZR
    for k in range(4):
        pltpu.sync_copy(rows0, shared.at[pl.ds(zbase + k * CH, CH)])
    pltpu.sync_copy(rows0.at[pl.ds(0, ZR - 4 * CH)],
                    shared.at[pl.ds(zbase + 4 * CH, ZR - 4 * CH)])

    @pl.when(sub == NS - 1)
    def _():
        pltpu.sync_copy(rows0.at[pl.ds(0, ZTAIL)],
                        shared.at[pl.ds(NS * ZR, ZTAIL)])
        pltpu.sync_copy(rows0, shared.at[pl.ds(N, CH)])
    plsc.subcore_barrier()

    cid = wid * NCH

    pltpu.sync_copy(ec_hbm.at[cid], eb0)
    pltpu.async_copy(ts_hbm.at[eb0.at[0]], rows0, sg0)
    pltpu.async_copy(ec_hbm.at[cid + 1], eb1, se1)

    def step(i, _):
        a0 = cid + 2 * i
        pltpu.make_async_copy(ec_hbm.at[a0 + 1], eb1, se1).wait()
        pltpu.async_copy(ts_hbm.at[eb1.at[0]], rows1, sg1)
        pltpu.make_async_copy(ts_hbm.at[eb0.at[0]], rows0, sg0).wait()
        pltpu.sync_copy(rows0, shared.at[eb0.at[1]], add=True)
        pltpu.async_copy(ec_hbm.at[a0 + 2], eb0, se0)
        pltpu.make_async_copy(ec_hbm.at[a0 + 2], eb0, se0).wait()
        pltpu.async_copy(ts_hbm.at[eb0.at[0]], rows0, sg0)
        pltpu.make_async_copy(ts_hbm.at[eb1.at[0]], rows1, sg1).wait()
        pltpu.sync_copy(rows1, shared.at[eb1.at[1]], add=True)
        pltpu.async_copy(ec_hbm.at[a0 + 3], eb1, se1)
        return 0
    lax.fori_loop(0, NCH // 2 - 1, step, 0)

    pltpu.make_async_copy(ec_hbm.at[cid + NCH - 1], eb1, se1).wait()
    pltpu.async_copy(ts_hbm.at[eb1.at[0]], rows1, sg1)
    pltpu.make_async_copy(ts_hbm.at[eb0.at[0]], rows0, sg0).wait()
    pltpu.sync_copy(rows0, shared.at[eb0.at[1]], add=True)
    pltpu.make_async_copy(ts_hbm.at[eb1.at[0]], rows1, sg1).wait()
    pltpu.sync_copy(rows1, shared.at[eb1.at[1]], add=True)

    plsc.subcore_barrier()
    rs = sub * ZR

    @pl.when(core == 0)
    def _():
        pltpu.sync_copy(shared.at[pl.ds(rs, ZR)], out0.at[pl.ds(rs, ZR)])

        @pl.when(sub == NS - 1)
        def _():
            pltpu.sync_copy(shared.at[pl.ds(NS * ZR, ZTAIL)],
                            out0.at[pl.ds(NS * ZR, ZTAIL)])

    @pl.when(core == 1)
    def _():
        pltpu.sync_copy(shared.at[pl.ds(rs, ZR)], out1.at[pl.ds(rs, ZR)])

        @pl.when(sub == NS - 1)
        def _():
            pltpu.sync_copy(shared.at[pl.ds(NS * ZR, ZTAIL)],
                            out1.at[pl.ds(NS * ZR, ZTAIL)])


def _msg_call(ts, echunks):
    k = pl.kernel(
        _msg_body,
        out_type=(jax.ShapeDtypeStruct((N, D), jnp.float32),
                  jax.ShapeDtypeStruct((N, D), jnp.float32)),
        mesh=_mesh,
        scratch_types=[
            pltpu.VMEM((2, CH), jnp.int32),
            pltpu.VMEM((2, CH), jnp.int32),
            pltpu.VMEM((CH, D), jnp.float32),
            pltpu.VMEM((CH, D), jnp.float32),
            pltpu.VMEM_SHARED((NACC, D), jnp.float32),
            pltpu.SemaphoreType.DMA,
            pltpu.SemaphoreType.DMA,
            pltpu.SemaphoreType.DMA,
            pltpu.SemaphoreType.DMA,
        ],
    )
    return k(ts, echunks)



def _dinvpre_call(degpT, x, W1):
    def body(d_ref, x_ref, w_ref, dv_ref, ts_ref):
        deg = jnp.sum(d_ref[...], axis=1, keepdims=True) + 1.0
        dv = jnp.broadcast_to(lax.rsqrt(deg), (BR, D))
        dv_ref[...] = dv
        t = jnp.dot(x_ref[...], w_ref[...], preferred_element_type=jnp.float32)
        ts_ref[...] = t * dv
    return pl.pallas_call(
        body,
        out_shape=(jax.ShapeDtypeStruct((N, D), jnp.float32),
                   jax.ShapeDtypeStruct((N, D), jnp.float32)),
        grid=(N // BR,),
        in_specs=[pl.BlockSpec((BR, NW), lambda i: (i, 0)),
                  pl.BlockSpec((BR, D), lambda i: (i, 0)),
                  pl.BlockSpec((D, D), lambda i: (0, 0))],
        out_specs=(pl.BlockSpec((BR, D), lambda i: (i, 0)),
                   pl.BlockSpec((BR, D), lambda i: (i, 0))),
    )(degpT, x, W1)


def _postpre_call(p0, p1, ts, dinvb, b2d, res, Wn):
    spec = pl.BlockSpec((BR, D), lambda i: (i, 0))
    if res is None:
        def body(p0r, p1r, tsr, dvr, br, wr, hr, tr):
            dv = dvr[...]
            h = jnp.maximum((p0r[...] + p1r[...] + tsr[...]) * dv + br[...],
                            0.0)
            hr[...] = h
            tr[...] = jnp.dot(h, wr[...],
                              preferred_element_type=jnp.float32) * dv
        args = (p0, p1, ts, dinvb, b2d, Wn)
        extra = []
    else:
        def body(p0r, p1r, tsr, dvr, br, rr, wr, hr, tr):
            dv = dvr[...]
            h = jnp.maximum((p0r[...] + p1r[...] + tsr[...]) * dv + br[...],
                            0.0) + rr[...]
            hr[...] = h
            tr[...] = jnp.dot(h, wr[...],
                              preferred_element_type=jnp.float32) * dv
        args = (p0, p1, ts, dinvb, b2d, res, Wn)
        extra = [spec]
    return pl.pallas_call(
        body,
        out_shape=(jax.ShapeDtypeStruct((N, D), jnp.float32),
                   jax.ShapeDtypeStruct((N, D), jnp.float32)),
        grid=(N // BR,),
        in_specs=[spec, spec, spec, spec,
                  pl.BlockSpec((1, D), lambda i: (0, 0))] + extra
                 + [pl.BlockSpec((D, D), lambda i: (0, 0))],
        out_specs=(spec, spec),
    )(*args)


def _post_call(p0, p1, ts, dinvb, b2d, res):
    def body(p0r, p1r, tsr, dvr, br, rr, o_ref):
        s = (p0r[...] + p1r[...] + tsr[...]) * dvr[...] + br[...]
        o_ref[...] = jnp.maximum(s, 0.0) + rr[...]
    spec = pl.BlockSpec((BR, D), lambda i: (i, 0))
    return pl.pallas_call(
        body,
        out_shape=jax.ShapeDtypeStruct((N, D), jnp.float32),
        grid=(N // BR,),
        in_specs=[spec, spec, spec, spec,
                  pl.BlockSpec((1, D), lambda i: (0, 0)), spec],
        out_specs=spec,
    )(p0, p1, ts, dinvb, b2d, res)


RW = 312


def _segpool_body(h_hbm, b_hbm, sums, maxs, cnts,
                  bvec, rbuf, sacc, macc, cacc):
    w = lax.axis_index("c") * NS + lax.axis_index("s")
    rbase = w * RW
    pltpu.sync_copy(b_hbm.at[pl.ds(rbase, RW)], bvec.at[pl.ds(0, RW)])
    pltpu.sync_copy(h_hbm.at[pl.ds(rbase, RW)], rbuf.at[pl.ds(0, RW)])

    @pl.when(w == NW - 1)
    def _():
        pltpu.sync_copy(b_hbm.at[pl.ds(NW * RW, 16)],
                        bvec.at[pl.ds(RW, 16)])
        pltpu.sync_copy(h_hbm.at[pl.ds(NW * RW, 16)],
                        rbuf.at[pl.ds(RW, 16)])

    zero16 = jnp.zeros((16,), jnp.float32)
    ninf16 = jnp.full((16,), -jnp.inf, jnp.float32)

    def init(g, _):
        for j in range(8):
            sacc[g, pl.ds(j * 16, 16)] = zero16
            macc[g, pl.ds(j * 16, 16)] = ninf16
        cacc[g, pl.ds(0, 16)] = zero16
        return 0
    lax.fori_loop(0, G, init, 0)

    inv16 = jnp.full((16,), 1.0 / 16.0, jnp.float32)

    def row(r, _):
        b = bvec[pl.ds(r, 16)][0]
        for j in range(8):
            v = rbuf[r, pl.ds(j * 16, 16)]
            sacc[b, pl.ds(j * 16, 16)] = sacc[b, pl.ds(j * 16, 16)] + v
            macc[b, pl.ds(j * 16, 16)] = jnp.maximum(
                macc[b, pl.ds(j * 16, 16)], v)
        cacc[b, pl.ds(0, 16)] = cacc[b, pl.ds(0, 16)] + inv16
        return 0
    lax.fori_loop(0, RW, row, 0)

    @pl.when(w == NW - 1)
    def _():
        lax.fori_loop(RW, RW + 16, row, 0)

    pltpu.sync_copy(sacc, sums.at[w])
    pltpu.sync_copy(macc, maxs.at[w])
    pltpu.sync_copy(cacc, cnts.at[w])


def _segpool_call(h, batch):
    k = pl.kernel(
        _segpool_body,
        out_type=(jax.ShapeDtypeStruct((NW, G, D), jnp.float32),
                  jax.ShapeDtypeStruct((NW, G, D), jnp.float32),
                  jax.ShapeDtypeStruct((NW, G, 16), jnp.float32)),
        mesh=_mesh,
        scratch_types=[
            pltpu.VMEM((RW + 48,), jnp.int32),
            pltpu.VMEM((RW + 16, D), jnp.float32),
            pltpu.VMEM((G, D), jnp.float32),
            pltpu.VMEM((G, D), jnp.float32),
            pltpu.VMEM((G, 16), jnp.float32),
        ],
    )
    return k(h, batch)


def _mlp_call(sums, maxs, cnts, fW1, fb1, fW2, fb2, fW3, fb3):
    def body(s_ref, m_ref, c_ref, w1_ref, c1_ref, w2_ref, c2_ref,
             w3_ref, c3_ref, o_ref):
        def comb(i, carry):
            s, m, c = carry
            return (s + s_ref[i], jnp.maximum(m, m_ref[i]), c + c_ref[i])
        S, Mx, C = lax.fori_loop(
            0, NW, comb,
            (jnp.zeros((G, D), jnp.float32),
             jnp.full((G, D), -jnp.inf, jnp.float32),
             jnp.zeros((G, 16), jnp.float32)))
        cnt = jnp.sum(C, axis=1, keepdims=True)
        mean = S / jnp.maximum(cnt, 1.0)

        w1 = w1_ref[...]
        a = jnp.dot(mean, w1[:D, :], preferred_element_type=jnp.float32)
        a = a + jnp.dot(Mx, w1[D:, :], preferred_element_type=jnp.float32)
        a = jnp.maximum(a + c1_ref[...], 0.0)
        a = jnp.maximum(
            jnp.dot(a, w2_ref[...], preferred_element_type=jnp.float32)
            + c2_ref[...], 0.0)
        o_ref[...] = (jnp.dot(a, w3_ref[...], preferred_element_type=jnp.float32)
                      + c3_ref[...])

    return pl.pallas_call(
        body,
        out_shape=jax.ShapeDtypeStruct((G, 1), jnp.float32),
    )(sums, maxs, cnts, fW1, fb1, fW2, fb2, fW3, fb3)



def kernel(x, edge_index, batch, W1, b1, W2, b2, W3, b3,
           fW1, fb1, fW2, fb2, fW3, fb3):
    dst = edge_index[1]

    ppw = EPW - EPW_REAL
    pad_src = jnp.broadcast_to(jnp.arange(ppw, dtype=jnp.int32), (NW, ppw))
    pad_dst = jnp.broadcast_to(N + (jnp.arange(ppw, dtype=jnp.int32) % CH),
                               (NW, ppw))
    pad = jnp.stack([pad_src, pad_dst])
    echunks = (jnp.concatenate([edge_index.reshape(2, NW, EPW_REAL), pad],
                               axis=2)
               .reshape(2, NW, NCH, CH).transpose(1, 2, 0, 3)
               .reshape(NW * NCH, 2, CH))

    degp = _deg_call(dst)
    dinvb, ts1 = _dinvpre_call(degp.T, x, W1)
    p0, p1 = _msg_call(ts1, echunks)
    h1, ts2 = _postpre_call(p0, p1, ts1, dinvb, b1.reshape(1, D), None, W2)
    p0, p1 = _msg_call(ts2, echunks)
    h2, ts3 = _postpre_call(p0, p1, ts2, dinvb, b2.reshape(1, D), h1, W3)
    p0, p1 = _msg_call(ts3, echunks)
    h3 = _post_call(p0, p1, ts3, dinvb, b3.reshape(1, D), h2)

    sums, maxs, cnts = _segpool_call(h3, batch)
    return _mlp_call(sums, maxs, cnts, fW1, fb1.reshape(1, D),
                     fW2, fb2.reshape(1, D // 2), fW3, fb3.reshape(1, 1))

# --- scband reference (transcript-rebuilt; emitter-appended) ---
"""Pipeline reference for scband-gcnmodel-89970974917472 (READ-ONLY COPY).

The authoritative reference and input builder live on the scoring server;
editing this copy changes nothing except your own understanding.
"""

import jax, jax.numpy as jnp
import numpy as np

N, E, D, H, G = 10000, 320000, 128, 128, 64

def gcn_conv(x, edge_index, W, b):
    n = x.shape[0]
    loop = jnp.arange(n, dtype=edge_index.dtype)
    src = jnp.concatenate([edge_index[0], loop])
    dst = jnp.concatenate([edge_index[1], loop])
    deg = jnp.zeros((n,), dtype=x.dtype).at[dst].add(1.0)
    dinv = jnp.where(deg > 0, deg ** -0.5, 0.0)
    norm = dinv[src] * dinv[dst]
    h = x @ W
    msg = norm[:, None] * jnp.take(h, src, axis=0)
    out = jnp.zeros((n, W.shape[1]), dtype=x.dtype).at[dst].add(msg)
    return out + b

def setup_inputs(seed: int = 0) -> dict:
    key = jax.random.key(seed)
    ks = jax.random.split(key, 16)
    x = jax.random.normal(ks[0], (N, D), dtype=jnp.float32)
    edge_index = jax.random.randint(ks[1], (2, E), 0, N, dtype=jnp.int32)
    batch = jnp.sort(jax.random.randint(ks[2], (N,), 0, G, dtype=jnp.int32))
    s = 1.0 / np.sqrt(D)
    sh = 1.0 / np.sqrt(H)
    W1 = jax.random.normal(ks[3], (D, H), dtype=jnp.float32) * s
    b1 = jnp.zeros((H,), dtype=jnp.float32)
    W2 = jax.random.normal(ks[4], (H, H), dtype=jnp.float32) * sh
    b2 = jnp.zeros((H,), dtype=jnp.float32)
    W3 = jax.random.normal(ks[5], (H, H), dtype=jnp.float32) * sh
    b3 = jnp.zeros((H,), dtype=jnp.float32)
    fW1 = jax.random.normal(ks[6], (2 * H, H), dtype=jnp.float32) * (1.0 / np.sqrt(2 * H))
    fb1 = jnp.zeros((H,), dtype=jnp.float32)
    fW2 = jax.random.normal(ks[7], (H, H // 2), dtype=jnp.float32) * sh
    fb2 = jnp.zeros((H // 2,), dtype=jnp.float32)
    fW3 = jax.random.normal(ks[8], (H // 2, 1), dtype=jnp.float32) * (1.0 / np.sqrt(H // 2))
    fb3 = jnp.zeros((1,), dtype=jnp.float32)
    return {"x": x, "edge_index": edge_index, "batch": batch, "W1": W1, "b1": b1, "W2": W2, "b2": b2, "W3": W3, "b3": b3, "fW1": fW1, "fb1": fb1, "fW2": fW2, "fb2": fb2, "fW3": fW3, "fb3": fb3}

def reference(x, edge_index, batch, W1, b1, W2, b2, W3, b3, fW1, fb1, fW2, fb2, fW3, fb3):
    h = jax.nn.relu(gcn_conv(x, edge_index, W1, b1))
    res = h
    h = jax.nn.relu(gcn_conv(h, edge_index, W2, b2)) + res
    res = h
    h = jax.nn.relu(gcn_conv(h, edge_index, W3, b3)) + res
    counts = jax.ops.segment_sum(jnp.ones((h.shape[0],), h.dtype), batch, num_segments=G)
    x_mean = jax.ops.segment_sum(h, batch, num_segments=G) / jnp.maximum(counts, 1.0)[:, None]
    x_max = jax.ops.segment_max(h, batch, num_segments=G)
    z = jnp.concatenate([x_mean, x_max], axis=1)
    z = jax.nn.relu(z @ fW1 + fb1)
    z = jax.nn.relu(z @ fW2 + fb2)
    return z @ fW3 + fb3

if __name__ == "__main__":
    import jax
    _d = setup_inputs()
    print(jax.jit(kernel)(*tuple(_d.values())))

</pallas_src>

<mosaic_0001>
#map = affine_map<(d0, d1) -> (0)>
#map1 = affine_map<(d0, d1) -> (0, 0)>
module attributes {stable_mosaic.version = 14 : i64} {
  func.func @_deg_body(%arg0: i32, %arg1: i32, %arg2: memref<320000xi32, #tpu.memory_space<hbm>>, %arg3: memref<32x10000xf32, #tpu.memory_space<hbm>>, %arg4: memref<10000xi32, #tpu.memory_space<vmem>>, %arg5: memref<10000xf32, #tpu.memory_space<vmem>>) attributes {dimension_semantics = [#tpu.dimension_semantics<core_parallel>, #tpu.dimension_semantics<subcore_parallel>], iteration_bounds = array<i64: 2, 16>, scalar_prefetch = 0 : i64, scratch_operands = 2 : i64, tpu.core_type = #tpu.core_type<sc_vector_subcore>, window_params = [{transform_indices = #map}, {transform_indices = #map1}]} {
    %mul3A = arith.constant 16 : i32
    %mul3A_0 = arith.muli %arg0, %mul3A : i32
    %add3A = arith.addi %mul3A_0, %arg1 : i32
    %mul3A_1 = arith.constant 10000 : i32
    %mul3A_2 = arith.muli %add3A, %mul3A_1 : i32
    "tpu.region"() ({
      %run_scoped3A = tpu.sem_alloc : memref<!tpu.dma_semaphore, #tpu.memory_space<semaphore_mem>>
      %dma_start3A = tpu.memref_slice %arg2[%mul3A_2] : memref<320000xi32, #tpu.memory_space<hbm>> -> memref<10000xi32, #tpu.memory_space<hbm>>
      %dma_start3A_17 = tpu.memref_slice %arg2[%mul3A_2] : memref<320000xi32, #tpu.memory_space<hbm>> -> memref<10000xi32, #tpu.memory_space<hbm>>
      tpu.enqueue_dma source(%dma_start3A_17 : memref<10000xi32, #tpu.memory_space<hbm>>) target(%arg4 : memref<10000xi32, #tpu.memory_space<vmem>>) target_semaphore(%run_scoped3A : memref<!tpu.dma_semaphore, #tpu.memory_space<semaphore_mem>>)
      %dma_wait3A = tpu.memref_slice %arg2[%mul3A_2] : memref<320000xi32, #tpu.memory_space<hbm>> -> memref<10000xi32, #tpu.memory_space<hbm>>
      %dma_wait3A_18 = tpu.memref_slice %arg2[%mul3A_2] : memref<320000xi32, #tpu.memory_space<hbm>> -> memref<10000xi32, #tpu.memory_space<hbm>>
      tpu.wait_dma2 semaphore(%run_scoped3A : memref<!tpu.dma_semaphore, #tpu.memory_space<semaphore_mem>>) src(%dma_wait3A_18 : memref<10000xi32, #tpu.memory_space<hbm>>) dst(%arg4 : memref<10000xi32, #tpu.memory_space<vmem>>)
      tpu.yield
    }) : () -> ()
    %scan3A = arith.constant 0 : i32
    %scan3A_3 = arith.constant 0 : i32
    %scan3A_4 = arith.constant 625 : i32
    %scan3A_5 = arith.addi %scan3A_3, %scan3A_4 : i32
    %scan3A_6 = arith.constant 1 : i32
    %scan3A_7 = scf.for %scan3A_17 = %scan3A_3 to %scan3A_5 step %scan3A_6 iter_args(%scan3A_18 = %scan3A) -> (i32)  : i32 {
      %broadcast_in_dim3A_19 = arith.constant 0.000000e+00 : f32
      %broadcast_in_dim3A_20 = vector.broadcast %broadcast_in_dim3A_19 : f32 to vector<16xf32>
      %mul3A_21 = arith.constant 16 : i32
      %mul3A_22 = arith.muli %scan3A_17, %mul3A_21 : i32
      %swap3A = arith.index_cast %mul3A_22 : i32 to index
      %swap3A_23 = tpu.vector_load %arg5[%swap3A] {strides = array<i32>} : memref<10000xf32, #tpu.memory_space<vmem>>, vector<16xf32>,
      tpu.vector_store %arg5[%swap3A], %broadcast_in_dim3A_20 {strides = array<i32>} : memref<10000xf32, #tpu.memory_space<vmem>>, vector<16xf32>,
      %scan3A_24 = arith.constant 0 : i32
      scf.yield %scan3A_24 : i32
    }
    %scan3A_8 = arith.constant 625 : i32
    %broadcast_in_dim3A = arith.constant 1.000000e+00 : f32
    %broadcast_in_dim3A_9 = vector.broadcast %broadcast_in_dim3A : f32 to vector<16xf32>
    %scan3A_10 = arith.constant 0 : i32
    %scan3A_11 = arith.constant 0 : i32
    %scan3A_12 = arith.constant 625 : i32
    %scan3A_13 = arith.addi %scan3A_11, %scan3A_12 : i32
    %scan3A_14 = arith.constant 1 : i32
    %scan3A_15 = scf.for %scan3A_17 = %scan3A_11 to %scan3A_13 step %scan3A_14 iter_args(%scan3A_18 = %scan3A_10) -> (i32)  : i32 {
      %mul3A_19 = arith.constant 16 : i32
      %mul3A_20 = arith.muli %scan3A_17, %mul3A_19 : i32
      %get3A = arith.index_cast %mul3A_20 : i32 to index
      %get3A_21 = tpu.vector_load %arg4[%get3A] {strides = array<i32>} : memref<10000xi32, #tpu.memory_space<vmem>>, vector<16xi32>,
      tpu.vector_store_idx %arg5[%get3A_21], %broadcast_in_dim3A_9 {add = true} : memref<10000xf32, #tpu.memory_space<vmem>>[vector<16xi32>], vector<16xf32>,
      %scan3A_22 = arith.constant 0 : i32
      scf.yield %scan3A_22 : i32
    }
    %scan3A_16 = arith.constant 625 : i32
    "tpu.region"() ({
      %run_scoped3A = tpu.sem_alloc : memref<!tpu.dma_semaphore, #tpu.memory_space<semaphore_mem>>
      %dma_start3A = arith.constant 0 : i32
      %dma_start3A_17 = tpu.memref_slice %arg3[%add3A, %dma_start3A] : memref<32x10000xf32, #tpu.memory_space<hbm>> -> memref<1x10000xf32, #tpu.memory_space<hbm>>
      %dma_start3A_18 = tpu.memref_squeeze %dma_start3A_17 : memref<1x10000xf32, #tpu.memory_space<hbm>> -> memref<10000xf32, #tpu.memory_space<hbm>>
      %dma_start3A_19 = arith.constant 0 : i32
      %dma_start3A_20 = tpu.memref_slice %arg3[%add3A, %dma_start3A_19] : memref<32x10000xf32, #tpu.memory_space<hbm>> -> memref<1x10000xf32, #tpu.memory_space<hbm>>
      %dma_start3A_21 = tpu.memref_squeeze %dma_start3A_20 : memref<1x10000xf32, #tpu.memory_space<hbm>> -> memref<10000xf32, #tpu.memory_space<hbm>>
      tpu.enqueue_dma source(%arg5 : memref<10000xf32, #tpu.memory_space<vmem>>) target(%dma_start3A_21 : memref<10000xf32, #tpu.memory_space<hbm>>) target_semaphore(%run_scoped3A : memref<!tpu.dma_semaphore, #tpu.memory_space<semaphore_mem>>)
      %dma_wait3A = arith.constant 0 : i32
      %dma_wait3A_22 = tpu.memref_slice %arg3[%add3A, %dma_wait3A] : memref<32x10000xf32, #tpu.memory_space<hbm>> -> memref<1x10000xf32, #tpu.memory_space<hbm>>
      %dma_wait3A_23 = tpu.memref_squeeze %dma_wait3A_22 : memref<1x10000xf32, #tpu.memory_space<hbm>> -> memref<10000xf32, #tpu.memory_space<hbm>>
      %dma_wait3A_24 = arith.constant 0 : i32
      %dma_wait3A_25 = tpu.memref_slice %arg3[%add3A, %dma_wait3A_24] : memref<32x10000xf32, #tpu.memory_space<hbm>> -> memref<1x10000xf32, #tpu.memory_space<hbm>>
      %dma_wait3A_26 = tpu.memref_squeeze %dma_wait3A_25 : memref<1x10000xf32, #tpu.memory_space<hbm>> -> memref<10000xf32, #tpu.memory_space<hbm>>
      tpu.wait_dma2 semaphore(%run_scoped3A : memref<!tpu.dma_semaphore, #tpu.memory_space<semaphore_mem>>) src(%arg5 : memref<10000xf32, #tpu.memory_space<vmem>>) dst(%dma_wait3A_26 : memref<10000xf32, #tpu.memory_space<hbm>>)
      tpu.yield
    }) : () -> ()
    return
  }
}

#map = affine_map<(d0, d1) -> (0, 0)>
#map1 = affine_map<(d0, d1) -> (0, 0, 0)>
module attributes {stable_mosaic.version = 14 : i64} {
  func.func @_msg_body(%arg0: i32, %arg1: i32, %arg2: memref<10000x128xf32, #tpu.memory_space<hbm>>, %arg3: memref<2560x2x128xi32, #tpu.memory_space<hbm>>, %arg4: memref<10000x128xf32, #tpu.memory_space<hbm>>, %arg5: memref<10000x128xf32, #tpu.memory_space<hbm>>, %arg6: memref<2x128xi32, #tpu.memory_space<vmem>>, %arg7: memref<2x128xi32, #tpu.memory_space<vmem>>, %arg8: memref<128x128xf32, #tpu.memory_space<vmem>>, %arg9: memref<128x128xf32, #tpu.memory_space<vmem>>, %arg10: memref<10128x128xf32, #tpu.memory_space<vmem_shared>>, %arg11: memref<!tpu.dma_semaphore, #tpu.memory_space<semaphore_mem>>, %arg12: memref<!tpu.dma_semaphore, #tpu.memory_space<semaphore_mem>>, %arg13: memref<!tpu.dma_semaphore, #tpu.memory_space<semaphore_mem>>, %arg14: memref<!tpu.dma_semaphore, #tpu.memory_space<semaphore_mem>>) attributes {dimension_semantics = [#tpu.dimension_semantics<core_parallel>, #tpu.dimension_semantics<subcore_parallel>], iteration_bounds = array<i64: 2, 16>, scalar_prefetch = 0 : i64, scratch_operands = 9 : i64, tpu.core_type = #tpu.core_type<sc_vector_subcore>, window_params = [{transform_indices = #map}, {transform_indices = #map1}, {transform_indices = #map}, {transform_indices = #map}]} {
    %mul3A = arith.constant 16 : i32
    %mul3A_0 = arith.muli %arg0, %mul3A : i32
    %add3A = arith.addi %mul3A_0, %arg1 : i32
    %scan3A = arith.constant 0 : i32
    %scan3A_1 = arith.constant 0 : i32
    %scan3A_2 = arith.constant 128 : i32
    %scan3A_3 = arith.addi %scan3A_1, %scan3A_2 : i32
    %scan3A_4 = arith.constant 1 : i32
    %scan3A_5 = scf.for %scan3A_91 = %scan3A_1 to %scan3A_3 step %scan3A_4 iter_args(%scan3A_92 = %scan3A) -> (i32)  : i32 {
      %broadcast_in_dim3A = arith.constant 0.000000e+00 : f32
      %broadcast_in_dim3A_93 = vector.broadcast %broadcast_in_dim3A : f32 to vector<16xf32>
      %swap3A = arith.index_cast %scan3A_91 : i32 to index
      %swap3A_94 = arith.constant 0 : index
      %swap3A_95 = tpu.vector_load %arg8[%swap3A, %swap3A_94] {strides = array<i32>} : memref<128x128xf32, #tpu.memory_space<vmem>>, vector<1x16xf32>,
      %swap3A_96 = vector.shape_cast %swap3A_95 : vector<1x16xf32> to vector<16xf32>
      %swap3A_97 = vector.shape_cast %broadcast_in_dim3A_93 : vector<16xf32> to vector<1x16xf32>
      tpu.vector_store %arg8[%swap3A, %swap3A_94], %swap3A_97 {strides = array<i32>} : memref<128x128xf32, #tpu.memory_space<vmem>>, vector<1x16xf32>,
      %broadcast_in_dim3A_98 = arith.constant 0.000000e+00 : f32
      %broadcast_in_dim3A_99 = vector.broadcast %broadcast_in_dim3A_98 : f32 to vector<16xf32>
      %swap3A_100 = arith.index_cast %scan3A_91 : i32 to index
      %swap3A_101 = arith.constant 16 : index
      %swap3A_102 = tpu.vector_load %arg8[%swap3A_100, %swap3A_101] {strides = array<i32>} : memref<128x128xf32, #tpu.memory_space<vmem>>, vector<1x16xf32>,
      %swap3A_103 = vector.shape_cast %swap3A_102 : vector<1x16xf32> to vector<16xf32>
      %swap3A_104 = vector.shape_cast %broadcast_in_dim3A_99 : vector<16xf32> to vector<1x16xf32>
      tpu.vector_store %arg8[%swap3A_100, %swap3A_101], %swap3A_104 {strides = array<i32>} : memref<128x128xf32, #tpu.memory_space<vmem>>, vector<1x16xf32>,
      %broadcast_in_dim3A_105 = arith.constant 0.000000e+00 : f32
      %broadcast_in_dim3A_106 = vector.broadcast %broadcast_in_dim3A_105 : f32 to vector<16xf32>
      %swap3A_107 = arith.index_cast %scan3A_91 : i32 to index
      %swap3A_108 = arith.constant 32 : index
      %swap3A_109 = tpu.vector_load %arg8[%swap3A_107, %swap3A_108] {strides = array<i32>} : memref<128x128xf32, #tpu.memory_space<vmem>>, vector<1x16xf32>,
      %swap3A_110 = vector.shape_cast %swap3A_109 : vector<1x16xf32> to vector<16xf32>
      %swap3A_111 = vector.shape_cast %broadcast_in_dim3A_106 : vector<16xf32> to vector<1x16xf32>
      tpu.vector_store %arg8[%swap3A_107, %swap3A_108], %swap3A_111 {strides = array<i32>} : memref<128x128xf32, #tpu.memory_space<vmem>>, vector<1x16xf32>,
      %broadcast_in_dim3A_112 = arith.constant 0.000000e+00 : f32
      %broadcast_in_dim3A_113 = vector.broadcast %broadcast_in_dim3A_112 : f32 to vector<16xf32>
      %swap3A_114 = arith.index_cast %scan3A_91 : i32 to index
      %swap3A_115 = arith.constant 48 : index
      %swap3A_116 = tpu.vector_load %arg8[%swap3A_114, %swap3A_115] {strides = array<i32>} : memref<128x128xf32, #tpu.memory_space<vmem>>, vector<1x16xf32>,
      %swap3A_117 = vector.shape_cast %swap3A_116 : vector<1x16xf32> to vector<16xf32>
      %swap3A_118 = vector.shape_cast %broadcast_in_dim3A_113 : vector<16xf32> to vector<1x16xf32>
      tpu.vector_store %arg8[%swap3A_114, %swap3A_115], %swap3A_118 {strides = array<i32>} : memref<128x128xf32, #tpu.memory_space<vmem>>, vector<1x16xf32>,
      %broadcast_in_dim3A_119 = arith.constant 0.000000e+00 : f32
      %broadcast_in_dim3A_120 = vector.broadcast %broadcast_in_dim3A_119 : f32 to vector<16xf32>
      %swap3A_121 = arith.index_cast %scan3A_91 : i32 to index
      %swap3A_122 = arith.constant 64 : index
      %swap3A_123 = tpu.vector_load %arg8[%swap3A_121, %swap3A_122] {strides = array<i32>} : memref<128x128xf32, #tpu.memory_space<vmem>>, vector<1x16xf32>,
      %swap3A_124 = vector.shape_cast %swap3A_123 : vector<1x16xf32> to vector<16xf32>
      %swap3A_125 = vector.shape_cast %broadcast_in_dim3A_120 : vector<16xf32> to vector<1x16xf32>
      tpu.vector_store %arg8[%swap3A_121, %swap3A_122], %swap3A_125 {strides = array<i32>} : memref<128x128xf32, #tpu.memory_space<vmem>>, vector<1x16xf32>,
      %broadcast_in_dim3A_126 = arith.constant 0.000000e+00 : f32
      %broadcast_in_dim3A_127 = vector.broadcast %broadcast_in_dim3A_126 : f32 to vector<16xf32>
      %swap3A_128 = arith.index_cast %scan3A_91 : i32 to index
      %swap3A_129 = arith.constant 80 : index
      %swap3A_130 = tpu.vector_load %arg8[%swap3A_128, %swap3A_129] {strides = array<i32>} : memref<128x128xf32, #tpu.memory_space<vmem>>, vector<1x16xf32>,
      %swap3A_131 = vector.shape_cast %swap3A_130 : vector<1x16xf32> to vector<16xf32>
      %swap3A_132 = vector.shape_cast %broadcast_in_dim3A_127 : vector<16xf32> to vector<1x16xf32>
      tpu.vector_store %arg8[%swap3A_128, %swap3A_129], %swap3A_132 {strides = array<i32>} : memref<128x128xf32, #tpu.memory_space<vmem>>, vector<1x16xf32>,
      %broadcast_in_dim3A_133 = arith.constant 0.000000e+00 : f32
      %broadcast_in_dim3A_134 = vector.broadcast %broadcast_in_dim3A_133 : f32 to vector<16xf32>
      %swap3A_135 = arith.index_cast %scan3A_91 : i32 to index
      %swap3A_136 = arith.constant 96 : index
      %swap3A_137 = tpu.vector_load %arg8[%swap3A_135, %swap3A_136] {strides = array<i32>} : memref<128x128xf32, #tpu.memory_space<vmem>>, vector<1x16xf32>,
      %swap3A_138 = vector.shape_cast %swap3A_137 : vector<1x16xf32> to vector<16xf32>
      %swap3A_139 = vector.shape_cast %broadcast_in_dim3A_134 : vector<16xf32> to vector<1x16xf32>
      tpu.vector_store %arg8[%swap3A_135, %swap3A_136], %swap3A_139 {strides = array<i32>} : memref<128x128xf32, #tpu.memory_space<vmem>>, vector<1x16xf32>,
      %broadcast_in_dim3A_140 = arith.constant 0.000000e+00 : f32
      %broadcast_in_dim3A_141 = vector.broadcast %broadcast_in_dim3A_140 : f32 to vector<16xf32>
      %swap3A_142 = arith.index_cast %scan3A_91 : i32 to index
      %swap3A_143 = arith.constant 112 : index
      %swap3A_144 = tpu.vector_load %arg8[%swap3A_142, %swap3A_143] {strides = array<i32>} : memref<128x128xf32, #tpu.memory_space<vmem>>, vector<1x16xf32>,
      %swap3A_145 = vector.shape_cast %swap3A_144 : vector<1x16xf32> to vector<16xf32>
      %swap3A_146 = vector.shape_cast %broadcast_in_dim3A_141 : vector<16xf32> to vector<1x16xf32>
      tpu.vector_store %arg8[%swap3A_142, %swap3A_143], %swap3A_146 {strides = array<i32>} : memref<128x128xf32, #tpu.memory_space<vmem>>, vector<1x16xf32>,
      %scan3A_147 = arith.constant 0 : i32
      scf.yield %scan3A_147 : i32
    }
    %scan3A_6 = arith.constant 128 : i32
    %mul3A_7 = arith.constant 624 : i32
    %mul3A_8 = arith.muli %arg1, %mul3A_7 : i32
    %add3A_9 = arith.constant 0 : i32
    %add3A_10 = arith.addi %mul3A_8, %add3A_9 : i32
    "tpu.region"() ({
      %run_scoped3A_91 = tpu.sem_alloc : memref<!tpu.dma_semaphore, #tpu.memory_space<semaphore_mem>>
      %dma_start3A_92 = arith.constant 0 : i32
      %dma_start3A_93 = tpu.memref_slice %arg10[%add3A_10, %dma_start3A_92] : memref<10128x128xf32, #tpu.memory_space<vmem_shared>> -> memref<128x128xf32, #tpu.memory_space<vmem_shared>>
      %dma_start3A_94 = arith.constant 0 : i32
      %dma_start3A_95 = tpu.memref_slice %arg10[%add3A_10, %dma_start3A_94] : memref<10128x128xf32, #tpu.memory_space<vmem_shared>> -> memref<128x128xf32, #tpu.memory_space<vmem_shared>>
      tpu.enqueue_dma source(%arg8 : memref<128x128xf32, #tpu.memory_space<vmem>>) target(%dma_start3A_95 : memref<128x128xf32, #tpu.memory_space<vmem_shared>>) target_semaphore(%run_scoped3A_91 : memref<!tpu.dma_semaphore, #tpu.memory_space<semaphore_mem>>)
      %dma_wait3A_96 = arith.constant 0 : i32
      %dma_wait3A_97 = tpu.memref_slice %arg10[%add3A_10, %dma_wait3A_96] : memref<10128x128xf32, #tpu.memory_space<vmem_shared>> -> memref<128x128xf32, #tpu.memory_space<vmem_shared>>
      %dma_wait3A_98 = arith.constant 0 : i32
      %dma_wait3A_99 = tpu.memref_slice %arg10[%add3A_10, %dma_wait3A_98] : memref<10128x128xf32, #tpu.memory_space<vmem_shared>> -> memref<128x128xf32, #tpu.memory_space<vmem_shared>>
      tpu.wait_dma2 semaphore(%run_scoped3A_91 : memref<!tpu.dma_semaphore, #tpu.memory_space<semaphore_mem>>) src(%arg8 : memref<128x128xf32, #tpu.memory_space<vmem>>) dst(%dma_wait3A_99 : memref<128x128xf32, #tpu.memory_space<vmem_shared>>)
      tpu.yield
    }) : () -> ()
    %add3A_11 = arith.constant 128 : i32
    %add3A_12 = arith.addi %mul3A_8, %add3A_11 : i32
    "tpu.region"() ({
      %run_scoped3A_91 = tpu.sem_alloc : memref<!tpu.dma_semaphore, #tpu.memory_space<semaphore_mem>>
      %dma_start3A_92 = arith.constant 0 : i32
      %dma_start3A_93 = tpu.memref_slice %arg10[%add3A_12, %dma_start3A_92] : memref<10128x128xf32, #tpu.memory_space<vmem_shared>> -> memref<128x128xf32, #tpu.memory_space<vmem_shared>>
      %dma_start3A_94 = arith.constant 0 : i32
      %dma_start3A_95 = tpu.memref_slice %arg10[%add3A_12, %dma_start3A_94] : memref<10128x128xf32, #tpu.memory_space<vmem_shared>> -> memref<128x128xf32, #tpu.memory_space<vmem_shared>>
      tpu.enqueue_dma source(%arg8 : memref<128x128xf32, #tpu.memory_space<vmem>>) target(%dma_start3A_95 : memref<128x128xf32, #tpu.memory_space<vmem_shared>>) target_semaphore(%run_scoped3A_91 : memref<!tpu.dma_semaphore, #tpu.memory_space<semaphore_mem>>)
      %dma_wait3A_96 = arith.constant 0 : i32
      %dma_wait3A_97 = tpu.memref_slice %arg10[%add3A_12, %dma_wait3A_96] : memref<10128x128xf32, #tpu.memory_space<vmem_shared>> -> memref<128x128xf32, #tpu.memory_space<vmem_shared>>
      %dma_wait3A_98 = arith.constant 0 : i32
      %dma_wait3A_99 = tpu.memref_slice %arg10[%add3A_12, %dma_wait3A_98] : memref<10128x128xf32, #tpu.memory_space<vmem_shared>> -> memref<128x128xf32, #tpu.memory_space<vmem_shared>>
      tpu.wait_dma2 semaphore(%run_scoped3A_91 : memref<!tpu.dma_semaphore, #tpu.memory_space<semaphore_mem>>) src(%arg8 : memref<128x128xf32, #tpu.memory_space<vmem>>) dst(%dma_wait3A_99 : memref<128x128xf32, #tpu.memory_space<vmem_shared>>)
      tpu.yield
    }) : () -> ()
    %add3A_13 = arith.constant 256 : i32
    %add3A_14 = arith.addi %mul3A_8, %add3A_13 : i32
    "tpu.region"() ({
      %run_scoped3A_91 = tpu.sem_alloc : memref<!tpu.dma_semaphore, #tpu.memory_space<semaphore_mem>>
      %dma_start3A_92 = arith.constant 0 : i32
      %dma_start3A_93 = tpu.memref_slice %arg10[%add3A_14, %dma_start3A_92] : memref<10128x128xf32, #tpu.memory_space<vmem_shared>> -> memref<128x128xf32, #tpu.memory_space<vmem_shared>>
      %dma_start3A_94 = arith.constant 0 : i32
      %dma_start3A_95 = tpu.memref_slice %arg10[%add3A_14, %dma_start3A_94] : memref<10128x128xf32, #tpu.memory_space<vmem_shared>> -> memref<128x128xf32, #tpu.memory_space<vmem_shared>>
      tpu.enqueue_dma source(%arg8 : memref<128x128xf32, #tpu.memory_space<vmem>>) target(%dma_start3A_95 : memref<128x128xf32, #tpu.memory_space<vmem_shared>>) target_semaphore(%run_scoped3A_91 : memref<!tpu.dma_semaphore, #tpu.memory_space<semaphore_mem>>)
      %dma_wait3A_96 = arith.constant 0 : i32
      %dma_wait3A_97 = tpu.memref_slice %arg10[%add3A_14, %dma_wait3A_96] : memref<10128x128xf32, #tpu.memory_space<vmem_shared>> -> memref<128x128xf32, #tpu.memory_space<vmem_shared>>
      %dma_wait3A_98 = arith.constant 0 : i32
      %dma_wait3A_99 = tpu.memref_slice %arg10[%add3A_14, %dma_wait3A_98] : memref<10128x128xf32, #tpu.memory_space<vmem_shared>> -> memref<128x128xf32, #tpu.memory_space<vmem_shared>>
      tpu.wait_dma2 semaphore(%run_scoped3A_91 : memref<!tpu.dma_semaphore, #tpu.memory_space<semaphore_mem>>) src(%arg8 : memref<128x128xf32, #tpu.memory_space<vmem>>) dst(%dma_wait3A_99 : memref<128x128xf32, #tpu.memory_space<vmem_shared>>)
      tpu.yield
    }) : () -> ()
    %add3A_15 = arith.constant 384 : i32
    %add3A_16 = arith.addi %mul3A_8, %add3A_15 : i32
    "tpu.region"() ({
      %run_scoped3A_91 = tpu.sem_alloc : memref<!tpu.dma_semaphore, #tpu.memory_space<semaphore_mem>>
      %dma_start3A_92 = arith.constant 0 : i32
      %dma_start3A_93 = tpu.memref_slice %arg10[%add3A_16, %dma_start3A_92] : memref<10128x128xf32, #tpu.memory_space<vmem_shared>> -> memref<128x128xf32, #tpu.memory_space<vmem_shared>>
      %dma_start3A_94 = arith.constant 0 : i32
      %dma_start3A_95 = tpu.memref_slice %arg10[%add3A_16, %dma_start3A_94] : memref<10128x128xf32, #tpu.memory_space<vmem_shared>> -> memref<128x128xf32, #tpu.memory_space<vmem_shared>>
      tpu.enqueue_dma source(%arg8 : memref<128x128xf32, #tpu.memory_space<vmem>>) target(%dma_start3A_95 : memref<128x128xf32, #tpu.memory_space<vmem_shared>>) target_semaphore(%run_scoped3A_91 : memref<!tpu.dma_semaphore, #tpu.memory_space<semaphore_mem>>)
      %dma_wait3A_96 = arith.constant 0 : i32
      %dma_wait3A_97 = tpu.memref_slice %arg10[%add3A_16, %dma_wait3A_96] : memref<10128x128xf32, #tpu.memory_space<vmem_shared>> -> memref<128x128xf32, #tpu.memory_space<vmem_shared>>
      %dma_wait3A_98 = arith.constant 0 : i32
      %dma_wait3A_99 = tpu.memref_slice %arg10[%add3A_16, %dma_wait3A_98] : memref<10128x128xf32, #tpu.memory_space<vmem_shared>> -> memref<128x128xf32, #tpu.memory_space<vmem_shared>>
      tpu.wait_dma2 semaphore(%run_scoped3A_91 : memref<!tpu.dma_semaphore, #tpu.memory_space<semaphore_mem>>) src(%arg8 : memref<128x128xf32, #tpu.memory_space<vmem>>) dst(%dma_wait3A_99 : memref<128x128xf32, #tpu.memory_space<vmem_shared>>)
      tpu.yield
    }) : () -> ()
    %add3A_17 = arith.constant 512 : i32
    %add3A_18 = arith.addi %mul3A_8, %add3A_17 : i32
    "tpu.region"() ({
      %run_scoped3A_91 = tpu.sem_alloc : memref<!tpu.dma_semaphore, #tpu.memory_space<semaphore_mem>>
      %dma_start3A_92 = arith.constant 0 : i32
      %dma_start3A_93 = arith.constant 0 : i32
      %dma_start3A_94 = tpu.memref_slice %arg8[%dma_start3A_92, %dma_start3A_93] : memref<128x128xf32, #tpu.memory_space<vmem>> -> memref<112x128xf32, #tpu.memory_space<vmem>>
      %dma_start3A_95 = arith.constant 0 : i32
      %dma_start3A_96 = tpu.memref_slice %arg10[%add3A_18, %dma_start3A_95] : memref<10128x128xf32, #tpu.memory_space<vmem_shared>> -> memref<112x128xf32, #tpu.memory_space<vmem_shared>>
      %dma_start3A_97 = arith.constant 0 : i32
      %dma_start3A_98 = tpu.memref_slice %arg10[%add3A_18, %dma_start3A_97] : memref<10128x128xf32, #tpu.memory_space<vmem_shared>> -> memref<112x128xf32, #tpu.memory_space<vmem_shared>>
      %dma_start3A_99 = arith.constant 0 : i32
      %dma_start3A_100 = arith.constant 0 : i32
      %dma_start3A_101 = tpu.memref_slice %arg8[%dma_start3A_99, %dma_start3A_100] : memref<128x128xf32, #tpu.memory_space<vmem>> -> memref<112x128xf32, #tpu.memory_space<vmem>>
      tpu.enqueue_dma source(%dma_start3A_101 : memref<112x128xf32, #tpu.memory_space<vmem>>) target(%dma_start3A_98 : memref<112x128xf32, #tpu.memory_space<vmem_shared>>) target_semaphore(%run_scoped3A_91 : memref<!tpu.dma_semaphore, #tpu.memory_space<semaphore_mem>>)
      %dma_wait3A_102 = arith.constant 0 : i32
      %dma_wait3A_103 = arith.constant 0 : i32
      %dma_wait3A_104 = tpu.memref_slice %arg8[%dma_wait3A_102, %dma_wait3A_103] : memref<128x128xf32, #tpu.memory_space<vmem>> -> memref<112x128xf32, #tpu.memory_space<vmem>>
      %dma_wait3A_105 = arith.constant 0 : i32
      %dma_wait3A_106 = tpu.memref_slice %arg10[%add3A_18, %dma_wait3A_105] : memref<10128x128xf32, #tpu.memory_space<vmem_shared>> -> memref<112x128xf32, #tpu.memory_space<vmem_shared>>
      %dma_wait3A_107 = arith.constant 0 : i32
      %dma_wait3A_108 = tpu.memref_slice %arg10[%add3A_18, %dma_wait3A_107] : memref<10128x128xf32, #tpu.memory_space<vmem_shared>> -> memref<112x128xf32, #tpu.memory_space<vmem_shared>>
      %dma_wait3A_109 = arith.constant 0 : i32
      %dma_wait3A_110 = arith.constant 0 : i32
      %dma_wait3A_111 = tpu.memref_slice %arg8[%dma_wait3A_109, %dma_wait3A_110] : memref<128x128xf32, #tpu.memory_space<vmem>> -> memref<112x128xf32, #tpu.memory_space<vmem>>
      tpu.wait_dma2 semaphore(%run_scoped3A_91 : memref<!tpu.dma_semaphore, #tpu.memory_space<semaphore_mem>>) src(%dma_wait3A_111 : memref<112x128xf32, #tpu.memory_space<vmem>>) dst(%dma_wait3A_108 : memref<112x128xf32, #tpu.memory_space<vmem_shared>>)
      tpu.yield
    }) : () -> ()
    %eq3A = arith.constant 15 : i32
    %eq3A_19 = arith.cmpi eq, %arg1, %eq3A : i32
    %convert_element_type3A = arith.extui %eq3A_19 : i1 to i32
    %cond3A = arith.constant 0 : i32
    %cond3A_20 = arith.cmpi ne, %convert_element_type3A, %cond3A : i32
    scf.if %cond3A_20 {
      "tpu.region"() ({
        %run_scoped3A_91 = tpu.sem_alloc : memref<!tpu.dma_semaphore, #tpu.memory_space<semaphore_mem>>
        %dma_start3A_92 = arith.constant 0 : i32
        %dma_start3A_93 = arith.constant 0 : i32
        %dma_start3A_94 = tpu.memref_slice %arg8[%dma_start3A_92, %dma_start3A_93] : memref<128x128xf32, #tpu.memory_space<vmem>> -> memref<16x128xf32, #tpu.memory_space<vmem>>
        %dma_start3A_95 = arith.constant 9984 : i32
        %dma_start3A_96 = arith.constant 0 : i32
        %dma_start3A_97 = tpu.memref_slice %arg10[%dma_start3A_95, %dma_start3A_96] : memref<10128x128xf32, #tpu.memory_space<vmem_shared>> -> memref<16x128xf32, #tpu.memory_space<vmem_shared>>
        %dma_start3A_98 = arith.constant 9984 : i32
        %dma_start3A_99 = arith.constant 0 : i32
        %dma_start3A_100 = tpu.memref_slice %arg10[%dma_start3A_98, %dma_start3A_99] : memref<10128x128xf32, #tpu.memory_space<vmem_shared>> -> memref<16x128xf32, #tpu.memory_space<vmem_shared>>
        %dma_start3A_101 = arith.constant 0 : i32
        %dma_start3A_102 = arith.constant 0 : i32
        %dma_start3A_103 = tpu.memref_slice %arg8[%dma_start3A_101, %dma_start3A_102] : memref<128x128xf32, #tpu.memory_space<vmem>> -> memref<16x128xf32, #tpu.memory_space<vmem>>
        tpu.enqueue_dma source(%dma_start3A_103 : memref<16x128xf32, #tpu.memory_space<vmem>>) target(%dma_start3A_100 : memref<16x128xf32, #tpu.memory_space<vmem_shared>>) target_semaphore(%run_scoped3A_91 : memref<!tpu.dma_semaphore, #tpu.memory_space<semaphore_mem>>)
        %dma_wait3A_104 = arith.constant 0 : i32
        %dma_wait3A_105 = arith.constant 0 : i32
        %dma_wait3A_106 = tpu.memref_slice %arg8[%dma_wait3A_104, %dma_wait3A_105] : memref<128x128xf32, #tpu.memory_space<vmem>> -> memref<16x128xf32, #tpu.memory_space<vmem>>
        %dma_wait3A_107 = arith.constant 9984 : i32
        %dma_wait3A_108 = arith.constant 0 : i32
        %dma_wait3A_109 = tpu.memref_slice %arg10[%dma_wait3A_107, %dma_wait3A_108] : memref<10128x128xf32, #tpu.memory_space<vmem_shared>> -> memref<16x128xf32, #tpu.memory_space<vmem_shared>>
        %dma_wait3A_110 = arith.constant 9984 : i32
        %dma_wait3A_111 = arith.constant 0 : i32
        %dma_wait3A_112 = tpu.memref_slice %arg10[%dma_wait3A_110, %dma_wait3A_111] : memref<10128x128xf32, #tpu.memory_space<vmem_shared>> -> memref<16x128xf32, #tpu.memory_space<vmem_shared>>
        %dma_wait3A_113 = arith.constant 0 : i32
        %dma_wait3A_114 = arith.constant 0 : i32
        %dma_wait3A_115 = tpu.memref_slice %arg8[%dma_wait3A_113, %dma_wait3A_114] : memref<128x128xf32, #tpu.memory_space<vmem>> -> memref<16x128xf32, #tpu.memory_space<vmem>>
        tpu.wait_dma2 semaphore(%run_scoped3A_91 : memref<!tpu.dma_semaphore, #tpu.memory_space<semaphore_mem>>) src(%dma_wait3A_115 : memref<16x128xf32, #tpu.memory_space<vmem>>) dst(%dma_wait3A_112 : memref<16x128xf32, #tpu.memory_space<vmem_shared>>)
        tpu.yield
      }) : () -> ()
      "tpu.region"() ({
        %run_scoped3A_91 = tpu.sem_alloc : memref<!tpu.dma_semaphore, #tpu.memory_space<semaphore_mem>>
        %dma_start3A_92 = arith.constant 10000 : i32
        %dma_start3A_93 = arith.constant 0 : i32
        %dma_start3A_94 = tpu.memref_slice %arg10[%dma_start3A_92, %dma_start3A_93] : memref<10128x128xf32, #tpu.memory_space<vmem_shared>> -> memref<128x128xf32, #tpu.memory_space<vmem_shared>>
        %dma_start3A_95 = arith.constant 10000 : i32
        %dma_start3A_96 = arith.constant 0 : i32
        %dma_start3A_97 = tpu.memref_slice %arg10[%dma_start3A_95, %dma_start3A_96] : memref<10128x128xf32, #tpu.memory_space<vmem_shared>> -> memref<128x128xf32, #tpu.memory_space<vmem_shared>>
        tpu.enqueue_dma source(%arg8 : memref<128x128xf32, #tpu.memory_space<vmem>>) target(%dma_start3A_97 : memref<128x128xf32, #tpu.memory_space<vmem_shared>>) target_semaphore(%run_scoped3A_91 : memref<!tpu.dma_semaphore, #tpu.memory_space<semaphore_mem>>)
        %dma_wait3A_98 = arith.constant 10000 : i32
        %dma_wait3A_99 = arith.constant 0 : i32
        %dma_wait3A_100 = tpu.memref_slice %arg10[%dma_wait3A_98, %dma_wait3A_99] : memref<10128x128xf32, #tpu.memory_space<vmem_shared>> -> memref<128x128xf32, #tpu.memory_space<vmem_shared>>
        %dma_wait3A_101 = arith.constant 10000 : i32
        %dma_wait3A_102 = arith.constant 0 : i32
        %dma_wait3A_103 = tpu.memref_slice %arg10[%dma_wait3A_101, %dma_wait3A_102] : memref<10128x128xf32, #tpu.memory_space<vmem_shared>> -> memref<128x128xf32, #tpu.memory_space<vmem_shared>>
        tpu.wait_dma2 semaphore(%run_scoped3A_91 : memref<!tpu.dma_semaphore, #tpu.memory_space<semaphore_mem>>) src(%arg8 : memref<128x128xf32, #tpu.memory_space<vmem>>) dst(%dma_wait3A_103 : memref<128x128xf32, #tpu.memory_space<vmem_shared>>)
        tpu.yield
      }) : () -> ()
    } else {
    }
    %barrier3A = arith.constant 0 : index
    tpu.barrier barrier_id(%barrier3A)
    %mul3A_21 = arith.constant 80 : i32
    %mul3A_22 = arith.muli %add3A, %mul3A_21 : i32
    "tpu.region"() ({
      %run_scoped3A_91 = tpu.sem_alloc : memref<!tpu.dma_semaphore, #tpu.memory_space<semaphore_mem>>
      %dma_start3A_92 = arith.constant 0 : i32
      %dma_start3A_93 = arith.constant 0 : i32
      %dma_start3A_94 = tpu.memref_slice %arg3[%mul3A_22, %dma_start3A_92, %dma_start3A_93] : memref<2560x2x128xi32, #tpu.memory_space<hbm>> -> memref<1x2x128xi32, #tpu.memory_space<hbm>>
      %dma_start3A_95 = tpu.memref_squeeze %dma_start3A_94 : memref<1x2x128xi32, #tpu.memory_space<hbm>> -> memref<2x128xi32, #tpu.memory_space<hbm>>
      %dma_start3A_96 = arith.constant 0 : i32
      %dma_start3A_97 = arith.constant 0 : i32
      %dma_start3A_98 = tpu.memref_slice %arg3[%mul3A_22, %dma_start3A_96, %dma_start3A_97] : memref<2560x2x128xi32, #tpu.memory_space<hbm>> -> memref<1x2x128xi32, #tpu.memory_space<hbm>>
      %dma_start3A_99 = tpu.memref_squeeze %dma_start3A_98 : memref<1x2x128xi32, #tpu.memory_space<hbm>> -> memref<2x128xi32, #tpu.memory_space<hbm>>
      tpu.enqueue_dma source(%dma_start3A_99 : memref<2x128xi32, #tpu.memory_space<hbm>>) target(%arg6 : memref<2x128xi32, #tpu.memory_space<vmem>>) target_semaphore(%run_scoped3A_91 : memref<!tpu.dma_semaphore, #tpu.memory_space<semaphore_mem>>)
      %dma_wait3A_100 = arith.constant 0 : i32
      %dma_wait3A_101 = arith.constant 0 : i32
      %dma_wait3A_102 = tpu.memref_slice %arg3[%mul3A_22, %dma_wait3A_100, %dma_wait3A_101] : memref<2560x2x128xi32, #tpu.memory_space<hbm>> -> memref<1x2x128xi32, #tpu.memory_space<hbm>>
      %dma_wait3A_103 = tpu.memref_squeeze %dma_wait3A_102 : memref<1x2x128xi32, #tpu.memory_space<hbm>> -> memref<2x128xi32, #tpu.memory_space<hbm>>
      %dma_wait3A_104 = arith.constant 0 : i32
      %dma_wait3A_105 = arith.constant 0 : i32
      %dma_wait3A_106 = tpu.memref_slice %arg3[%mul3A_22, %dma_wait3A_104, %dma_wait3A_105] : memref<2560x2x128xi32, #tpu.memory_space<hbm>> -> memref<1x2x128xi32, #tpu.memory_space<hbm>>
      %dma_wait3A_107 = tpu.memref_squeeze %dma_wait3A_106 : memref<1x2x128xi32, #tpu.memory_space<hbm>> -> memref<2x128xi32, #tpu.memory_space<hbm>>
      tpu.wait_dma2 semaphore(%run_scoped3A_91 : memref<!tpu.dma_semaphore, #tpu.memory_space<semaphore_mem>>) src(%dma_wait3A_107 : memref<2x128xi32, #tpu.memory_space<hbm>>) dst(%arg6 : memref<2x128xi32, #tpu.memory_space<vmem>>)
      tpu.yield
    }) : () -> ()
    %dma_start3A = arith.constant 0 : i32
    %dma_start3A_23 = arith.constant 0 : i32
    %dma_start3A_24 = tpu.memref_slice %arg6[%dma_start3A, %dma_start3A_23] : memref<2x128xi32, #tpu.memory_space<vmem>> -> memref<1x128xi32, #tpu.memory_space<vmem>>
    %dma_start3A_25 = tpu.memref_squeeze %dma_start3A_24 : memref<1x128xi32, #tpu.memory_space<vmem>> -> memref<128xi32, #tpu.memory_space<vmem>>
    %dma_start3A_26 = arith.constant 0 : i32
    %dma_start3A_27 = arith.constant 0 : i32
    %dma_start3A_28 = tpu.memref_slice %arg2[%dma_start3A_26, %dma_start3A_27] : memref<10000x128xf32, #tpu.memory_space<hbm>> -> memref<10000x128xf32, #tpu.memory_space<hbm>>
    tpu.enqueue_indirect_dma source(%dma_start3A_28 : memref<10000x128xf32, #tpu.memory_space<hbm>>) target(%arg8 : memref<128x128xf32, #tpu.memory_space<vmem>>) offsets(%dma_start3A_25 : memref<128xi32, #tpu.memory_space<vmem>>) semaphore(%arg11 : memref<!tpu.dma_semaphore, #tpu.memory_space<semaphore_mem>>)
    %add3A_29 = arith.constant 1 : i32
    %add3A_30 = arith.addi %mul3A_22, %add3A_29 : i32
    %dma_start3A_31 = arith.constant 0 : i32
    %dma_start3A_32 = arith.constant 0 : i32
    %dma_start3A_33 = tpu.memref_slice %arg3[%add3A_30, %dma_start3A_31, %dma_start3A_32] : memref<2560x2x128xi32, #tpu.memory_space<hbm>> -> memref<1x2x128xi32, #tpu.memory_space<hbm>>
    %dma_start3A_34 = tpu.memref_squeeze %dma_start3A_33 : memref<1x2x128xi32, #tpu.memory_space<hbm>> -> memref<2x128xi32, #tpu.memory_space<hbm>>
    %dma_start3A_35 = arith.constant 0 : i32
    %dma_start3A_36 = arith.constant 0 : i32
    %dma_start3A_37 = tpu.memref_slice %arg3[%add3A_30, %dma_start3A_35, %dma_start3A_36] : memref<2560x2x128xi32, #tpu.memory_space<hbm>> -> memref<1x2x128xi32, #tpu.memory_space<hbm>>
    %dma_start3A_38 = tpu.memref_squeeze %dma_start3A_37 : memref<1x2x128xi32, #tpu.memory_space<hbm>> -> memref<2x128xi32, #tpu.memory_space<hbm>>
    tpu.enqueue_dma source(%dma_start3A_38 : memref<2x128xi32, #tpu.memory_space<hbm>>) target(%arg7 : memref<2x128xi32, #tpu.memory_space<vmem>>) target_semaphore(%arg14 : memref<!tpu.dma_semaphore, #tpu.memory_space<semaphore_mem>>)
    %scan3A_39 = arith.constant 0 : i32
    %scan3A_40 = arith.constant 0 : i32
    %scan3A_41 = arith.constant 39 : i32
    %scan3A_42 = arith.addi %scan3A_40, %scan3A_41 : i32
    %scan3A_43 = arith.constant 1 : i32
    %scan3A_44 = scf.for %scan3A_91 = %scan3A_40 to %scan3A_42 step %scan3A_43 iter_args(%scan3A_92 = %scan3A_39) -> (i32)  : i32 {
      %mul3A_93 = arith.constant 2 : i32
      %mul3A_94 = arith.muli %mul3A_93, %scan3A_91 : i32
      %add3A_95 = arith.addi %mul3A_22, %mul3A_94 : i32
      %add3A_96 = arith.constant 1 : i32
      %add3A_97 = arith.addi %add3A_95, %add3A_96 : i32
      %dma_wait3A_98 = arith.constant 0 : i32
      %dma_wait3A_99 = arith.constant 0 : i32
      %dma_wait3A_100 = tpu.memref_slice %arg3[%add3A_97, %dma_wait3A_98, %dma_wait3A_99] : memref<2560x2x128xi32, #tpu.memory_space<hbm>> -> memref<1x2x128xi32, #tpu.memory_space<hbm>>
      %dma_wait3A_101 = tpu.memref_squeeze %dma_wait3A_100 : memref<1x2x128xi32, #tpu.memory_space<hbm>> -> memref<2x128xi32, #tpu.memory_space<hbm>>
      %dma_wait3A_102 = arith.constant 0 : i32
      %dma_wait3A_103 = arith.constant 0 : i32
      %dma_wait3A_104 = tpu.memref_slice %arg3[%add3A_97, %dma_wait3A_102, %dma_wait3A_103] : memref<2560x2x128xi32, #tpu.memory_space<hbm>> -> memref<1x2x128xi32, #tpu.memory_space<hbm>>
      %dma_wait3A_105 = tpu.memref_squeeze %dma_wait3A_104 : memref<1x2x128xi32, #tpu.memory_space<hbm>> -> memref<2x128xi32, #tpu.memory_space<hbm>>
      tpu.wait_dma2 semaphore(%arg14 : memref<!tpu.dma_semaphore, #tpu.memory_space<semaphore_mem>>) src(%dma_wait3A_105 : memref<2x128xi32, #tpu.memory_space<hbm>>) dst(%arg7 : memref<2x128xi32, #tpu.memory_space<vmem>>)
      %dma_start3A_106 = arith.constant 0 : i32
      %dma_start3A_107 = arith.constant 0 : i32
      %dma_start3A_108 = tpu.memref_slice %arg7[%dma_start3A_106, %dma_start3A_107] : memref<2x128xi32, #tpu.memory_space<vmem>> -> memref<1x128xi32, #tpu.memory_space<vmem>>
      %dma_start3A_109 = tpu.memref_squeeze %dma_start3A_108 : memref<1x128xi32, #tpu.memory_space<vmem>> -> memref<128xi32, #tpu.memory_space<vmem>>
      %dma_start3A_110 = arith.constant 0 : i32
      %dma_start3A_111 = arith.constant 0 : i32
      %dma_start3A_112 = tpu.memref_slice %arg2[%dma_start3A_110, %dma_start3A_111] : memref<10000x128xf32, #tpu.memory_space<hbm>> -> memref<10000x128xf32, #tpu.memory_space<hbm>>
      tpu.enqueue_indirect_dma source(%dma_start3A_112 : memref<10000x128xf32, #tpu.memory_space<hbm>>) target(%arg9 : memref<128x128xf32, #tpu.memory_space<vmem>>) offsets(%dma_start3A_109 : memref<128xi32, #tpu.memory_space<vmem>>) semaphore(%arg12 : memref<!tpu.dma_semaphore, #tpu.memory_space<semaphore_mem>>)
      %dma_wait3A_113 = arith.constant 0 : i32
      %dma_wait3A_114 = arith.constant 0 : i32
      %dma_wait3A_115 = tpu.memref_slice %arg6[%dma_wait3A_113, %dma_wait3A_114] : memref<2x128xi32, #tpu.memory_space<vmem>> -> memref<1x128xi32, #tpu.memory_space<vmem>>
      %dma_wait3A_116 = tpu.memref_squeeze %dma_wait3A_115 : memref<1x128xi32, #tpu.memory_space<vmem>> -> memref<128xi32, #tpu.memory_space<vmem>>
      %dma_wait3A_117 = arith.constant 0 : i32
      %dma_wait3A_118 = arith.constant 0 : i32
      %dma_wait3A_119 = tpu.memref_slice %arg2[%dma_wait3A_117, %dma_wait3A_118] : memref<10000x128xf32, #tpu.memory_space<hbm>> -> memref<10000x128xf32, #tpu.memory_space<hbm>>
      tpu.wait_indirect_dma semaphore(%arg11 : memref<!tpu.dma_semaphore, #tpu.memory_space<semaphore_mem>>) src(%dma_wait3A_119 : memref<10000x128xf32, #tpu.memory_space<hbm>>) dst(%arg8 : memref<128x128xf32, #tpu.memory_space<vmem>>)
      %run_scoped3A_120 = arith.constant 1 : i32
      "tpu.region"() ({
        %run_scoped3A_167 = tpu.sem_alloc : memref<!tpu.dma_semaphore, #tpu.memory_space<semaphore_mem>>
        %dma_start3A_168 = arith.constant 0 : i32
        %dma_start3A_169 = tpu.memref_slice %arg6[%run_scoped3A_120, %dma_start3A_168] : memref<2x128xi32, #tpu.memory_space<vmem>> -> memref<1x128xi32, #tpu.memory_space<vmem>>
        %dma_start3A_170 = tpu.memref_squeeze %dma_start3A_169 : memref<1x128xi32, #tpu.memory_space<vmem>> -> memref<128xi32, #tpu.memory_space<vmem>>
        %dma_start3A_171 = arith.constant 0 : i32
        %dma_start3A_172 = arith.constant 0 : i32
        %dma_start3A_173 = tpu.memref_slice %arg10[%dma_start3A_171, %dma_start3A_172] : memref<10128x128xf32, #tpu.memory_space<vmem_shared>> -> memref<10128x128xf32, #tpu.memory_space<vmem_shared>>
        tpu.enqueue_indirect_dma source(%arg8 : memref<128x128xf32, #tpu.memory_space<vmem>>) target(%dma_start3A_173 : memref<10128x128xf32, #tpu.memory_space<vmem_shared>>) offsets(%dma_start3A_170 : memref<128xi32, #tpu.memory_space<vmem>>) semaphore(%run_scoped3A_167 : memref<!tpu.dma_semaphore, #tpu.memory_space<semaphore_mem>>) {add = true}
        %dma_wait3A_174 = arith.constant 0 : i32
        %dma_wait3A_175 = tpu.memref_slice %arg6[%run_scoped3A_120, %dma_wait3A_174] : memref<2x128xi32, #tpu.memory_space<vmem>> -> memref<1x128xi32, #tpu.memory_space<vmem>>
        %dma_wait3A_176 = tpu.memref_squeeze %dma_wait3A_175 : memref<1x128xi32, #tpu.memory_space<vmem>> -> memref<128xi32, #tpu.memory_space<vmem>>
        %dma_wait3A_177 = arith.constant 0 : i32
        %dma_wait3A_178 = arith.constant 0 : i32
        %dma_wait3A_179 = tpu.memref_slice %arg10[%dma_wait3A_177, %dma_wait3A_178] : memref<10128x128xf32, #tpu.memory_space<vmem_shared>> -> memref<10128x128xf32, #tpu.memory_space<vmem_shared>>
        tpu.wait_indirect_dma semaphore(%run_scoped3A_167 : memref<!tpu.dma_semaphore, #tpu.memory_space<semaphore_mem>>) src(%arg8 : memref<128x128xf32, #tpu.memory_space<vmem>>) dst(%dma_wait3A_179 : memref<10128x128xf32, #tpu.memory_space<vmem_shared>>)
        tpu.yield
      }) : () -> ()
      %add3A_121 = arith.constant 2 : i32
      %add3A_122 = arith.addi %add3A_95, %add3A_121 : i32
      %dma_start3A_123 = arith.constant 0 : i32
      %dma_start3A_124 = arith.constant 0 : i32
      %dma_start3A_125 = tpu.memref_slice %arg3[%add3A_122, %dma_start3A_123, %dma_start3A_124] : memref<2560x2x128xi32, #tpu.memory_space<hbm>> -> memref<1x2x128xi32, #tpu.memory_space<hbm>>
      %dma_start3A_126 = tpu.memref_squeeze %dma_start3A_125 : memref<1x2x128xi32, #tpu.memory_space<hbm>> -> memref<2x128xi32, #tpu.memory_space<hbm>>
      %dma_start3A_127 = arith.constant 0 : i32
      %dma_start3A_128 = arith.constant 0 : i32
      %dma_start3A_129 = tpu.memref_slice %arg3[%add3A_122, %dma_start3A_127, %dma_start3A_128] : memref<2560x2x128xi32, #tpu.memory_space<hbm>> -> memref<1x2x128xi32, #tpu.memory_space<hbm>>
      %dma_start3A_130 = tpu.memref_squeeze %dma_start3A_129 : memref<1x2x128xi32, #tpu.memory_space<hbm>> -> memref<2x128xi32, #tpu.memory_space<hbm>>
      tpu.enqueue_dma source(%dma_start3A_130 : memref<2x128xi32, #tpu.memory_space<hbm>>) target(%arg6 : memref<2x128xi32, #tpu.memory_space<vmem>>) target_semaphore(%arg13 : memref<!tpu.dma_semaphore, #tpu.memory_space<semaphore_mem>>)
      %add3A_131 = arith.constant 2 : i32
      %add3A_132 = arith.addi %add3A_95, %add3A_131 : i32
      %dma_wait3A_133 = arith.constant 0 : i32
      %dma_wait3A_134 = arith.constant 0 : i32
      %dma_wait3A_135 = tpu.memref_slice %arg3[%add3A_132, %dma_wait3A_133, %dma_wait3A_134] : memref<2560x2x128xi32, #tpu.memory_space<hbm>> -> memref<1x2x128xi32, #tpu.memory_space<hbm>>
      %dma_wait3A_136 = tpu.memref_squeeze %dma_wait3A_135 : memref<1x2x128xi32, #tpu.memory_space<hbm>> -> memref<2x128xi32, #tpu.memory_space<hbm>>
      %dma_wait3A_137 = arith.constant 0 : i32
      %dma_wait3A_138 = arith.constant 0 : i32
      %dma_wait3A_139 = tpu.memref_slice %arg3[%add3A_132, %dma_wait3A_137, %dma_wait3A_138] : memref<2560x2x128xi32, #tpu.memory_space<hbm>> -> memref<1x2x128xi32, #tpu.memory_space<hbm>>
      %dma_wait3A_140 = tpu.memref_squeeze %dma_wait3A_139 : memref<1x2x128xi32, #tpu.memory_space<hbm>> -> memref<2x128xi32, #tpu.memory_space<hbm>>
      tpu.wait_dma2 semaphore(%arg13 : memref<!tpu.dma_semaphore, #tpu.memory_space<semaphore_mem>>) src(%dma_wait3A_140 : memref<2x128xi32, #tpu.memory_space<hbm>>) dst(%arg6 : memref<2x128xi32, #tpu.memory_space<vmem>>)
      %dma_start3A_141 = arith.constant 0 : i32
      %dma_start3A_142 = arith.constant 0 : i32
      %dma_start3A_143 = tpu.memref_slice %arg6[%dma_start3A_141, %dma_start3A_142] : memref<2x128xi32, #tpu.memory_space<vmem>> -> memref<1x128xi32, #tpu.memory_space<vmem>>
      %dma_start3A_144 = tpu.memref_squeeze %dma_start3A_143 : memref<1x128xi32, #tpu.memory_space<vmem>> -> memref<128xi32, #tpu.memory_space<vmem>>
      %dma_start3A_145 = arith.constant 0 : i32
      %dma_start3A_146 = arith.constant 0 : i32
      %dma_start3A_147 = tpu.memref_slice %arg2[%dma_start3A_145, %dma_start3A_146] : memref<10000x128xf32, #tpu.memory_space<hbm>> -> memref<10000x128xf32, #tpu.memory_space<hbm>>
      tpu.enqueue_indirect_dma source(%dma_start3A_147 : memref<10000x128xf32, #tpu.memory_space<hbm>>) target(%arg8 : memref<128x128xf32, #tpu.memory_space<vmem>>) offsets(%dma_start3A_144 : memref<128xi32, #tpu.memory_space<vmem>>) semaphore(%arg11 : memref<!tpu.dma_semaphore, #tpu.memory_space<semaphore_mem>>)
      %dma_wait3A_148 = arith.constant 0 : i32
      %dma_wait3A_149 = arith.constant 0 : i32
      %dma_wait3A_150 = tpu.memref_slice %arg7[%dma_wait3A_148, %dma_wait3A_149] : memref<2x128xi32, #tpu.memory_space<vmem>> -> memref<1x128xi32, #tpu.memory_space<vmem>>
      %dma_wait3A_151 = tpu.memref_squeeze %dma_wait3A_150 : memref<1x128xi32, #tpu.memory_space<vmem>> -> memref<128xi32, #tpu.memory_space<vmem>>
      %dma_wait3A_152 = arith.constant 0 : i32
      %dma_wait3A_153 = arith.constant 0 : i32
      %dma_wait3A_154 = tpu.memref_slice %arg2[%dma_wait3A_152, %dma_wait3A_153] : memref<10000x128xf32, #tpu.memory_space<hbm>> -> memref<10000x128xf32, #tpu.memory_space<hbm>>
      tpu.wait_indirect_dma semaphore(%arg12 : memref<!tpu.dma_semaphore, #tpu.memory_space<semaphore_mem>>) src(%dma_wait3A_154 : memref<10000x128xf32, #tpu.memory_space<hbm>>) dst(%arg9 : memref<128x128xf32, #tpu.memory_space<vmem>>)
      %run_scoped3A_155 = arith.constant 1 : i32
      "tpu.region"() ({
        %run_scoped3A_167 = tpu.sem_alloc : memref<!tpu.dma_semaphore, #tpu.memory_space<semaphore_mem>>
        %dma_start3A_168 = arith.constant 0 : i32
        %dma_start3A_169 = tpu.memref_slice %arg7[%run_scoped3A_155, %dma_start3A_168] : memref<2x128xi32, #tpu.memory_space<vmem>> -> memref<1x128xi32, #tpu.memory_space<vmem>>
        %dma_start3A_170 = tpu.memref_squeeze %dma_start3A_169 : memref<1x128xi32, #tpu.memory_space<vmem>> -> memref<128xi32, #tpu.memory_space<vmem>>
        %dma_start3A_171 = arith.constant 0 : i32
        %dma_start3A_172 = arith.constant 0 : i32
        %dma_start3A_173 = tpu.memref_slice %arg10[%dma_start3A_171, %dma_start3A_172] : memref<10128x128xf32, #tpu.memory_space<vmem_shared>> -> memref<10128x128xf32, #tpu.memory_space<vmem_shared>>
        tpu.enqueue_indirect_dma source(%arg9 : memref<128x128xf32, #tpu.memory_space<vmem>>) target(%dma_start3A_173 : memref<10128x128xf32, #tpu.memory_space<vmem_shared>>) offsets(%dma_start3A_170 : memref<128xi32, #tpu.memory_space<vmem>>) semaphore(%run_scoped3A_167 : memref<!tpu.dma_semaphore, #tpu.memory_space<semaphore_mem>>) {add = true}
        %dma_wait3A_174 = arith.constant 0 : i32
        %dma_wait3A_175 = tpu.memref_slice %arg7[%run_scoped3A_155, %dma_wait3A_174] : memref<2x128xi32, #tpu.memory_space<vmem>> -> memref<1x128xi32, #tpu.memory_space<vmem>>
        %dma_wait3A_176 = tpu.memref_squeeze %dma_wait3A_175 : memref<1x128xi32, #tpu.memory_space<vmem>> -> memref<128xi32, #tpu.memory_space<vmem>>
        %dma_wait3A_177 = arith.constant 0 : i32
        %dma_wait3A_178 = arith.constant 0 : i32
        %dma_wait3A_179 = tpu.memref_slice %arg10[%dma_wait3A_177, %dma_wait3A_178] : memref<10128x128xf32, #tpu.memory_space<vmem_shared>> -> memref<10128x128xf32, #tpu.memory_space<vmem_shared>>
        tpu.wait_indirect_dma semaphore(%run_scoped3A_167 : memref<!tpu.dma_semaphore, #tpu.memory_space<semaphore_mem>>) src(%arg9 : memref<128x128xf32, #tpu.memory_space<vmem>>) dst(%dma_wait3A_179 : memref<10128x128xf32, #tpu.memory_space<vmem_shared>>)
        tpu.yield
      }) : () -> ()
      %add3A_156 = arith.constant 3 : i32
      %add3A_157 = arith.addi %add3A_95, %add3A_156 : i32
      %dma_start3A_158 = arith.constant 0 : i32
      %dma_start3A_159 = arith.constant 0 : i32
      %dma_start3A_160 = tpu.memref_slice %arg3[%add3A_157, %dma_start3A_158, %dma_start3A_159] : memref<2560x2x128xi32, #tpu.memory_space<hbm>> -> memref<1x2x128xi32, #tpu.memory_space<hbm>>
      %dma_start3A_161 = tpu.memref_squeeze %dma_start3A_160 : memref<1x2x128xi32, #tpu.memory_space<hbm>> -> memref<2x128xi32, #tpu.memory_space<hbm>>
      %dma_start3A_162 = arith.constant 0 : i32
      %dma_start3A_163 = arith.constant 0 : i32
      %dma_start3A_164 = tpu.memref_slice %arg3[%add3A_157, %dma_start3A_162, %dma_start3A_163] : memref<2560x2x128xi32, #tpu.memory_space<hbm>> -> memref<1x2x128xi32, #tpu.memory_space<hbm>>
      %dma_start3A_165 = tpu.memref_squeeze %dma_start3A_164 : memref<1x2x128xi32, #tpu.memory_space<hbm>> -> memref<2x128xi32, #tpu.memory_space<hbm>>
      tpu.enqueue_dma source(%dma_start3A_165 : memref<2x128xi32, #tpu.memory_space<hbm>>) target(%arg7 : memref<2x128xi32, #tpu.memory_space<vmem>>) target_semaphore(%arg14 : memref<!tpu.dma_semaphore, #tpu.memory_space<semaphore_mem>>)
      %scan3A_166 = arith.constant 0 : i32
      scf.yield %scan3A_166 : i32
    }
    %scan3A_45 = arith.constant 39 : i32
    %add3A_46 = arith.constant 80 : i32
    %add3A_47 = arith.addi %mul3A_22, %add3A_46 : i32
    %sub3A = arith.constant 1 : i32
    %sub3A_48 = arith.subi %add3A_47, %sub3A : i32
    %dma_wait3A = arith.constant 0 : i32
    %dma_wait3A_49 = arith.constant 0 : i32
    %dma_wait3A_50 = tpu.memref_slice %arg3[%sub3A_48, %dma_wait3A, %dma_wait3A_49] : memref<2560x2x128xi32, #tpu.memory_space<hbm>> -> memref<1x2x128xi32, #tpu.memory_space<hbm>>
    %dma_wait3A_51 = tpu.memref_squeeze %dma_wait3A_50 : memref<1x2x128xi32, #tpu.memory_space<hbm>> -> memref<2x128xi32, #tpu.memory_space<hbm>>
    %dma_wait3A_52 = arith.constant 0 : i32
    %dma_wait3A_53 = arith.constant 0 : i32
    %dma_wait3A_54 = tpu.memref_slice %arg3[%sub3A_48, %dma_wait3A_52, %dma_wait3A_53] : memref<2560x2x128xi32, #tpu.memory_space<hbm>> -> memref<1x2x128xi32, #tpu.memory_space<hbm>>
    %dma_wait3A_55 = tpu.memref_squeeze %dma_wait3A_54 : memref<1x2x128xi32, #tpu.memory_space<hbm>> -> memref<2x128xi32, #tpu.memory_space<hbm>>
    tpu.wait_dma2 semaphore(%arg14 : memref<!tpu.dma_semaphore, #tpu.memory_space<semaphore_mem>>) src(%dma_wait3A_55 : memref<2x128xi32, #tpu.memory_space<hbm>>) dst(%arg7 : memref<2x128xi32, #tpu.memory_space<vmem>>)
    %dma_start3A_56 = arith.constant 0 : i32
    %dma_start3A_57 = arith.constant 0 : i32
    %dma_start3A_58 = tpu.memref_slice %arg7[%dma_start3A_56, %dma_start3A_57] : memref<2x128xi32, #tpu.memory_space<vmem>> -> memref<1x128xi32, #tpu.memory_space<vmem>>
    %dma_start3A_59 = tpu.memref_squeeze %dma_start3A_58 : memref<1x128xi32, #tpu.memory_space<vmem>> -> memref<128xi32, #tpu.memory_space<vmem>>
    %dma_start3A_60 = arith.constant 0 : i32
    %dma_start3A_61 = arith.constant 0 : i32
    %dma_start3A_62 = tpu.memref_slice %arg2[%dma_start3A_60, %dma_start3A_61] : memref<10000x128xf32, #tpu.memory_space<hbm>> -> memref<10000x128xf32, #tpu.memory_space<hbm>>
    tpu.enqueue_indirect_dma source(%dma_start3A_62 : memref<10000x128xf32, #tpu.memory_space<hbm>>) target(%arg9 : memref<128x128xf32, #tpu.memory_space<vmem>>) offsets(%dma_start3A_59 : memref<128xi32, #tpu.memory_space<vmem>>) semaphore(%arg12 : memref<!tpu.dma_semaphore, #tpu.memory_space<semaphore_mem>>)
    %dma_wait3A_63 = arith.constant 0 : i32
    %dma_wait3A_64 = arith.constant 0 : i32
    %dma_wait3A_65 = tpu.memref_slice %arg6[%dma_wait3A_63, %dma_wait3A_64] : memref<2x128xi32, #tpu.memory_space<vmem>> -> memref<1x128xi32, #tpu.memory_space<vmem>>
    %dma_wait3A_66 = tpu.memref_squeeze %dma_wait3A_65 : memref<1x128xi32, #tpu.memory_space<vmem>> -> memref<128xi32, #tpu.memory_space<vmem>>
    %dma_wait3A_67 = arith.constant 0 : i32
    %dma_wait3A_68 = arith.constant 0 : i32
    %dma_wait3A_69 = tpu.memref_slice %arg2[%dma_wait3A_67, %dma_wait3A_68] : memref<10000x128xf32, #tpu.memory_space<hbm>> -> memref<10000x128xf32, #tpu.memory_space<hbm>>
    tpu.wait_indirect_dma semaphore(%arg11 : memref<!tpu.dma_semaphore, #tpu.memory_space<semaphore_mem>>) src(%dma_wait3A_69 : memref<10000x128xf32, #tpu.memory_space<hbm>>) dst(%arg8 : memref<128x128xf32, #tpu.memory_space<vmem>>)
    %run_scoped3A = arith.constant 1 : i32
    "tpu.region"() ({
      %run_scoped3A_91 = tpu.sem_alloc : memref<!tpu.dma_semaphore, #tpu.memory_space<semaphore_mem>>
      %dma_start3A_92 = arith.constant 0 : i32
      %dma_start3A_93 = tpu.memref_slice %arg6[%run_scoped3A, %dma_start3A_92] : memref<2x128xi32, #tpu.memory_space<vmem>> -> memref<1x128xi32, #tpu.memory_space<vmem>>
      %dma_start3A_94 = tpu.memref_squeeze %dma_start3A_93 : memref<1x128xi32, #tpu.memory_space<vmem>> -> memref<128xi32, #tpu.memory_space<vmem>>
      %dma_start3A_95 = arith.constant 0 : i32
      %dma_start3A_96 = arith.constant 0 : i32
      %dma_start3A_97 = tpu.memref_slice %arg10[%dma_start3A_95, %dma_start3A_96] : memref<10128x128xf32, #tpu.memory_space<vmem_shared>> -> memref<10128x128xf32, #tpu.memory_space<vmem_shared>>
      tpu.enqueue_indirect_dma source(%arg8 : memref<128x128xf32, #tpu.memory_space<vmem>>) target(%dma_start3A_97 : memref<10128x128xf32, #tpu.memory_space<vmem_shared>>) offsets(%dma_start3A_94 : memref<128xi32, #tpu.memory_space<vmem>>) semaphore(%run_scoped3A_91 : memref<!tpu.dma_semaphore, #tpu.memory_space<semaphore_mem>>) {add = true}
      %dma_wait3A_98 = arith.constant 0 : i32
      %dma_wait3A_99 = tpu.memref_slice %arg6[%run_scoped3A, %dma_wait3A_98] : memref<2x128xi32, #tpu.memory_space<vmem>> -> memref<1x128xi32, #tpu.memory_space<vmem>>
      %dma_wait3A_100 = tpu.memref_squeeze %dma_wait3A_99 : memref<1x128xi32, #tpu.memory_space<vmem>> -> memref<128xi32, #tpu.memory_space<vmem>>
      %dma_wait3A_101 = arith.constant 0 : i32
      %dma_wait3A_102 = arith.constant 0 : i32
      %dma_wait3A_103 = tpu.memref_slice %arg10[%dma_wait3A_101, %dma_wait3A_102] : memref<10128x128xf32, #tpu.memory_space<vmem_shared>> -> memref<10128x128xf32, #tpu.memory_space<vmem_shared>>
      tpu.wait_indirect_dma semaphore(%run_scoped3A_91 : memref<!tpu.dma_semaphore, #tpu.memory_space<semaphore_mem>>) src(%arg8 : memref<128x128xf32, #tpu.memory_space<vmem>>) dst(%dma_wait3A_103 : memref<10128x128xf32, #tpu.memory_space<vmem_shared>>)
      tpu.yield
    }) : () -> ()
    %dma_wait3A_70 = arith.constant 0 : i32
    %dma_wait3A_71 = arith.constant 0 : i32
    %dma_wait3A_72 = tpu.memref_slice %arg7[%dma_wait3A_70, %dma_wait3A_71] : memref<2x128xi32, #tpu.memory_space<vmem>> -> memref<1x128xi32, #tpu.memory_space<vmem>>
    %dma_wait3A_73 = tpu.memref_squeeze %dma_wait3A_72 : memref<1x128xi32, #tpu.memory_space<vmem>> -> memref<128xi32, #tpu.memory_space<vmem>>
    %dma_wait3A_74 = arith.constant 0 : i32
    %dma_wait3A_75 = arith.constant 0 : i32
    %dma_wait3A_76 = tpu.memref_slice %arg2[%dma_wait3A_74, %dma_wait3A_75] : memref<10000x128xf32, #tpu.memory_space<hbm>> -> memref<10000x128xf32, #tpu.memory_space<hbm>>
    tpu.wait_indirect_dma semaphore(%arg12 : memref<!tpu.dma_semaphore, #tpu.memory_space<semaphore_mem>>) src(%dma_wait3A_76 : memref<10000x128xf32, #tpu.memory_space<hbm>>) dst(%arg9 : memref<128x128xf32, #tpu.memory_space<vmem>>)
    %run_scoped3A_77 = arith.constant 1 : i32
    "tpu.region"() ({
      %run_scoped3A_91 = tpu.sem_alloc : memref<!tpu.dma_semaphore, #tpu.memory_space<semaphore_mem>>
      %dma_start3A_92 = arith.constant 0 : i32
      %dma_start3A_93 = tpu.memref_slice %arg7[%run_scoped3A_77, %dma_start3A_92] : memref<2x128xi32, #tpu.memory_space<vmem>> -> memref<1x128xi32, #tpu.memory_space<vmem>>
      %dma_start3A_94 = tpu.memref_squeeze %dma_start3A_93 : memref<1x128xi32, #tpu.memory_space<vmem>> -> memref<128xi32, #tpu.memory_space<vmem>>
      %dma_start3A_95 = arith.constant 0 : i32
      %dma_start3A_96 = arith.constant 0 : i32
      %dma_start3A_97 = tpu.memref_slice %arg10[%dma_start3A_95, %dma_start3A_96] : memref<10128x128xf32, #tpu.memory_space<vmem_shared>> -> memref<10128x128xf32, #tpu.memory_space<vmem_shared>>
      tpu.enqueue_indirect_dma source(%arg9 : memref<128x128xf32, #tpu.memory_space<vmem>>) target(%dma_start3A_97 : memref<10128x128xf32, #tpu.memory_space<vmem_shared>>) offsets(%dma_start3A_94 : memref<128xi32, #tpu.memory_space<vmem>>) semaphore(%run_scoped3A_91 : memref<!tpu.dma_semaphore, #tpu.memory_space<semaphore_mem>>) {add = true}
      %dma_wait3A_98 = arith.constant 0 : i32
      %dma_wait3A_99 = tpu.memref_slice %arg7[%run_scoped3A_77, %dma_wait3A_98] : memref<2x128xi32, #tpu.memory_space<vmem>> -> memref<1x128xi32, #tpu.memory_space<vmem>>
      %dma_wait3A_100 = tpu.memref_squeeze %dma_wait3A_99 : memref<1x128xi32, #tpu.memory_space<vmem>> -> memref<128xi32, #tpu.memory_space<vmem>>
      %dma_wait3A_101 = arith.constant 0 : i32
      %dma_wait3A_102 = arith.constant 0 : i32
      %dma_wait3A_103 = tpu.memref_slice %arg10[%dma_wait3A_101, %dma_wait3A_102] : memref<10128x128xf32, #tpu.memory_space<vmem_shared>> -> memref<10128x128xf32, #tpu.memory_space<vmem_shared>>
      tpu.wait_indirect_dma semaphore(%run_scoped3A_91 : memref<!tpu.dma_semaphore, #tpu.memory_space<semaphore_mem>>) src(%arg9 : memref<128x128xf32, #tpu.memory_space<vmem>>) dst(%dma_wait3A_103 : memref<10128x128xf32, #tpu.memory_space<vmem_shared>>)
      tpu.yield
    }) : () -> ()
    %barrier3A_78 = arith.constant 0 : index
    tpu.barrier barrier_id(%barrier3A_78)
    %mul3A_79 = arith.constant 624 : i32
    %mul3A_80 = arith.muli %arg1, %mul3A_79 : i32
    %eq3A_81 = arith.constant 0 : i32
    %eq3A_82 = arith.cmpi eq, %arg0, %eq3A_81 : i32
    %convert_element_type3A_83 = arith.extui %eq3A_82 : i1 to i32
    %cond3A_84 = arith.constant 0 : i32
    %cond3A_85 = arith.cmpi ne, %convert_element_type3A_83, %cond3A_84 : i32
    scf.if %cond3A_85 {
      "tpu.region"() ({
        %run_scoped3A_96 = tpu.sem_alloc : memref<!tpu.dma_semaphore, #tpu.memory_space<semaphore_mem>>
        %dma_start3A_97 = arith.constant 0 : i32
        %dma_start3A_98 = tpu.memref_slice %arg4[%mul3A_80, %dma_start3A_97] : memref<10000x128xf32, #tpu.memory_space<hbm>> -> memref<624x128xf32, #tpu.memory_space<hbm>>
        %dma_start3A_99 = arith.constant 0 : i32
        %dma_start3A_100 = tpu.memref_slice %arg10[%mul3A_80, %dma_start3A_99] : memref<10128x128xf32, #tpu.memory_space<vmem_shared>> -> memref<624x128xf32, #tpu.memory_space<vmem_shared>>
        tpu.enqueue_dma source(%dma_start3A_100 : memref<624x128xf32, #tpu.memory_space<vmem_shared>>) target(%dma_start3A_98 : memref<624x128xf32, #tpu.memory_space<hbm>>) target_semaphore(%run_scoped3A_96 : memref<!tpu.dma_semaphore, #tpu.memory_space<semaphore_mem>>)
        %dma_wait3A_101 = arith.constant 0 : i32
        %dma_wait3A_102 = tpu.memref_slice %arg4[%mul3A_80, %dma_wait3A_101] : memref<10000x128xf32, #tpu.memory_space<hbm>> -> memref<624x128xf32, #tpu.memory_space<hbm>>
        %dma_wait3A_103 = arith.constant 0 : i32
        %dma_wait3A_104 = tpu.memref_slice %arg10[%mul3A_80, %dma_wait3A_103] : memref<10128x128xf32, #tpu.memory_space<vmem_shared>> -> memref<624x128xf32, #tpu.memory_space<vmem_shared>>
        tpu.wait_dma2 semaphore(%run_scoped3A_96 : memref<!tpu.dma_semaphore, #tpu.memory_space<semaphore_mem>>) src(%dma_wait3A_104 : memref<624x128xf32, #tpu.memory_space<vmem_shared>>) dst(%dma_wait3A_102 : memref<624x128xf32, #tpu.memory_space<hbm>>)
        tpu.yield
      }) : () -> ()
      %eq3A_91 = arith.constant 15 : i32
      %eq3A_92 = arith.cmpi eq, %arg1, %eq3A_91 : i32
      %convert_element_type3A_93 = arith.extui %eq3A_92 : i1 to i32
      %cond3A_94 = arith.constant 0 : i32
      %cond3A_95 = arith.cmpi ne, %convert_element_type3A_93, %cond3A_94 : i32
      scf.if %cond3A_95 {
        "tpu.region"() ({
          %run_scoped3A_96 = tpu.sem_alloc : memref<!tpu.dma_semaphore, #tpu.memory_space<semaphore_mem>>
          %dma_start3A_97 = arith.constant 9984 : i32
          %dma_start3A_98 = arith.constant 0 : i32
          %dma_start3A_99 = tpu.memref_slice %arg4[%dma_start3A_97, %dma_start3A_98] : memref<10000x128xf32, #tpu.memory_space<hbm>> -> memref<16x128xf32, #tpu.memory_space<hbm>>
          %dma_start3A_100 = arith.constant 9984 : i32
          %dma_start3A_101 = arith.constant 0 : i32
          %dma_start3A_102 = tpu.memref_slice %arg10[%dma_start3A_100, %dma_start3A_101] : memref<10128x128xf32, #tpu.memory_space<vmem_shared>> -> memref<16x128xf32, #tpu.memory_space<vmem_shared>>
          tpu.enqueue_dma source(%dma_start3A_102 : memref<16x128xf32, #tpu.memory_space<vmem_shared>>) target(%dma_start3A_99 : memref<16x128xf32, #tpu.memory_space<hbm>>) target_semaphore(%run_scoped3A_96 : memref<!tpu.dma_semaphore, #tpu.memory_space<semaphore_mem>>)
          %dma_wait3A_103 = arith.constant 9984 : i32
          %dma_wait3A_104 = arith.constant 0 : i32
          %dma_wait3A_105 = tpu.memref_slice %arg4[%dma_wait3A_103, %dma_wait3A_104] : memref<10000x128xf32, #tpu.memory_space<hbm>> -> memref<16x128xf32, #tpu.memory_space<hbm>>
          %dma_wait3A_106 = arith.constant 9984 : i32
          %dma_wait3A_107 = arith.constant 0 : i32
          %dma_wait3A_108 = tpu.memref_slice %arg10[%dma_wait3A_106, %dma_wait3A_107] : memref<10128x128xf32, #tpu.memory_space<vmem_shared>> -> memref<16x128xf32, #tpu.memory_space<vmem_shared>>
          tpu.wait_dma2 semaphore(%run_scoped3A_96 : memref<!tpu.dma_semaphore, #tpu.memory_space<semaphore_mem>>) src(%dma_wait3A_108 : memref<16x128xf32, #tpu.memory_space<vmem_shared>>) dst(%dma_wait3A_105 : memref<16x128xf32, #tpu.memory_space<hbm>>)
          tpu.yield
        }) : () -> ()
      } else {
      }
    } else {
    }
    %eq3A_86 = arith.constant 1 : i32
    %eq3A_87 = arith.cmpi eq, %arg0, %eq3A_86 : i32
    %convert_element_type3A_88 = arith.extui %eq3A_87 : i1 to i32
    %cond3A_89 = arith.constant 0 : i32
    %cond3A_90 = arith.cmpi ne, %convert_element_type3A_88, %cond3A_89 : i32
    scf.if %cond3A_90 {
      "tpu.region"() ({
        %run_scoped3A_96 = tpu.sem_alloc : memref<!tpu.dma_semaphore, #tpu.memory_space<semaphore_mem>>
        %dma_start3A_97 = arith.constant 0 : i32
        %dma_start3A_98 = tpu.memref_slice %arg5[%mul3A_80, %dma_start3A_97] : memref<10000x128xf32, #tpu.memory_space<hbm>> -> memref<624x128xf32, #tpu.memory_space<hbm>>
        %dma_start3A_99 = arith.constant 0 : i32
        %dma_start3A_100 = tpu.memref_slice %arg10[%mul3A_80, %dma_start3A_99] : memref<10128x128xf32, #tpu.memory_space<vmem_shared>> -> memref<624x128xf32, #tpu.memory_space<vmem_shared>>
        tpu.enqueue_dma source(%dma_start3A_100 : memref<624x128xf32, #tpu.memory_space<vmem_shared>>) target(%dma_start3A_98 : memref<624x128xf32, #tpu.memory_space<hbm>>) target_semaphore(%run_scoped3A_96 : memref<!tpu.dma_semaphore, #tpu.memory_space<semaphore_mem>>)
        %dma_wait3A_101 = arith.constant 0 : i32
        %dma_wait3A_102 = tpu.memref_slice %arg5[%mul3A_80, %dma_wait3A_101] : memref<10000x128xf32, #tpu.memory_space<hbm>> -> memref<624x128xf32, #tpu.memory_space<hbm>>
        %dma_wait3A_103 = arith.constant 0 : i32
        %dma_wait3A_104 = tpu.memref_slice %arg10[%mul3A_80, %dma_wait3A_103] : memref<10128x128xf32, #tpu.memory_space<vmem_shared>> -> memref<624x128xf32, #tpu.memory_space<vmem_shared>>
        tpu.wait_dma2 semaphore(%run_scoped3A_96 : memref<!tpu.dma_semaphore, #tpu.memory_space<semaphore_mem>>) src(%dma_wait3A_104 : memref<624x128xf32, #tpu.memory_space<vmem_shared>>) dst(%dma_wait3A_102 : memref<624x128xf32, #tpu.memory_space<hbm>>)
        tpu.yield
      }) : () -> ()
      %eq3A_91 = arith.constant 15 : i32
      %eq3A_92 = arith.cmpi eq, %arg1, %eq3A_91 : i32
      %convert_element_type3A_93 = arith.extui %eq3A_92 : i1 to i32
      %cond3A_94 = arith.constant 0 : i32
      %cond3A_95 = arith.cmpi ne, %convert_element_type3A_93, %cond3A_94 : i32
      scf.if %cond3A_95 {
        "tpu.region"() ({
          %run_scoped3A_96 = tpu.sem_alloc : memref<!tpu.dma_semaphore, #tpu.memory_space<semaphore_mem>>
          %dma_start3A_97 = arith.constant 9984 : i32
          %dma_start3A_98 = arith.constant 0 : i32
          %dma_start3A_99 = tpu.memref_slice %arg5[%dma_start3A_97, %dma_start3A_98] : memref<10000x128xf32, #tpu.memory_space<hbm>> -> memref<16x128xf32, #tpu.memory_space<hbm>>
          %dma_start3A_100 = arith.constant 9984 : i32
          %dma_start3A_101 = arith.constant 0 : i32
          %dma_start3A_102 = tpu.memref_slice %arg10[%dma_start3A_100, %dma_start3A_101] : memref<10128x128xf32, #tpu.memory_space<vmem_shared>> -> memref<16x128xf32, #tpu.memory_space<vmem_shared>>
          tpu.enqueue_dma source(%dma_start3A_102 : memref<16x128xf32, #tpu.memory_space<vmem_shared>>) target(%dma_start3A_99 : memref<16x128xf32, #tpu.memory_space<hbm>>) target_semaphore(%run_scoped3A_96 : memref<!tpu.dma_semaphore, #tpu.memory_space<semaphore_mem>>)
          %dma_wait3A_103 = arith.constant 9984 : i32
          %dma_wait3A_104 = arith.constant 0 : i32
          %dma_wait3A_105 = tpu.memref_slice %arg5[%dma_wait3A_103, %dma_wait3A_104] : memref<10000x128xf32, #tpu.memory_space<hbm>> -> memref<16x128xf32, #tpu.memory_space<hbm>>
          %dma_wait3A_106 = arith.constant 9984 : i32
          %dma_wait3A_107 = arith.constant 0 : i32
          %dma_wait3A_108 = tpu.memref_slice %arg10[%dma_wait3A_106, %dma_wait3A_107] : memref<10128x128xf32, #tpu.memory_space<vmem_shared>> -> memref<16x128xf32, #tpu.memory_space<vmem_shared>>
          tpu.wait_dma2 semaphore(%run_scoped3A_96 : memref<!tpu.dma_semaphore, #tpu.memory_space<semaphore_mem>>) src(%dma_wait3A_108 : memref<16x128xf32, #tpu.memory_space<vmem_shared>>) dst(%dma_wait3A_105 : memref<16x128xf32, #tpu.memory_space<hbm>>)
          tpu.yield
        }) : () -> ()
      } else {
      }
    } else {
    }
    return
  }
}

#map = affine_map<(d0, d1) -> (0, 0)>
#map1 = affine_map<(d0, d1) -> (0, 0, 0)>
module attributes {stable_mosaic.version = 14 : i64} {
  func.func @_msg_body(%arg0: i32, %arg1: i32, %arg2: memref<10000x128xf32, #tpu.memory_space<hbm>>, %arg3: memref<2560x2x128xi32, #tpu.memory_space<hbm>>, %arg4: memref<10000x128xf32, #tpu.memory_space<hbm>>, %arg5: memref<10000x128xf32, #tpu.memory_space<hbm>>, %arg6: memref<2x128xi32, #tpu.memory_space<vmem>>, %arg7: memref<2x128xi32, #tpu.memory_space<vmem>>, %arg8: memref<128x128xf32, #tpu.memory_space<vmem>>, %arg9: memref<128x128xf32, #tpu.memory_space<vmem>>, %arg10: memref<10128x128xf32, #tpu.memory_space<vmem_shared>>, %arg11: memref<!tpu.dma_semaphore, #tpu.memory_space<semaphore_mem>>, %arg12: memref<!tpu.dma_semaphore, #tpu.memory_space<semaphore_mem>>, %arg13: memref<!tpu.dma_semaphore, #tpu.memory_space<semaphore_mem>>, %arg14: memref<!tpu.dma_semaphore, #tpu.memory_space<semaphore_mem>>) attributes {dimension_semantics = [#tpu.dimension_semantics<core_parallel>, #tpu.dimension_semantics<subcore_parallel>], iteration_bounds = array<i64: 2, 16>, scalar_prefetch = 0 : i64, scratch_operands = 9 : i64, tpu.core_type = #tpu.core_type<sc_vector_subcore>, window_params = [{transform_indices = #map}, {transform_indices = #map1}, {transform_indices = #map}, {transform_indices = #map}]} {
    %mul3A = arith.constant 16 : i32
    %mul3A_0 = arith.muli %arg0, %mul3A : i32
    %add3A = arith.addi %mul3A_0, %arg1 : i32
    %scan3A = arith.constant 0 : i32
    %scan3A_1 = arith.constant 0 : i32
    %scan3A_2 = arith.constant 128 : i32
    %scan3A_3 = arith.addi %scan3A_1, %scan3A_2 : i32
    %scan3A_4 = arith.constant 1 : i32
    %scan3A_5 = scf.for %scan3A_91 = %scan3A_1 to %scan3A_3 step %scan3A_4 iter_args(%scan3A_92 = %scan3A) -> (i32)  : i32 {
      %broadcast_in_dim3A = arith.constant 0.000000e+00 : f32
      %broadcast_in_dim3A_93 = vector.broadcast %broadcast_in_dim3A : f32 to vector<16xf32>
      %swap3A = arith.index_cast %scan3A_91 : i32 to index
      %swap3A_94 = arith.constant 0 : index
      %swap3A_95 = tpu.vector_load %arg8[%swap3A, %swap3A_94] {strides = array<i32>} : memref<128x128xf32, #tpu.memory_space<vmem>>, vector<1x16xf32>,
      %swap3A_96 = vector.shape_cast %swap3A_95 : vector<1x16xf32> to vector<16xf32>
      %swap3A_97 = vector.shape_cast %broadcast_in_dim3A_93 : vector<16xf32> to vector<1x16xf32>
      tpu.vector_store %arg8[%swap3A, %swap3A_94], %swap3A_97 {strides = array<i32>} : memref<128x128xf32, #tpu.memory_space<vmem>>, vector<1x16xf32>,
      %broadcast_in_dim3A_98 = arith.constant 0.000000e+00 : f32
      %broadcast_in_dim3A_99 = vector.broadcast %broadcast_in_dim3A_98 : f32 to vector<16xf32>
      %swap3A_100 = arith.index_cast %scan3A_91 : i32 to index
      %swap3A_101 = arith.constant 16 : index
      %swap3A_102 = tpu.vector_load %arg8[%swap3A_100, %swap3A_101] {strides = array<i32>} : memref<128x128xf32, #tpu.memory_space<vmem>>, vector<1x16xf32>,
      %swap3A_103 = vector.shape_cast %swap3A_102 : vector<1x16xf32> to vector<16xf32>
      %swap3A_104 = vector.shape_cast %broadcast_in_dim3A_99 : vector<16xf32> to vector<1x16xf32>
      tpu.vector_store %arg8[%swap3A_100, %swap3A_101], %swap3A_104 {strides = array<i32>} : memref<128x128xf32, #tpu.memory_space<vmem>>, vector<1x16xf32>,
      %broadcast_in_dim3A_105 = arith.constant 0.000000e+00 : f32
      %broadcast_in_dim3A_106 = vector.broadcast %broadcast_in_dim3A_105 : f32 to vector<16xf32>
      %swap3A_107 = arith.index_cast %scan3A_91 : i32 to index
      %swap3A_108 = arith.constant 32 : index
      %swap3A_109 = tpu.vector_load %arg8[%swap3A_107, %swap3A_108] {strides = array<i32>} : memref<128x128xf32, #tpu.memory_space<vmem>>, vector<1x16xf32>,
      %swap3A_110 = vector.shape_cast %swap3A_109 : vector<1x16xf32> to vector<16xf32>
      %swap3A_111 = vector.shape_cast %broadcast_in_dim3A_106 : vector<16xf32> to vector<1x16xf32>
      tpu.vector_store %arg8[%swap3A_107, %swap3A_108], %swap3A_111 {strides = array<i32>} : memref<128x128xf32, #tpu.memory_space<vmem>>, vector<1x16xf32>,
      %broadcast_in_dim3A_112 = arith.constant 0.000000e+00 : f32
      %broadcast_in_dim3A_113 = vector.broadcast %broadcast_in_dim3A_112 : f32 to vector<16xf32>
      %swap3A_114 = arith.index_cast %scan3A_91 : i32 to index
      %swap3A_115 = arith.constant 48 : index
      %swap3A_116 = tpu.vector_load %arg8[%swap3A_114, %swap3A_115] {strides = array<i32>} : memref<128x128xf32, #tpu.memory_space<vmem>>, vector<1x16xf32>,
      %swap3A_117 = vector.shape_cast %swap3A_116 : vector<1x16xf32> to vector<16xf32>
      %swap3A_118 = vector.shape_cast %broadcast_in_dim3A_113 : vector<16xf32> to vector<1x16xf32>
      tpu.vector_store %arg8[%swap3A_114, %swap3A_115], %swap3A_118 {strides = array<i32>} : memref<128x128xf32, #tpu.memory_space<vmem>>, vector<1x16xf32>,
      %broadcast_in_dim3A_119 = arith.constant 0.000000e+00 : f32
      %broadcast_in_dim3A_120 = vector.broadcast %broadcast_in_dim3A_119 : f32 to vector<16xf32>
      %swap3A_121 = arith.index_cast %scan3A_91 : i32 to index
      %swap3A_122 = arith.constant 64 : index
      %swap3A_123 = tpu.vector_load %arg8[%swap3A_121, %swap3A_122] {strides = array<i32>} : memref<128x128xf32, #tpu.memory_space<vmem>>, vector<1x16xf32>,
      %swap3A_124 = vector.shape_cast %swap3A_123 : vector<1x16xf32> to vector<16xf32>
      %swap3A_125 = vector.shape_cast %broadcast_in_dim3A_120 : vector<16xf32> to vector<1x16xf32>
      tpu.vector_store %arg8[%swap3A_121, %swap3A_122], %swap3A_125 {strides = array<i32>} : memref<128x128xf32, #tpu.memory_space<vmem>>, vector<1x16xf32>,
      %broadcast_in_dim3A_126 = arith.constant 0.000000e+00 : f32
      %broadcast_in_dim3A_127 = vector.broadcast %broadcast_in_dim3A_126 : f32 to vector<16xf32>
      %swap3A_128 = arith.index_cast %scan3A_91 : i32 to index
      %swap3A_129 = arith.constant 80 : index
      %swap3A_130 = tpu.vector_load %arg8[%swap3A_128, %swap3A_129] {strides = array<i32>} : memref<128x128xf32, #tpu.memory_space<vmem>>, vector<1x16xf32>,
      %swap3A_131 = vector.shape_cast %swap3A_130 : vector<1x16xf32> to vector<16xf32>
      %swap3A_132 = vector.shape_cast %broadcast_in_dim3A_127 : vector<16xf32> to vector<1x16xf32>
      tpu.vector_store %arg8[%swap3A_128, %swap3A_129], %swap3A_132 {strides = array<i32>} : memref<128x128xf32, #tpu.memory_space<vmem>>, vector<1x16xf32>,
      %broadcast_in_dim3A_133 = arith.constant 0.000000e+00 : f32
      %broadcast_in_dim3A_134 = vector.broadcast %broadcast_in_dim3A_133 : f32 to vector<16xf32>
      %swap3A_135 = arith.index_cast %scan3A_91 : i32 to index
      %swap3A_136 = arith.constant 96 : index
      %swap3A_137 = tpu.vector_load %arg8[%swap3A_135, %swap3A_136] {strides = array<i32>} : memref<128x128xf32, #tpu.memory_space<vmem>>, vector<1x16xf32>,
      %swap3A_138 = vector.shape_cast %swap3A_137 : vector<1x16xf32> to vector<16xf32>
      %swap3A_139 = vector.shape_cast %broadcast_in_dim3A_134 : vector<16xf32> to vector<1x16xf32>
      tpu.vector_store %arg8[%swap3A_135, %swap3A_136], %swap3A_139 {strides = array<i32>} : memref<128x128xf32, #tpu.memory_space<vmem>>, vector<1x16xf32>,
      %broadcast_in_dim3A_140 = arith.constant 0.000000e+00 : f32
      %broadcast_in_dim3A_141 = vector.broadcast %broadcast_in_dim3A_140 : f32 to vector<16xf32>
      %swap3A_142 = arith.index_cast %scan3A_91 : i32 to index
      %swap3A_143 = arith.constant 112 : index
      %swap3A_144 = tpu.vector_load %arg8[%swap3A_142, %swap3A_143] {strides = array<i32>} : memref<128x128xf32, #tpu.memory_space<vmem>>, vector<1x16xf32>,
      %swap3A_145 = vector.shape_cast %swap3A_144 : vector<1x16xf32> to vector<16xf32>
      %swap3A_146 = vector.shape_cast %broadcast_in_dim3A_141 : vector<16xf32> to vector<1x16xf32>
      tpu.vector_store %arg8[%swap3A_142, %swap3A_143], %swap3A_146 {strides = array<i32>} : memref<128x128xf32, #tpu.memory_space<vmem>>, vector<1x16xf32>,
      %scan3A_147 = arith.constant 0 : i32
      scf.yield %scan3A_147 : i32
    }
    %scan3A_6 = arith.constant 128 : i32
    %mul3A_7 = arith.constant 624 : i32
    %mul3A_8 = arith.muli %arg1, %mul3A_7 : i32
    %add3A_9 = arith.constant 0 : i32
    %add3A_10 = arith.addi %mul3A_8, %add3A_9 : i32
    "tpu.region"() ({
      %run_scoped3A_91 = tpu.sem_alloc : memref<!tpu.dma_semaphore, #tpu.memory_space<semaphore_mem>>
      %dma_start3A_92 = arith.constant 0 : i32
      %dma_start3A_93 = tpu.memref_slice %arg10[%add3A_10, %dma_start3A_92] : memref<10128x128xf32, #tpu.memory_space<vmem_shared>> -> memref<128x128xf32, #tpu.memory_space<vmem_shared>>
      %dma_start3A_94 = arith.constant 0 : i32
      %dma_start3A_95 = tpu.memref_slice %arg10[%add3A_10, %dma_start3A_94] : memref<10128x128xf32, #tpu.memory_space<vmem_shared>> -> memref<128x128xf32, #tpu.memory_space<vmem_shared>>
      tpu.enqueue_dma source(%arg8 : memref<128x128xf32, #tpu.memory_space<vmem>>) target(%dma_start3A_95 : memref<128x128xf32, #tpu.memory_space<vmem_shared>>) target_semaphore(%run_scoped3A_91 : memref<!tpu.dma_semaphore, #tpu.memory_space<semaphore_mem>>)
      %dma_wait3A_96 = arith.constant 0 : i32
      %dma_wait3A_97 = tpu.memref_slice %arg10[%add3A_10, %dma_wait3A_96] : memref<10128x128xf32, #tpu.memory_space<vmem_shared>> -> memref<128x128xf32, #tpu.memory_space<vmem_shared>>
      %dma_wait3A_98 = arith.constant 0 : i32
      %dma_wait3A_99 = tpu.memref_slice %arg10[%add3A_10, %dma_wait3A_98] : memref<10128x128xf32, #tpu.memory_space<vmem_shared>> -> memref<128x128xf32, #tpu.memory_space<vmem_shared>>
      tpu.wait_dma2 semaphore(%run_scoped3A_91 : memref<!tpu.dma_semaphore, #tpu.memory_space<semaphore_mem>>) src(%arg8 : memref<128x128xf32, #tpu.memory_space<vmem>>) dst(%dma_wait3A_99 : memref<128x128xf32, #tpu.memory_space<vmem_shared>>)
      tpu.yield
    }) : () -> ()
    %add3A_11 = arith.constant 128 : i32
    %add3A_12 = arith.addi %mul3A_8, %add3A_11 : i32
    "tpu.region"() ({
      %run_scoped3A_91 = tpu.sem_alloc : memref<!tpu.dma_semaphore, #tpu.memory_space<semaphore_mem>>
      %dma_start3A_92 = arith.constant 0 : i32
      %dma_start3A_93 = tpu.memref_slice %arg10[%add3A_12, %dma_start3A_92] : memref<10128x128xf32, #tpu.memory_space<vmem_shared>> -> memref<128x128xf32, #tpu.memory_space<vmem_shared>>
      %dma_start3A_94 = arith.constant 0 : i32
      %dma_start3A_95 = tpu.memref_slice %arg10[%add3A_12, %dma_start3A_94] : memref<10128x128xf32, #tpu.memory_space<vmem_shared>> -> memref<128x128xf32, #tpu.memory_space<vmem_shared>>
      tpu.enqueue_dma source(%arg8 : memref<128x128xf32, #tpu.memory_space<vmem>>) target(%dma_start3A_95 : memref<128x128xf32, #tpu.memory_space<vmem_shared>>) target_semaphore(%run_scoped3A_91 : memref<!tpu.dma_semaphore, #tpu.memory_space<semaphore_mem>>)
      %dma_wait3A_96 = arith.constant 0 : i32
      %dma_wait3A_97 = tpu.memref_slice %arg10[%add3A_12, %dma_wait3A_96] : memref<10128x128xf32, #tpu.memory_space<vmem_shared>> -> memref<128x128xf32, #tpu.memory_space<vmem_shared>>
      %dma_wait3A_98 = arith.constant 0 : i32
      %dma_wait3A_99 = tpu.memref_slice %arg10[%add3A_12, %dma_wait3A_98] : memref<10128x128xf32, #tpu.memory_space<vmem_shared>> -> memref<128x128xf32, #tpu.memory_space<vmem_shared>>
      tpu.wait_dma2 semaphore(%run_scoped3A_91 : memref<!tpu.dma_semaphore, #tpu.memory_space<semaphore_mem>>) src(%arg8 : memref<128x128xf32, #tpu.memory_space<vmem>>) dst(%dma_wait3A_99 : memref<128x128xf32, #tpu.memory_space<vmem_shared>>)
      tpu.yield
    }) : () -> ()
    %add3A_13 = arith.constant 256 : i32
    %add3A_14 = arith.addi %mul3A_8, %add3A_13 : i32
    "tpu.region"() ({
      %run_scoped3A_91 = tpu.sem_alloc : memref<!tpu.dma_semaphore, #tpu.memory_space<semaphore_mem>>
      %dma_start3A_92 = arith.constant 0 : i32
      %dma_start3A_93 = tpu.memref_slice %arg10[%add3A_14, %dma_start3A_92] : memref<10128x128xf32, #tpu.memory_space<vmem_shared>> -> memref<128x128xf32, #tpu.memory_space<vmem_shared>>
      %dma_start3A_94 = arith.constant 0 : i32
      %dma_start3A_95 = tpu.memref_slice %arg10[%add3A_14, %dma_start3A_94] : memref<10128x128xf32, #tpu.memory_space<vmem_shared>> -> memref<128x128xf32, #tpu.memory_space<vmem_shared>>
      tpu.enqueue_dma source(%arg8 : memref<128x128xf32, #tpu.memory_space<vmem>>) target(%dma_start3A_95 : memref<128x128xf32, #tpu.memory_space<vmem_shared>>) target_semaphore(%run_scoped3A_91 : memref<!tpu.dma_semaphore, #tpu.memory_space<semaphore_mem>>)
      %dma_wait3A_96 = arith.constant 0 : i32
      %dma_wait3A_97 = tpu.memref_slice %arg10[%add3A_14, %dma_wait3A_96] : memref<10128x128xf32, #tpu.memory_space<vmem_shared>> -> memref<128x128xf32, #tpu.memory_space<vmem_shared>>
      %dma_wait3A_98 = arith.constant 0 : i32
      %dma_wait3A_99 = tpu.memref_slice %arg10[%add3A_14, %dma_wait3A_98] : memref<10128x128xf32, #tpu.memory_space<vmem_shared>> -> memref<128x128xf32, #tpu.memory_space<vmem_shared>>
      tpu.wait_dma2 semaphore(%run_scoped3A_91 : memref<!tpu.dma_semaphore, #tpu.memory_space<semaphore_mem>>) src(%arg8 : memref<128x128xf32, #tpu.memory_space<vmem>>) dst(%dma_wait3A_99 : memref<128x128xf32, #tpu.memory_space<vmem_shared>>)
      tpu.yield
    }) : () -> ()
    %add3A_15 = arith.constant 384 : i32
    %add3A_16 = arith.addi %mul3A_8, %add3A_15 : i32
    "tpu.region"() ({
      %run_scoped3A_91 = tpu.sem_alloc : memref<!tpu.dma_semaphore, #tpu.memory_space<semaphore_mem>>
      %dma_start3A_92 = arith.constant 0 : i32
      %dma_start3A_93 = tpu.memref_slice %arg10[%add3A_16, %dma_start3A_92] : memref<10128x128xf32, #tpu.memory_space<vmem_shared>> -> memref<128x128xf32, #tpu.memory_space<vmem_shared>>
      %dma_start3A_94 = arith.constant 0 : i32
      %dma_start3A_95 = tpu.memref_slice %arg10[%add3A_16, %dma_start3A_94] : memref<10128x128xf32, #tpu.memory_space<vmem_shared>> -> memref<128x128xf32, #tpu.memory_space<vmem_shared>>
      tpu.enqueue_dma source(%arg8 : memref<128x128xf32, #tpu.memory_space<vmem>>) target(%dma_start3A_95 : memref<128x128xf32, #tpu.memory_space<vmem_shared>>) target_semaphore(%run_scoped3A_91 : memref<!tpu.dma_semaphore, #tpu.memory_space<semaphore_mem>>)
      %dma_wait3A_96 = arith.constant 0 : i32
      %dma_wait3A_97 = tpu.memref_slice %arg10[%add3A_16, %dma_wait3A_96] : memref<10128x128xf32, #tpu.memory_space<vmem_shared>> -> memref<128x128xf32, #tpu.memory_space<vmem_shared>>
      %dma_wait3A_98 = arith.constant 0 : i32
      %dma_wait3A_99 = tpu.memref_slice %arg10[%add3A_16, %dma_wait3A_98] : memref<10128x128xf32, #tpu.memory_space<vmem_shared>> -> memref<128x128xf32, #tpu.memory_space<vmem_shared>>
      tpu.wait_dma2 semaphore(%run_scoped3A_91 : memref<!tpu.dma_semaphore, #tpu.memory_space<semaphore_mem>>) src(%arg8 : memref<128x128xf32, #tpu.memory_space<vmem>>) dst(%dma_wait3A_99 : memref<128x128xf32, #tpu.memory_space<vmem_shared>>)
      tpu.yield
    }) : () -> ()
    %add3A_17 = arith.constant 512 : i32
    %add3A_18 = arith.addi %mul3A_8, %add3A_17 : i32
    "tpu.region"() ({
      %run_scoped3A_91 = tpu.sem_alloc : memref<!tpu.dma_semaphore, #tpu.memory_space<semaphore_mem>>
      %dma_start3A_92 = arith.constant 0 : i32
      %dma_start3A_93 = arith.constant 0 : i32
      %dma_start3A_94 = tpu.memref_slice %arg8[%dma_start3A_92, %dma_start3A_93] : memref<128x128xf32, #tpu.memory_space<vmem>> -> memref<112x128xf32, #tpu.memory_space<vmem>>
      %dma_start3A_95 = arith.constant 0 : i32
      %dma_start3A_96 = tpu.memref_slice %arg10[%add3A_18, %dma_start3A_95] : memref<10128x128xf32, #tpu.memory_space<vmem_shared>> -> memref<112x128xf32, #tpu.memory_space<vmem_shared>>
      %dma_start3A_97 = arith.constant 0 : i32
      %dma_start3A_98 = tpu.memref_slice %arg10[%add3A_18, %dma_start3A_97] : memref<10128x128xf32, #tpu.memory_space<vmem_shared>> -> memref<112x128xf32, #tpu.memory_space<vmem_shared>>
      %dma_start3A_99 = arith.constant 0 : i32
      %dma_start3A_100 = arith.constant 0 : i32
      %dma_start3A_101 = tpu.memref_slice %arg8[%dma_start3A_99, %dma_start3A_100] : memref<128x128xf32, #tpu.memory_space<vmem>> -> memref<112x128xf32, #tpu.memory_space<vmem>>
      tpu.enqueue_dma source(%dma_start3A_101 : memref<112x128xf32, #tpu.memory_space<vmem>>) target(%dma_start3A_98 : memref<112x128xf32, #tpu.memory_space<vmem_shared>>) target_semaphore(%run_scoped3A_91 : memref<!tpu.dma_semaphore, #tpu.memory_space<semaphore_mem>>)
      %dma_wait3A_102 = arith.constant 0 : i32
      %dma_wait3A_103 = arith.constant 0 : i32
      %dma_wait3A_104 = tpu.memref_slice %arg8[%dma_wait3A_102, %dma_wait3A_103] : memref<128x128xf32, #tpu.memory_space<vmem>> -> memref<112x128xf32, #tpu.memory_space<vmem>>
      %dma_wait3A_105 = arith.constant 0 : i32
      %dma_wait3A_106 = tpu.memref_slice %arg10[%add3A_18, %dma_wait3A_105] : memref<10128x128xf32, #tpu.memory_space<vmem_shared>> -> memref<112x128xf32, #tpu.memory_space<vmem_shared>>
      %dma_wait3A_107 = arith.constant 0 : i32
      %dma_wait3A_108 = tpu.memref_slice %arg10[%add3A_18, %dma_wait3A_107] : memref<10128x128xf32, #tpu.memory_space<vmem_shared>> -> memref<112x128xf32, #tpu.memory_space<vmem_shared>>
      %dma_wait3A_109 = arith.constant 0 : i32
      %dma_wait3A_110 = arith.constant 0 : i32
      %dma_wait3A_111 = tpu.memref_slice %arg8[%dma_wait3A_109, %dma_wait3A_110] : memref<128x128xf32, #tpu.memory_space<vmem>> -> memref<112x128xf32, #tpu.memory_space<vmem>>
      tpu.wait_dma2 semaphore(%run_scoped3A_91 : memref<!tpu.dma_semaphore, #tpu.memory_space<semaphore_mem>>) src(%dma_wait3A_111 : memref<112x128xf32, #tpu.memory_space<vmem>>) dst(%dma_wait3A_108 : memref<112x128xf32, #tpu.memory_space<vmem_shared>>)
      tpu.yield
    }) : () -> ()
    %eq3A = arith.constant 15 : i32
    %eq3A_19 = arith.cmpi eq, %arg1, %eq3A : i32
    %convert_element_type3A = arith.extui %eq3A_19 : i1 to i32
    %cond3A = arith.constant 0 : i32
    %cond3A_20 = arith.cmpi ne, %convert_element_type3A, %cond3A : i32
    scf.if %cond3A_20 {
      "tpu.region"() ({
        %run_scoped3A_91 = tpu.sem_alloc : memref<!tpu.dma_semaphore, #tpu.memory_space<semaphore_mem>>
        %dma_start3A_92 = arith.constant 0 : i32
        %dma_start3A_93 = arith.constant 0 : i32
        %dma_start3A_94 = tpu.memref_slice %arg8[%dma_start3A_92, %dma_start3A_93] : memref<128x128xf32, #tpu.memory_space<vmem>> -> memref<16x128xf32, #tpu.memory_space<vmem>>
        %dma_start3A_95 = arith.constant 9984 : i32
        %dma_start3A_96 = arith.constant 0 : i32
        %dma_start3A_97 = tpu.memref_slice %arg10[%dma_start3A_95, %dma_start3A_96] : memref<10128x128xf32, #tpu.memory_space<vmem_shared>> -> memref<16x128xf32, #tpu.memory_space<vmem_shared>>
        %dma_start3A_98 = arith.constant 9984 : i32
        %dma_start3A_99 = arith.constant 0 : i32
        %dma_start3A_100 = tpu.memref_slice %arg10[%dma_start3A_98, %dma_start3A_99] : memref<10128x128xf32, #tpu.memory_space<vmem_shared>> -> memref<16x128xf32, #tpu.memory_space<vmem_shared>>
        %dma_start3A_101 = arith.constant 0 : i32
        %dma_start3A_102 = arith.constant 0 : i32
        %dma_start3A_103 = tpu.memref_slice %arg8[%dma_start3A_101, %dma_start3A_102] : memref<128x128xf32, #tpu.memory_space<vmem>> -> memref<16x128xf32, #tpu.memory_space<vmem>>
        tpu.enqueue_dma source(%dma_start3A_103 : memref<16x128xf32, #tpu.memory_space<vmem>>) target(%dma_start3A_100 : memref<16x128xf32, #tpu.memory_space<vmem_shared>>) target_semaphore(%run_scoped3A_91 : memref<!tpu.dma_semaphore, #tpu.memory_space<semaphore_mem>>)
        %dma_wait3A_104 = arith.constant 0 : i32
        %dma_wait3A_105 = arith.constant 0 : i32
        %dma_wait3A_106 = tpu.memref_slice %arg8[%dma_wait3A_104, %dma_wait3A_105] : memref<128x128xf32, #tpu.memory_space<vmem>> -> memref<16x128xf32, #tpu.memory_space<vmem>>
        %dma_wait3A_107 = arith.constant 9984 : i32
        %dma_wait3A_108 = arith.constant 0 : i32
        %dma_wait3A_109 = tpu.memref_slice %arg10[%dma_wait3A_107, %dma_wait3A_108] : memref<10128x128xf32, #tpu.memory_space<vmem_shared>> -> memref<16x128xf32, #tpu.memory_space<vmem_shared>>
        %dma_wait3A_110 = arith.constant 9984 : i32
        %dma_wait3A_111 = arith.constant 0 : i32
        %dma_wait3A_112 = tpu.memref_slice %arg10[%dma_wait3A_110, %dma_wait3A_111] : memref<10128x128xf32, #tpu.memory_space<vmem_shared>> -> memref<16x128xf32, #tpu.memory_space<vmem_shared>>
        %dma_wait3A_113 = arith.constant 0 : i32
        %dma_wait3A_114 = arith.constant 0 : i32
        %dma_wait3A_115 = tpu.memref_slice %arg8[%dma_wait3A_113, %dma_wait3A_114] : memref<128x128xf32, #tpu.memory_space<vmem>> -> memref<16x128xf32, #tpu.memory_space<vmem>>
        tpu.wait_dma2 semaphore(%run_scoped3A_91 : memref<!tpu.dma_semaphore, #tpu.memory_space<semaphore_mem>>) src(%dma_wait3A_115 : memref<16x128xf32, #tpu.memory_space<vmem>>) dst(%dma_wait3A_112 : memref<16x128xf32, #tpu.memory_space<vmem_shared>>)
        tpu.yield
      }) : () -> ()
      "tpu.region"() ({
        %run_scoped3A_91 = tpu.sem_alloc : memref<!tpu.dma_semaphore, #tpu.memory_space<semaphore_mem>>
        %dma_start3A_92 = arith.constant 10000 : i32
        %dma_start3A_93 = arith.constant 0 : i32
        %dma_start3A_94 = tpu.memref_slice %arg10[%dma_start3A_92, %dma_start3A_93] : memref<10128x128xf32, #tpu.memory_space<vmem_shared>> -> memref<128x128xf32, #tpu.memory_space<vmem_shared>>
        %dma_start3A_95 = arith.constant 10000 : i32
        %dma_start3A_96 = arith.constant 0 : i32
        %dma_start3A_97 = tpu.memref_slice %arg10[%dma_start3A_95, %dma_start3A_96] : memref<10128x128xf32, #tpu.memory_space<vmem_shared>> -> memref<128x128xf32, #tpu.memory_space<vmem_shared>>
        tpu.enqueue_dma source(%arg8 : memref<128x128xf32, #tpu.memory_space<vmem>>) target(%dma_start3A_97 : memref<128x128xf32, #tpu.memory_space<vmem_shared>>) target_semaphore(%run_scoped3A_91 : memref<!tpu.dma_semaphore, #tpu.memory_space<semaphore_mem>>)
        %dma_wait3A_98 = arith.constant 10000 : i32
        %dma_wait3A_99 = arith.constant 0 : i32
        %dma_wait3A_100 = tpu.memref_slice %arg10[%dma_wait3A_98, %dma_wait3A_99] : memref<10128x128xf32, #tpu.memory_space<vmem_shared>> -> memref<128x128xf32, #tpu.memory_space<vmem_shared>>
        %dma_wait3A_101 = arith.constant 10000 : i32
        %dma_wait3A_102 = arith.constant 0 : i32
        %dma_wait3A_103 = tpu.memref_slice %arg10[%dma_wait3A_101, %dma_wait3A_102] : memref<10128x128xf32, #tpu.memory_space<vmem_shared>> -> memref<128x128xf32, #tpu.memory_space<vmem_shared>>
        tpu.wait_dma2 semaphore(%run_scoped3A_91 : memref<!tpu.dma_semaphore, #tpu.memory_space<semaphore_mem>>) src(%arg8 : memref<128x128xf32, #tpu.memory_space<vmem>>) dst(%dma_wait3A_103 : memref<128x128xf32, #tpu.memory_space<vmem_shared>>)
        tpu.yield
      }) : () -> ()
    } else {
    }
    %barrier3A = arith.constant 0 : index
    tpu.barrier barrier_id(%barrier3A)
    %mul3A_21 = arith.constant 80 : i32
    %mul3A_22 = arith.muli %add3A, %mul3A_21 : i32
    "tpu.region"() ({
      %run_scoped3A_91 = tpu.sem_alloc : memref<!tpu.dma_semaphore, #tpu.memory_space<semaphore_mem>>
      %dma_start3A_92 = arith.constant 0 : i32
      %dma_start3A_93 = arith.constant 0 : i32
      %dma_start3A_94 = tpu.memref_slice %arg3[%mul3A_22, %dma_start3A_92, %dma_start3A_93] : memref<2560x2x128xi32, #tpu.memory_space<hbm>> -> memref<1x2x128xi32, #tpu.memory_space<hbm>>
      %dma_start3A_95 = tpu.memref_squeeze %dma_start3A_94 : memref<1x2x128xi32, #tpu.memory_space<hbm>> -> memref<2x128xi32, #tpu.memory_space<hbm>>
      %dma_start3A_96 = arith.constant 0 : i32
      %dma_start3A_97 = arith.constant 0 : i32
      %dma_start3A_98 = tpu.memref_slice %arg3[%mul3A_22, %dma_start3A_96, %dma_start3A_97] : memref<2560x2x128xi32, #tpu.memory_space<hbm>> -> memref<1x2x128xi32, #tpu.memory_space<hbm>>
      %dma_start3A_99 = tpu.memref_squeeze %dma_start3A_98 : memref<1x2x128xi32, #tpu.memory_space<hbm>> -> memref<2x128xi32, #tpu.memory_space<hbm>>
      tpu.enqueue_dma source(%dma_start3A_99 : memref<2x128xi32, #tpu.memory_space<hbm>>) target(%arg6 : memref<2x128xi32, #tpu.memory_space<vmem>>) target_semaphore(%run_scoped3A_91 : memref<!tpu.dma_semaphore, #tpu.memory_space<semaphore_mem>>)
      %dma_wait3A_100 = arith.constant 0 : i32
      %dma_wait3A_101 = arith.constant 0 : i32
      %dma_wait3A_102 = tpu.memref_slice %arg3[%mul3A_22, %dma_wait3A_100, %dma_wait3A_101] : memref<2560x2x128xi32, #tpu.memory_space<hbm>> -> memref<1x2x128xi32, #tpu.memory_space<hbm>>
      %dma_wait3A_103 = tpu.memref_squeeze %dma_wait3A_102 : memref<1x2x128xi32, #tpu.memory_space<hbm>> -> memref<2x128xi32, #tpu.memory_space<hbm>>
      %dma_wait3A_104 = arith.constant 0 : i32
      %dma_wait3A_105 = arith.constant 0 : i32
      %dma_wait3A_106 = tpu.memref_slice %arg3[%mul3A_22, %dma_wait3A_104, %dma_wait3A_105] : memref<2560x2x128xi32, #tpu.memory_space<hbm>> -> memref<1x2x128xi32, #tpu.memory_space<hbm>>
      %dma_wait3A_107 = tpu.memref_squeeze %dma_wait3A_106 : memref<1x2x128xi32, #tpu.memory_space<hbm>> -> memref<2x128xi32, #tpu.memory_space<hbm>>
      tpu.wait_dma2 semaphore(%run_scoped3A_91 : memref<!tpu.dma_semaphore, #tpu.memory_space<semaphore_mem>>) src(%dma_wait3A_107 : memref<2x128xi32, #tpu.memory_space<hbm>>) dst(%arg6 : memref<2x128xi32, #tpu.memory_space<vmem>>)
      tpu.yield
    }) : () -> ()
    %dma_start3A = arith.constant 0 : i32
    %dma_start3A_23 = arith.constant 0 : i32
    %dma_start3A_24 = tpu.memref_slice %arg6[%dma_start3A, %dma_start3A_23] : memref<2x128xi32, #tpu.memory_space<vmem>> -> memref<1x128xi32, #tpu.memory_space<vmem>>
    %dma_start3A_25 = tpu.memref_squeeze %dma_start3A_24 : memref<1x128xi32, #tpu.memory_space<vmem>> -> memref<128xi32, #tpu.memory_space<vmem>>
    %dma_start3A_26 = arith.constant 0 : i32
    %dma_start3A_27 = arith.constant 0 : i32
    %dma_start3A_28 = tpu.memref_slice %arg2[%dma_start3A_26, %dma_start3A_27] : memref<10000x128xf32, #tpu.memory_space<hbm>> -> memref<10000x128xf32, #tpu.memory_space<hbm>>
    tpu.enqueue_indirect_dma source(%dma_start3A_28 : memref<10000x128xf32, #tpu.memory_space<hbm>>) target(%arg8 : memref<128x128xf32, #tpu.memory_space<vmem>>) offsets(%dma_start3A_25 : memref<128xi32, #tpu.memory_space<vmem>>) semaphore(%arg11 : memref<!tpu.dma_semaphore, #tpu.memory_space<semaphore_mem>>)
    %add3A_29 = arith.constant 1 : i32
    %add3A_30 = arith.addi %mul3A_22, %add3A_29 : i32
    %dma_start3A_31 = arith.constant 0 : i32
    %dma_start3A_32 = arith.constant 0 : i32
    %dma_start3A_33 = tpu.memref_slice %arg3[%add3A_30, %dma_start3A_31, %dma_start3A_32] : memref<2560x2x128xi32, #tpu.memory_space<hbm>> -> memref<1x2x128xi32, #tpu.memory_space<hbm>>
    %dma_start3A_34 = tpu.memref_squeeze %dma_start3A_33 : memref<1x2x128xi32, #tpu.memory_space<hbm>> -> memref<2x128xi32, #tpu.memory_space<hbm>>
    %dma_start3A_35 = arith.constant 0 : i32
    %dma_start3A_36 = arith.constant 0 : i32
    %dma_start3A_37 = tpu.memref_slice %arg3[%add3A_30, %dma_start3A_35, %dma_start3A_36] : memref<2560x2x128xi32, #tpu.memory_space<hbm>> -> memref<1x2x128xi32, #tpu.memory_space<hbm>>
    %dma_start3A_38 = tpu.memref_squeeze %dma_start3A_37 : memref<1x2x128xi32, #tpu.memory_space<hbm>> -> memref<2x128xi32, #tpu.memory_space<hbm>>
    tpu.enqueue_dma source(%dma_start3A_38 : memref<2x128xi32, #tpu.memory_space<hbm>>) target(%arg7 : memref<2x128xi32, #tpu.memory_space<vmem>>) target_semaphore(%arg14 : memref<!tpu.dma_semaphore, #tpu.memory_space<semaphore_mem>>)
    %scan3A_39 = arith.constant 0 : i32
    %scan3A_40 = arith.constant 0 : i32
    %scan3A_41 = arith.constant 39 : i32
    %scan3A_42 = arith.addi %scan3A_40, %scan3A_41 : i32
    %scan3A_43 = arith.constant 1 : i32
    %scan3A_44 = scf.for %scan3A_91 = %scan3A_40 to %scan3A_42 step %scan3A_43 iter_args(%scan3A_92 = %scan3A_39) -> (i32)  : i32 {
      %mul3A_93 = arith.constant 2 : i32
      %mul3A_94 = arith.muli %mul3A_93, %scan3A_91 : i32
      %add3A_95 = arith.addi %mul3A_22, %mul3A_94 : i32
      %add3A_96 = arith.constant 1 : i32
      %add3A_97 = arith.addi %add3A_95, %add3A_96 : i32
      %dma_wait3A_98 = arith.constant 0 : i32
      %dma_wait3A_99 = arith.constant 0 : i32
      %dma_wait3A_100 = tpu.memref_slice %arg3[%add3A_97, %dma_wait3A_98, %dma_wait3A_99] : memref<2560x2x128xi32, #tpu.memory_space<hbm>> -> memref<1x2x128xi32, #tpu.memory_space<hbm>>
      %dma_wait3A_101 = tpu.memref_squeeze %dma_wait3A_100 : memref<1x2x128xi32, #tpu.memory_space<hbm>> -> memref<2x128xi32, #tpu.memory_space<hbm>>
      %dma_wait3A_102 = arith.constant 0 : i32
      %dma_wait3A_103 = arith.constant 0 : i32
      %dma_wait3A_104 = tpu.memref_slice %arg3[%add3A_97, %dma_wait3A_102, %dma_wait3A_103] : memref<2560x2x128xi32, #tpu.memory_space<hbm>> -> memref<1x2x128xi32, #tpu.memory_space<hbm>>
      %dma_wait3A_105 = tpu.memref_squeeze %dma_wait3A_104 : memref<1x2x128xi32, #tpu.memory_space<hbm>> -> memref<2x128xi32, #tpu.memory_space<hbm>>
      tpu.wait_dma2 semaphore(%arg14 : memref<!tpu.dma_semaphore, #tpu.memory_space<semaphore_mem>>) src(%dma_wait3A_105 : memref<2x128xi32, #tpu.memory_space<hbm>>) dst(%arg7 : memref<2x128xi32, #tpu.memory_space<vmem>>)
      %dma_start3A_106 = arith.constant 0 : i32
      %dma_start3A_107 = arith.constant 0 : i32
      %dma_start3A_108 = tpu.memref_slice %arg7[%dma_start3A_106, %dma_start3A_107] : memref<2x128xi32, #tpu.memory_space<vmem>> -> memref<1x128xi32, #tpu.memory_space<vmem>>
      %dma_start3A_109 = tpu.memref_squeeze %dma_start3A_108 : memref<1x128xi32, #tpu.memory_space<vmem>> -> memref<128xi32, #tpu.memory_space<vmem>>
      %dma_start3A_110 = arith.constant 0 : i32
      %dma_start3A_111 = arith.constant 0 : i32
      %dma_start3A_112 = tpu.memref_slice %arg2[%dma_start3A_110, %dma_start3A_111] : memref<10000x128xf32, #tpu.memory_space<hbm>> -> memref<10000x128xf32, #tpu.memory_space<hbm>>
      tpu.enqueue_indirect_dma source(%dma_start3A_112 : memref<10000x128xf32, #tpu.memory_space<hbm>>) target(%arg9 : memref<128x128xf32, #tpu.memory_space<vmem>>) offsets(%dma_start3A_109 : memref<128xi32, #tpu.memory_space<vmem>>) semaphore(%arg12 : memref<!tpu.dma_semaphore, #tpu.memory_space<semaphore_mem>>)
      %dma_wait3A_113 = arith.constant 0 : i32
      %dma_wait3A_114 = arith.constant 0 : i32
      %dma_wait3A_115 = tpu.memref_slice %arg6[%dma_wait3A_113, %dma_wait3A_114] : memref<2x128xi32, #tpu.memory_space<vmem>> -> memref<1x128xi32, #tpu.memory_space<vmem>>
      %dma_wait3A_116 = tpu.memref_squeeze %dma_wait3A_115 : memref<1x128xi32, #tpu.memory_space<vmem>> -> memref<128xi32, #tpu.memory_space<vmem>>
      %dma_wait3A_117 = arith.constant 0 : i32
      %dma_wait3A_118 = arith.constant 0 : i32
      %dma_wait3A_119 = tpu.memref_slice %arg2[%dma_wait3A_117, %dma_wait3A_118] : memref<10000x128xf32, #tpu.memory_space<hbm>> -> memref<10000x128xf32, #tpu.memory_space<hbm>>
      tpu.wait_indirect_dma semaphore(%arg11 : memref<!tpu.dma_semaphore, #tpu.memory_space<semaphore_mem>>) src(%dma_wait3A_119 : memref<10000x128xf32, #tpu.memory_space<hbm>>) dst(%arg8 : memref<128x128xf32, #tpu.memory_space<vmem>>)
      %run_scoped3A_120 = arith.constant 1 : i32
      "tpu.region"() ({
        %run_scoped3A_167 = tpu.sem_alloc : memref<!tpu.dma_semaphore, #tpu.memory_space<semaphore_mem>>
        %dma_start3A_168 = arith.constant 0 : i32
        %dma_start3A_169 = tpu.memref_slice %arg6[%run_scoped3A_120, %dma_start3A_168] : memref<2x128xi32, #tpu.memory_space<vmem>> -> memref<1x128xi32, #tpu.memory_space<vmem>>
        %dma_start3A_170 = tpu.memref_squeeze %dma_start3A_169 : memref<1x128xi32, #tpu.memory_space<vmem>> -> memref<128xi32, #tpu.memory_space<vmem>>
        %dma_start3A_171 = arith.constant 0 : i32
        %dma_start3A_172 = arith.constant 0 : i32
        %dma_start3A_173 = tpu.memref_slice %arg10[%dma_start3A_171, %dma_start3A_172] : memref<10128x128xf32, #tpu.memory_space<vmem_shared>> -> memref<10128x128xf32, #tpu.memory_space<vmem_shared>>
        tpu.enqueue_indirect_dma source(%arg8 : memref<128x128xf32, #tpu.memory_space<vmem>>) target(%dma_start3A_173 : memref<10128x128xf32, #tpu.memory_space<vmem_shared>>) offsets(%dma_start3A_170 : memref<128xi32, #tpu.memory_space<vmem>>) semaphore(%run_scoped3A_167 : memref<!tpu.dma_semaphore, #tpu.memory_space<semaphore_mem>>) {add = true}
        %dma_wait3A_174 = arith.constant 0 : i32
        %dma_wait3A_175 = tpu.memref_slice %arg6[%run_scoped3A_120, %dma_wait3A_174] : memref<2x128xi32, #tpu.memory_space<vmem>> -> memref<1x128xi32, #tpu.memory_space<vmem>>
        %dma_wait3A_176 = tpu.memref_squeeze %dma_wait3A_175 : memref<1x128xi32, #tpu.memory_space<vmem>> -> memref<128xi32, #tpu.memory_space<vmem>>
        %dma_wait3A_177 = arith.constant 0 : i32
        %dma_wait3A_178 = arith.constant 0 : i32
        %dma_wait3A_179 = tpu.memref_slice %arg10[%dma_wait3A_177, %dma_wait3A_178] : memref<10128x128xf32, #tpu.memory_space<vmem_shared>> -> memref<10128x128xf32, #tpu.memory_space<vmem_shared>>
        tpu.wait_indirect_dma semaphore(%run_scoped3A_167 : memref<!tpu.dma_semaphore, #tpu.memory_space<semaphore_mem>>) src(%arg8 : memref<128x128xf32, #tpu.memory_space<vmem>>) dst(%dma_wait3A_179 : memref<10128x128xf32, #tpu.memory_space<vmem_shared>>)
        tpu.yield
      }) : () -> ()
      %add3A_121 = arith.constant 2 : i32
      %add3A_122 = arith.addi %add3A_95, %add3A_121 : i32
      %dma_start3A_123 = arith.constant 0 : i32
      %dma_start3A_124 = arith.constant 0 : i32
      %dma_start3A_125 = tpu.memref_slice %arg3[%add3A_122, %dma_start3A_123, %dma_start3A_124] : memref<2560x2x128xi32, #tpu.memory_space<hbm>> -> memref<1x2x128xi32, #tpu.memory_space<hbm>>
      %dma_start3A_126 = tpu.memref_squeeze %dma_start3A_125 : memref<1x2x128xi32, #tpu.memory_space<hbm>> -> memref<2x128xi32, #tpu.memory_space<hbm>>
      %dma_start3A_127 = arith.constant 0 : i32
      %dma_start3A_128 = arith.constant 0 : i32
      %dma_start3A_129 = tpu.memref_slice %arg3[%add3A_122, %dma_start3A_127, %dma_start3A_128] : memref<2560x2x128xi32, #tpu.memory_space<hbm>> -> memref<1x2x128xi32, #tpu.memory_space<hbm>>
      %dma_start3A_130 = tpu.memref_squeeze %dma_start3A_129 : memref<1x2x128xi32, #tpu.memory_space<hbm>> -> memref<2x128xi32, #tpu.memory_space<hbm>>
      tpu.enqueue_dma source(%dma_start3A_130 : memref<2x128xi32, #tpu.memory_space<hbm>>) target(%arg6 : memref<2x128xi32, #tpu.memory_space<vmem>>) target_semaphore(%arg13 : memref<!tpu.dma_semaphore, #tpu.memory_space<semaphore_mem>>)
      %add3A_131 = arith.constant 2 : i32
      %add3A_132 = arith.addi %add3A_95, %add3A_131 : i32
      %dma_wait3A_133 = arith.constant 0 : i32
      %dma_wait3A_134 = arith.constant 0 : i32
      %dma_wait3A_135 = tpu.memref_slice %arg3[%add3A_132, %dma_wait3A_133, %dma_wait3A_134] : memref<2560x2x128xi32, #tpu.memory_space<hbm>> -> memref<1x2x128xi32, #tpu.memory_space<hbm>>
      %dma_wait3A_136 = tpu.memref_squeeze %dma_wait3A_135 : memref<1x2x128xi32, #tpu.memory_space<hbm>> -> memref<2x128xi32, #tpu.memory_space<hbm>>
      %dma_wait3A_137 = arith.constant 0 : i32
      %dma_wait3A_138 = arith.constant 0 : i32
      %dma_wait3A_139 = tpu.memref_slice %arg3[%add3A_132, %dma_wait3A_137, %dma_wait3A_138] : memref<2560x2x128xi32, #tpu.memory_space<hbm>> -> memref<1x2x128xi32, #tpu.memory_space<hbm>>
      %dma_wait3A_140 = tpu.memref_squeeze %dma_wait3A_139 : memref<1x2x128xi32, #tpu.memory_space<hbm>> -> memref<2x128xi32, #tpu.memory_space<hbm>>
      tpu.wait_dma2 semaphore(%arg13 : memref<!tpu.dma_semaphore, #tpu.memory_space<semaphore_mem>>) src(%dma_wait3A_140 : memref<2x128xi32, #tpu.memory_space<hbm>>) dst(%arg6 : memref<2x128xi32, #tpu.memory_space<vmem>>)
      %dma_start3A_141 = arith.constant 0 : i32
      %dma_start3A_142 = arith.constant 0 : i32
      %dma_start3A_143 = tpu.memref_slice %arg6[%dma_start3A_141, %dma_start3A_142] : memref<2x128xi32, #tpu.memory_space<vmem>> -> memref<1x128xi32, #tpu.memory_space<vmem>>
      %dma_start3A_144 = tpu.memref_squeeze %dma_start3A_143 : memref<1x128xi32, #tpu.memory_space<vmem>> -> memref<128xi32, #tpu.memory_space<vmem>>
      %dma_start3A_145 = arith.constant 0 : i32
      %dma_start3A_146 = arith.constant 0 : i32
      %dma_start3A_147 = tpu.memref_slice %arg2[%dma_start3A_145, %dma_start3A_146] : memref<10000x128xf32, #tpu.memory_space<hbm>> -> memref<10000x128xf32, #tpu.memory_space<hbm>>
      tpu.enqueue_indirect_dma source(%dma_start3A_147 : memref<10000x128xf32, #tpu.memory_space<hbm>>) target(%arg8 : memref<128x128xf32, #tpu.memory_space<vmem>>) offsets(%dma_start3A_144 : memref<128xi32, #tpu.memory_space<vmem>>) semaphore(%arg11 : memref<!tpu.dma_semaphore, #tpu.memory_space<semaphore_mem>>)
      %dma_wait3A_148 = arith.constant 0 : i32
      %dma_wait3A_149 = arith.constant 0 : i32
      %dma_wait3A_150 = tpu.memref_slice %arg7[%dma_wait3A_148, %dma_wait3A_149] : memref<2x128xi32, #tpu.memory_space<vmem>> -> memref<1x128xi32, #tpu.memory_space<vmem>>
      %dma_wait3A_151 = tpu.memref_squeeze %dma_wait3A_150 : memref<1x128xi32, #tpu.memory_space<vmem>> -> memref<128xi32, #tpu.memory_space<vmem>>
      %dma_wait3A_152 = arith.constant 0 : i32
      %dma_wait3A_153 = arith.constant 0 : i32
      %dma_wait3A_154 = tpu.memref_slice %arg2[%dma_wait3A_152, %dma_wait3A_153] : memref<10000x128xf32, #tpu.memory_space<hbm>> -> memref<10000x128xf32, #tpu.memory_space<hbm>>
      tpu.wait_indirect_dma semaphore(%arg12 : memref<!tpu.dma_semaphore, #tpu.memory_space<semaphore_mem>>) src(%dma_wait3A_154 : memref<10000x128xf32, #tpu.memory_space<hbm>>) dst(%arg9 : memref<128x128xf32, #tpu.memory_space<vmem>>)
      %run_scoped3A_155 = arith.constant 1 : i32
      "tpu.region"() ({
        %run_scoped3A_167 = tpu.sem_alloc : memref<!tpu.dma_semaphore, #tpu.memory_space<semaphore_mem>>
        %dma_start3A_168 = arith.constant 0 : i32
        %dma_start3A_169 = tpu.memref_slice %arg7[%run_scoped3A_155, %dma_start3A_168] : memref<2x128xi32, #tpu.memory_space<vmem>> -> memref<1x128xi32, #tpu.memory_space<vmem>>
        %dma_start3A_170 = tpu.memref_squeeze %dma_start3A_169 : memref<1x128xi32, #tpu.memory_space<vmem>> -> memref<128xi32, #tpu.memory_space<vmem>>
        %dma_start3A_171 = arith.constant 0 : i32
        %dma_start3A_172 = arith.constant 0 : i32
        %dma_start3A_173 = tpu.memref_slice %arg10[%dma_start3A_171, %dma_start3A_172] : memref<10128x128xf32, #tpu.memory_space<vmem_shared>> -> memref<10128x128xf32, #tpu.memory_space<vmem_shared>>
        tpu.enqueue_indirect_dma source(%arg9 : memref<128x128xf32, #tpu.memory_space<vmem>>) target(%dma_start3A_173 : memref<10128x128xf32, #tpu.memory_space<vmem_shared>>) offsets(%dma_start3A_170 : memref<128xi32, #tpu.memory_space<vmem>>) semaphore(%run_scoped3A_167 : memref<!tpu.dma_semaphore, #tpu.memory_space<semaphore_mem>>) {add = true}
        %dma_wait3A_174 = arith.constant 0 : i32
        %dma_wait3A_175 = tpu.memref_slice %arg7[%run_scoped3A_155, %dma_wait3A_174] : memref<2x128xi32, #tpu.memory_space<vmem>> -> memref<1x128xi32, #tpu.memory_space<vmem>>
        %dma_wait3A_176 = tpu.memref_squeeze %dma_wait3A_175 : memref<1x128xi32, #tpu.memory_space<vmem>> -> memref<128xi32, #tpu.memory_space<vmem>>
        %dma_wait3A_177 = arith.constant 0 : i32
        %dma_wait3A_178 = arith.constant 0 : i32
        %dma_wait3A_179 = tpu.memref_slice %arg10[%dma_wait3A_177, %dma_wait3A_178] : memref<10128x128xf32, #tpu.memory_space<vmem_shared>> -> memref<10128x128xf32, #tpu.memory_space<vmem_shared>>
        tpu.wait_indirect_dma semaphore(%run_scoped3A_167 : memref<!tpu.dma_semaphore, #tpu.memory_space<semaphore_mem>>) src(%arg9 : memref<128x128xf32, #tpu.memory_space<vmem>>) dst(%dma_wait3A_179 : memref<10128x128xf32, #tpu.memory_space<vmem_shared>>)
        tpu.yield
      }) : () -> ()
      %add3A_156 = arith.constant 3 : i32
      %add3A_157 = arith.addi %add3A_95, %add3A_156 : i32
      %dma_start3A_158 = arith.constant 0 : i32
      %dma_start3A_159 = arith.constant 0 : i32
      %dma_start3A_160 = tpu.memref_slice %arg3[%add3A_157, %dma_start3A_158, %dma_start3A_159] : memref<2560x2x128xi32, #tpu.memory_space<hbm>> -> memref<1x2x128xi32, #tpu.memory_space<hbm>>
      %dma_start3A_161 = tpu.memref_squeeze %dma_start3A_160 : memref<1x2x128xi32, #tpu.memory_space<hbm>> -> memref<2x128xi32, #tpu.memory_space<hbm>>
      %dma_start3A_162 = arith.constant 0 : i32
      %dma_start3A_163 = arith.constant 0 : i32
      %dma_start3A_164 = tpu.memref_slice %arg3[%add3A_157, %dma_start3A_162, %dma_start3A_163] : memref<2560x2x128xi32, #tpu.memory_space<hbm>> -> memref<1x2x128xi32, #tpu.memory_space<hbm>>
      %dma_start3A_165 = tpu.memref_squeeze %dma_start3A_164 : memref<1x2x128xi32, #tpu.memory_space<hbm>> -> memref<2x128xi32, #tpu.memory_space<hbm>>
      tpu.enqueue_dma source(%dma_start3A_165 : memref<2x128xi32, #tpu.memory_space<hbm>>) target(%arg7 : memref<2x128xi32, #tpu.memory_space<vmem>>) target_semaphore(%arg14 : memref<!tpu.dma_semaphore, #tpu.memory_space<semaphore_mem>>)
      %scan3A_166 = arith.constant 0 : i32
      scf.yield %scan3A_166 : i32
    }
    %scan3A_45 = arith.constant 39 : i32
    %add3A_46 = arith.constant 80 : i32
    %add3A_47 = arith.addi %mul3A_22, %add3A_46 : i32
    %sub3A = arith.constant 1 : i32
    %sub3A_48 = arith.subi %add3A_47, %sub3A : i32
    %dma_wait3A = arith.constant 0 : i32
    %dma_wait3A_49 = arith.constant 0 : i32
    %dma_wait3A_50 = tpu.memref_slice %arg3[%sub3A_48, %dma_wait3A, %dma_wait3A_49] : memref<2560x2x128xi32, #tpu.memory_space<hbm>> -> memref<1x2x128xi32, #tpu.memory_space<hbm>>
    %dma_wait3A_51 = tpu.memref_squeeze %dma_wait3A_50 : memref<1x2x128xi32, #tpu.memory_space<hbm>> -> memref<2x128xi32, #tpu.memory_space<hbm>>
    %dma_wait3A_52 = arith.constant 0 : i32
    %dma_wait3A_53 = arith.constant 0 : i32
    %dma_wait3A_54 = tpu.memref_slice %arg3[%sub3A_48, %dma_wait3A_52, %dma_wait3A_53] : memref<2560x2x128xi32, #tpu.memory_space<hbm>> -> memref<1x2x128xi32, #tpu.memory_space<hbm>>
    %dma_wait3A_55 = tpu.memref_squeeze %dma_wait3A_54 : memref<1x2x128xi32, #tpu.memory_space<hbm>> -> memref<2x128xi32, #tpu.memory_space<hbm>>
    tpu.wait_dma2 semaphore(%arg14 : memref<!tpu.dma_semaphore, #tpu.memory_space<semaphore_mem>>) src(%dma_wait3A_55 : memref<2x128xi32, #tpu.memory_space<hbm>>) dst(%arg7 : memref<2x128xi32, #tpu.memory_space<vmem>>)
    %dma_start3A_56 = arith.constant 0 : i32
    %dma_start3A_57 = arith.constant 0 : i32
    %dma_start3A_58 = tpu.memref_slice %arg7[%dma_start3A_56, %dma_start3A_57] : memref<2x128xi32, #tpu.memory_space<vmem>> -> memref<1x128xi32, #tpu.memory_space<vmem>>
    %dma_start3A_59 = tpu.memref_squeeze %dma_start3A_58 : memref<1x128xi32, #tpu.memory_space<vmem>> -> memref<128xi32, #tpu.memory_space<vmem>>
    %dma_start3A_60 = arith.constant 0 : i32
    %dma_start3A_61 = arith.constant 0 : i32
    %dma_start3A_62 = tpu.memref_slice %arg2[%dma_start3A_60, %dma_start3A_61] : memref<10000x128xf32, #tpu.memory_space<hbm>> -> memref<10000x128xf32, #tpu.memory_space<hbm>>
    tpu.enqueue_indirect_dma source(%dma_start3A_62 : memref<10000x128xf32, #tpu.memory_space<hbm>>) target(%arg9 : memref<128x128xf32, #tpu.memory_space<vmem>>) offsets(%dma_start3A_59 : memref<128xi32, #tpu.memory_space<vmem>>) semaphore(%arg12 : memref<!tpu.dma_semaphore, #tpu.memory_space<semaphore_mem>>)
    %dma_wait3A_63 = arith.constant 0 : i32
    %dma_wait3A_64 = arith.constant 0 : i32
    %dma_wait3A_65 = tpu.memref_slice %arg6[%dma_wait3A_63, %dma_wait3A_64] : memref<2x128xi32, #tpu.memory_space<vmem>> -> memref<1x128xi32, #tpu.memory_space<vmem>>
    %dma_wait3A_66 = tpu.memref_squeeze %dma_wait3A_65 : memref<1x128xi32, #tpu.memory_space<vmem>> -> memref<128xi32, #tpu.memory_space<vmem>>
    %dma_wait3A_67 = arith.constant 0 : i32
    %dma_wait3A_68 = arith.constant 0 : i32
    %dma_wait3A_69 = tpu.memref_slice %arg2[%dma_wait3A_67, %dma_wait3A_68] : memref<10000x128xf32, #tpu.memory_space<hbm>> -> memref<10000x128xf32, #tpu.memory_space<hbm>>
    tpu.wait_indirect_dma semaphore(%arg11 : memref<!tpu.dma_semaphore, #tpu.memory_space<semaphore_mem>>) src(%dma_wait3A_69 : memref<10000x128xf32, #tpu.memory_space<hbm>>) dst(%arg8 : memref<128x128xf32, #tpu.memory_space<vmem>>)
    %run_scoped3A = arith.constant 1 : i32
    "tpu.region"() ({
      %run_scoped3A_91 = tpu.sem_alloc : memref<!tpu.dma_semaphore, #tpu.memory_space<semaphore_mem>>
      %dma_start3A_92 = arith.constant 0 : i32
      %dma_start3A_93 = tpu.memref_slice %arg6[%run_scoped3A, %dma_start3A_92] : memref<2x128xi32, #tpu.memory_space<vmem>> -> memref<1x128xi32, #tpu.memory_space<vmem>>
      %dma_start3A_94 = tpu.memref_squeeze %dma_start3A_93 : memref<1x128xi32, #tpu.memory_space<vmem>> -> memref<128xi32, #tpu.memory_space<vmem>>
      %dma_start3A_95 = arith.constant 0 : i32
      %dma_start3A_96 = arith.constant 0 : i32
      %dma_start3A_97 = tpu.memref_slice %arg10[%dma_start3A_95, %dma_start3A_96] : memref<10128x128xf32, #tpu.memory_space<vmem_shared>> -> memref<10128x128xf32, #tpu.memory_space<vmem_shared>>
      tpu.enqueue_indirect_dma source(%arg8 : memref<128x128xf32, #tpu.memory_space<vmem>>) target(%dma_start3A_97 : memref<10128x128xf32, #tpu.memory_space<vmem_shared>>) offsets(%dma_start3A_94 : memref<128xi32, #tpu.memory_space<vmem>>) semaphore(%run_scoped3A_91 : memref<!tpu.dma_semaphore, #tpu.memory_space<semaphore_mem>>) {add = true}
      %dma_wait3A_98 = arith.constant 0 : i32
      %dma_wait3A_99 = tpu.memref_slice %arg6[%run_scoped3A, %dma_wait3A_98] : memref<2x128xi32, #tpu.memory_space<vmem>> -> memref<1x128xi32, #tpu.memory_space<vmem>>
      %dma_wait3A_100 = tpu.memref_squeeze %dma_wait3A_99 : memref<1x128xi32, #tpu.memory_space<vmem>> -> memref<128xi32, #tpu.memory_space<vmem>>
      %dma_wait3A_101 = arith.constant 0 : i32
      %dma_wait3A_102 = arith.constant 0 : i32
      %dma_wait3A_103 = tpu.memref_slice %arg10[%dma_wait3A_101, %dma_wait3A_102] : memref<10128x128xf32, #tpu.memory_space<vmem_shared>> -> memref<10128x128xf32, #tpu.memory_space<vmem_shared>>
      tpu.wait_indirect_dma semaphore(%run_scoped3A_91 : memref<!tpu.dma_semaphore, #tpu.memory_space<semaphore_mem>>) src(%arg8 : memref<128x128xf32, #tpu.memory_space<vmem>>) dst(%dma_wait3A_103 : memref<10128x128xf32, #tpu.memory_space<vmem_shared>>)
      tpu.yield
    }) : () -> ()
    %dma_wait3A_70 = arith.constant 0 : i32
    %dma_wait3A_71 = arith.constant 0 : i32
    %dma_wait3A_72 = tpu.memref_slice %arg7[%dma_wait3A_70, %dma_wait3A_71] : memref<2x128xi32, #tpu.memory_space<vmem>> -> memref<1x128xi32, #tpu.memory_space<vmem>>
    %dma_wait3A_73 = tpu.memref_squeeze %dma_wait3A_72 : memref<1x128xi32, #tpu.memory_space<vmem>> -> memref<128xi32, #tpu.memory_space<vmem>>
    %dma_wait3A_74 = arith.constant 0 : i32
    %dma_wait3A_75 = arith.constant 0 : i32
    %dma_wait3A_76 = tpu.memref_slice %arg2[%dma_wait3A_74, %dma_wait3A_75] : memref<10000x128xf32, #tpu.memory_space<hbm>> -> memref<10000x128xf32, #tpu.memory_space<hbm>>
    tpu.wait_indirect_dma semaphore(%arg12 : memref<!tpu.dma_semaphore, #tpu.memory_space<semaphore_mem>>) src(%dma_wait3A_76 : memref<10000x128xf32, #tpu.memory_space<hbm>>) dst(%arg9 : memref<128x128xf32, #tpu.memory_space<vmem>>)
    %run_scoped3A_77 = arith.constant 1 : i32
    "tpu.region"() ({
      %run_scoped3A_91 = tpu.sem_alloc : memref<!tpu.dma_semaphore, #tpu.memory_space<semaphore_mem>>
      %dma_start3A_92 = arith.constant 0 : i32
      %dma_start3A_93 = tpu.memref_slice %arg7[%run_scoped3A_77, %dma_start3A_92] : memref<2x128xi32, #tpu.memory_space<vmem>> -> memref<1x128xi32, #tpu.memory_space<vmem>>
      %dma_start3A_94 = tpu.memref_squeeze %dma_start3A_93 : memref<1x128xi32, #tpu.memory_space<vmem>> -> memref<128xi32, #tpu.memory_space<vmem>>
      %dma_start3A_95 = arith.constant 0 : i32
      %dma_start3A_96 = arith.constant 0 : i32
      %dma_start3A_97 = tpu.memref_slice %arg10[%dma_start3A_95, %dma_start3A_96] : memref<10128x128xf32, #tpu.memory_space<vmem_shared>> -> memref<10128x128xf32, #tpu.memory_space<vmem_shared>>
      tpu.enqueue_indirect_dma source(%arg9 : memref<128x128xf32, #tpu.memory_space<vmem>>) target(%dma_start3A_97 : memref<10128x128xf32, #tpu.memory_space<vmem_shared>>) offsets(%dma_start3A_94 : memref<128xi32, #tpu.memory_space<vmem>>) semaphore(%run_scoped3A_91 : memref<!tpu.dma_semaphore, #tpu.memory_space<semaphore_mem>>) {add = true}
      %dma_wait3A_98 = arith.constant 0 : i32
      %dma_wait3A_99 = tpu.memref_slice %arg7[%run_scoped3A_77, %dma_wait3A_98] : memref<2x128xi32, #tpu.memory_space<vmem>> -> memref<1x128xi32, #tpu.memory_space<vmem>>
      %dma_wait3A_100 = tpu.memref_squeeze %dma_wait3A_99 : memref<1x128xi32, #tpu.memory_space<vmem>> -> memref<128xi32, #tpu.memory_space<vmem>>
      %dma_wait3A_101 = arith.constant 0 : i32
      %dma_wait3A_102 = arith.constant 0 : i32
      %dma_wait3A_103 = tpu.memref_slice %arg10[%dma_wait3A_101, %dma_wait3A_102] : memref<10128x128xf32, #tpu.memory_space<vmem_shared>> -> memref<10128x128xf32, #tpu.memory_space<vmem_shared>>
      tpu.wait_indirect_dma semaphore(%run_scoped3A_91 : memref<!tpu.dma_semaphore, #tpu.memory_space<semaphore_mem>>) src(%arg9 : memref<128x128xf32, #tpu.memory_space<vmem>>) dst(%dma_wait3A_103 : memref<10128x128xf32, #tpu.memory_space<vmem_shared>>)
      tpu.yield
    }) : () -> ()
    %barrier3A_78 = arith.constant 0 : index
    tpu.barrier barrier_id(%barrier3A_78)
    %mul3A_79 = arith.constant 624 : i32
    %mul3A_80 = arith.muli %arg1, %mul3A_79 : i32
    %eq3A_81 = arith.constant 0 : i32
    %eq3A_82 = arith.cmpi eq, %arg0, %eq3A_81 : i32
    %convert_element_type3A_83 = arith.extui %eq3A_82 : i1 to i32
    %cond3A_84 = arith.constant 0 : i32
    %cond3A_85 = arith.cmpi ne, %convert_element_type3A_83, %cond3A_84 : i32
    scf.if %cond3A_85 {
      "tpu.region"() ({
        %run_scoped3A_96 = tpu.sem_alloc : memref<!tpu.dma_semaphore, #tpu.memory_space<semaphore_mem>>
        %dma_start3A_97 = arith.constant 0 : i32
        %dma_start3A_98 = tpu.memref_slice %arg4[%mul3A_80, %dma_start3A_97] : memref<10000x128xf32, #tpu.memory_space<hbm>> -> memref<624x128xf32, #tpu.memory_space<hbm>>
        %dma_start3A_99 = arith.constant 0 : i32
        %dma_start3A_100 = tpu.memref_slice %arg10[%mul3A_80, %dma_start3A_99] : memref<10128x128xf32, #tpu.memory_space<vmem_shared>> -> memref<624x128xf32, #tpu.memory_space<vmem_shared>>
        tpu.enqueue_dma source(%dma_start3A_100 : memref<624x128xf32, #tpu.memory_space<vmem_shared>>) target(%dma_start3A_98 : memref<624x128xf32, #tpu.memory_space<hbm>>) target_semaphore(%run_scoped3A_96 : memref<!tpu.dma_semaphore, #tpu.memory_space<semaphore_mem>>)
        %dma_wait3A_101 = arith.constant 0 : i32
        %dma_wait3A_102 = tpu.memref_slice %arg4[%mul3A_80, %dma_wait3A_101] : memref<10000x128xf32, #tpu.memory_space<hbm>> -> memref<624x128xf32, #tpu.memory_space<hbm>>
        %dma_wait3A_103 = arith.constant 0 : i32
        %dma_wait3A_104 = tpu.memref_slice %arg10[%mul3A_80, %dma_wait3A_103] : memref<10128x128xf32, #tpu.memory_space<vmem_shared>> -> memref<624x128xf32, #tpu.memory_space<vmem_shared>>
        tpu.wait_dma2 semaphore(%run_scoped3A_96 : memref<!tpu.dma_semaphore, #tpu.memory_space<semaphore_mem>>) src(%dma_wait3A_104 : memref<624x128xf32, #tpu.memory_space<vmem_shared>>) dst(%dma_wait3A_102 : memref<624x128xf32, #tpu.memory_space<hbm>>)
        tpu.yield
      }) : () -> ()
      %eq3A_91 = arith.constant 15 : i32
      %eq3A_92 = arith.cmpi eq, %arg1, %eq3A_91 : i32
      %convert_element_type3A_93 = arith.extui %eq3A_92 : i1 to i32
      %cond3A_94 = arith.constant 0 : i32
      %cond3A_95 = arith.cmpi ne, %convert_element_type3A_93, %cond3A_94 : i32
      scf.if %cond3A_95 {
        "tpu.region"() ({
          %run_scoped3A_96 = tpu.sem_alloc : memref<!tpu.dma_semaphore, #tpu.memory_space<semaphore_mem>>
          %dma_start3A_97 = arith.constant 9984 : i32
          %dma_start3A_98 = arith.constant 0 : i32
          %dma_start3A_99 = tpu.memref_slice %arg4[%dma_start3A_97, %dma_start3A_98] : memref<10000x128xf32, #tpu.memory_space<hbm>> -> memref<16x128xf32, #tpu.memory_space<hbm>>
          %dma_start3A_100 = arith.constant 9984 : i32
          %dma_start3A_101 = arith.constant 0 : i32
          %dma_start3A_102 = tpu.memref_slice %arg10[%dma_start3A_100, %dma_start3A_101] : memref<10128x128xf32, #tpu.memory_space<vmem_shared>> -> memref<16x128xf32, #tpu.memory_space<vmem_shared>>
          tpu.enqueue_dma source(%dma_start3A_102 : memref<16x128xf32, #tpu.memory_space<vmem_shared>>) target(%dma_start3A_99 : memref<16x128xf32, #tpu.memory_space<hbm>>) target_semaphore(%run_scoped3A_96 : memref<!tpu.dma_semaphore, #tpu.memory_space<semaphore_mem>>)
          %dma_wait3A_103 = arith.constant 9984 : i32
          %dma_wait3A_104 = arith.constant 0 : i32
          %dma_wait3A_105 = tpu.memref_slice %arg4[%dma_wait3A_103, %dma_wait3A_104] : memref<10000x128xf32, #tpu.memory_space<hbm>> -> memref<16x128xf32, #tpu.memory_space<hbm>>
          %dma_wait3A_106 = arith.constant 9984 : i32
          %dma_wait3A_107 = arith.constant 0 : i32
          %dma_wait3A_108 = tpu.memref_slice %arg10[%dma_wait3A_106, %dma_wait3A_107] : memref<10128x128xf32, #tpu.memory_space<vmem_shared>> -> memref<16x128xf32, #tpu.memory_space<vmem_shared>>
          tpu.wait_dma2 semaphore(%run_scoped3A_96 : memref<!tpu.dma_semaphore, #tpu.memory_space<semaphore_mem>>) src(%dma_wait3A_108 : memref<16x128xf32, #tpu.memory_space<vmem_shared>>) dst(%dma_wait3A_105 : memref<16x128xf32, #tpu.memory_space<hbm>>)
          tpu.yield
        }) : () -> ()
      } else {
      }
    } else {
    }
    %eq3A_86 = arith.constant 1 : i32
    %eq3A_87 = arith.cmpi eq, %arg0, %eq3A_86 : i32
    %convert_element_type3A_88 = arith.extui %eq3A_87 : i1 to i32
    %cond3A_89 = arith.constant 0 : i32
    %cond3A_90 = arith.cmpi ne, %convert_element_type3A_88, %cond3A_89 : i32
    scf.if %cond3A_90 {
      "tpu.region"() ({
        %run_scoped3A_96 = tpu.sem_alloc : memref<!tpu.dma_semaphore, #tpu.memory_space<semaphore_mem>>
        %dma_start3A_97 = arith.constant 0 : i32
        %dma_start3A_98 = tpu.memref_slice %arg5[%mul3A_80, %dma_start3A_97] : memref<10000x128xf32, #tpu.memory_space<hbm>> -> memref<624x128xf32, #tpu.memory_space<hbm>>
        %dma_start3A_99 = arith.constant 0 : i32
        %dma_start3A_100 = tpu.memref_slice %arg10[%mul3A_80, %dma_start3A_99] : memref<10128x128xf32, #tpu.memory_space<vmem_shared>> -> memref<624x128xf32, #tpu.memory_space<vmem_shared>>
        tpu.enqueue_dma source(%dma_start3A_100 : memref<624x128xf32, #tpu.memory_space<vmem_shared>>) target(%dma_start3A_98 : memref<624x128xf32, #tpu.memory_space<hbm>>) target_semaphore(%run_scoped3A_96 : memref<!tpu.dma_semaphore, #tpu.memory_space<semaphore_mem>>)
        %dma_wait3A_101 = arith.constant 0 : i32
        %dma_wait3A_102 = tpu.memref_slice %arg5[%mul3A_80, %dma_wait3A_101] : memref<10000x128xf32, #tpu.memory_space<hbm>> -> memref<624x128xf32, #tpu.memory_space<hbm>>
        %dma_wait3A_103 = arith.constant 0 : i32
        %dma_wait3A_104 = tpu.memref_slice %arg10[%mul3A_80, %dma_wait3A_103] : memref<10128x128xf32, #tpu.memory_space<vmem_shared>> -> memref<624x128xf32, #tpu.memory_space<vmem_shared>>
        tpu.wait_dma2 semaphore(%run_scoped3A_96 : memref<!tpu.dma_semaphore, #tpu.memory_space<semaphore_mem>>) src(%dma_wait3A_104 : memref<624x128xf32, #tpu.memory_space<vmem_shared>>) dst(%dma_wait3A_102 : memref<624x128xf32, #tpu.memory_space<hbm>>)
        tpu.yield
      }) : () -> ()
      %eq3A_91 = arith.constant 15 : i32
      %eq3A_92 = arith.cmpi eq, %arg1, %eq3A_91 : i32
      %convert_element_type3A_93 = arith.extui %eq3A_92 : i1 to i32
      %cond3A_94 = arith.constant 0 : i32
      %cond3A_95 = arith.cmpi ne, %convert_element_type3A_93, %cond3A_94 : i32
      scf.if %cond3A_95 {
        "tpu.region"() ({
          %run_scoped3A_96 = tpu.sem_alloc : memref<!tpu.dma_semaphore, #tpu.memory_space<semaphore_mem>>
          %dma_start3A_97 = arith.constant 9984 : i32
          %dma_start3A_98 = arith.constant 0 : i32
          %dma_start3A_99 = tpu.memref_slice %arg5[%dma_start3A_97, %dma_start3A_98] : memref<10000x128xf32, #tpu.memory_space<hbm>> -> memref<16x128xf32, #tpu.memory_space<hbm>>
          %dma_start3A_100 = arith.constant 9984 : i32
          %dma_start3A_101 = arith.constant 0 : i32
          %dma_start3A_102 = tpu.memref_slice %arg10[%dma_start3A_100, %dma_start3A_101] : memref<10128x128xf32, #tpu.memory_space<vmem_shared>> -> memref<16x128xf32, #tpu.memory_space<vmem_shared>>
          tpu.enqueue_dma source(%dma_start3A_102 : memref<16x128xf32, #tpu.memory_space<vmem_shared>>) target(%dma_start3A_99 : memref<16x128xf32, #tpu.memory_space<hbm>>) target_semaphore(%run_scoped3A_96 : memref<!tpu.dma_semaphore, #tpu.memory_space<semaphore_mem>>)
          %dma_wait3A_103 = arith.constant 9984 : i32
          %dma_wait3A_104 = arith.constant 0 : i32
          %dma_wait3A_105 = tpu.memref_slice %arg5[%dma_wait3A_103, %dma_wait3A_104] : memref<10000x128xf32, #tpu.memory_space<hbm>> -> memref<16x128xf32, #tpu.memory_space<hbm>>
          %dma_wait3A_106 = arith.constant 9984 : i32
          %dma_wait3A_107 = arith.constant 0 : i32
          %dma_wait3A_108 = tpu.memref_slice %arg10[%dma_wait3A_106, %dma_wait3A_107] : memref<10128x128xf32, #tpu.memory_space<vmem_shared>> -> memref<16x128xf32, #tpu.memory_space<vmem_shared>>
          tpu.wait_dma2 semaphore(%run_scoped3A_96 : memref<!tpu.dma_semaphore, #tpu.memory_space<semaphore_mem>>) src(%dma_wait3A_108 : memref<16x128xf32, #tpu.memory_space<vmem_shared>>) dst(%dma_wait3A_105 : memref<16x128xf32, #tpu.memory_space<hbm>>)
          tpu.yield
        }) : () -> ()
      } else {
      }
    } else {
    }
    return
  }
}

#map = affine_map<(d0, d1) -> (0, 0)>
#map1 = affine_map<(d0, d1) -> (0, 0, 0)>
module attributes {stable_mosaic.version = 14 : i64} {
  func.func @_msg_body(%arg0: i32, %arg1: i32, %arg2: memref<10000x128xf32, #tpu.memory_space<hbm>>, %arg3: memref<2560x2x128xi32, #tpu.memory_space<hbm>>, %arg4: memref<10000x128xf32, #tpu.memory_space<hbm>>, %arg5: memref<10000x128xf32, #tpu.memory_space<hbm>>, %arg6: memref<2x128xi32, #tpu.memory_space<vmem>>, %arg7: memref<2x128xi32, #tpu.memory_space<vmem>>, %arg8: memref<128x128xf32, #tpu.memory_space<vmem>>, %arg9: memref<128x128xf32, #tpu.memory_space<vmem>>, %arg10: memref<10128x128xf32, #tpu.memory_space<vmem_shared>>, %arg11: memref<!tpu.dma_semaphore, #tpu.memory_space<semaphore_mem>>, %arg12: memref<!tpu.dma_semaphore, #tpu.memory_space<semaphore_mem>>, %arg13: memref<!tpu.dma_semaphore, #tpu.memory_space<semaphore_mem>>, %arg14: memref<!tpu.dma_semaphore, #tpu.memory_space<semaphore_mem>>) attributes {dimension_semantics = [#tpu.dimension_semantics<core_parallel>, #tpu.dimension_semantics<subcore_parallel>], iteration_bounds = array<i64: 2, 16>, scalar_prefetch = 0 : i64, scratch_operands = 9 : i64, tpu.core_type = #tpu.core_type<sc_vector_subcore>, window_params = [{transform_indices = #map}, {transform_indices = #map1}, {transform_indices = #map}, {transform_indices = #map}]} {
    %mul3A = arith.constant 16 : i32
    %mul3A_0 = arith.muli %arg0, %mul3A : i32
    %add3A = arith.addi %mul3A_0, %arg1 : i32
    %scan3A = arith.constant 0 : i32
    %scan3A_1 = arith.constant 0 : i32
    %scan3A_2 = arith.constant 128 : i32
    %scan3A_3 = arith.addi %scan3A_1, %scan3A_2 : i32
    %scan3A_4 = arith.constant 1 : i32
    %scan3A_5 = scf.for %scan3A_91 = %scan3A_1 to %scan3A_3 step %scan3A_4 iter_args(%scan3A_92 = %scan3A) -> (i32)  : i32 {
      %broadcast_in_dim3A = arith.constant 0.000000e+00 : f32
      %broadcast_in_dim3A_93 = vector.broadcast %broadcast_in_dim3A : f32 to vector<16xf32>
      %swap3A = arith.index_cast %scan3A_91 : i32 to index
      %swap3A_94 = arith.constant 0 : index
      %swap3A_95 = tpu.vector_load %arg8[%swap3A, %swap3A_94] {strides = array<i32>} : memref<128x128xf32, #tpu.memory_space<vmem>>, vector<1x16xf32>,
      %swap3A_96 = vector.shape_cast %swap3A_95 : vector<1x16xf32> to vector<16xf32>
      %swap3A_97 = vector.shape_cast %broadcast_in_dim3A_93 : vector<16xf32> to vector<1x16xf32>
      tpu.vector_store %arg8[%swap3A, %swap3A_94], %swap3A_97 {strides = array<i32>} : memref<128x128xf32, #tpu.memory_space<vmem>>, vector<1x16xf32>,
      %broadcast_in_dim3A_98 = arith.constant 0.000000e+00 : f32
      %broadcast_in_dim3A_99 = vector.broadcast %broadcast_in_dim3A_98 : f32 to vector<16xf32>
      %swap3A_100 = arith.index_cast %scan3A_91 : i32 to index
      %swap3A_101 = arith.constant 16 : index
      %swap3A_102 = tpu.vector_load %arg8[%swap3A_100, %swap3A_101] {strides = array<i32>} : memref<128x128xf32, #tpu.memory_space<vmem>>, vector<1x16xf32>,
      %swap3A_103 = vector.shape_cast %swap3A_102 : vector<1x16xf32> to vector<16xf32>
      %swap3A_104 = vector.shape_cast %broadcast_in_dim3A_99 : vector<16xf32> to vector<1x16xf32>
      tpu.vector_store %arg8[%swap3A_100, %swap3A_101], %swap3A_104 {strides = array<i32>} : memref<128x128xf32, #tpu.memory_space<vmem>>, vector<1x16xf32>,
      %broadcast_in_dim3A_105 = arith.constant 0.000000e+00 : f32
      %broadcast_in_dim3A_106 = vector.broadcast %broadcast_in_dim3A_105 : f32 to vector<16xf32>
      %swap3A_107 = arith.index_cast %scan3A_91 : i32 to index
      %swap3A_108 = arith.constant 32 : index
      %swap3A_109 = tpu.vector_load %arg8[%swap3A_107, %swap3A_108] {strides = array<i32>} : memref<128x128xf32, #tpu.memory_space<vmem>>, vector<1x16xf32>,
      %swap3A_110 = vector.shape_cast %swap3A_109 : vector<1x16xf32> to vector<16xf32>
      %swap3A_111 = vector.shape_cast %broadcast_in_dim3A_106 : vector<16xf32> to vector<1x16xf32>
      tpu.vector_store %arg8[%swap3A_107, %swap3A_108], %swap3A_111 {strides = array<i32>} : memref<128x128xf32, #tpu.memory_space<vmem>>, vector<1x16xf32>,
      %broadcast_in_dim3A_112 = arith.constant 0.000000e+00 : f32
      %broadcast_in_dim3A_113 = vector.broadcast %broadcast_in_dim3A_112 : f32 to vector<16xf32>
      %swap3A_114 = arith.index_cast %scan3A_91 : i32 to index
      %swap3A_115 = arith.constant 48 : index
      %swap3A_116 = tpu.vector_load %arg8[%swap3A_114, %swap3A_115] {strides = array<i32>} : memref<128x128xf32, #tpu.memory_space<vmem>>, vector<1x16xf32>,
      %swap3A_117 = vector.shape_cast %swap3A_116 : vector<1x16xf32> to vector<16xf32>
      %swap3A_118 = vector.shape_cast %broadcast_in_dim3A_113 : vector<16xf32> to vector<1x16xf32>
      tpu.vector_store %arg8[%swap3A_114, %swap3A_115], %swap3A_118 {strides = array<i32>} : memref<128x128xf32, #tpu.memory_space<vmem>>, vector<1x16xf32>,
      %broadcast_in_dim3A_119 = arith.constant 0.000000e+00 : f32
      %broadcast_in_dim3A_120 = vector.broadcast %broadcast_in_dim3A_119 : f32 to vector<16xf32>
      %swap3A_121 = arith.index_cast %scan3A_91 : i32 to index
      %swap3A_122 = arith.constant 64 : index
      %swap3A_123 = tpu.vector_load %arg8[%swap3A_121, %swap3A_122] {strides = array<i32>} : memref<128x128xf32, #tpu.memory_space<vmem>>, vector<1x16xf32>,
      %swap3A_124 = vector.shape_cast %swap3A_123 : vector<1x16xf32> to vector<16xf32>
      %swap3A_125 = vector.shape_cast %broadcast_in_dim3A_120 : vector<16xf32> to vector<1x16xf32>
      tpu.vector_store %arg8[%swap3A_121, %swap3A_122], %swap3A_125 {strides = array<i32>} : memref<128x128xf32, #tpu.memory_space<vmem>>, vector<1x16xf32>,
      %broadcast_in_dim3A_126 = arith.constant 0.000000e+00 : f32
      %broadcast_in_dim3A_127 = vector.broadcast %broadcast_in_dim3A_126 : f32 to vector<16xf32>
      %swap3A_128 = arith.index_cast %scan3A_91 : i32 to index
      %swap3A_129 = arith.constant 80 : index
      %swap3A_130 = tpu.vector_load %arg8[%swap3A_128, %swap3A_129] {strides = array<i32>} : memref<128x128xf32, #tpu.memory_space<vmem>>, vector<1x16xf32>,
      %swap3A_131 = vector.shape_cast %swap3A_130 : vector<1x16xf32> to vector<16xf32>
      %swap3A_132 = vector.shape_cast %broadcast_in_dim3A_127 : vector<16xf32> to vector<1x16xf32>
      tpu.vector_store %arg8[%swap3A_128, %swap3A_129], %swap3A_132 {strides = array<i32>} : memref<128x128xf32, #tpu.memory_space<vmem>>, vector<1x16xf32>,
      %broadcast_in_dim3A_133 = arith.constant 0.000000e+00 : f32
      %broadcast_in_dim3A_134 = vector.broadcast %broadcast_in_dim3A_133 : f32 to vector<16xf32>
      %swap3A_135 = arith.index_cast %scan3A_91 : i32 to index
      %swap3A_136 = arith.constant 96 : index
      %swap3A_137 = tpu.vector_load %arg8[%swap3A_135, %swap3A_136] {strides = array<i32>} : memref<128x128xf32, #tpu.memory_space<vmem>>, vector<1x16xf32>,
      %swap3A_138 = vector.shape_cast %swap3A_137 : vector<1x16xf32> to vector<16xf32>
      %swap3A_139 = vector.shape_cast %broadcast_in_dim3A_134 : vector<16xf32> to vector<1x16xf32>
      tpu.vector_store %arg8[%swap3A_135, %swap3A_136], %swap3A_139 {strides = array<i32>} : memref<128x128xf32, #tpu.memory_space<vmem>>, vector<1x16xf32>,
      %broadcast_in_dim3A_140 = arith.constant 0.000000e+00 : f32
      %broadcast_in_dim3A_141 = vector.broadcast %broadcast_in_dim3A_140 : f32 to vector<16xf32>
      %swap3A_142 = arith.index_cast %scan3A_91 : i32 to index
      %swap3A_143 = arith.constant 112 : index
      %swap3A_144 = tpu.vector_load %arg8[%swap3A_142, %swap3A_143] {strides = array<i32>} : memref<128x128xf32, #tpu.memory_space<vmem>>, vector<1x16xf32>,
      %swap3A_145 = vector.shape_cast %swap3A_144 : vector<1x16xf32> to vector<16xf32>
      %swap3A_146 = vector.shape_cast %broadcast_in_dim3A_141 : vector<16xf32> to vector<1x16xf32>
      tpu.vector_store %arg8[%swap3A_142, %swap3A_143], %swap3A_146 {strides = array<i32>} : memref<128x128xf32, #tpu.memory_space<vmem>>, vector<1x16xf32>,
      %scan3A_147 = arith.constant 0 : i32
      scf.yield %scan3A_147 : i32
    }
    %scan3A_6 = arith.constant 128 : i32
    %mul3A_7 = arith.constant 624 : i32
    %mul3A_8 = arith.muli %arg1, %mul3A_7 : i32
    %add3A_9 = arith.constant 0 : i32
    %add3A_10 = arith.addi %mul3A_8, %add3A_9 : i32
    "tpu.region"() ({
      %run_scoped3A_91 = tpu.sem_alloc : memref<!tpu.dma_semaphore, #tpu.memory_space<semaphore_mem>>
      %dma_start3A_92 = arith.constant 0 : i32
      %dma_start3A_93 = tpu.memref_slice %arg10[%add3A_10, %dma_start3A_92] : memref<10128x128xf32, #tpu.memory_space<vmem_shared>> -> memref<128x128xf32, #tpu.memory_space<vmem_shared>>
      %dma_start3A_94 = arith.constant 0 : i32
      %dma_start3A_95 = tpu.memref_slice %arg10[%add3A_10, %dma_start3A_94] : memref<10128x128xf32, #tpu.memory_space<vmem_shared>> -> memref<128x128xf32, #tpu.memory_space<vmem_shared>>
      tpu.enqueue_dma source(%arg8 : memref<128x128xf32, #tpu.memory_space<vmem>>) target(%dma_start3A_95 : memref<128x128xf32, #tpu.memory_space<vmem_shared>>) target_semaphore(%run_scoped3A_91 : memref<!tpu.dma_semaphore, #tpu.memory_space<semaphore_mem>>)
      %dma_wait3A_96 = arith.constant 0 : i32
      %dma_wait3A_97 = tpu.memref_slice %arg10[%add3A_10, %dma_wait3A_96] : memref<10128x128xf32, #tpu.memory_space<vmem_shared>> -> memref<128x128xf32, #tpu.memory_space<vmem_shared>>
      %dma_wait3A_98 = arith.constant 0 : i32
      %dma_wait3A_99 = tpu.memref_slice %arg10[%add3A_10, %dma_wait3A_98] : memref<10128x128xf32, #tpu.memory_space<vmem_shared>> -> memref<128x128xf32, #tpu.memory_space<vmem_shared>>
      tpu.wait_dma2 semaphore(%run_scoped3A_91 : memref<!tpu.dma_semaphore, #tpu.memory_space<semaphore_mem>>) src(%arg8 : memref<128x128xf32, #tpu.memory_space<vmem>>) dst(%dma_wait3A_99 : memref<128x128xf32, #tpu.memory_space<vmem_shared>>)
      tpu.yield
    }) : () -> ()
    %add3A_11 = arith.constant 128 : i32
    %add3A_12 = arith.addi %mul3A_8, %add3A_11 : i32
    "tpu.region"() ({
      %run_scoped3A_91 = tpu.sem_alloc : memref<!tpu.dma_semaphore, #tpu.memory_space<semaphore_mem>>
      %dma_start3A_92 = arith.constant 0 : i32
      %dma_start3A_93 = tpu.memref_slice %arg10[%add3A_12, %dma_start3A_92] : memref<10128x128xf32, #tpu.memory_space<vmem_shared>> -> memref<128x128xf32, #tpu.memory_space<vmem_shared>>
      %dma_start3A_94 = arith.constant 0 : i32
      %dma_start3A_95 = tpu.memref_slice %arg10[%add3A_12, %dma_start3A_94] : memref<10128x128xf32, #tpu.memory_space<vmem_shared>> -> memref<128x128xf32, #tpu.memory_space<vmem_shared>>
      tpu.enqueue_dma source(%arg8 : memref<128x128xf32, #tpu.memory_space<vmem>>) target(%dma_start3A_95 : memref<128x128xf32, #tpu.memory_space<vmem_shared>>) target_semaphore(%run_scoped3A_91 : memref<!tpu.dma_semaphore, #tpu.memory_space<semaphore_mem>>)
      %dma_wait3A_96 = arith.constant 0 : i32
      %dma_wait3A_97 = tpu.memref_slice %arg10[%add3A_12, %dma_wait3A_96] : memref<10128x128xf32, #tpu.memory_space<vmem_shared>> -> memref<128x128xf32, #tpu.memory_space<vmem_shared>>
      %dma_wait3A_98 = arith.constant 0 : i32
      %dma_wait3A_99 = tpu.memref_slice %arg10[%add3A_12, %dma_wait3A_98] : memref<10128x128xf32, #tpu.memory_space<vmem_shared>> -> memref<128x128xf32, #tpu.memory_space<vmem_shared>>
      tpu.wait_dma2 semaphore(%run_scoped3A_91 : memref<!tpu.dma_semaphore, #tpu.memory_space<semaphore_mem>>) src(%arg8 : memref<128x128xf32, #tpu.memory_space<vmem>>) dst(%dma_wait3A_99 : memref<128x128xf32, #tpu.memory_space<vmem_shared>>)
      tpu.yield
    }) : () -> ()
    %add3A_13 = arith.constant 256 : i32
    %add3A_14 = arith.addi %mul3A_8, %add3A_13 : i32
    "tpu.region"() ({
      %run_scoped3A_91 = tpu.sem_alloc : memref<!tpu.dma_semaphore, #tpu.memory_space<semaphore_mem>>
      %dma_start3A_92 = arith.constant 0 : i32
      %dma_start3A_93 = tpu.memref_slice %arg10[%add3A_14, %dma_start3A_92] : memref<10128x128xf32, #tpu.memory_space<vmem_shared>> -> memref<128x128xf32, #tpu.memory_space<vmem_shared>>
      %dma_start3A_94 = arith.constant 0 : i32
      %dma_start3A_95 = tpu.memref_slice %arg10[%add3A_14, %dma_start3A_94] : memref<10128x128xf32, #tpu.memory_space<vmem_shared>> -> memref<128x128xf32, #tpu.memory_space<vmem_shared>>
      tpu.enqueue_dma source(%arg8 : memref<128x128xf32, #tpu.memory_space<vmem>>) target(%dma_start3A_95 : memref<128x128xf32, #tpu.memory_space<vmem_shared>>) target_semaphore(%run_scoped3A_91 : memref<!tpu.dma_semaphore, #tpu.memory_space<semaphore_mem>>)
      %dma_wait3A_96 = arith.constant 0 : i32
      %dma_wait3A_97 = tpu.memref_slice %arg10[%add3A_14, %dma_wait3A_96] : memref<10128x128xf32, #tpu.memory_space<vmem_shared>> -> memref<128x128xf32, #tpu.memory_space<vmem_shared>>
      %dma_wait3A_98 = arith.constant 0 : i32
      %dma_wait3A_99 = tpu.memref_slice %arg10[%add3A_14, %dma_wait3A_98] : memref<10128x128xf32, #tpu.memory_space<vmem_shared>> -> memref<128x128xf32, #tpu.memory_space<vmem_shared>>
      tpu.wait_dma2 semaphore(%run_scoped3A_91 : memref<!tpu.dma_semaphore, #tpu.memory_space<semaphore_mem>>) src(%arg8 : memref<128x128xf32, #tpu.memory_space<vmem>>) dst(%dma_wait3A_99 : memref<128x128xf32, #tpu.memory_space<vmem_shared>>)
      tpu.yield
    }) : () -> ()
    %add3A_15 = arith.constant 384 : i32
    %add3A_16 = arith.addi %mul3A_8, %add3A_15 : i32
    "tpu.region"() ({
      %run_scoped3A_91 = tpu.sem_alloc : memref<!tpu.dma_semaphore, #tpu.memory_space<semaphore_mem>>
      %dma_start3A_92 = arith.constant 0 : i32
      %dma_start3A_93 = tpu.memref_slice %arg10[%add3A_16, %dma_start3A_92] : memref<10128x128xf32, #tpu.memory_space<vmem_shared>> -> memref<128x128xf32, #tpu.memory_space<vmem_shared>>
      %dma_start3A_94 = arith.constant 0 : i32
      %dma_start3A_95 = tpu.memref_slice %arg10[%add3A_16, %dma_start3A_94] : memref<10128x128xf32, #tpu.memory_space<vmem_shared>> -> memref<128x128xf32, #tpu.memory_space<vmem_shared>>
      tpu.enqueue_dma source(%arg8 : memref<128x128xf32, #tpu.memory_space<vmem>>) target(%dma_start3A_95 : memref<128x128xf32, #tpu.memory_space<vmem_shared>>) target_semaphore(%run_scoped3A_91 : memref<!tpu.dma_semaphore, #tpu.memory_space<semaphore_mem>>)
      %dma_wait3A_96 = arith.constant 0 : i32
      %dma_wait3A_97 = tpu.memref_slice %arg10[%add3A_16, %dma_wait3A_96] : memref<10128x128xf32, #tpu.memory_space<vmem_shared>> -> memref<128x128xf32, #tpu.memory_space<vmem_shared>>
      %dma_wait3A_98 = arith.constant 0 : i32
      %dma_wait3A_99 = tpu.memref_slice %arg10[%add3A_16, %dma_wait3A_98] : memref<10128x128xf32, #tpu.memory_space<vmem_shared>> -> memref<128x128xf32, #tpu.memory_space<vmem_shared>>
      tpu.wait_dma2 semaphore(%run_scoped3A_91 : memref<!tpu.dma_semaphore, #tpu.memory_space<semaphore_mem>>) src(%arg8 : memref<128x128xf32, #tpu.memory_space<vmem>>) dst(%dma_wait3A_99 : memref<128x128xf32, #tpu.memory_space<vmem_shared>>)
      tpu.yield
    }) : () -> ()
    %add3A_17 = arith.constant 512 : i32
    %add3A_18 = arith.addi %mul3A_8, %add3A_17 : i32
    "tpu.region"() ({
      %run_scoped3A_91 = tpu.sem_alloc : memref<!tpu.dma_semaphore, #tpu.memory_space<semaphore_mem>>
      %dma_start3A_92 = arith.constant 0 : i32
      %dma_start3A_93 = arith.constant 0 : i32
      %dma_start3A_94 = tpu.memref_slice %arg8[%dma_start3A_92, %dma_start3A_93] : memref<128x128xf32, #tpu.memory_space<vmem>> -> memref<112x128xf32, #tpu.memory_space<vmem>>
      %dma_start3A_95 = arith.constant 0 : i32
      %dma_start3A_96 = tpu.memref_slice %arg10[%add3A_18, %dma_start3A_95] : memref<10128x128xf32, #tpu.memory_space<vmem_shared>> -> memref<112x128xf32, #tpu.memory_space<vmem_shared>>
      %dma_start3A_97 = arith.constant 0 : i32
      %dma_start3A_98 = tpu.memref_slice %arg10[%add3A_18, %dma_start3A_97] : memref<10128x128xf32, #tpu.memory_space<vmem_shared>> -> memref<112x128xf32, #tpu.memory_space<vmem_shared>>
      %dma_start3A_99 = arith.constant 0 : i32
      %dma_start3A_100 = arith.constant 0 : i32
      %dma_start3A_101 = tpu.memref_slice %arg8[%dma_start3A_99, %dma_start3A_100] : memref<128x128xf32, #tpu.memory_space<vmem>> -> memref<112x128xf32, #tpu.memory_space<vmem>>
      tpu.enqueue_dma source(%dma_start3A_101 : memref<112x128xf32, #tpu.memory_space<vmem>>) target(%dma_start3A_98 : memref<112x128xf32, #tpu.memory_space<vmem_shared>>) target_semaphore(%run_scoped3A_91 : memref<!tpu.dma_semaphore, #tpu.memory_space<semaphore_mem>>)
      %dma_wait3A_102 = arith.constant 0 : i32
      %dma_wait3A_103 = arith.constant 0 : i32
      %dma_wait3A_104 = tpu.memref_slice %arg8[%dma_wait3A_102, %dma_wait3A_103] : memref<128x128xf32, #tpu.memory_space<vmem>> -> memref<112x128xf32, #tpu.memory_space<vmem>>
      %dma_wait3A_105 = arith.constant 0 : i32
      %dma_wait3A_106 = tpu.memref_slice %arg10[%add3A_18, %dma_wait3A_105] : memref<10128x128xf32, #tpu.memory_space<vmem_shared>> -> memref<112x128xf32, #tpu.memory_space<vmem_shared>>
      %dma_wait3A_107 = arith.constant 0 : i32
      %dma_wait3A_108 = tpu.memref_slice %arg10[%add3A_18, %dma_wait3A_107] : memref<10128x128xf32, #tpu.memory_space<vmem_shared>> -> memref<112x128xf32, #tpu.memory_space<vmem_shared>>
      %dma_wait3A_109 = arith.constant 0 : i32
      %dma_wait3A_110 = arith.constant 0 : i32
      %dma_wait3A_111 = tpu.memref_slice %arg8[%dma_wait3A_109, %dma_wait3A_110] : memref<128x128xf32, #tpu.memory_space<vmem>> -> memref<112x128xf32, #tpu.memory_space<vmem>>
      tpu.wait_dma2 semaphore(%run_scoped3A_91 : memref<!tpu.dma_semaphore, #tpu.memory_space<semaphore_mem>>) src(%dma_wait3A_111 : memref<112x128xf32, #tpu.memory_space<vmem>>) dst(%dma_wait3A_108 : memref<112x128xf32, #tpu.memory_space<vmem_shared>>)
      tpu.yield
    }) : () -> ()
    %eq3A = arith.constant 15 : i32
    %eq3A_19 = arith.cmpi eq, %arg1, %eq3A : i32
    %convert_element_type3A = arith.extui %eq3A_19 : i1 to i32
    %cond3A = arith.constant 0 : i32
    %cond3A_20 = arith.cmpi ne, %convert_element_type3A, %cond3A : i32
    scf.if %cond3A_20 {
      "tpu.region"() ({
        %run_scoped3A_91 = tpu.sem_alloc : memref<!tpu.dma_semaphore, #tpu.memory_space<semaphore_mem>>
        %dma_start3A_92 = arith.constant 0 : i32
        %dma_start3A_93 = arith.constant 0 : i32
        %dma_start3A_94 = tpu.memref_slice %arg8[%dma_start3A_92, %dma_start3A_93] : memref<128x128xf32, #tpu.memory_space<vmem>> -> memref<16x128xf32, #tpu.memory_space<vmem>>
        %dma_start3A_95 = arith.constant 9984 : i32
        %dma_start3A_96 = arith.constant 0 : i32
        %dma_start3A_97 = tpu.memref_slice %arg10[%dma_start3A_95, %dma_start3A_96] : memref<10128x128xf32, #tpu.memory_space<vmem_shared>> -> memref<16x128xf32, #tpu.memory_space<vmem_shared>>
        %dma_start3A_98 = arith.constant 9984 : i32
        %dma_start3A_99 = arith.constant 0 : i32
        %dma_start3A_100 = tpu.memref_slice %arg10[%dma_start3A_98, %dma_start3A_99] : memref<10128x128xf32, #tpu.memory_space<vmem_shared>> -> memref<16x128xf32, #tpu.memory_space<vmem_shared>>
        %dma_start3A_101 = arith.constant 0 : i32
        %dma_start3A_102 = arith.constant 0 : i32
        %dma_start3A_103 = tpu.memref_slice %arg8[%dma_start3A_101, %dma_start3A_102] : memref<128x128xf32, #tpu.memory_space<vmem>> -> memref<16x128xf32, #tpu.memory_space<vmem>>
        tpu.enqueue_dma source(%dma_start3A_103 : memref<16x128xf32, #tpu.memory_space<vmem>>) target(%dma_start3A_100 : memref<16x128xf32, #tpu.memory_space<vmem_shared>>) target_semaphore(%run_scoped3A_91 : memref<!tpu.dma_semaphore, #tpu.memory_space<semaphore_mem>>)
        %dma_wait3A_104 = arith.constant 0 : i32
        %dma_wait3A_105 = arith.constant 0 : i32
        %dma_wait3A_106 = tpu.memref_slice %arg8[%dma_wait3A_104, %dma_wait3A_105] : memref<128x128xf32, #tpu.memory_space<vmem>> -> memref<16x128xf32, #tpu.memory_space<vmem>>
        %dma_wait3A_107 = arith.constant 9984 : i32
        %dma_wait3A_108 = arith.constant 0 : i32
        %dma_wait3A_109 = tpu.memref_slice %arg10[%dma_wait3A_107, %dma_wait3A_108] : memref<10128x128xf32, #tpu.memory_space<vmem_shared>> -> memref<16x128xf32, #tpu.memory_space<vmem_shared>>
        %dma_wait3A_110 = arith.constant 9984 : i32
        %dma_wait3A_111 = arith.constant 0 : i32
        %dma_wait3A_112 = tpu.memref_slice %arg10[%dma_wait3A_110, %dma_wait3A_111] : memref<10128x128xf32, #tpu.memory_space<vmem_shared>> -> memref<16x128xf32, #tpu.memory_space<vmem_shared>>
        %dma_wait3A_113 = arith.constant 0 : i32
        %dma_wait3A_114 = arith.constant 0 : i32
        %dma_wait3A_115 = tpu.memref_slice %arg8[%dma_wait3A_113, %dma_wait3A_114] : memref<128x128xf32, #tpu.memory_space<vmem>> -> memref<16x128xf32, #tpu.memory_space<vmem>>
        tpu.wait_dma2 semaphore(%run_scoped3A_91 : memref<!tpu.dma_semaphore, #tpu.memory_space<semaphore_mem>>) src(%dma_wait3A_115 : memref<16x128xf32, #tpu.memory_space<vmem>>) dst(%dma_wait3A_112 : memref<16x128xf32, #tpu.memory_space<vmem_shared>>)
        tpu.yield
      }) : () -> ()
      "tpu.region"() ({
        %run_scoped3A_91 = tpu.sem_alloc : memref<!tpu.dma_semaphore, #tpu.memory_space<semaphore_mem>>
        %dma_start3A_92 = arith.constant 10000 : i32
        %dma_start3A_93 = arith.constant 0 : i32
        %dma_start3A_94 = tpu.memref_slice %arg10[%dma_start3A_92, %dma_start3A_93] : memref<10128x128xf32, #tpu.memory_space<vmem_shared>> -> memref<128x128xf32, #tpu.memory_space<vmem_shared>>
        %dma_start3A_95 = arith.constant 10000 : i32
        %dma_start3A_96 = arith.constant 0 : i32
        %dma_start3A_97 = tpu.memref_slice %arg10[%dma_start3A_95, %dma_start3A_96] : memref<10128x128xf32, #tpu.memory_space<vmem_shared>> -> memref<128x128xf32, #tpu.memory_space<vmem_shared>>
        tpu.enqueue_dma source(%arg8 : memref<128x128xf32, #tpu.memory_space<vmem>>) target(%dma_start3A_97 : memref<128x128xf32, #tpu.memory_space<vmem_shared>>) target_semaphore(%run_scoped3A_91 : memref<!tpu.dma_semaphore, #tpu.memory_space<semaphore_mem>>)
        %dma_wait3A_98 = arith.constant 10000 : i32
        %dma_wait3A_99 = arith.constant 0 : i32
        %dma_wait3A_100 = tpu.memref_slice %arg10[%dma_wait3A_98, %dma_wait3A_99] : memref<10128x128xf32, #tpu.memory_space<vmem_shared>> -> memref<128x128xf32, #tpu.memory_space<vmem_shared>>
        %dma_wait3A_101 = arith.constant 10000 : i32
        %dma_wait3A_102 = arith.constant 0 : i32
        %dma_wait3A_103 = tpu.memref_slice %arg10[%dma_wait3A_101, %dma_wait3A_102] : memref<10128x128xf32, #tpu.memory_space<vmem_shared>> -> memref<128x128xf32, #tpu.memory_space<vmem_shared>>
        tpu.wait_dma2 semaphore(%run_scoped3A_91 : memref<!tpu.dma_semaphore, #tpu.memory_space<semaphore_mem>>) src(%arg8 : memref<128x128xf32, #tpu.memory_space<vmem>>) dst(%dma_wait3A_103 : memref<128x128xf32, #tpu.memory_space<vmem_shared>>)
        tpu.yield
      }) : () -> ()
    } else {
    }
    %barrier3A = arith.constant 0 : index
    tpu.barrier barrier_id(%barrier3A)
    %mul3A_21 = arith.constant 80 : i32
    %mul3A_22 = arith.muli %add3A, %mul3A_21 : i32
    "tpu.region"() ({
      %run_scoped3A_91 = tpu.sem_alloc : memref<!tpu.dma_semaphore, #tpu.memory_space<semaphore_mem>>
      %dma_start3A_92 = arith.constant 0 : i32
      %dma_start3A_93 = arith.constant 0 : i32
      %dma_start3A_94 = tpu.memref_slice %arg3[%mul3A_22, %dma_start3A_92, %dma_start3A_93] : memref<2560x2x128xi32, #tpu.memory_space<hbm>> -> memref<1x2x128xi32, #tpu.memory_space<hbm>>
      %dma_start3A_95 = tpu.memref_squeeze %dma_start3A_94 : memref<1x2x128xi32, #tpu.memory_space<hbm>> -> memref<2x128xi32, #tpu.memory_space<hbm>>
      %dma_start3A_96 = arith.constant 0 : i32
      %dma_start3A_97 = arith.constant 0 : i32
      %dma_start3A_98 = tpu.memref_slice %arg3[%mul3A_22, %dma_start3A_96, %dma_start3A_97] : memref<2560x2x128xi32, #tpu.memory_space<hbm>> -> memref<1x2x128xi32, #tpu.memory_space<hbm>>
      %dma_start3A_99 = tpu.memref_squeeze %dma_start3A_98 : memref<1x2x128xi32, #tpu.memory_space<hbm>> -> memref<2x128xi32, #tpu.memory_space<hbm>>
      tpu.enqueue_dma source(%dma_start3A_99 : memref<2x128xi32, #tpu.memory_space<hbm>>) target(%arg6 : memref<2x128xi32, #tpu.memory_space<vmem>>) target_semaphore(%run_scoped3A_91 : memref<!tpu.dma_semaphore, #tpu.memory_space<semaphore_mem>>)
      %dma_wait3A_100 = arith.constant 0 : i32
      %dma_wait3A_101 = arith.constant 0 : i32
      %dma_wait3A_102 = tpu.memref_slice %arg3[%mul3A_22, %dma_wait3A_100, %dma_wait3A_101] : memref<2560x2x128xi32, #tpu.memory_space<hbm>> -> memref<1x2x128xi32, #tpu.memory_space<hbm>>
      %dma_wait3A_103 = tpu.memref_squeeze %dma_wait3A_102 : memref<1x2x128xi32, #tpu.memory_space<hbm>> -> memref<2x128xi32, #tpu.memory_space<hbm>>
      %dma_wait3A_104 = arith.constant 0 : i32
      %dma_wait3A_105 = arith.constant 0 : i32
      %dma_wait3A_106 = tpu.memref_slice %arg3[%mul3A_22, %dma_wait3A_104, %dma_wait3A_105] : memref<2560x2x128xi32, #tpu.memory_space<hbm>> -> memref<1x2x128xi32, #tpu.memory_space<hbm>>
      %dma_wait3A_107 = tpu.memref_squeeze %dma_wait3A_106 : memref<1x2x128xi32, #tpu.memory_space<hbm>> -> memref<2x128xi32, #tpu.memory_space<hbm>>
      tpu.wait_dma2 semaphore(%run_scoped3A_91 : memref<!tpu.dma_semaphore, #tpu.memory_space<semaphore_mem>>) src(%dma_wait3A_107 : memref<2x128xi32, #tpu.memory_space<hbm>>) dst(%arg6 : memref<2x128xi32, #tpu.memory_space<vmem>>)
      tpu.yield
    }) : () -> ()
    %dma_start3A = arith.constant 0 : i32
    %dma_start3A_23 = arith.constant 0 : i32
    %dma_start3A_24 = tpu.memref_slice %arg6[%dma_start3A, %dma_start3A_23] : memref<2x128xi32, #tpu.memory_space<vmem>> -> memref<1x128xi32, #tpu.memory_space<vmem>>
    %dma_start3A_25 = tpu.memref_squeeze %dma_start3A_24 : memref<1x128xi32, #tpu.memory_space<vmem>> -> memref<128xi32, #tpu.memory_space<vmem>>
    %dma_start3A_26 = arith.constant 0 : i32
    %dma_start3A_27 = arith.constant 0 : i32
    %dma_start3A_28 = tpu.memref_slice %arg2[%dma_start3A_26, %dma_start3A_27] : memref<10000x128xf32, #tpu.memory_space<hbm>> -> memref<10000x128xf32, #tpu.memory_space<hbm>>
    tpu.enqueue_indirect_dma source(%dma_start3A_28 : memref<10000x128xf32, #tpu.memory_space<hbm>>) target(%arg8 : memref<128x128xf32, #tpu.memory_space<vmem>>) offsets(%dma_start3A_25 : memref<128xi32, #tpu.memory_space<vmem>>) semaphore(%arg11 : memref<!tpu.dma_semaphore, #tpu.memory_space<semaphore_mem>>)
    %add3A_29 = arith.constant 1 : i32
    %add3A_30 = arith.addi %mul3A_22, %add3A_29 : i32
    %dma_start3A_31 = arith.constant 0 : i32
    %dma_start3A_32 = arith.constant 0 : i32
    %dma_start3A_33 = tpu.memref_slice %arg3[%add3A_30, %dma_start3A_31, %dma_start3A_32] : memref<2560x2x128xi32, #tpu.memory_space<hbm>> -> memref<1x2x128xi32, #tpu.memory_space<hbm>>
    %dma_start3A_34 = tpu.memref_squeeze %dma_start3A_33 : memref<1x2x128xi32, #tpu.memory_space<hbm>> -> memref<2x128xi32, #tpu.memory_space<hbm>>
    %dma_start3A_35 = arith.constant 0 : i32
    %dma_start3A_36 = arith.constant 0 : i32
    %dma_start3A_37 = tpu.memref_slice %arg3[%add3A_30, %dma_start3A_35, %dma_start3A_36] : memref<2560x2x128xi32, #tpu.memory_space<hbm>> -> memref<1x2x128xi32, #tpu.memory_space<hbm>>
    %dma_start3A_38 = tpu.memref_squeeze %dma_start3A_37 : memref<1x2x128xi32, #tpu.memory_space<hbm>> -> memref<2x128xi32, #tpu.memory_space<hbm>>
    tpu.enqueue_dma source(%dma_start3A_38 : memref<2x128xi32, #tpu.memory_space<hbm>>) target(%arg7 : memref<2x128xi32, #tpu.memory_space<vmem>>) target_semaphore(%arg14 : memref<!tpu.dma_semaphore, #tpu.memory_space<semaphore_mem>>)
    %scan3A_39 = arith.constant 0 : i32
    %scan3A_40 = arith.constant 0 : i32
    %scan3A_41 = arith.constant 39 : i32
    %scan3A_42 = arith.addi %scan3A_40, %scan3A_41 : i32
    %scan3A_43 = arith.constant 1 : i32
    %scan3A_44 = scf.for %scan3A_91 = %scan3A_40 to %scan3A_42 step %scan3A_43 iter_args(%scan3A_92 = %scan3A_39) -> (i32)  : i32 {
      %mul3A_93 = arith.constant 2 : i32
      %mul3A_94 = arith.muli %mul3A_93, %scan3A_91 : i32
      %add3A_95 = arith.addi %mul3A_22, %mul3A_94 : i32
      %add3A_96 = arith.constant 1 : i32
      %add3A_97 = arith.addi %add3A_95, %add3A_96 : i32
      %dma_wait3A_98 = arith.constant 0 : i32
      %dma_wait3A_99 = arith.constant 0 : i32
      %dma_wait3A_100 = tpu.memref_slice %arg3[%add3A_97, %dma_wait3A_98, %dma_wait3A_99] : memref<2560x2x128xi32, #tpu.memory_space<hbm>> -> memref<1x2x128xi32, #tpu.memory_space<hbm>>
      %dma_wait3A_101 = tpu.memref_squeeze %dma_wait3A_100 : memref<1x2x128xi32, #tpu.memory_space<hbm>> -> memref<2x128xi32, #tpu.memory_space<hbm>>
      %dma_wait3A_102 = arith.constant 0 : i32
      %dma_wait3A_103 = arith.constant 0 : i32
      %dma_wait3A_104 = tpu.memref_slice %arg3[%add3A_97, %dma_wait3A_102, %dma_wait3A_103] : memref<2560x2x128xi32, #tpu.memory_space<hbm>> -> memref<1x2x128xi32, #tpu.memory_space<hbm>>
      %dma_wait3A_105 = tpu.memref_squeeze %dma_wait3A_104 : memref<1x2x128xi32, #tpu.memory_space<hbm>> -> memref<2x128xi32, #tpu.memory_space<hbm>>
      tpu.wait_dma2 semaphore(%arg14 : memref<!tpu.dma_semaphore, #tpu.memory_space<semaphore_mem>>) src(%dma_wait3A_105 : memref<2x128xi32, #tpu.memory_space<hbm>>) dst(%arg7 : memref<2x128xi32, #tpu.memory_space<vmem>>)
      %dma_start3A_106 = arith.constant 0 : i32
      %dma_start3A_107 = arith.constant 0 : i32
      %dma_start3A_108 = tpu.memref_slice %arg7[%dma_start3A_106, %dma_start3A_107] : memref<2x128xi32, #tpu.memory_space<vmem>> -> memref<1x128xi32, #tpu.memory_space<vmem>>
      %dma_start3A_109 = tpu.memref_squeeze %dma_start3A_108 : memref<1x128xi32, #tpu.memory_space<vmem>> -> memref<128xi32, #tpu.memory_space<vmem>>
      %dma_start3A_110 = arith.constant 0 : i32
      %dma_start3A_111 = arith.constant 0 : i32
      %dma_start3A_112 = tpu.memref_slice %arg2[%dma_start3A_110, %dma_start3A_111] : memref<10000x128xf32, #tpu.memory_space<hbm>> -> memref<10000x128xf32, #tpu.memory_space<hbm>>
      tpu.enqueue_indirect_dma source(%dma_start3A_112 : memref<10000x128xf32, #tpu.memory_space<hbm>>) target(%arg9 : memref<128x128xf32, #tpu.memory_space<vmem>>) offsets(%dma_start3A_109 : memref<128xi32, #tpu.memory_space<vmem>>) semaphore(%arg12 : memref<!tpu.dma_semaphore, #tpu.memory_space<semaphore_mem>>)
      %dma_wait3A_113 = arith.constant 0 : i32
      %dma_wait3A_114 = arith.constant 0 : i32
      %dma_wait3A_115 = tpu.memref_slice %arg6[%dma_wait3A_113, %dma_wait3A_114] : memref<2x128xi32, #tpu.memory_space<vmem>> -> memref<1x128xi32, #tpu.memory_space<vmem>>
      %dma_wait3A_116 = tpu.memref_squeeze %dma_wait3A_115 : memref<1x128xi32, #tpu.memory_space<vmem>> -> memref<128xi32, #tpu.memory_space<vmem>>
      %dma_wait3A_117 = arith.constant 0 : i32
      %dma_wait3A_118 = arith.constant 0 : i32
      %dma_wait3A_119 = tpu.memref_slice %arg2[%dma_wait3A_117, %dma_wait3A_118] : memref<10000x128xf32, #tpu.memory_space<hbm>> -> memref<10000x128xf32, #tpu.memory_space<hbm>>
      tpu.wait_indirect_dma semaphore(%arg11 : memref<!tpu.dma_semaphore, #tpu.memory_space<semaphore_mem>>) src(%dma_wait3A_119 : memref<10000x128xf32, #tpu.memory_space<hbm>>) dst(%arg8 : memref<128x128xf32, #tpu.memory_space<vmem>>)
      %run_scoped3A_120 = arith.constant 1 : i32
      "tpu.region"() ({
        %run_scoped3A_167 = tpu.sem_alloc : memref<!tpu.dma_semaphore, #tpu.memory_space<semaphore_mem>>
        %dma_start3A_168 = arith.constant 0 : i32
        %dma_start3A_169 = tpu.memref_slice %arg6[%run_scoped3A_120, %dma_start3A_168] : memref<2x128xi32, #tpu.memory_space<vmem>> -> memref<1x128xi32, #tpu.memory_space<vmem>>
        %dma_start3A_170 = tpu.memref_squeeze %dma_start3A_169 : memref<1x128xi32, #tpu.memory_space<vmem>> -> memref<128xi32, #tpu.memory_space<vmem>>
        %dma_start3A_171 = arith.constant 0 : i32
        %dma_start3A_172 = arith.constant 0 : i32
        %dma_start3A_173 = tpu.memref_slice %arg10[%dma_start3A_171, %dma_start3A_172] : memref<10128x128xf32, #tpu.memory_space<vmem_shared>> -> memref<10128x128xf32, #tpu.memory_space<vmem_shared>>
        tpu.enqueue_indirect_dma source(%arg8 : memref<128x128xf32, #tpu.memory_space<vmem>>) target(%dma_start3A_173 : memref<10128x128xf32, #tpu.memory_space<vmem_shared>>) offsets(%dma_start3A_170 : memref<128xi32, #tpu.memory_space<vmem>>) semaphore(%run_scoped3A_167 : memref<!tpu.dma_semaphore, #tpu.memory_space<semaphore_mem>>) {add = true}
        %dma_wait3A_174 = arith.constant 0 : i32
        %dma_wait3A_175 = tpu.memref_slice %arg6[%run_scoped3A_120, %dma_wait3A_174] : memref<2x128xi32, #tpu.memory_space<vmem>> -> memref<1x128xi32, #tpu.memory_space<vmem>>
        %dma_wait3A_176 = tpu.memref_squeeze %dma_wait3A_175 : memref<1x128xi32, #tpu.memory_space<vmem>> -> memref<128xi32, #tpu.memory_space<vmem>>
        %dma_wait3A_177 = arith.constant 0 : i32
        %dma_wait3A_178 = arith.constant 0 : i32
        %dma_wait3A_179 = tpu.memref_slice %arg10[%dma_wait3A_177, %dma_wait3A_178] : memref<10128x128xf32, #tpu.memory_space<vmem_shared>> -> memref<10128x128xf32, #tpu.memory_space<vmem_shared>>
        tpu.wait_indirect_dma semaphore(%run_scoped3A_167 : memref<!tpu.dma_semaphore, #tpu.memory_space<semaphore_mem>>) src(%arg8 : memref<128x128xf32, #tpu.memory_space<vmem>>) dst(%dma_wait3A_179 : memref<10128x128xf32, #tpu.memory_space<vmem_shared>>)
        tpu.yield
      }) : () -> ()
      %add3A_121 = arith.constant 2 : i32
      %add3A_122 = arith.addi %add3A_95, %add3A_121 : i32
      %dma_start3A_123 = arith.constant 0 : i32
      %dma_start3A_124 = arith.constant 0 : i32
      %dma_start3A_125 = tpu.memref_slice %arg3[%add3A_122, %dma_start3A_123, %dma_start3A_124] : memref<2560x2x128xi32, #tpu.memory_space<hbm>> -> memref<1x2x128xi32, #tpu.memory_space<hbm>>
      %dma_start3A_126 = tpu.memref_squeeze %dma_start3A_125 : memref<1x2x128xi32, #tpu.memory_space<hbm>> -> memref<2x128xi32, #tpu.memory_space<hbm>>
      %dma_start3A_127 = arith.constant 0 : i32
      %dma_start3A_128 = arith.constant 0 : i32
      %dma_start3A_129 = tpu.memref_slice %arg3[%add3A_122, %dma_start3A_127, %dma_start3A_128] : memref<2560x2x128xi32, #tpu.memory_space<hbm>> -> memref<1x2x128xi32, #tpu.memory_space<hbm>>
      %dma_start3A_130 = tpu.memref_squeeze %dma_start3A_129 : memref<1x2x128xi32, #tpu.memory_space<hbm>> -> memref<2x128xi32, #tpu.memory_space<hbm>>
      tpu.enqueue_dma source(%dma_start3A_130 : memref<2x128xi32, #tpu.memory_space<hbm>>) target(%arg6 : memref<2x128xi32, #tpu.memory_space<vmem>>) target_semaphore(%arg13 : memref<!tpu.dma_semaphore, #tpu.memory_space<semaphore_mem>>)
      %add3A_131 = arith.constant 2 : i32
      %add3A_132 = arith.addi %add3A_95, %add3A_131 : i32
      %dma_wait3A_133 = arith.constant 0 : i32
      %dma_wait3A_134 = arith.constant 0 : i32
      %dma_wait3A_135 = tpu.memref_slice %arg3[%add3A_132, %dma_wait3A_133, %dma_wait3A_134] : memref<2560x2x128xi32, #tpu.memory_space<hbm>> -> memref<1x2x128xi32, #tpu.memory_space<hbm>>
      %dma_wait3A_136 = tpu.memref_squeeze %dma_wait3A_135 : memref<1x2x128xi32, #tpu.memory_space<hbm>> -> memref<2x128xi32, #tpu.memory_space<hbm>>
      %dma_wait3A_137 = arith.constant 0 : i32
      %dma_wait3A_138 = arith.constant 0 : i32
      %dma_wait3A_139 = tpu.memref_slice %arg3[%add3A_132, %dma_wait3A_137, %dma_wait3A_138] : memref<2560x2x128xi32, #tpu.memory_space<hbm>> -> memref<1x2x128xi32, #tpu.memory_space<hbm>>
      %dma_wait3A_140 = tpu.memref_squeeze %dma_wait3A_139 : memref<1x2x128xi32, #tpu.memory_space<hbm>> -> memref<2x128xi32, #tpu.memory_space<hbm>>
      tpu.wait_dma2 semaphore(%arg13 : memref<!tpu.dma_semaphore, #tpu.memory_space<semaphore_mem>>) src(%dma_wait3A_140 : memref<2x128xi32, #tpu.memory_space<hbm>>) dst(%arg6 : memref<2x128xi32, #tpu.memory_space<vmem>>)
      %dma_start3A_141 = arith.constant 0 : i32
      %dma_start3A_142 = arith.constant 0 : i32
      %dma_start3A_143 = tpu.memref_slice %arg6[%dma_start3A_141, %dma_start3A_142] : memref<2x128xi32, #tpu.memory_space<vmem>> -> memref<1x128xi32, #tpu.memory_space<vmem>>
      %dma_start3A_144 = tpu.memref_squeeze %dma_start3A_143 : memref<1x128xi32, #tpu.memory_space<vmem>> -> memref<128xi32, #tpu.memory_space<vmem>>
      %dma_start3A_145 = arith.constant 0 : i32
      %dma_start3A_146 = arith.constant 0 : i32
      %dma_start3A_147 = tpu.memref_slice %arg2[%dma_start3A_145, %dma_start3A_146] : memref<10000x128xf32, #tpu.memory_space<hbm>> -> memref<10000x128xf32, #tpu.memory_space<hbm>>
      tpu.enqueue_indirect_dma source(%dma_start3A_147 : memref<10000x128xf32, #tpu.memory_space<hbm>>) target(%arg8 : memref<128x128xf32, #tpu.memory_space<vmem>>) offsets(%dma_start3A_144 : memref<128xi32, #tpu.memory_space<vmem>>) semaphore(%arg11 : memref<!tpu.dma_semaphore, #tpu.memory_space<semaphore_mem>>)
      %dma_wait3A_148 = arith.constant 0 : i32
      %dma_wait3A_149 = arith.constant 0 : i32
      %dma_wait3A_150 = tpu.memref_slice %arg7[%dma_wait3A_148, %dma_wait3A_149] : memref<2x128xi32, #tpu.memory_space<vmem>> -> memref<1x128xi32, #tpu.memory_space<vmem>>
      %dma_wait3A_151 = tpu.memref_squeeze %dma_wait3A_150 : memref<1x128xi32, #tpu.memory_space<vmem>> -> memref<128xi32, #tpu.memory_space<vmem>>
      %dma_wait3A_152 = arith.constant 0 : i32
      %dma_wait3A_153 = arith.constant 0 : i32
      %dma_wait3A_154 = tpu.memref_slice %arg2[%dma_wait3A_152, %dma_wait3A_153] : memref<10000x128xf32, #tpu.memory_space<hbm>> -> memref<10000x128xf32, #tpu.memory_space<hbm>>
      tpu.wait_indirect_dma semaphore(%arg12 : memref<!tpu.dma_semaphore, #tpu.memory_space<semaphore_mem>>) src(%dma_wait3A_154 : memref<10000x128xf32, #tpu.memory_space<hbm>>) dst(%arg9 : memref<128x128xf32, #tpu.memory_space<vmem>>)
      %run_scoped3A_155 = arith.constant 1 : i32
      "tpu.region"() ({
        %run_scoped3A_167 = tpu.sem_alloc : memref<!tpu.dma_semaphore, #tpu.memory_space<semaphore_mem>>
        %dma_start3A_168 = arith.constant 0 : i32
        %dma_start3A_169 = tpu.memref_slice %arg7[%run_scoped3A_155, %dma_start3A_168] : memref<2x128xi32, #tpu.memory_space<vmem>> -> memref<1x128xi32, #tpu.memory_space<vmem>>
        %dma_start3A_170 = tpu.memref_squeeze %dma_start3A_169 : memref<1x128xi32, #tpu.memory_space<vmem>> -> memref<128xi32, #tpu.memory_space<vmem>>
        %dma_start3A_171 = arith.constant 0 : i32
        %dma_start3A_172 = arith.constant 0 : i32
        %dma_start3A_173 = tpu.memref_slice %arg10[%dma_start3A_171, %dma_start3A_172] : memref<10128x128xf32, #tpu.memory_space<vmem_shared>> -> memref<10128x128xf32, #tpu.memory_space<vmem_shared>>
        tpu.enqueue_indirect_dma source(%arg9 : memref<128x128xf32, #tpu.memory_space<vmem>>) target(%dma_start3A_173 : memref<10128x128xf32, #tpu.memory_space<vmem_shared>>) offsets(%dma_start3A_170 : memref<128xi32, #tpu.memory_space<vmem>>) semaphore(%run_scoped3A_167 : memref<!tpu.dma_semaphore, #tpu.memory_space<semaphore_mem>>) {add = true}
        %dma_wait3A_174 = arith.constant 0 : i32
        %dma_wait3A_175 = tpu.memref_slice %arg7[%run_scoped3A_155, %dma_wait3A_174] : memref<2x128xi32, #tpu.memory_space<vmem>> -> memref<1x128xi32, #tpu.memory_space<vmem>>
        %dma_wait3A_176 = tpu.memref_squeeze %dma_wait3A_175 : memref<1x128xi32, #tpu.memory_space<vmem>> -> memref<128xi32, #tpu.memory_space<vmem>>
        %dma_wait3A_177 = arith.constant 0 : i32
        %dma_wait3A_178 = arith.constant 0 : i32
        %dma_wait3A_179 = tpu.memref_slice %arg10[%dma_wait3A_177, %dma_wait3A_178] : memref<10128x128xf32, #tpu.memory_space<vmem_shared>> -> memref<10128x128xf32, #tpu.memory_space<vmem_shared>>
        tpu.wait_indirect_dma semaphore(%run_scoped3A_167 : memref<!tpu.dma_semaphore, #tpu.memory_space<semaphore_mem>>) src(%arg9 : memref<128x128xf32, #tpu.memory_space<vmem>>) dst(%dma_wait3A_179 : memref<10128x128xf32, #tpu.memory_space<vmem_shared>>)
        tpu.yield
      }) : () -> ()
      %add3A_156 = arith.constant 3 : i32
      %add3A_157 = arith.addi %add3A_95, %add3A_156 : i32
      %dma_start3A_158 = arith.constant 0 : i32
      %dma_start3A_159 = arith.constant 0 : i32
      %dma_start3A_160 = tpu.memref_slice %arg3[%add3A_157, %dma_start3A_158, %dma_start3A_159] : memref<2560x2x128xi32, #tpu.memory_space<hbm>> -> memref<1x2x128xi32, #tpu.memory_space<hbm>>
      %dma_start3A_161 = tpu.memref_squeeze %dma_start3A_160 : memref<1x2x128xi32, #tpu.memory_space<hbm>> -> memref<2x128xi32, #tpu.memory_space<hbm>>
      %dma_start3A_162 = arith.constant 0 : i32
      %dma_start3A_163 = arith.constant 0 : i32
      %dma_start3A_164 = tpu.memref_slice %arg3[%add3A_157, %dma_start3A_162, %dma_start3A_163] : memref<2560x2x128xi32, #tpu.memory_space<hbm>> -> memref<1x2x128xi32, #tpu.memory_space<hbm>>
      %dma_start3A_165 = tpu.memref_squeeze %dma_start3A_164 : memref<1x2x128xi32, #tpu.memory_space<hbm>> -> memref<2x128xi32, #tpu.memory_space<hbm>>
      tpu.enqueue_dma source(%dma_start3A_165 : memref<2x128xi32, #tpu.memory_space<hbm>>) target(%arg7 : memref<2x128xi32, #tpu.memory_space<vmem>>) target_semaphore(%arg14 : memref<!tpu.dma_semaphore, #tpu.memory_space<semaphore_mem>>)
      %scan3A_166 = arith.constant 0 : i32
      scf.yield %scan3A_166 : i32
    }
    %scan3A_45 = arith.constant 39 : i32
    %add3A_46 = arith.constant 80 : i32
    %add3A_47 = arith.addi %mul3A_22, %add3A_46 : i32
    %sub3A = arith.constant 1 : i32
    %sub3A_48 = arith.subi %add3A_47, %sub3A : i32
    %dma_wait3A = arith.constant 0 : i32
    %dma_wait3A_49 = arith.constant 0 : i32
    %dma_wait3A_50 = tpu.memref_slice %arg3[%sub3A_48, %dma_wait3A, %dma_wait3A_49] : memref<2560x2x128xi32, #tpu.memory_space<hbm>> -> memref<1x2x128xi32, #tpu.memory_space<hbm>>
    %dma_wait3A_51 = tpu.memref_squeeze %dma_wait3A_50 : memref<1x2x128xi32, #tpu.memory_space<hbm>> -> memref<2x128xi32, #tpu.memory_space<hbm>>
    %dma_wait3A_52 = arith.constant 0 : i32
    %dma_wait3A_53 = arith.constant 0 : i32
    %dma_wait3A_54 = tpu.memref_slice %arg3[%sub3A_48, %dma_wait3A_52, %dma_wait3A_53] : memref<2560x2x128xi32, #tpu.memory_space<hbm>> -> memref<1x2x128xi32, #tpu.memory_space<hbm>>
    %dma_wait3A_55 = tpu.memref_squeeze %dma_wait3A_54 : memref<1x2x128xi32, #tpu.memory_space<hbm>> -> memref<2x128xi32, #tpu.memory_space<hbm>>
    tpu.wait_dma2 semaphore(%arg14 : memref<!tpu.dma_semaphore, #tpu.memory_space<semaphore_mem>>) src(%dma_wait3A_55 : memref<2x128xi32, #tpu.memory_space<hbm>>) dst(%arg7 : memref<2x128xi32, #tpu.memory_space<vmem>>)
    %dma_start3A_56 = arith.constant 0 : i32
    %dma_start3A_57 = arith.constant 0 : i32
    %dma_start3A_58 = tpu.memref_slice %arg7[%dma_start3A_56, %dma_start3A_57] : memref<2x128xi32, #tpu.memory_space<vmem>> -> memref<1x128xi32, #tpu.memory_space<vmem>>
    %dma_start3A_59 = tpu.memref_squeeze %dma_start3A_58 : memref<1x128xi32, #tpu.memory_space<vmem>> -> memref<128xi32, #tpu.memory_space<vmem>>
    %dma_start3A_60 = arith.constant 0 : i32
    %dma_start3A_61 = arith.constant 0 : i32
    %dma_start3A_62 = tpu.memref_slice %arg2[%dma_start3A_60, %dma_start3A_61] : memref<10000x128xf32, #tpu.memory_space<hbm>> -> memref<10000x128xf32, #tpu.memory_space<hbm>>
    tpu.enqueue_indirect_dma source(%dma_start3A_62 : memref<10000x128xf32, #tpu.memory_space<hbm>>) target(%arg9 : memref<128x128xf32, #tpu.memory_space<vmem>>) offsets(%dma_start3A_59 : memref<128xi32, #tpu.memory_space<vmem>>) semaphore(%arg12 : memref<!tpu.dma_semaphore, #tpu.memory_space<semaphore_mem>>)
    %dma_wait3A_63 = arith.constant 0 : i32
    %dma_wait3A_64 = arith.constant 0 : i32
    %dma_wait3A_65 = tpu.memref_slice %arg6[%dma_wait3A_63, %dma_wait3A_64] : memref<2x128xi32, #tpu.memory_space<vmem>> -> memref<1x128xi32, #tpu.memory_space<vmem>>
    %dma_wait3A_66 = tpu.memref_squeeze %dma_wait3A_65 : memref<1x128xi32, #tpu.memory_space<vmem>> -> memref<128xi32, #tpu.memory_space<vmem>>
    %dma_wait3A_67 = arith.constant 0 : i32
    %dma_wait3A_68 = arith.constant 0 : i32
    %dma_wait3A_69 = tpu.memref_slice %arg2[%dma_wait3A_67, %dma_wait3A_68] : memref<10000x128xf32, #tpu.memory_space<hbm>> -> memref<10000x128xf32, #tpu.memory_space<hbm>>
    tpu.wait_indirect_dma semaphore(%arg11 : memref<!tpu.dma_semaphore, #tpu.memory_space<semaphore_mem>>) src(%dma_wait3A_69 : memref<10000x128xf32, #tpu.memory_space<hbm>>) dst(%arg8 : memref<128x128xf32, #tpu.memory_space<vmem>>)
    %run_scoped3A = arith.constant 1 : i32
    "tpu.region"() ({
      %run_scoped3A_91 = tpu.sem_alloc : memref<!tpu.dma_semaphore, #tpu.memory_space<semaphore_mem>>
      %dma_start3A_92 = arith.constant 0 : i32
      %dma_start3A_93 = tpu.memref_slice %arg6[%run_scoped3A, %dma_start3A_92] : memref<2x128xi32, #tpu.memory_space<vmem>> -> memref<1x128xi32, #tpu.memory_space<vmem>>
      %dma_start3A_94 = tpu.memref_squeeze %dma_start3A_93 : memref<1x128xi32, #tpu.memory_space<vmem>> -> memref<128xi32, #tpu.memory_space<vmem>>
      %dma_start3A_95 = arith.constant 0 : i32
      %dma_start3A_96 = arith.constant 0 : i32
      %dma_start3A_97 = tpu.memref_slice %arg10[%dma_start3A_95, %dma_start3A_96] : memref<10128x128xf32, #tpu.memory_space<vmem_shared>> -> memref<10128x128xf32, #tpu.memory_space<vmem_shared>>
      tpu.enqueue_indirect_dma source(%arg8 : memref<128x128xf32, #tpu.memory_space<vmem>>) target(%dma_start3A_97 : memref<10128x128xf32, #tpu.memory_space<vmem_shared>>) offsets(%dma_start3A_94 : memref<128xi32, #tpu.memory_space<vmem>>) semaphore(%run_scoped3A_91 : memref<!tpu.dma_semaphore, #tpu.memory_space<semaphore_mem>>) {add = true}
      %dma_wait3A_98 = arith.constant 0 : i32
      %dma_wait3A_99 = tpu.memref_slice %arg6[%run_scoped3A, %dma_wait3A_98] : memref<2x128xi32, #tpu.memory_space<vmem>> -> memref<1x128xi32, #tpu.memory_space<vmem>>
      %dma_wait3A_100 = tpu.memref_squeeze %dma_wait3A_99 : memref<1x128xi32, #tpu.memory_space<vmem>> -> memref<128xi32, #tpu.memory_space<vmem>>
      %dma_wait3A_101 = arith.constant 0 : i32
      %dma_wait3A_102 = arith.constant 0 : i32
      %dma_wait3A_103 = tpu.memref_slice %arg10[%dma_wait3A_101, %dma_wait3A_102] : memref<10128x128xf32, #tpu.memory_space<vmem_shared>> -> memref<10128x128xf32, #tpu.memory_space<vmem_shared>>
      tpu.wait_indirect_dma semaphore(%run_scoped3A_91 : memref<!tpu.dma_semaphore, #tpu.memory_space<semaphore_mem>>) src(%arg8 : memref<128x128xf32, #tpu.memory_space<vmem>>) dst(%dma_wait3A_103 : memref<10128x128xf32, #tpu.memory_space<vmem_shared>>)
      tpu.yield
    }) : () -> ()
    %dma_wait3A_70 = arith.constant 0 : i32
    %dma_wait3A_71 = arith.constant 0 : i32
    %dma_wait3A_72 = tpu.memref_slice %arg7[%dma_wait3A_70, %dma_wait3A_71] : memref<2x128xi32, #tpu.memory_space<vmem>> -> memref<1x128xi32, #tpu.memory_space<vmem>>
    %dma_wait3A_73 = tpu.memref_squeeze %dma_wait3A_72 : memref<1x128xi32, #tpu.memory_space<vmem>> -> memref<128xi32, #tpu.memory_space<vmem>>
    %dma_wait3A_74 = arith.constant 0 : i32
    %dma_wait3A_75 = arith.constant 0 : i32
    %dma_wait3A_76 = tpu.memref_slice %arg2[%dma_wait3A_74, %dma_wait3A_75] : memref<10000x128xf32, #tpu.memory_space<hbm>> -> memref<10000x128xf32, #tpu.memory_space<hbm>>
    tpu.wait_indirect_dma semaphore(%arg12 : memref<!tpu.dma_semaphore, #tpu.memory_space<semaphore_mem>>) src(%dma_wait3A_76 : memref<10000x128xf32, #tpu.memory_space<hbm>>) dst(%arg9 : memref<128x128xf32, #tpu.memory_space<vmem>>)
    %run_scoped3A_77 = arith.constant 1 : i32
    "tpu.region"() ({
      %run_scoped3A_91 = tpu.sem_alloc : memref<!tpu.dma_semaphore, #tpu.memory_space<semaphore_mem>>
      %dma_start3A_92 = arith.constant 0 : i32
      %dma_start3A_93 = tpu.memref_slice %arg7[%run_scoped3A_77, %dma_start3A_92] : memref<2x128xi32, #tpu.memory_space<vmem>> -> memref<1x128xi32, #tpu.memory_space<vmem>>
      %dma_start3A_94 = tpu.memref_squeeze %dma_start3A_93 : memref<1x128xi32, #tpu.memory_space<vmem>> -> memref<128xi32, #tpu.memory_space<vmem>>
      %dma_start3A_95 = arith.constant 0 : i32
      %dma_start3A_96 = arith.constant 0 : i32
      %dma_start3A_97 = tpu.memref_slice %arg10[%dma_start3A_95, %dma_start3A_96] : memref<10128x128xf32, #tpu.memory_space<vmem_shared>> -> memref<10128x128xf32, #tpu.memory_space<vmem_shared>>
      tpu.enqueue_indirect_dma source(%arg9 : memref<128x128xf32, #tpu.memory_space<vmem>>) target(%dma_start3A_97 : memref<10128x128xf32, #tpu.memory_space<vmem_shared>>) offsets(%dma_start3A_94 : memref<128xi32, #tpu.memory_space<vmem>>) semaphore(%run_scoped3A_91 : memref<!tpu.dma_semaphore, #tpu.memory_space<semaphore_mem>>) {add = true}
      %dma_wait3A_98 = arith.constant 0 : i32
      %dma_wait3A_99 = tpu.memref_slice %arg7[%run_scoped3A_77, %dma_wait3A_98] : memref<2x128xi32, #tpu.memory_space<vmem>> -> memref<1x128xi32, #tpu.memory_space<vmem>>
      %dma_wait3A_100 = tpu.memref_squeeze %dma_wait3A_99 : memref<1x128xi32, #tpu.memory_space<vmem>> -> memref<128xi32, #tpu.memory_space<vmem>>
      %dma_wait3A_101 = arith.constant 0 : i32
      %dma_wait3A_102 = arith.constant 0 : i32
      %dma_wait3A_103 = tpu.memref_slice %arg10[%dma_wait3A_101, %dma_wait3A_102] : memref<10128x128xf32, #tpu.memory_space<vmem_shared>> -> memref<10128x128xf32, #tpu.memory_space<vmem_shared>>
      tpu.wait_indirect_dma semaphore(%run_scoped3A_91 : memref<!tpu.dma_semaphore, #tpu.memory_space<semaphore_mem>>) src(%arg9 : memref<128x128xf32, #tpu.memory_space<vmem>>) dst(%dma_wait3A_103 : memref<10128x128xf32, #tpu.memory_space<vmem_shared>>)
      tpu.yield
    }) : () -> ()
    %barrier3A_78 = arith.constant 0 : index
    tpu.barrier barrier_id(%barrier3A_78)
    %mul3A_79 = arith.constant 624 : i32
    %mul3A_80 = arith.muli %arg1, %mul3A_79 : i32
    %eq3A_81 = arith.constant 0 : i32
    %eq3A_82 = arith.cmpi eq, %arg0, %eq3A_81 : i32
    %convert_element_type3A_83 = arith.extui %eq3A_82 : i1 to i32
    %cond3A_84 = arith.constant 0 : i32
    %cond3A_85 = arith.cmpi ne, %convert_element_type3A_83, %cond3A_84 : i32
    scf.if %cond3A_85 {
      "tpu.region"() ({
        %run_scoped3A_96 = tpu.sem_alloc : memref<!tpu.dma_semaphore, #tpu.memory_space<semaphore_mem>>
        %dma_start3A_97 = arith.constant 0 : i32
        %dma_start3A_98 = tpu.memref_slice %arg4[%mul3A_80, %dma_start3A_97] : memref<10000x128xf32, #tpu.memory_space<hbm>> -> memref<624x128xf32, #tpu.memory_space<hbm>>
        %dma_start3A_99 = arith.constant 0 : i32
        %dma_start3A_100 = tpu.memref_slice %arg10[%mul3A_80, %dma_start3A_99] : memref<10128x128xf32, #tpu.memory_space<vmem_shared>> -> memref<624x128xf32, #tpu.memory_space<vmem_shared>>
        tpu.enqueue_dma source(%dma_start3A_100 : memref<624x128xf32, #tpu.memory_space<vmem_shared>>) target(%dma_start3A_98 : memref<624x128xf32, #tpu.memory_space<hbm>>) target_semaphore(%run_scoped3A_96 : memref<!tpu.dma_semaphore, #tpu.memory_space<semaphore_mem>>)
        %dma_wait3A_101 = arith.constant 0 : i32
        %dma_wait3A_102 = tpu.memref_slice %arg4[%mul3A_80, %dma_wait3A_101] : memref<10000x128xf32, #tpu.memory_space<hbm>> -> memref<624x128xf32, #tpu.memory_space<hbm>>
        %dma_wait3A_103 = arith.constant 0 : i32
        %dma_wait3A_104 = tpu.memref_slice %arg10[%mul3A_80, %dma_wait3A_103] : memref<10128x128xf32, #tpu.memory_space<vmem_shared>> -> memref<624x128xf32, #tpu.memory_space<vmem_shared>>
        tpu.wait_dma2 semaphore(%run_scoped3A_96 : memref<!tpu.dma_semaphore, #tpu.memory_space<semaphore_mem>>) src(%dma_wait3A_104 : memref<624x128xf32, #tpu.memory_space<vmem_shared>>) dst(%dma_wait3A_102 : memref<624x128xf32, #tpu.memory_space<hbm>>)
        tpu.yield
      }) : () -> ()
      %eq3A_91 = arith.constant 15 : i32
      %eq3A_92 = arith.cmpi eq, %arg1, %eq3A_91 : i32
      %convert_element_type3A_93 = arith.extui %eq3A_92 : i1 to i32
      %cond3A_94 = arith.constant 0 : i32
      %cond3A_95 = arith.cmpi ne, %convert_element_type3A_93, %cond3A_94 : i32
      scf.if %cond3A_95 {
        "tpu.region"() ({
          %run_scoped3A_96 = tpu.sem_alloc : memref<!tpu.dma_semaphore, #tpu.memory_space<semaphore_mem>>
          %dma_start3A_97 = arith.constant 9984 : i32
          %dma_start3A_98 = arith.constant 0 : i32
          %dma_start3A_99 = tpu.memref_slice %arg4[%dma_start3A_97, %dma_start3A_98] : memref<10000x128xf32, #tpu.memory_space<hbm>> -> memref<16x128xf32, #tpu.memory_space<hbm>>
          %dma_start3A_100 = arith.constant 9984 : i32
          %dma_start3A_101 = arith.constant 0 : i32
          %dma_start3A_102 = tpu.memref_slice %arg10[%dma_start3A_100, %dma_start3A_101] : memref<10128x128xf32, #tpu.memory_space<vmem_shared>> -> memref<16x128xf32, #tpu.memory_space<vmem_shared>>
          tpu.enqueue_dma source(%dma_start3A_102 : memref<16x128xf32, #tpu.memory_space<vmem_shared>>) target(%dma_start3A_99 : memref<16x128xf32, #tpu.memory_space<hbm>>) target_semaphore(%run_scoped3A_96 : memref<!tpu.dma_semaphore, #tpu.memory_space<semaphore_mem>>)
          %dma_wait3A_103 = arith.constant 9984 : i32
          %dma_wait3A_104 = arith.constant 0 : i32
          %dma_wait3A_105 = tpu.memref_slice %arg4[%dma_wait3A_103, %dma_wait3A_104] : memref<10000x128xf32, #tpu.memory_space<hbm>> -> memref<16x128xf32, #tpu.memory_space<hbm>>
          %dma_wait3A_106 = arith.constant 9984 : i32
          %dma_wait3A_107 = arith.constant 0 : i32
          %dma_wait3A_108 = tpu.memref_slice %arg10[%dma_wait3A_106, %dma_wait3A_107] : memref<10128x128xf32, #tpu.memory_space<vmem_shared>> -> memref<16x128xf32, #tpu.memory_space<vmem_shared>>
          tpu.wait_dma2 semaphore(%run_scoped3A_96 : memref<!tpu.dma_semaphore, #tpu.memory_space<semaphore_mem>>) src(%dma_wait3A_108 : memref<16x128xf32, #tpu.memory_space<vmem_shared>>) dst(%dma_wait3A_105 : memref<16x128xf32, #tpu.memory_space<hbm>>)
          tpu.yield
        }) : () -> ()
      } else {
      }
    } else {
    }
    %eq3A_86 = arith.constant 1 : i32
    %eq3A_87 = arith.cmpi eq, %arg0, %eq3A_86 : i32
    %convert_element_type3A_88 = arith.extui %eq3A_87 : i1 to i32
    %cond3A_89 = arith.constant 0 : i32
    %cond3A_90 = arith.cmpi ne, %convert_element_type3A_88, %cond3A_89 : i32
    scf.if %cond3A_90 {
      "tpu.region"() ({
        %run_scoped3A_96 = tpu.sem_alloc : memref<!tpu.dma_semaphore, #tpu.memory_space<semaphore_mem>>
        %dma_start3A_97 = arith.constant 0 : i32
        %dma_start3A_98 = tpu.memref_slice %arg5[%mul3A_80, %dma_start3A_97] : memref<10000x128xf32, #tpu.memory_space<hbm>> -> memref<624x128xf32, #tpu.memory_space<hbm>>
        %dma_start3A_99 = arith.constant 0 : i32
        %dma_start3A_100 = tpu.memref_slice %arg10[%mul3A_80, %dma_start3A_99] : memref<10128x128xf32, #tpu.memory_space<vmem_shared>> -> memref<624x128xf32, #tpu.memory_space<vmem_shared>>
        tpu.enqueue_dma source(%dma_start3A_100 : memref<624x128xf32, #tpu.memory_space<vmem_shared>>) target(%dma_start3A_98 : memref<624x128xf32, #tpu.memory_space<hbm>>) target_semaphore(%run_scoped3A_96 : memref<!tpu.dma_semaphore, #tpu.memory_space<semaphore_mem>>)
        %dma_wait3A_101 = arith.constant 0 : i32
        %dma_wait3A_102 = tpu.memref_slice %arg5[%mul3A_80, %dma_wait3A_101] : memref<10000x128xf32, #tpu.memory_space<hbm>> -> memref<624x128xf32, #tpu.memory_space<hbm>>
        %dma_wait3A_103 = arith.constant 0 : i32
        %dma_wait3A_104 = tpu.memref_slice %arg10[%mul3A_80, %dma_wait3A_103] : memref<10128x128xf32, #tpu.memory_space<vmem_shared>> -> memref<624x128xf32, #tpu.memory_space<vmem_shared>>
        tpu.wait_dma2 semaphore(%run_scoped3A_96 : memref<!tpu.dma_semaphore, #tpu.memory_space<semaphore_mem>>) src(%dma_wait3A_104 : memref<624x128xf32, #tpu.memory_space<vmem_shared>>) dst(%dma_wait3A_102 : memref<624x128xf32, #tpu.memory_space<hbm>>)
        tpu.yield
      }) : () -> ()
      %eq3A_91 = arith.constant 15 : i32
      %eq3A_92 = arith.cmpi eq, %arg1, %eq3A_91 : i32
      %convert_element_type3A_93 = arith.extui %eq3A_92 : i1 to i32
      %cond3A_94 = arith.constant 0 : i32
      %cond3A_95 = arith.cmpi ne, %convert_element_type3A_93, %cond3A_94 : i32
      scf.if %cond3A_95 {
        "tpu.region"() ({
          %run_scoped3A_96 = tpu.sem_alloc : memref<!tpu.dma_semaphore, #tpu.memory_space<semaphore_mem>>
          %dma_start3A_97 = arith.constant 9984 : i32
          %dma_start3A_98 = arith.constant 0 : i32
          %dma_start3A_99 = tpu.memref_slice %arg5[%dma_start3A_97, %dma_start3A_98] : memref<10000x128xf32, #tpu.memory_space<hbm>> -> memref<16x128xf32, #tpu.memory_space<hbm>>
          %dma_start3A_100 = arith.constant 9984 : i32
          %dma_start3A_101 = arith.constant 0 : i32
          %dma_start3A_102 = tpu.memref_slice %arg10[%dma_start3A_100, %dma_start3A_101] : memref<10128x128xf32, #tpu.memory_space<vmem_shared>> -> memref<16x128xf32, #tpu.memory_space<vmem_shared>>
          tpu.enqueue_dma source(%dma_start3A_102 : memref<16x128xf32, #tpu.memory_space<vmem_shared>>) target(%dma_start3A_99 : memref<16x128xf32, #tpu.memory_space<hbm>>) target_semaphore(%run_scoped3A_96 : memref<!tpu.dma_semaphore, #tpu.memory_space<semaphore_mem>>)
          %dma_wait3A_103 = arith.constant 9984 : i32
          %dma_wait3A_104 = arith.constant 0 : i32
          %dma_wait3A_105 = tpu.memref_slice %arg5[%dma_wait3A_103, %dma_wait3A_104] : memref<10000x128xf32, #tpu.memory_space<hbm>> -> memref<16x128xf32, #tpu.memory_space<hbm>>
          %dma_wait3A_106 = arith.constant 9984 : i32
          %dma_wait3A_107 = arith.constant 0 : i32
          %dma_wait3A_108 = tpu.memref_slice %arg10[%dma_wait3A_106, %dma_wait3A_107] : memref<10128x128xf32, #tpu.memory_space<vmem_shared>> -> memref<16x128xf32, #tpu.memory_space<vmem_shared>>
          tpu.wait_dma2 semaphore(%run_scoped3A_96 : memref<!tpu.dma_semaphore, #tpu.memory_space<semaphore_mem>>) src(%dma_wait3A_108 : memref<16x128xf32, #tpu.memory_space<vmem_shared>>) dst(%dma_wait3A_105 : memref<16x128xf32, #tpu.memory_space<hbm>>)
          tpu.yield
        }) : () -> ()
      } else {
      }
    } else {
    }
    return
  }
}

#map = affine_map<(d0, d1) -> (0, 0)>
#map1 = affine_map<(d0, d1) -> (0)>
#map2 = affine_map<(d0, d1) -> (0, 0, 0)>
module attributes {stable_mosaic.version = 14 : i64} {
  func.func @_segpool_body(%arg0: i32, %arg1: i32, %arg2: memref<10000x128xf32, #tpu.memory_space<hbm>>, %arg3: memref<10000xi32, #tpu.memory_space<hbm>>, %arg4: memref<32x64x128xf32, #tpu.memory_space<hbm>>, %arg5: memref<32x64x128xf32, #tpu.memory_space<hbm>>, %arg6: memref<32x64x16xf32, #tpu.memory_space<hbm>>, %arg7: memref<360xi32, #tpu.memory_space<vmem>>, %arg8: memref<328x128xf32, #tpu.memory_space<vmem>>, %arg9: memref<64x128xf32, #tpu.memory_space<vmem>>, %arg10: memref<64x128xf32, #tpu.memory_space<vmem>>, %arg11: memref<64x16xf32, #tpu.memory_space<vmem>>) attributes {dimension_semantics = [#tpu.dimension_semantics<core_parallel>, #tpu.dimension_semantics<subcore_parallel>], iteration_bounds = array<i64: 2, 16>, scalar_prefetch = 0 : i64, scratch_operands = 5 : i64, tpu.core_type = #tpu.core_type<sc_vector_subcore>, window_params = [{transform_indices = #map}, {transform_indices = #map1}, {transform_indices = #map2}, {transform_indices = #map2}, {transform_indices = #map2}]} {
    %mul3A = arith.constant 16 : i32
    %mul3A_0 = arith.muli %arg0, %mul3A : i32
    %add3A = arith.addi %mul3A_0, %arg1 : i32
    %mul3A_1 = arith.constant 312 : i32
    %mul3A_2 = arith.muli %add3A, %mul3A_1 : i32
    "tpu.region"() ({
      %run_scoped3A = tpu.sem_alloc : memref<!tpu.dma_semaphore, #tpu.memory_space<semaphore_mem>>
      %dma_start3A = arith.constant 0 : i32
      %dma_start3A_28 = tpu.memref_slice %arg7[%dma_start3A] : memref<360xi32, #tpu.memory_space<vmem>> -> memref<312xi32, #tpu.memory_space<vmem>>
      %dma_start3A_29 = tpu.memref_slice %arg3[%mul3A_2] : memref<10000xi32, #tpu.memory_space<hbm>> -> memref<312xi32, #tpu.memory_space<hbm>>
      %dma_start3A_30 = arith.constant 0 : i32
      %dma_start3A_31 = tpu.memref_slice %arg7[%dma_start3A_30] : memref<360xi32, #tpu.memory_space<vmem>> -> memref<312xi32, #tpu.memory_space<vmem>>
      %dma_start3A_32 = tpu.memref_slice %arg3[%mul3A_2] : memref<10000xi32, #tpu.memory_space<hbm>> -> memref<312xi32, #tpu.memory_space<hbm>>
      tpu.enqueue_dma source(%dma_start3A_32 : memref<312xi32, #tpu.memory_space<hbm>>) target(%dma_start3A_31 : memref<312xi32, #tpu.memory_space<vmem>>) target_semaphore(%run_scoped3A : memref<!tpu.dma_semaphore, #tpu.memory_space<semaphore_mem>>)
      %dma_wait3A = arith.constant 0 : i32
      %dma_wait3A_33 = tpu.memref_slice %arg7[%dma_wait3A] : memref<360xi32, #tpu.memory_space<vmem>> -> memref<312xi32, #tpu.memory_space<vmem>>
      %dma_wait3A_34 = tpu.memref_slice %arg3[%mul3A_2] : memref<10000xi32, #tpu.memory_space<hbm>> -> memref<312xi32, #tpu.memory_space<hbm>>
      %dma_wait3A_35 = arith.constant 0 : i32
      %dma_wait3A_36 = tpu.memref_slice %arg7[%dma_wait3A_35] : memref<360xi32, #tpu.memory_space<vmem>> -> memref<312xi32, #tpu.memory_space<vmem>>
      %dma_wait3A_37 = tpu.memref_slice %arg3[%mul3A_2] : memref<10000xi32, #tpu.memory_space<hbm>> -> memref<312xi32, #tpu.memory_space<hbm>>
      tpu.wait_dma2 semaphore(%run_scoped3A : memref<!tpu.dma_semaphore, #tpu.memory_space<semaphore_mem>>) src(%dma_wait3A_37 : memref<312xi32, #tpu.memory_space<hbm>>) dst(%dma_wait3A_36 : memref<312xi32, #tpu.memory_space<vmem>>)
      tpu.yield
    }) : () -> ()
    "tpu.region"() ({
      %run_scoped3A = tpu.sem_alloc : memref<!tpu.dma_semaphore, #tpu.memory_space<semaphore_mem>>
      %dma_start3A = arith.constant 0 : i32
      %dma_start3A_28 = arith.constant 0 : i32
      %dma_start3A_29 = tpu.memref_slice %arg8[%dma_start3A, %dma_start3A_28] : memref<328x128xf32, #tpu.memory_space<vmem>> -> memref<312x128xf32, #tpu.memory_space<vmem>>
      %dma_start3A_30 = arith.constant 0 : i32
      %dma_start3A_31 = tpu.memref_slice %arg2[%mul3A_2, %dma_start3A_30] : memref<10000x128xf32, #tpu.memory_space<hbm>> -> memref<312x128xf32, #tpu.memory_space<hbm>>
      %dma_start3A_32 = arith.constant 0 : i32
      %dma_start3A_33 = arith.constant 0 : i32
      %dma_start3A_34 = tpu.memref_slice %arg8[%dma_start3A_32, %dma_start3A_33] : memref<328x128xf32, #tpu.memory_space<vmem>> -> memref<312x128xf32, #tpu.memory_space<vmem>>
      %dma_start3A_35 = arith.constant 0 : i32
      %dma_start3A_36 = tpu.memref_slice %arg2[%mul3A_2, %dma_start3A_35] : memref<10000x128xf32, #tpu.memory_space<hbm>> -> memref<312x128xf32, #tpu.memory_space<hbm>>
      tpu.enqueue_dma source(%dma_start3A_36 : memref<312x128xf32, #tpu.memory_space<hbm>>) target(%dma_start3A_34 : memref<312x128xf32, #tpu.memory_space<vmem>>) target_semaphore(%run_scoped3A : memref<!tpu.dma_semaphore, #tpu.memory_space<semaphore_mem>>)
      %dma_wait3A = arith.constant 0 : i32
      %dma_wait3A_37 = arith.constant 0 : i32
      %dma_wait3A_38 = tpu.memref_slice %arg8[%dma_wait3A, %dma_wait3A_37] : memref<328x128xf32, #tpu.memory_space<vmem>> -> memref<312x128xf32, #tpu.memory_space<vmem>>
      %dma_wait3A_39 = arith.constant 0 : i32
      %dma_wait3A_40 = tpu.memref_slice %arg2[%mul3A_2, %dma_wait3A_39] : memref<10000x128xf32, #tpu.memory_space<hbm>> -> memref<312x128xf32, #tpu.memory_space<hbm>>
      %dma_wait3A_41 = arith.constant 0 : i32
      %dma_wait3A_42 = arith.constant 0 : i32
      %dma_wait3A_43 = tpu.memref_slice %arg8[%dma_wait3A_41, %dma_wait3A_42] : memref<328x128xf32, #tpu.memory_space<vmem>> -> memref<312x128xf32, #tpu.memory_space<vmem>>
      %dma_wait3A_44 = arith.constant 0 : i32
      %dma_wait3A_45 = tpu.memref_slice %arg2[%mul3A_2, %dma_wait3A_44] : memref<10000x128xf32, #tpu.memory_space<hbm>> -> memref<312x128xf32, #tpu.memory_space<hbm>>
      tpu.wait_dma2 semaphore(%run_scoped3A : memref<!tpu.dma_semaphore, #tpu.memory_space<semaphore_mem>>) src(%dma_wait3A_45 : memref<312x128xf32, #tpu.memory_space<hbm>>) dst(%dma_wait3A_43 : memref<312x128xf32, #tpu.memory_space<vmem>>)
      tpu.yield
    }) : () -> ()
    %eq3A = arith.constant 31 : i32
    %eq3A_3 = arith.cmpi eq, %add3A, %eq3A : i32
    %convert_element_type3A = arith.extui %eq3A_3 : i1 to i32
    %cond3A = arith.constant 0 : i32
    %cond3A_4 = arith.cmpi ne, %convert_element_type3A, %cond3A : i32
    scf.if %cond3A_4 {
      "tpu.region"() ({
        %run_scoped3A = tpu.sem_alloc : memref<!tpu.dma_semaphore, #tpu.memory_space<semaphore_mem>>
        %dma_start3A = arith.constant 312 : i32
        %dma_start3A_28 = tpu.memref_slice %arg7[%dma_start3A] : memref<360xi32, #tpu.memory_space<vmem>> -> memref<16xi32, #tpu.memory_space<vmem>>
        %dma_start3A_29 = arith.constant 9984 : i32
        %dma_start3A_30 = tpu.memref_slice %arg3[%dma_start3A_29] : memref<10000xi32, #tpu.memory_space<hbm>> -> memref<16xi32, #tpu.memory_space<hbm>>
        %dma_start3A_31 = arith.constant 312 : i32
        %dma_start3A_32 = tpu.memref_slice %arg7[%dma_start3A_31] : memref<360xi32, #tpu.memory_space<vmem>> -> memref<16xi32, #tpu.memory_space<vmem>>
        %dma_start3A_33 = arith.constant 9984 : i32
        %dma_start3A_34 = tpu.memref_slice %arg3[%dma_start3A_33] : memref<10000xi32, #tpu.memory_space<hbm>> -> memref<16xi32, #tpu.memory_space<hbm>>
        tpu.enqueue_dma source(%dma_start3A_34 : memref<16xi32, #tpu.memory_space<hbm>>) target(%dma_start3A_32 : memref<16xi32, #tpu.memory_space<vmem>>) target_semaphore(%run_scoped3A : memref<!tpu.dma_semaphore, #tpu.memory_space<semaphore_mem>>)
        %dma_wait3A = arith.constant 312 : i32
        %dma_wait3A_35 = tpu.memref_slice %arg7[%dma_wait3A] : memref<360xi32, #tpu.memory_space<vmem>> -> memref<16xi32, #tpu.memory_space<vmem>>
        %dma_wait3A_36 = arith.constant 9984 : i32
        %dma_wait3A_37 = tpu.memref_slice %arg3[%dma_wait3A_36] : memref<10000xi32, #tpu.memory_space<hbm>> -> memref<16xi32, #tpu.memory_space<hbm>>
        %dma_wait3A_38 = arith.constant 312 : i32
        %dma_wait3A_39 = tpu.memref_slice %arg7[%dma_wait3A_38] : memref<360xi32, #tpu.memory_space<vmem>> -> memref<16xi32, #tpu.memory_space<vmem>>
        %dma_wait3A_40 = arith.constant 9984 : i32
        %dma_wait3A_41 = tpu.memref_slice %arg3[%dma_wait3A_40] : memref<10000xi32, #tpu.memory_space<hbm>> -> memref<16xi32, #tpu.memory_space<hbm>>
        tpu.wait_dma2 semaphore(%run_scoped3A : memref<!tpu.dma_semaphore, #tpu.memory_space<semaphore_mem>>) src(%dma_wait3A_41 : memref<16xi32, #tpu.memory_space<hbm>>) dst(%dma_wait3A_39 : memref<16xi32, #tpu.memory_space<vmem>>)
        tpu.yield
      }) : () -> ()
      "tpu.region"() ({
        %run_scoped3A = tpu.sem_alloc : memref<!tpu.dma_semaphore, #tpu.memory_space<semaphore_mem>>
        %dma_start3A = arith.constant 312 : i32
        %dma_start3A_28 = arith.constant 0 : i32
        %dma_start3A_29 = tpu.memref_slice %arg8[%dma_start3A, %dma_start3A_28] : memref<328x128xf32, #tpu.memory_space<vmem>> -> memref<16x128xf32, #tpu.memory_space<vmem>>
        %dma_start3A_30 = arith.constant 9984 : i32
        %dma_start3A_31 = arith.constant 0 : i32
        %dma_start3A_32 = tpu.memref_slice %arg2[%dma_start3A_30, %dma_start3A_31] : memref<10000x128xf32, #tpu.memory_space<hbm>> -> memref<16x128xf32, #tpu.memory_space<hbm>>
        %dma_start3A_33 = arith.constant 312 : i32
        %dma_start3A_34 = arith.constant 0 : i32
        %dma_start3A_35 = tpu.memref_slice %arg8[%dma_start3A_33, %dma_start3A_34] : memref<328x128xf32, #tpu.memory_space<vmem>> -> memref<16x128xf32, #tpu.memory_space<vmem>>
        %dma_start3A_36 = arith.constant 9984 : i32
        %dma_start3A_37 = arith.constant 0 : i32
        %dma_start3A_38 = tpu.memref_slice %arg2[%dma_start3A_36, %dma_start3A_37] : memref<10000x128xf32, #tpu.memory_space<hbm>> -> memref<16x128xf32, #tpu.memory_space<hbm>>
        tpu.enqueue_dma source(%dma_start3A_38 : memref<16x128xf32, #tpu.memory_space<hbm>>) target(%dma_start3A_35 : memref<16x128xf32, #tpu.memory_space<vmem>>) target_semaphore(%run_scoped3A : memref<!tpu.dma_semaphore, #tpu.memory_space<semaphore_mem>>)
        %dma_wait3A = arith.constant 312 : i32
        %dma_wait3A_39 = arith.constant 0 : i32
        %dma_wait3A_40 = tpu.memref_slice %arg8[%dma_wait3A, %dma_wait3A_39] : memref<328x128xf32, #tpu.memory_space<vmem>> -> memref<16x128xf32, #tpu.memory_space<vmem>>
        %dma_wait3A_41 = arith.constant 9984 : i32
        %dma_wait3A_42 = arith.constant 0 : i32
        %dma_wait3A_43 = tpu.memref_slice %arg2[%dma_wait3A_41, %dma_wait3A_42] : memref<10000x128xf32, #tpu.memory_space<hbm>> -> memref<16x128xf32, #tpu.memory_space<hbm>>
        %dma_wait3A_44 = arith.constant 312 : i32
        %dma_wait3A_45 = arith.constant 0 : i32
        %dma_wait3A_46 = tpu.memref_slice %arg8[%dma_wait3A_44, %dma_wait3A_45] : memref<328x128xf32, #tpu.memory_space<vmem>> -> memref<16x128xf32, #tpu.memory_space<vmem>>
        %dma_wait3A_47 = arith.constant 9984 : i32
        %dma_wait3A_48 = arith.constant 0 : i32
        %dma_wait3A_49 = tpu.memref_slice %arg2[%dma_wait3A_47, %dma_wait3A_48] : memref<10000x128xf32, #tpu.memory_space<hbm>> -> memref<16x128xf32, #tpu.memory_space<hbm>>
        tpu.wait_dma2 semaphore(%run_scoped3A : memref<!tpu.dma_semaphore, #tpu.memory_space<semaphore_mem>>) src(%dma_wait3A_49 : memref<16x128xf32, #tpu.memory_space<hbm>>) dst(%dma_wait3A_46 : memref<16x128xf32, #tpu.memory_space<vmem>>)
        tpu.yield
      }) : () -> ()
    } else {
    }
    %broadcast_in_dim3A = arith.constant 0.000000e+00 : f32
    %broadcast_in_dim3A_5 = vector.broadcast %broadcast_in_dim3A : f32 to vector<16xf32>
    %broadcast_in_dim3A_6 = arith.constant 0xFF800000 : f32
    %broadcast_in_dim3A_7 = vector.broadcast %broadcast_in_dim3A_6 : f32 to vector<16xf32>
    %scan3A = arith.constant 0 : i32
    %scan3A_8 = arith.constant 0 : i32
    %scan3A_9 = arith.constant 64 : i32
    %scan3A_10 = arith.addi %scan3A_8, %scan3A_9 : i32
    %scan3A_11 = arith.constant 1 : i32
    %scan3A_12 = scf.for %scan3A_28 = %scan3A_8 to %scan3A_10 step %scan3A_11 iter_args(%scan3A_29 = %scan3A) -> (i32)  : i32 {
      %swap3A = arith.index_cast %scan3A_28 : i32 to index
      %swap3A_30 = arith.constant 0 : index
      %swap3A_31 = tpu.vector_load %arg9[%swap3A, %swap3A_30] {strides = array<i32>} : memref<64x128xf32, #tpu.memory_space<vmem>>, vector<1x16xf32>,
      %swap3A_32 = vector.shape_cast %swap3A_31 : vector<1x16xf32> to vector<16xf32>
      %swap3A_33 = vector.shape_cast %broadcast_in_dim3A_5 : vector<16xf32> to vector<1x16xf32>
      tpu.vector_store %arg9[%swap3A, %swap3A_30], %swap3A_33 {strides = array<i32>} : memref<64x128xf32, #tpu.memory_space<vmem>>, vector<1x16xf32>,
      %swap3A_34 = arith.index_cast %scan3A_28 : i32 to index
      %swap3A_35 = arith.constant 0 : index
      %swap3A_36 = tpu.vector_load %arg10[%swap3A_34, %swap3A_35] {strides = array<i32>} : memref<64x128xf32, #tpu.memory_space<vmem>>, vector<1x16xf32>,
      %swap3A_37 = vector.shape_cast %swap3A_36 : vector<1x16xf32> to vector<16xf32>
      %swap3A_38 = vector.shape_cast %broadcast_in_dim3A_7 : vector<16xf32> to vector<1x16xf32>
      tpu.vector_store %arg10[%swap3A_34, %swap3A_35], %swap3A_38 {strides = array<i32>} : memref<64x128xf32, #tpu.memory_space<vmem>>, vector<1x16xf32>,
      %swap3A_39 = arith.index_cast %scan3A_28 : i32 to index
      %swap3A_40 = arith.constant 16 : index
      %swap3A_41 = tpu.vector_load %arg9[%swap3A_39, %swap3A_40] {strides = array<i32>} : memref<64x128xf32, #tpu.memory_space<vmem>>, vector<1x16xf32>,
      %swap3A_42 = vector.shape_cast %swap3A_41 : vector<1x16xf32> to vector<16xf32>
      %swap3A_43 = vector.shape_cast %broadcast_in_dim3A_5 : vector<16xf32> to vector<1x16xf32>
      tpu.vector_store %arg9[%swap3A_39, %swap3A_40], %swap3A_43 {strides = array<i32>} : memref<64x128xf32, #tpu.memory_space<vmem>>, vector<1x16xf32>,
      %swap3A_44 = arith.index_cast %scan3A_28 : i32 to index
      %swap3A_45 = arith.constant 16 : index
      %swap3A_46 = tpu.vector_load %arg10[%swap3A_44, %swap3A_45] {strides = array<i32>} : memref<64x128xf32, #tpu.memory_space<vmem>>, vector<1x16xf32>,
      %swap3A_47 = vector.shape_cast %swap3A_46 : vector<1x16xf32> to vector<16xf32>
      %swap3A_48 = vector.shape_cast %broadcast_in_dim3A_7 : vector<16xf32> to vector<1x16xf32>
      tpu.vector_store %arg10[%swap3A_44, %swap3A_45], %swap3A_48 {strides = array<i32>} : memref<64x128xf32, #tpu.memory_space<vmem>>, vector<1x16xf32>,
      %swap3A_49 = arith.index_cast %scan3A_28 : i32 to index
      %swap3A_50 = arith.constant 32 : index
      %swap3A_51 = tpu.vector_load %arg9[%swap3A_49, %swap3A_50] {strides = array<i32>} : memref<64x128xf32, #tpu.memory_space<vmem>>, vector<1x16xf32>,
      %swap3A_52 = vector.shape_cast %swap3A_51 : vector<1x16xf32> to vector<16xf32>
      %swap3A_53 = vector.shape_cast %broadcast_in_dim3A_5 : vector<16xf32> to vector<1x16xf32>
      tpu.vector_store %arg9[%swap3A_49, %swap3A_50], %swap3A_53 {strides = array<i32>} : memref<64x128xf32, #tpu.memory_space<vmem>>, vector<1x16xf32>,
      %swap3A_54 = arith.index_cast %scan3A_28 : i32 to index
      %swap3A_55 = arith.constant 32 : index
      %swap3A_56 = tpu.vector_load %arg10[%swap3A_54, %swap3A_55] {strides = array<i32>} : memref<64x128xf32, #tpu.memory_space<vmem>>, vector<1x16xf32>,
      %swap3A_57 = vector.shape_cast %swap3A_56 : vector<1x16xf32> to vector<16xf32>
      %swap3A_58 = vector.shape_cast %broadcast_in_dim3A_7 : vector<16xf32> to vector<1x16xf32>
      tpu.vector_store %arg10[%swap3A_54, %swap3A_55], %swap3A_58 {strides = array<i32>} : memref<64x128xf32, #tpu.memory_space<vmem>>, vector<1x16xf32>,
      %swap3A_59 = arith.index_cast %scan3A_28 : i32 to index
      %swap3A_60 = arith.constant 48 : index
      %swap3A_61 = tpu.vector_load %arg9[%swap3A_59, %swap3A_60] {strides = array<i32>} : memref<64x128xf32, #tpu.memory_space<vmem>>, vector<1x16xf32>,
      %swap3A_62 = vector.shape_cast %swap3A_61 : vector<1x16xf32> to vector<16xf32>
      %swap3A_63 = vector.shape_cast %broadcast_in_dim3A_5 : vector<16xf32> to vector<1x16xf32>
      tpu.vector_store %arg9[%swap3A_59, %swap3A_60], %swap3A_63 {strides = array<i32>} : memref<64x128xf32, #tpu.memory_space<vmem>>, vector<1x16xf32>,
      %swap3A_64 = arith.index_cast %scan3A_28 : i32 to index
      %swap3A_65 = arith.constant 48 : index
      %swap3A_66 = tpu.vector_load %arg10[%swap3A_64, %swap3A_65] {strides = array<i32>} : memref<64x128xf32, #tpu.memory_space<vmem>>, vector<1x16xf32>,
      %swap3A_67 = vector.shape_cast %swap3A_66 : vector<1x16xf32> to vector<16xf32>
      %swap3A_68 = vector.shape_cast %broadcast_in_dim3A_7 : vector<16xf32> to vector<1x16xf32>
      tpu.vector_store %arg10[%swap3A_64, %swap3A_65], %swap3A_68 {strides = array<i32>} : memref<64x128xf32, #tpu.memory_space<vmem>>, vector<1x16xf32>,
      %swap3A_69 = arith.index_cast %scan3A_28 : i32 to index
      %swap3A_70 = arith.constant 64 : index
      %swap3A_71 = tpu.vector_load %arg9[%swap3A_69, %swap3A_70] {strides = array<i32>} : memref<64x128xf32, #tpu.memory_space<vmem>>, vector<1x16xf32>,
      %swap3A_72 = vector.shape_cast %swap3A_71 : vector<1x16xf32> to vector<16xf32>
      %swap3A_73 = vector.shape_cast %broadcast_in_dim3A_5 : vector<16xf32> to vector<1x16xf32>
      tpu.vector_store %arg9[%swap3A_69, %swap3A_70], %swap3A_73 {strides = array<i32>} : memref<64x128xf32, #tpu.memory_space<vmem>>, vector<1x16xf32>,
      %swap3A_74 = arith.index_cast %scan3A_28 : i32 to index
      %swap3A_75 = arith.constant 64 : index
      %swap3A_76 = tpu.vector_load %arg10[%swap3A_74, %swap3A_75] {strides = array<i32>} : memref<64x128xf32, #tpu.memory_space<vmem>>, vector<1x16xf32>,
      %swap3A_77 = vector.shape_cast %swap3A_76 : vector<1x16xf32> to vector<16xf32>
      %swap3A_78 = vector.shape_cast %broadcast_in_dim3A_7 : vector<16xf32> to vector<1x16xf32>
      tpu.vector_store %arg10[%swap3A_74, %swap3A_75], %swap3A_78 {strides = array<i32>} : memref<64x128xf32, #tpu.memory_space<vmem>>, vector<1x16xf32>,
      %swap3A_79 = arith.index_cast %scan3A_28 : i32 to index
      %swap3A_80 = arith.constant 80 : index
      %swap3A_81 = tpu.vector_load %arg9[%swap3A_79, %swap3A_80] {strides = array<i32>} : memref<64x128xf32, #tpu.memory_space<vmem>>, vector<1x16xf32>,
      %swap3A_82 = vector.shape_cast %swap3A_81 : vector<1x16xf32> to vector<16xf32>
      %swap3A_83 = vector.shape_cast %broadcast_in_dim3A_5 : vector<16xf32> to vector<1x16xf32>
      tpu.vector_store %arg9[%swap3A_79, %swap3A_80], %swap3A_83 {strides = array<i32>} : memref<64x128xf32, #tpu.memory_space<vmem>>, vector<1x16xf32>,
      %swap3A_84 = arith.index_cast %scan3A_28 : i32 to index
      %swap3A_85 = arith.constant 80 : index
      %swap3A_86 = tpu.vector_load %arg10[%swap3A_84, %swap3A_85] {strides = array<i32>} : memref<64x128xf32, #tpu.memory_space<vmem>>, vector<1x16xf32>,
      %swap3A_87 = vector.shape_cast %swap3A_86 : vector<1x16xf32> to vector<16xf32>
      %swap3A_88 = vector.shape_cast %broadcast_in_dim3A_7 : vector<16xf32> to vector<1x16xf32>
      tpu.vector_store %arg10[%swap3A_84, %swap3A_85], %swap3A_88 {strides = array<i32>} : memref<64x128xf32, #tpu.memory_space<vmem>>, vector<1x16xf32>,
      %swap3A_89 = arith.index_cast %scan3A_28 : i32 to index
      %swap3A_90 = arith.constant 96 : index
      %swap3A_91 = tpu.vector_load %arg9[%swap3A_89, %swap3A_90] {strides = array<i32>} : memref<64x128xf32, #tpu.memory_space<vmem>>, vector<1x16xf32>,
      %swap3A_92 = vector.shape_cast %swap3A_91 : vector<1x16xf32> to vector<16xf32>
      %swap3A_93 = vector.shape_cast %broadcast_in_dim3A_5 : vector<16xf32> to vector<1x16xf32>
      tpu.vector_store %arg9[%swap3A_89, %swap3A_90], %swap3A_93 {strides = array<i32>} : memref<64x128xf32, #tpu.memory_space<vmem>>, vector<1x16xf32>,
      %swap3A_94 = arith.index_cast %scan3A_28 : i32 to index
      %swap3A_95 = arith.constant 96 : index
      %swap3A_96 = tpu.vector_load %arg10[%swap3A_94, %swap3A_95] {strides = array<i32>} : memref<64x128xf32, #tpu.memory_space<vmem>>, vector<1x16xf32>,
      %swap3A_97 = vector.shape_cast %swap3A_96 : vector<1x16xf32> to vector<16xf32>
      %swap3A_98 = vector.shape_cast %broadcast_in_dim3A_7 : vector<16xf32> to vector<1x16xf32>
      tpu.vector_store %arg10[%swap3A_94, %swap3A_95], %swap3A_98 {strides = array<i32>} : memref<64x128xf32, #tpu.memory_space<vmem>>, vector<1x16xf32>,
      %swap3A_99 = arith.index_cast %scan3A_28 : i32 to index
      %swap3A_100 = arith.constant 112 : index
      %swap3A_101 = tpu.vector_load %arg9[%swap3A_99, %swap3A_100] {strides = array<i32>} : memref<64x128xf32, #tpu.memory_space<vmem>>, vector<1x16xf32>,
      %swap3A_102 = vector.shape_cast %swap3A_101 : vector<1x16xf32> to vector<16xf32>
      %swap3A_103 = vector.shape_cast %broadcast_in_dim3A_5 : vector<16xf32> to vector<1x16xf32>
      tpu.vector_store %arg9[%swap3A_99, %swap3A_100], %swap3A_103 {strides = array<i32>} : memref<64x128xf32, #tpu.memory_space<vmem>>, vector<1x16xf32>,
      %swap3A_104 = arith.index_cast %scan3A_28 : i32 to index
      %swap3A_105 = arith.constant 112 : index
      %swap3A_106 = tpu.vector_load %arg10[%swap3A_104, %swap3A_105] {strides = array<i32>} : memref<64x128xf32, #tpu.memory_space<vmem>>, vector<1x16xf32>,
      %swap3A_107 = vector.shape_cast %swap3A_106 : vector<1x16xf32> to vector<16xf32>
      %swap3A_108 = vector.shape_cast %broadcast_in_dim3A_7 : vector<16xf32> to vector<1x16xf32>
      tpu.vector_store %arg10[%swap3A_104, %swap3A_105], %swap3A_108 {strides = array<i32>} : memref<64x128xf32, #tpu.memory_space<vmem>>, vector<1x16xf32>,
      %swap3A_109 = arith.index_cast %scan3A_28 : i32 to index
      %swap3A_110 = arith.constant 0 : index
      %swap3A_111 = tpu.vector_load %arg11[%swap3A_109, %swap3A_110] {strides = array<i32>} : memref<64x16xf32, #tpu.memory_space<vmem>>, vector<1x16xf32>,
      %swap3A_112 = vector.shape_cast %swap3A_111 : vector<1x16xf32> to vector<16xf32>
      %swap3A_113 = vector.shape_cast %broadcast_in_dim3A_5 : vector<16xf32> to vector<1x16xf32>
      tpu.vector_store %arg11[%swap3A_109, %swap3A_110], %swap3A_113 {strides = array<i32>} : memref<64x16xf32, #tpu.memory_space<vmem>>, vector<1x16xf32>,
      %scan3A_114 = arith.constant 0 : i32
      scf.yield %scan3A_114 : i32
    }
    %scan3A_13 = arith.constant 64 : i32
    %broadcast_in_dim3A_14 = arith.constant 6.250000e-02 : f32
    %broadcast_in_dim3A_15 = vector.broadcast %broadcast_in_dim3A_14 : f32 to vector<16xf32>
    %scan3A_16 = arith.constant 0 : i32
    %scan3A_17 = arith.constant 0 : i32
    %scan3A_18 = arith.constant 312 : i32
    %scan3A_19 = arith.addi %scan3A_17, %scan3A_18 : i32
    %scan3A_20 = arith.constant 1 : i32
    %scan3A_21 = scf.for %scan3A_28 = %scan3A_17 to %scan3A_19 step %scan3A_20 iter_args(%scan3A_29 = %scan3A_16) -> (i32)  : i32 {
      %get3A = arith.index_cast %scan3A_28 : i32 to index
      %get3A_30 = tpu.vector_load %arg7[%get3A] {strides = array<i32>} : memref<360xi32, #tpu.memory_space<vmem>>, vector<16xi32>,
      %get3A_31 = vector.shape_cast %get3A_30 : vector<16xi32> to vector<16xi32>
      %slice3A = vector.extract_strided_slice %get3A_31 {offsets = [0], sizes = [1], strides = [1]} : vector<16xi32> to vector<1xi32>
      %squeeze3A = vector.extract %slice3A[0] : i32 from vector<1xi32>
      %get3A_32 = arith.index_cast %scan3A_28 : i32 to index
      %get3A_33 = arith.constant 0 : index
      %get3A_34 = tpu.vector_load %arg8[%get3A_32, %get3A_33] {strides = array<i32>} : memref<328x128xf32, #tpu.memory_space<vmem>>, vector<1x16xf32>,
      %get3A_35 = vector.shape_cast %get3A_34 : vector<1x16xf32> to vector<16xf32>
      %get3A_36 = arith.index_cast %squeeze3A : i32 to index
      %get3A_37 = arith.constant 0 : index
      %get3A_38 = tpu.vector_load %arg9[%get3A_36, %get3A_37] {strides = array<i32>} : memref<64x128xf32, #tpu.memory_space<vmem>>, vector<1x16xf32>,
      %get3A_39 = vector.shape_cast %get3A_38 : vector<1x16xf32> to vector<16xf32>
      %add3A_40 = arith.addf %get3A_39, %get3A_35 : vector<16xf32>
      %swap3A = arith.index_cast %squeeze3A : i32 to index
      %swap3A_41 = arith.constant 0 : index
      %swap3A_42 = tpu.vector_load %arg9[%swap3A, %swap3A_41] {strides = array<i32>} : memref<64x128xf32, #tpu.memory_space<vmem>>, vector<1x16xf32>,
      %swap3A_43 = vector.shape_cast %swap3A_42 : vector<1x16xf32> to vector<16xf32>
      %swap3A_44 = vector.shape_cast %add3A_40 : vector<16xf32> to vector<1x16xf32>
      tpu.vector_store %arg9[%swap3A, %swap3A_41], %swap3A_44 {strides = array<i32>} : memref<64x128xf32, #tpu.memory_space<vmem>>, vector<1x16xf32>,
      %get3A_45 = arith.index_cast %squeeze3A : i32 to index
      %get3A_46 = arith.constant 0 : index
      %get3A_47 = tpu.vector_load %arg10[%get3A_45, %get3A_46] {strides = array<i32>} : memref<64x128xf32, #tpu.memory_space<vmem>>, vector<1x16xf32>,
      %get3A_48 = vector.shape_cast %get3A_47 : vector<1x16xf32> to vector<16xf32>
      %max3A = arith.maximumf %get3A_48, %get3A_35 : vector<16xf32>
      %swap3A_49 = arith.index_cast %squeeze3A : i32 to index
      %swap3A_50 = arith.constant 0 : index
      %swap3A_51 = tpu.vector_load %arg10[%swap3A_49, %swap3A_50] {strides = array<i32>} : memref<64x128xf32, #tpu.memory_space<vmem>>, vector<1x16xf32>,
      %swap3A_52 = vector.shape_cast %swap3A_51 : vector<1x16xf32> to vector<16xf32>
      %swap3A_53 = vector.shape_cast %max3A : vector<16xf32> to vector<1x16xf32>
      tpu.vector_store %arg10[%swap3A_49, %swap3A_50], %swap3A_53 {strides = array<i32>} : memref<64x128xf32, #tpu.memory_space<vmem>>, vector<1x16xf32>,
      %get3A_54 = arith.index_cast %scan3A_28 : i32 to index
      %get3A_55 = arith.constant 16 : index
      %get3A_56 = tpu.vector_load %arg8[%get3A_54, %get3A_55] {strides = array<i32>} : memref<328x128xf32, #tpu.memory_space<vmem>>, vector<1x16xf32>,
      %get3A_57 = vector.shape_cast %get3A_56 : vector<1x16xf32> to vector<16xf32>
      %get3A_58 = arith.index_cast %squeeze3A : i32 to index
      %get3A_59 = arith.constant 16 : index
      %get3A_60 = tpu.vector_load %arg9[%get3A_58, %get3A_59] {strides = array<i32>} : memref<64x128xf32, #tpu.memory_space<vmem>>, vector<1x16xf32>,
      %get3A_61 = vector.shape_cast %get3A_60 : vector<1x16xf32> to vector<16xf32>
      %add3A_62 = arith.addf %get3A_61, %get3A_57 : vector<16xf32>
      %swap3A_63 = arith.index_cast %squeeze3A : i32 to index
      %swap3A_64 = arith.constant 16 : index
      %swap3A_65 = tpu.vector_load %arg9[%swap3A_63, %swap3A_64] {strides = array<i32>} : memref<64x128xf32, #tpu.memory_space<vmem>>, vector<1x16xf32>,
      %swap3A_66 = vector.shape_cast %swap3A_65 : vector<1x16xf32> to vector<16xf32>
      %swap3A_67 = vector.shape_cast %add3A_62 : vector<16xf32> to vector<1x16xf32>
      tpu.vector_store %arg9[%swap3A_63, %swap3A_64], %swap3A_67 {strides = array<i32>} : memref<64x128xf32, #tpu.memory_space<vmem>>, vector<1x16xf32>,
      %get3A_68 = arith.index_cast %squeeze3A : i32 to index
      %get3A_69 = arith.constant 16 : index
      %get3A_70 = tpu.vector_load %arg10[%get3A_68, %get3A_69] {strides = array<i32>} : memref<64x128xf32, #tpu.memory_space<vmem>>, vector<1x16xf32>,
      %get3A_71 = vector.shape_cast %get3A_70 : vector<1x16xf32> to vector<16xf32>
      %max3A_72 = arith.maximumf %get3A_71, %get3A_57 : vector<16xf32>
      %swap3A_73 = arith.index_cast %squeeze3A : i32 to index
      %swap3A_74 = arith.constant 16 : index
      %swap3A_75 = tpu.vector_load %arg10[%swap3A_73, %swap3A_74] {strides = array<i32>} : memref<64x128xf32, #tpu.memory_space<vmem>>, vector<1x16xf32>,
      %swap3A_76 = vector.shape_cast %swap3A_75 : vector<1x16xf32> to vector<16xf32>
      %swap3A_77 = vector.shape_cast %max3A_72 : vector<16xf32> to vector<1x16xf32>
      tpu.vector_store %arg10[%swap3A_73, %swap3A_74], %swap3A_77 {strides = array<i32>} : memref<64x128xf32, #tpu.memory_space<vmem>>, vector<1x16xf32>,
      %get3A_78 = arith.index_cast %scan3A_28 : i32 to index
      %get3A_79 = arith.constant 32 : index
      %get3A_80 = tpu.vector_load %arg8[%get3A_78, %get3A_79] {strides = array<i32>} : memref<328x128xf32, #tpu.memory_space<vmem>>, vector<1x16xf32>,
      %get3A_81 = vector.shape_cast %get3A_80 : vector<1x16xf32> to vector<16xf32>
      %get3A_82 = arith.index_cast %squeeze3A : i32 to index
      %get3A_83 = arith.constant 32 : index
      %get3A_84 = tpu.vector_load %arg9[%get3A_82, %get3A_83] {strides = array<i32>} : memref<64x128xf32, #tpu.memory_space<vmem>>, vector<1x16xf32>,
      %get3A_85 = vector.shape_cast %get3A_84 : vector<1x16xf32> to vector<16xf32>
      %add3A_86 = arith.addf %get3A_85, %get3A_81 : vector<16xf32>
      %swap3A_87 = arith.index_cast %squeeze3A : i32 to index
      %swap3A_88 = arith.constant 32 : index
      %swap3A_89 = tpu.vector_load %arg9[%swap3A_87, %swap3A_88] {strides = array<i32>} : memref<64x128xf32, #tpu.memory_space<vmem>>, vector<1x16xf32>,
      %swap3A_90 = vector.shape_cast %swap3A_89 : vector<1x16xf32> to vector<16xf32>
      %swap3A_91 = vector.shape_cast %add3A_86 : vector<16xf32> to vector<1x16xf32>
      tpu.vector_store %arg9[%swap3A_87, %swap3A_88], %swap3A_91 {strides = array<i32>} : memref<64x128xf32, #tpu.memory_space<vmem>>, vector<1x16xf32>,
      %get3A_92 = arith.index_cast %squeeze3A : i32 to index
      %get3A_93 = arith.constant 32 : index
      %get3A_94 = tpu.vector_load %arg10[%get3A_92, %get3A_93] {strides = array<i32>} : memref<64x128xf32, #tpu.memory_space<vmem>>, vector<1x16xf32>,
      %get3A_95 = vector.shape_cast %get3A_94 : vector<1x16xf32> to vector<16xf32>
      %max3A_96 = arith.maximumf %get3A_95, %get3A_81 : vector<16xf32>
      %swap3A_97 = arith.index_cast %squeeze3A : i32 to index
      %swap3A_98 = arith.constant 32 : index
      %swap3A_99 = tpu.vector_load %arg10[%swap3A_97, %swap3A_98] {strides = array<i32>} : memref<64x128xf32, #tpu.memory_space<vmem>>, vector<1x16xf32>,
      %swap3A_100 = vector.shape_cast %swap3A_99 : vector<1x16xf32> to vector<16xf32>
      %swap3A_101 = vector.shape_cast %max3A_96 : vector<16xf32> to vector<1x16xf32>
      tpu.vector_store %arg10[%swap3A_97, %swap3A_98], %swap3A_101 {strides = array<i32>} : memref<64x128xf32, #tpu.memory_space<vmem>>, vector<1x16xf32>,
      %get3A_102 = arith.index_cast %scan3A_28 : i32 to index
      %get3A_103 = arith.constant 48 : index
      %get3A_104 = tpu.vector_load %arg8[%get3A_102, %get3A_103] {strides = array<i32>} : memref<328x128xf32, #tpu.memory_space<vmem>>, vector<1x16xf32>,
      %get3A_105 = vector.shape_cast %get3A_104 : vector<1x16xf32> to vector<16xf32>
      %get3A_106 = arith.index_cast %squeeze3A : i32 to index
      %get3A_107 = arith.constant 48 : index
      %get3A_108 = tpu.vector_load %arg9[%get3A_106, %get3A_107] {strides = array<i32>} : memref<64x128xf32, #tpu.memory_space<vmem>>, vector<1x16xf32>,
      %get3A_109 = vector.shape_cast %get3A_108 : vector<1x16xf32> to vector<16xf32>
      %add3A_110 = arith.addf %get3A_109, %get3A_105 : vector<16xf32>
      %swap3A_111 = arith.index_cast %squeeze3A : i32 to index
      %swap3A_112 = arith.constant 48 : index
      %swap3A_113 = tpu.vector_load %arg9[%swap3A_111, %swap3A_112] {strides = array<i32>} : memref<64x128xf32, #tpu.memory_space<vmem>>, vector<1x16xf32>,
      %swap3A_114 = vector.shape_cast %swap3A_113 : vector<1x16xf32> to vector<16xf32>
      %swap3A_115 = vector.shape_cast %add3A_110 : vector<16xf32> to vector<1x16xf32>
      tpu.vector_store %arg9[%swap3A_111, %swap3A_112], %swap3A_115 {strides = array<i32>} : memref<64x128xf32, #tpu.memory_space<vmem>>, vector<1x16xf32>,
      %get3A_116 = arith.index_cast %squeeze3A : i32 to index
      %get3A_117 = arith.constant 48 : index
      %get3A_118 = tpu.vector_load %arg10[%get3A_116, %get3A_117] {strides = array<i32>} : memref<64x128xf32, #tpu.memory_space<vmem>>, vector<1x16xf32>,
      %get3A_119 = vector.shape_cast %get3A_118 : vector<1x16xf32> to vector<16xf32>
      %max3A_120 = arith.maximumf %get3A_119, %get3A_105 : vector<16xf32>
      %swap3A_121 = arith.index_cast %squeeze3A : i32 to index
      %swap3A_122 = arith.constant 48 : index
      %swap3A_123 = tpu.vector_load %arg10[%swap3A_121, %swap3A_122] {strides = array<i32>} : memref<64x128xf32, #tpu.memory_space<vmem>>, vector<1x16xf32>,
      %swap3A_124 = vector.shape_cast %swap3A_123 : vector<1x16xf32> to vector<16xf32>
      %swap3A_125 = vector.shape_cast %max3A_120 : vector<16xf32> to vector<1x16xf32>
      tpu.vector_store %arg10[%swap3A_121, %swap3A_122], %swap3A_125 {strides = array<i32>} : memref<64x128xf32, #tpu.memory_space<vmem>>, vector<1x16xf32>,
      %get3A_126 = arith.index_cast %scan3A_28 : i32 to index
      %get3A_127 = arith.constant 64 : index
      %get3A_128 = tpu.vector_load %arg8[%get3A_126, %get3A_127] {strides = array<i32>} : memref<328x128xf32, #tpu.memory_space<vmem>>, vector<1x16xf32>,
      %get3A_129 = vector.shape_cast %get3A_128 : vector<1x16xf32> to vector<16xf32>
      %get3A_130 = arith.index_cast %squeeze3A : i32 to index
      %get3A_131 = arith.constant 64 : index
      %get3A_132 = tpu.vector_load %arg9[%get3A_130, %get3A_131] {strides = array<i32>} : memref<64x128xf32, #tpu.memory_space<vmem>>, vector<1x16xf32>,
      %get3A_133 = vector.shape_cast %get3A_132 : vector<1x16xf32> to vector<16xf32>
      %add3A_134 = arith.addf %get3A_133, %get3A_129 : vector<16xf32>
      %swap3A_135 = arith.index_cast %squeeze3A : i32 to index
      %swap3A_136 = arith.constant 64 : index
      %swap3A_137 = tpu.vector_load %arg9[%swap3A_135, %swap3A_136] {strides = array<i32>} : memref<64x128xf32, #tpu.memory_space<vmem>>, vector<1x16xf32>,
      %swap3A_138 = vector.shape_cast %swap3A_137 : vector<1x16xf32> to vector<16xf32>
      %swap3A_139 = vector.shape_cast %add3A_134 : vector<16xf32> to vector<1x16xf32>
      tpu.vector_store %arg9[%swap3A_135, %swap3A_136], %swap3A_139 {strides = array<i32>} : memref<64x128xf32, #tpu.memory_space<vmem>>, vector<1x16xf32>,
      %get3A_140 = arith.index_cast %squeeze3A : i32 to index
      %get3A_141 = arith.constant 64 : index
      %get3A_142 = tpu.vector_load %arg10[%get3A_140, %get3A_141] {strides = array<i32>} : memref<64x128xf32, #tpu.memory_space<vmem>>, vector<1x16xf32>,
      %get3A_143 = vector.shape_cast %get3A_142 : vector<1x16xf32> to vector<16xf32>
      %max3A_144 = arith.maximumf %get3A_143, %get3A_129 : vector<16xf32>
      %swap3A_145 = arith.index_cast %squeeze3A : i32 to index
      %swap3A_146 = arith.constant 64 : index
      %swap3A_147 = tpu.vector_load %arg10[%swap3A_145, %swap3A_146] {strides = array<i32>} : memref<64x128xf32, #tpu.memory_space<vmem>>, vector<1x16xf32>,
      %swap3A_148 = vector.shape_cast %swap3A_147 : vector<1x16xf32> to vector<16xf32>
      %swap3A_149 = vector.shape_cast %max3A_144 : vector<16xf32> to vector<1x16xf32>
      tpu.vector_store %arg10[%swap3A_145, %swap3A_146], %swap3A_149 {strides = array<i32>} : memref<64x128xf32, #tpu.memory_space<vmem>>, vector<1x16xf32>,
      %get3A_150 = arith.index_cast %scan3A_28 : i32 to index
      %get3A_151 = arith.constant 80 : index
      %get3A_152 = tpu.vector_load %arg8[%get3A_150, %get3A_151] {strides = array<i32>} : memref<328x128xf32, #tpu.memory_space<vmem>>, vector<1x16xf32>,
      %get3A_153 = vector.shape_cast %get3A_152 : vector<1x16xf32> to vector<16xf32>
      %get3A_154 = arith.index_cast %squeeze3A : i32 to index
      %get3A_155 = arith.constant 80 : index
      %get3A_156 = tpu.vector_load %arg9[%get3A_154, %get3A_155] {strides = array<i32>} : memref<64x128xf32, #tpu.memory_space<vmem>>, vector<1x16xf32>,
      %get3A_157 = vector.shape_cast %get3A_156 : vector<1x16xf32> to vector<16xf32>
      %add3A_158 = arith.addf %get3A_157, %get3A_153 : vector<16xf32>
      %swap3A_159 = arith.index_cast %squeeze3A : i32 to index
      %swap3A_160 = arith.constant 80 : index
      %swap3A_161 = tpu.vector_load %arg9[%swap3A_159, %swap3A_160] {strides = array<i32>} : memref<64x128xf32, #tpu.memory_space<vmem>>, vector<1x16xf32>,
      %swap3A_162 = vector.shape_cast %swap3A_161 : vector<1x16xf32> to vector<16xf32>
      %swap3A_163 = vector.shape_cast %add3A_158 : vector<16xf32> to vector<1x16xf32>
      tpu.vector_store %arg9[%swap3A_159, %swap3A_160], %swap3A_163 {strides = array<i32>} : memref<64x128xf32, #tpu.memory_space<vmem>>, vector<1x16xf32>,
      %get3A_164 = arith.index_cast %squeeze3A : i32 to index
      %get3A_165 = arith.constant 80 : index
      %get3A_166 = tpu.vector_load %arg10[%get3A_164, %get3A_165] {strides = array<i32>} : memref<64x128xf32, #tpu.memory_space<vmem>>, vector<1x16xf32>,
      %get3A_167 = vector.shape_cast %get3A_166 : vector<1x16xf32> to vector<16xf32>
      %max3A_168 = arith.maximumf %get3A_167, %get3A_153 : vector<16xf32>
      %swap3A_169 = arith.index_cast %squeeze3A : i32 to index
      %swap3A_170 = arith.constant 80 : index
      %swap3A_171 = tpu.vector_load %arg10[%swap3A_169, %swap3A_170] {strides = array<i32>} : memref<64x128xf32, #tpu.memory_space<vmem>>, vector<1x16xf32>,
      %swap3A_172 = vector.shape_cast %swap3A_171 : vector<1x16xf32> to vector<16xf32>
      %swap3A_173 = vector.shape_cast %max3A_168 : vector<16xf32> to vector<1x16xf32>
      tpu.vector_store %arg10[%swap3A_169, %swap3A_170], %swap3A_173 {strides = array<i32>} : memref<64x128xf32, #tpu.memory_space<vmem>>, vector<1x16xf32>,
      %get3A_174 = arith.index_cast %scan3A_28 : i32 to index
      %get3A_175 = arith.constant 96 : index
      %get3A_176 = tpu.vector_load %arg8[%get3A_174, %get3A_175] {strides = array<i32>} : memref<328x128xf32, #tpu.memory_space<vmem>>, vector<1x16xf32>,
      %get3A_177 = vector.shape_cast %get3A_176 : vector<1x16xf32> to vector<16xf32>
      %get3A_178 = arith.index_cast %squeeze3A : i32 to index
      %get3A_179 = arith.constant 96 : index
      %get3A_180 = tpu.vector_load %arg9[%get3A_178, %get3A_179] {strides = array<i32>} : memref<64x128xf32, #tpu.memory_space<vmem>>, vector<1x16xf32>,
      %get3A_181 = vector.shape_cast %get3A_180 : vector<1x16xf32> to vector<16xf32>
      %add3A_182 = arith.addf %get3A_181, %get3A_177 : vector<16xf32>
      %swap3A_183 = arith.index_cast %squeeze3A : i32 to index
      %swap3A_184 = arith.constant 96 : index
      %swap3A_185 = tpu.vector_load %arg9[%swap3A_183, %swap3A_184] {strides = array<i32>} : memref<64x128xf32, #tpu.memory_space<vmem>>, vector<1x16xf32>,
      %swap3A_186 = vector.shape_cast %swap3A_185 : vector<1x16xf32> to vector<16xf32>
      %swap3A_187 = vector.shape_cast %add3A_182 : vector<16xf32> to vector<1x16xf32>
      tpu.vector_store %arg9[%swap3A_183, %swap3A_184], %swap3A_187 {strides = array<i32>} : memref<64x128xf32, #tpu.memory_space<vmem>>, vector<1x16xf32>,
      %get3A_188 = arith.index_cast %squeeze3A : i32 to index
      %get3A_189 = arith.constant 96 : index
      %get3A_190 = tpu.vector_load %arg10[%get3A_188, %get3A_189] {strides = array<i32>} : memref<64x128xf32, #tpu.memory_space<vmem>>, vector<1x16xf32>,
      %get3A_191 = vector.shape_cast %get3A_190 : vector<1x16xf32> to vector<16xf32>
      %max3A_192 = arith.maximumf %get3A_191, %get3A_177 : vector<16xf32>
      %swap3A_193 = arith.index_cast %squeeze3A : i32 to index
      %swap3A_194 = arith.constant 96 : index
      %swap3A_195 = tpu.vector_load %arg10[%swap3A_193, %swap3A_194] {strides = array<i32>} : memref<64x128xf32, #tpu.memory_space<vmem>>, vector<1x16xf32>,
      %swap3A_196 = vector.shape_cast %swap3A_195 : vector<1x16xf32> to vector<16xf32>
      %swap3A_197 = vector.shape_cast %max3A_192 : vector<16xf32> to vector<1x16xf32>
      tpu.vector_store %arg10[%swap3A_193, %swap3A_194], %swap3A_197 {strides = array<i32>} : memref<64x128xf32, #tpu.memory_space<vmem>>, vector<1x16xf32>,
      %get3A_198 = arith.index_cast %scan3A_28 : i32 to index
      %get3A_199 = arith.constant 112 : index
      %get3A_200 = tpu.vector_load %arg8[%get3A_198, %get3A_199] {strides = array<i32>} : memref<328x128xf32, #tpu.memory_space<vmem>>, vector<1x16xf32>,
      %get3A_201 = vector.shape_cast %get3A_200 : vector<1x16xf32> to vector<16xf32>
      %get3A_202 = arith.index_cast %squeeze3A : i32 to index
      %get3A_203 = arith.constant 112 : index
      %get3A_204 = tpu.vector_load %arg9[%get3A_202, %get3A_203] {strides = array<i32>} : memref<64x128xf32, #tpu.memory_space<vmem>>, vector<1x16xf32>,
      %get3A_205 = vector.shape_cast %get3A_204 : vector<1x16xf32> to vector<16xf32>
      %add3A_206 = arith.addf %get3A_205, %get3A_201 : vector<16xf32>
      %swap3A_207 = arith.index_cast %squeeze3A : i32 to index
      %swap3A_208 = arith.constant 112 : index
      %swap3A_209 = tpu.vector_load %arg9[%swap3A_207, %swap3A_208] {strides = array<i32>} : memref<64x128xf32, #tpu.memory_space<vmem>>, vector<1x16xf32>,
      %swap3A_210 = vector.shape_cast %swap3A_209 : vector<1x16xf32> to vector<16xf32>
      %swap3A_211 = vector.shape_cast %add3A_206 : vector<16xf32> to vector<1x16xf32>
      tpu.vector_store %arg9[%swap3A_207, %swap3A_208], %swap3A_211 {strides = array<i32>} : memref<64x128xf32, #tpu.memory_space<vmem>>, vector<1x16xf32>,
      %get3A_212 = arith.index_cast %squeeze3A : i32 to index
      %get3A_213 = arith.constant 112 : index
      %get3A_214 = tpu.vector_load %arg10[%get3A_212, %get3A_213] {strides = array<i32>} : memref<64x128xf32, #tpu.memory_space<vmem>>, vector<1x16xf32>,
      %get3A_215 = vector.shape_cast %get3A_214 : vector<1x16xf32> to vector<16xf32>
      %max3A_216 = arith.maximumf %get3A_215, %get3A_201 : vector<16xf32>
      %swap3A_217 = arith.index_cast %squeeze3A : i32 to index
      %swap3A_218 = arith.constant 112 : index
      %swap3A_219 = tpu.vector_load %arg10[%swap3A_217, %swap3A_218] {strides = array<i32>} : memref<64x128xf32, #tpu.memory_space<vmem>>, vector<1x16xf32>,
      %swap3A_220 = vector.shape_cast %swap3A_219 : vector<1x16xf32> to vector<16xf32>
      %swap3A_221 = vector.shape_cast %max3A_216 : vector<16xf32> to vector<1x16xf32>
      tpu.vector_store %arg10[%swap3A_217, %swap3A_218], %swap3A_221 {strides = array<i32>} : memref<64x128xf32, #tpu.memory_space<vmem>>, vector<1x16xf32>,
      %get3A_222 = arith.index_cast %squeeze3A : i32 to index
      %get3A_223 = arith.constant 0 : index
      %get3A_224 = tpu.vector_load %arg11[%get3A_222, %get3A_223] {strides = array<i32>} : memref<64x16xf32, #tpu.memory_space<vmem>>, vector<1x16xf32>,
      %get3A_225 = vector.shape_cast %get3A_224 : vector<1x16xf32> to vector<16xf32>
      %add3A_226 = arith.addf %get3A_225, %broadcast_in_dim3A_15 : vector<16xf32>
      %swap3A_227 = arith.index_cast %squeeze3A : i32 to index
      %swap3A_228 = arith.constant 0 : index
      %swap3A_229 = tpu.vector_load %arg11[%swap3A_227, %swap3A_228] {strides = array<i32>} : memref<64x16xf32, #tpu.memory_space<vmem>>, vector<1x16xf32>,
      %swap3A_230 = vector.shape_cast %swap3A_229 : vector<1x16xf32> to vector<16xf32>
      %swap3A_231 = vector.shape_cast %add3A_226 : vector<16xf32> to vector<1x16xf32>
      tpu.vector_store %arg11[%swap3A_227, %swap3A_228], %swap3A_231 {strides = array<i32>} : memref<64x16xf32, #tpu.memory_space<vmem>>, vector<1x16xf32>,
      %scan3A_232 = arith.constant 0 : i32
      scf.yield %scan3A_232 : i32
    }
    %scan3A_22 = arith.constant 312 : i32
    %eq3A_23 = arith.constant 31 : i32
    %eq3A_24 = arith.cmpi eq, %add3A, %eq3A_23 : i32
    %convert_element_type3A_25 = arith.extui %eq3A_24 : i1 to i32
    %cond3A_26 = arith.constant 0 : i32
    %cond3A_27 = arith.cmpi ne, %convert_element_type3A_25, %cond3A_26 : i32
    scf.if %cond3A_27 {
      %scan3A_28 = arith.constant 0 : i32
      %scan3A_29 = arith.constant 312 : i32
      %scan3A_30 = arith.constant 16 : i32
      %scan3A_31 = arith.addi %scan3A_29, %scan3A_30 : i32
      %scan3A_32 = arith.constant 1 : i32
      %scan3A_33 = scf.for %scan3A_35 = %scan3A_29 to %scan3A_31 step %scan3A_32 iter_args(%scan3A_36 = %scan3A_28) -> (i32)  : i32 {
        %get3A = arith.index_cast %scan3A_35 : i32 to index
        %get3A_37 = tpu.vector_load %arg7[%get3A] {strides = array<i32>} : memref<360xi32, #tpu.memory_space<vmem>>, vector<16xi32>,
        %get3A_38 = vector.shape_cast %get3A_37 : vector<16xi32> to vector<16xi32>
        %slice3A = vector.extract_strided_slice %get3A_38 {offsets = [0], sizes = [1], strides = [1]} : vector<16xi32> to vector<1xi32>
        %squeeze3A = vector.extract %slice3A[0] : i32 from vector<1xi32>
        %get3A_39 = arith.index_cast %scan3A_35 : i32 to index
        %get3A_40 = arith.constant 0 : index
        %get3A_41 = tpu.vector_load %arg8[%get3A_39, %get3A_40] {strides = array<i32>} : memref<328x128xf32, #tpu.memory_space<vmem>>, vector<1x16xf32>,
        %get3A_42 = vector.shape_cast %get3A_41 : vector<1x16xf32> to vector<16xf32>
        %get3A_43 = arith.index_cast %squeeze3A : i32 to index
        %get3A_44 = arith.constant 0 : index
        %get3A_45 = tpu.vector_load %arg9[%get3A_43, %get3A_44] {strides = array<i32>} : memref<64x128xf32, #tpu.memory_space<vmem>>, vector<1x16xf32>,
        %get3A_46 = vector.shape_cast %get3A_45 : vector<1x16xf32> to vector<16xf32>
        %add3A_47 = arith.addf %get3A_46, %get3A_42 : vector<16xf32>
        %swap3A = arith.index_cast %squeeze3A : i32 to index
        %swap3A_48 = arith.constant 0 : index
        %swap3A_49 = tpu.vector_load %arg9[%swap3A, %swap3A_48] {strides = array<i32>} : memref<64x128xf32, #tpu.memory_space<vmem>>, vector<1x16xf32>,
        %swap3A_50 = vector.shape_cast %swap3A_49 : vector<1x16xf32> to vector<16xf32>
        %swap3A_51 = vector.shape_cast %add3A_47 : vector<16xf32> to vector<1x16xf32>
        tpu.vector_store %arg9[%swap3A, %swap3A_48], %swap3A_51 {strides = array<i32>} : memref<64x128xf32, #tpu.memory_space<vmem>>, vector<1x16xf32>,
        %get3A_52 = arith.index_cast %squeeze3A : i32 to index
        %get3A_53 = arith.constant 0 : index
        %get3A_54 = tpu.vector_load %arg10[%get3A_52, %get3A_53] {strides = array<i32>} : memref<64x128xf32, #tpu.memory_space<vmem>>, vector<1x16xf32>,
        %get3A_55 = vector.shape_cast %get3A_54 : vector<1x16xf32> to vector<16xf32>
        %max3A = arith.maximumf %get3A_55, %get3A_42 : vector<16xf32>
        %swap3A_56 = arith.index_cast %squeeze3A : i32 to index
        %swap3A_57 = arith.constant 0 : index
        %swap3A_58 = tpu.vector_load %arg10[%swap3A_56, %swap3A_57] {strides = array<i32>} : memref<64x128xf32, #tpu.memory_space<vmem>>, vector<1x16xf32>,
        %swap3A_59 = vector.shape_cast %swap3A_58 : vector<1x16xf32> to vector<16xf32>
        %swap3A_60 = vector.shape_cast %max3A : vector<16xf32> to vector<1x16xf32>
        tpu.vector_store %arg10[%swap3A_56, %swap3A_57], %swap3A_60 {strides = array<i32>} : memref<64x128xf32, #tpu.memory_space<vmem>>, vector<1x16xf32>,
        %get3A_61 = arith.index_cast %scan3A_35 : i32 to index
        %get3A_62 = arith.constant 16 : index
        %get3A_63 = tpu.vector_load %arg8[%get3A_61, %get3A_62] {strides = array<i32>} : memref<328x128xf32, #tpu.memory_space<vmem>>, vector<1x16xf32>,
        %get3A_64 = vector.shape_cast %get3A_63 : vector<1x16xf32> to vector<16xf32>
        %get3A_65 = arith.index_cast %squeeze3A : i32 to index
        %get3A_66 = arith.constant 16 : index
        %get3A_67 = tpu.vector_load %arg9[%get3A_65, %get3A_66] {strides = array<i32>} : memref<64x128xf32, #tpu.memory_space<vmem>>, vector<1x16xf32>,
        %get3A_68 = vector.shape_cast %get3A_67 : vector<1x16xf32> to vector<16xf32>
        %add3A_69 = arith.addf %get3A_68, %get3A_64 : vector<16xf32>
        %swap3A_70 = arith.index_cast %squeeze3A : i32 to index
        %swap3A_71 = arith.constant 16 : index
        %swap3A_72 = tpu.vector_load %arg9[%swap3A_70, %swap3A_71] {strides = array<i32>} : memref<64x128xf32, #tpu.memory_space<vmem>>, vector<1x16xf32>,
        %swap3A_73 = vector.shape_cast %swap3A_72 : vector<1x16xf32> to vector<16xf32>
        %swap3A_74 = vector.shape_cast %add3A_69 : vector<16xf32> to vector<1x16xf32>
        tpu.vector_store %arg9[%swap3A_70, %swap3A_71], %swap3A_74 {strides = array<i32>} : memref<64x128xf32, #tpu.memory_space<vmem>>, vector<1x16xf32>,
        %get3A_75 = arith.index_cast %squeeze3A : i32 to index
        %get3A_76 = arith.constant 16 : index
        %get3A_77 = tpu.vector_load %arg10[%get3A_75, %get3A_76] {strides = array<i32>} : memref<64x128xf32, #tpu.memory_space<vmem>>, vector<1x16xf32>,
        %get3A_78 = vector.shape_cast %get3A_77 : vector<1x16xf32> to vector<16xf32>
        %max3A_79 = arith.maximumf %get3A_78, %get3A_64 : vector<16xf32>
        %swap3A_80 = arith.index_cast %squeeze3A : i32 to index
        %swap3A_81 = arith.constant 16 : index
        %swap3A_82 = tpu.vector_load %arg10[%swap3A_80, %swap3A_81] {strides = array<i32>} : memref<64x128xf32, #tpu.memory_space<vmem>>, vector<1x16xf32>,
        %swap3A_83 = vector.shape_cast %swap3A_82 : vector<1x16xf32> to vector<16xf32>
        %swap3A_84 = vector.shape_cast %max3A_79 : vector<16xf32> to vector<1x16xf32>
        tpu.vector_store %arg10[%swap3A_80, %swap3A_81], %swap3A_84 {strides = array<i32>} : memref<64x128xf32, #tpu.memory_space<vmem>>, vector<1x16xf32>,
        %get3A_85 = arith.index_cast %scan3A_35 : i32 to index
        %get3A_86 = arith.constant 32 : index
        %get3A_87 = tpu.vector_load %arg8[%get3A_85, %get3A_86] {strides = array<i32>} : memref<328x128xf32, #tpu.memory_space<vmem>>, vector<1x16xf32>,
        %get3A_88 = vector.shape_cast %get3A_87 : vector<1x16xf32> to vector<16xf32>
        %get3A_89 = arith.index_cast %squeeze3A : i32 to index
        %get3A_90 = arith.constant 32 : index
        %get3A_91 = tpu.vector_load %arg9[%get3A_89, %get3A_90] {strides = array<i32>} : memref<64x128xf32, #tpu.memory_space<vmem>>, vector<1x16xf32>,
        %get3A_92 = vector.shape_cast %get3A_91 : vector<1x16xf32> to vector<16xf32>
        %add3A_93 = arith.addf %get3A_92, %get3A_88 : vector<16xf32>
        %swap3A_94 = arith.index_cast %squeeze3A : i32 to index
        %swap3A_95 = arith.constant 32 : index
        %swap3A_96 = tpu.vector_load %arg9[%swap3A_94, %swap3A_95] {strides = array<i32>} : memref<64x128xf32, #tpu.memory_space<vmem>>, vector<1x16xf32>,
        %swap3A_97 = vector.shape_cast %swap3A_96 : vector<1x16xf32> to vector<16xf32>
        %swap3A_98 = vector.shape_cast %add3A_93 : vector<16xf32> to vector<1x16xf32>
        tpu.vector_store %arg9[%swap3A_94, %swap3A_95], %swap3A_98 {strides = array<i32>} : memref<64x128xf32, #tpu.memory_space<vmem>>, vector<1x16xf32>,
        %get3A_99 = arith.index_cast %squeeze3A : i32 to index
        %get3A_100 = arith.constant 32 : index
        %get3A_101 = tpu.vector_load %arg10[%get3A_99, %get3A_100] {strides = array<i32>} : memref<64x128xf32, #tpu.memory_space<vmem>>, vector<1x16xf32>,
        %get3A_102 = vector.shape_cast %get3A_101 : vector<1x16xf32> to vector<16xf32>
        %max3A_103 = arith.maximumf %get3A_102, %get3A_88 : vector<16xf32>
        %swap3A_104 = arith.index_cast %squeeze3A : i32 to index
        %swap3A_105 = arith.constant 32 : index
        %swap3A_106 = tpu.vector_load %arg10[%swap3A_104, %swap3A_105] {strides = array<i32>} : memref<64x128xf32, #tpu.memory_space<vmem>>, vector<1x16xf32>,
        %swap3A_107 = vector.shape_cast %swap3A_106 : vector<1x16xf32> to vector<16xf32>
        %swap3A_108 = vector.shape_cast %max3A_103 : vector<16xf32> to vector<1x16xf32>
        tpu.vector_store %arg10[%swap3A_104, %swap3A_105], %swap3A_108 {strides = array<i32>} : memref<64x128xf32, #tpu.memory_space<vmem>>, vector<1x16xf32>,
        %get3A_109 = arith.index_cast %scan3A_35 : i32 to index
        %get3A_110 = arith.constant 48 : index
        %get3A_111 = tpu.vector_load %arg8[%get3A_109, %get3A_110] {strides = array<i32>} : memref<328x128xf32, #tpu.memory_space<vmem>>, vector<1x16xf32>,
        %get3A_112 = vector.shape_cast %get3A_111 : vector<1x16xf32> to vector<16xf32>
        %get3A_113 = arith.index_cast %squeeze3A : i32 to index
        %get3A_114 = arith.constant 48 : index
        %get3A_115 = tpu.vector_load %arg9[%get3A_113, %get3A_114] {strides = array<i32>} : memref<64x128xf32, #tpu.memory_space<vmem>>, vector<1x16xf32>,
        %get3A_116 = vector.shape_cast %get3A_115 : vector<1x16xf32> to vector<16xf32>
        %add3A_117 = arith.addf %get3A_116, %get3A_112 : vector<16xf32>
        %swap3A_118 = arith.index_cast %squeeze3A : i32 to index
        %swap3A_119 = arith.constant 48 : index
        %swap3A_120 = tpu.vector_load %arg9[%swap3A_118, %swap3A_119] {strides = array<i32>} : memref<64x128xf32, #tpu.memory_space<vmem>>, vector<1x16xf32>,
        %swap3A_121 = vector.shape_cast %swap3A_120 : vector<1x16xf32> to vector<16xf32>
        %swap3A_122 = vector.shape_cast %add3A_117 : vector<16xf32> to vector<1x16xf32>
        tpu.vector_store %arg9[%swap3A_118, %swap3A_119], %swap3A_122 {strides = array<i32>} : memref<64x128xf32, #tpu.memory_space<vmem>>, vector<1x16xf32>,
        %get3A_123 = arith.index_cast %squeeze3A : i32 to index
        %get3A_124 = arith.constant 48 : index
        %get3A_125 = tpu.vector_load %arg10[%get3A_123, %get3A_124] {strides = array<i32>} : memref<64x128xf32, #tpu.memory_space<vmem>>, vector<1x16xf32>,
        %get3A_126 = vector.shape_cast %get3A_125 : vector<1x16xf32> to vector<16xf32>
        %max3A_127 = arith.maximumf %get3A_126, %get3A_112 : vector<16xf32>
        %swap3A_128 = arith.index_cast %squeeze3A : i32 to index
        %swap3A_129 = arith.constant 48 : index
        %swap3A_130 = tpu.vector_load %arg10[%swap3A_128, %swap3A_129] {strides = array<i32>} : memref<64x128xf32, #tpu.memory_space<vmem>>, vector<1x16xf32>,
        %swap3A_131 = vector.shape_cast %swap3A_130 : vector<1x16xf32> to vector<16xf32>
        %swap3A_132 = vector.shape_cast %max3A_127 : vector<16xf32> to vector<1x16xf32>
        tpu.vector_store %arg10[%swap3A_128, %swap3A_129], %swap3A_132 {strides = array<i32>} : memref<64x128xf32, #tpu.memory_space<vmem>>, vector<1x16xf32>,
        %get3A_133 = arith.index_cast %scan3A_35 : i32 to index
        %get3A_134 = arith.constant 64 : index
        %get3A_135 = tpu.vector_load %arg8[%get3A_133, %get3A_134] {strides = array<i32>} : memref<328x128xf32, #tpu.memory_space<vmem>>, vector<1x16xf32>,
        %get3A_136 = vector.shape_cast %get3A_135 : vector<1x16xf32> to vector<16xf32>
        %get3A_137 = arith.index_cast %squeeze3A : i32 to index
        %get3A_138 = arith.constant 64 : index
        %get3A_139 = tpu.vector_load %arg9[%get3A_137, %get3A_138] {strides = array<i32>} : memref<64x128xf32, #tpu.memory_space<vmem>>, vector<1x16xf32>,
        %get3A_140 = vector.shape_cast %get3A_139 : vector<1x16xf32> to vector<16xf32>
        %add3A_141 = arith.addf %get3A_140, %get3A_136 : vector<16xf32>
        %swap3A_142 = arith.index_cast %squeeze3A : i32 to index
        %swap3A_143 = arith.constant 64 : index
        %swap3A_144 = tpu.vector_load %arg9[%swap3A_142, %swap3A_143] {strides = array<i32>} : memref<64x128xf32, #tpu.memory_space<vmem>>, vector<1x16xf32>,
        %swap3A_145 = vector.shape_cast %swap3A_144 : vector<1x16xf32> to vector<16xf32>
        %swap3A_146 = vector.shape_cast %add3A_141 : vector<16xf32> to vector<1x16xf32>
        tpu.vector_store %arg9[%swap3A_142, %swap3A_143], %swap3A_146 {strides = array<i32>} : memref<64x128xf32, #tpu.memory_space<vmem>>, vector<1x16xf32>,
        %get3A_147 = arith.index_cast %squeeze3A : i32 to index
        %get3A_148 = arith.constant 64 : index
        %get3A_149 = tpu.vector_load %arg10[%get3A_147, %get3A_148] {strides = array<i32>} : memref<64x128xf32, #tpu.memory_space<vmem>>, vector<1x16xf32>,
        %get3A_150 = vector.shape_cast %get3A_149 : vector<1x16xf32> to vector<16xf32>
        %max3A_151 = arith.maximumf %get3A_150, %get3A_136 : vector<16xf32>
        %swap3A_152 = arith.index_cast %squeeze3A : i32 to index
        %swap3A_153 = arith.constant 64 : index
        %swap3A_154 = tpu.vector_load %arg10[%swap3A_152, %swap3A_153] {strides = array<i32>} : memref<64x128xf32, #tpu.memory_space<vmem>>, vector<1x16xf32>,
        %swap3A_155 = vector.shape_cast %swap3A_154 : vector<1x16xf32> to vector<16xf32>
        %swap3A_156 = vector.shape_cast %max3A_151 : vector<16xf32> to vector<1x16xf32>
        tpu.vector_store %arg10[%swap3A_152, %swap3A_153], %swap3A_156 {strides = array<i32>} : memref<64x128xf32, #tpu.memory_space<vmem>>, vector<1x16xf32>,
        %get3A_157 = arith.index_cast %scan3A_35 : i32 to index
        %get3A_158 = arith.constant 80 : index
        %get3A_159 = tpu.vector_load %arg8[%get3A_157, %get3A_158] {strides = array<i32>} : memref<328x128xf32, #tpu.memory_space<vmem>>, vector<1x16xf32>,
        %get3A_160 = vector.shape_cast %get3A_159 : vector<1x16xf32> to vector<16xf32>
        %get3A_161 = arith.index_cast %squeeze3A : i32 to index
        %get3A_162 = arith.constant 80 : index
        %get3A_163 = tpu.vector_load %arg9[%get3A_161, %get3A_162] {strides = array<i32>} : memref<64x128xf32, #tpu.memory_space<vmem>>, vector<1x16xf32>,
        %get3A_164 = vector.shape_cast %get3A_163 : vector<1x16xf32> to vector<16xf32>
        %add3A_165 = arith.addf %get3A_164, %get3A_160 : vector<16xf32>
        %swap3A_166 = arith.index_cast %squeeze3A : i32 to index
        %swap3A_167 = arith.constant 80 : index
        %swap3A_168 = tpu.vector_load %arg9[%swap3A_166, %swap3A_167] {strides = array<i32>} : memref<64x128xf32, #tpu.memory_space<vmem>>, vector<1x16xf32>,
        %swap3A_169 = vector.shape_cast %swap3A_168 : vector<1x16xf32> to vector<16xf32>
        %swap3A_170 = vector.shape_cast %add3A_165 : vector<16xf32> to vector<1x16xf32>
        tpu.vector_store %arg9[%swap3A_166, %swap3A_167], %swap3A_170 {strides = array<i32>} : memref<64x128xf32, #tpu.memory_space<vmem>>, vector<1x16xf32>,
        %get3A_171 = arith.index_cast %squeeze3A : i32 to index
        %get3A_172 = arith.constant 80 : index
        %get3A_173 = tpu.vector_load %arg10[%get3A_171, %get3A_172] {strides = array<i32>} : memref<64x128xf32, #tpu.memory_space<vmem>>, vector<1x16xf32>,
        %get3A_174 = vector.shape_cast %get3A_173 : vector<1x16xf32> to vector<16xf32>
        %max3A_175 = arith.maximumf %get3A_174, %get3A_160 : vector<16xf32>
        %swap3A_176 = arith.index_cast %squeeze3A : i32 to index
        %swap3A_177 = arith.constant 80 : index
        %swap3A_178 = tpu.vector_load %arg10[%swap3A_176, %swap3A_177] {strides = array<i32>} : memref<64x128xf32, #tpu.memory_space<vmem>>, vector<1x16xf32>,
        %swap3A_179 = vector.shape_cast %swap3A_178 : vector<1x16xf32> to vector<16xf32>
        %swap3A_180 = vector.shape_cast %max3A_175 : vector<16xf32> to vector<1x16xf32>
        tpu.vector_store %arg10[%swap3A_176, %swap3A_177], %swap3A_180 {strides = array<i32>} : memref<64x128xf32, #tpu.memory_space<vmem>>, vector<1x16xf32>,
        %get3A_181 = arith.index_cast %scan3A_35 : i32 to index
        %get3A_182 = arith.constant 96 : index
        %get3A_183 = tpu.vector_load %arg8[%get3A_181, %get3A_182] {strides = array<i32>} : memref<328x128xf32, #tpu.memory_space<vmem>>, vector<1x16xf32>,
        %get3A_184 = vector.shape_cast %get3A_183 : vector<1x16xf32> to vector<16xf32>
        %get3A_185 = arith.index_cast %squeeze3A : i32 to index
        %get3A_186 = arith.constant 96 : index
        %get3A_187 = tpu.vector_load %arg9[%get3A_185, %get3A_186] {strides = array<i32>} : memref<64x128xf32, #tpu.memory_space<vmem>>, vector<1x16xf32>,
        %get3A_188 = vector.shape_cast %get3A_187 : vector<1x16xf32> to vector<16xf32>
        %add3A_189 = arith.addf %get3A_188, %get3A_184 : vector<16xf32>
        %swap3A_190 = arith.index_cast %squeeze3A : i32 to index
        %swap3A_191 = arith.constant 96 : index
        %swap3A_192 = tpu.vector_load %arg9[%swap3A_190, %swap3A_191] {strides = array<i32>} : memref<64x128xf32, #tpu.memory_space<vmem>>, vector<1x16xf32>,
        %swap3A_193 = vector.shape_cast %swap3A_192 : vector<1x16xf32> to vector<16xf32>
        %swap3A_194 = vector.shape_cast %add3A_189 : vector<16xf32> to vector<1x16xf32>
        tpu.vector_store %arg9[%swap3A_190, %swap3A_191], %swap3A_194 {strides = array<i32>} : memref<64x128xf32, #tpu.memory_space<vmem>>, vector<1x16xf32>,
        %get3A_195 = arith.index_cast %squeeze3A : i32 to index
        %get3A_196 = arith.constant 96 : index
        %get3A_197 = tpu.vector_load %arg10[%get3A_195, %get3A_196] {strides = array<i32>} : memref<64x128xf32, #tpu.memory_space<vmem>>, vector<1x16xf32>,
        %get3A_198 = vector.shape_cast %get3A_197 : vector<1x16xf32> to vector<16xf32>
        %max3A_199 = arith.maximumf %get3A_198, %get3A_184 : vector<16xf32>
        %swap3A_200 = arith.index_cast %squeeze3A : i32 to index
        %swap3A_201 = arith.constant 96 : index
        %swap3A_202 = tpu.vector_load %arg10[%swap3A_200, %swap3A_201] {strides = array<i32>} : memref<64x128xf32, #tpu.memory_space<vmem>>, vector<1x16xf32>,
        %swap3A_203 = vector.shape_cast %swap3A_202 : vector<1x16xf32> to vector<16xf32>
        %swap3A_204 = vector.shape_cast %max3A_199 : vector<16xf32> to vector<1x16xf32>
        tpu.vector_store %arg10[%swap3A_200, %swap3A_201], %swap3A_204 {strides = array<i32>} : memref<64x128xf32, #tpu.memory_space<vmem>>, vector<1x16xf32>,
        %get3A_205 = arith.index_cast %scan3A_35 : i32 to index
        %get3A_206 = arith.constant 112 : index
        %get3A_207 = tpu.vector_load %arg8[%get3A_205, %get3A_206] {strides = array<i32>} : memref<328x128xf32, #tpu.memory_space<vmem>>, vector<1x16xf32>,
        %get3A_208 = vector.shape_cast %get3A_207 : vector<1x16xf32> to vector<16xf32>
        %get3A_209 = arith.index_cast %squeeze3A : i32 to index
        %get3A_210 = arith.constant 112 : index
        %get3A_211 = tpu.vector_load %arg9[%get3A_209, %get3A_210] {strides = array<i32>} : memref<64x128xf32, #tpu.memory_space<vmem>>, vector<1x16xf32>,
        %get3A_212 = vector.shape_cast %get3A_211 : vector<1x16xf32> to vector<16xf32>
        %add3A_213 = arith.addf %get3A_212, %get3A_208 : vector<16xf32>
        %swap3A_214 = arith.index_cast %squeeze3A : i32 to index
        %swap3A_215 = arith.constant 112 : index
        %swap3A_216 = tpu.vector_load %arg9[%swap3A_214, %swap3A_215] {strides = array<i32>} : memref<64x128xf32, #tpu.memory_space<vmem>>, vector<1x16xf32>,
        %swap3A_217 = vector.shape_cast %swap3A_216 : vector<1x16xf32> to vector<16xf32>
        %swap3A_218 = vector.shape_cast %add3A_213 : vector<16xf32> to vector<1x16xf32>
        tpu.vector_store %arg9[%swap3A_214, %swap3A_215], %swap3A_218 {strides = array<i32>} : memref<64x128xf32, #tpu.memory_space<vmem>>, vector<1x16xf32>,
        %get3A_219 = arith.index_cast %squeeze3A : i32 to index
        %get3A_220 = arith.constant 112 : index
        %get3A_221 = tpu.vector_load %arg10[%get3A_219, %get3A_220] {strides = array<i32>} : memref<64x128xf32, #tpu.memory_space<vmem>>, vector<1x16xf32>,
        %get3A_222 = vector.shape_cast %get3A_221 : vector<1x16xf32> to vector<16xf32>
        %max3A_223 = arith.maximumf %get3A_222, %get3A_208 : vector<16xf32>
        %swap3A_224 = arith.index_cast %squeeze3A : i32 to index
        %swap3A_225 = arith.constant 112 : index
        %swap3A_226 = tpu.vector_load %arg10[%swap3A_224, %swap3A_225] {strides = array<i32>} : memref<64x128xf32, #tpu.memory_space<vmem>>, vector<1x16xf32>,
        %swap3A_227 = vector.shape_cast %swap3A_226 : vector<1x16xf32> to vector<16xf32>
        %swap3A_228 = vector.shape_cast %max3A_223 : vector<16xf32> to vector<1x16xf32>
        tpu.vector_store %arg10[%swap3A_224, %swap3A_225], %swap3A_228 {strides = array<i32>} : memref<64x128xf32, #tpu.memory_space<vmem>>, vector<1x16xf32>,
        %get3A_229 = arith.index_cast %squeeze3A : i32 to index
        %get3A_230 = arith.constant 0 : index
        %get3A_231 = tpu.vector_load %arg11[%get3A_229, %get3A_230] {strides = array<i32>} : memref<64x16xf32, #tpu.memory_space<vmem>>, vector<1x16xf32>,
        %get3A_232 = vector.shape_cast %get3A_231 : vector<1x16xf32> to vector<16xf32>
        %add3A_233 = arith.addf %get3A_232, %broadcast_in_dim3A_15 : vector<16xf32>
        %swap3A_234 = arith.index_cast %squeeze3A : i32 to index
        %swap3A_235 = arith.constant 0 : index
        %swap3A_236 = tpu.vector_load %arg11[%swap3A_234, %swap3A_235] {strides = array<i32>} : memref<64x16xf32, #tpu.memory_space<vmem>>, vector<1x16xf32>,
        %swap3A_237 = vector.shape_cast %swap3A_236 : vector<1x16xf32> to vector<16xf32>
        %swap3A_238 = vector.shape_cast %add3A_233 : vector<16xf32> to vector<1x16xf32>
        tpu.vector_store %arg11[%swap3A_234, %swap3A_235], %swap3A_238 {strides = array<i32>} : memref<64x16xf32, #tpu.memory_space<vmem>>, vector<1x16xf32>,
        %scan3A_239 = arith.constant 0 : i32
        scf.yield %scan3A_239 : i32
      }
      %scan3A_34 = arith.constant 16 : i32
    } else {
    }
    "tpu.region"() ({
      %run_scoped3A = tpu.sem_alloc : memref<!tpu.dma_semaphore, #tpu.memory_space<semaphore_mem>>
      %dma_start3A = arith.constant 0 : i32
      %dma_start3A_28 = arith.constant 0 : i32
      %dma_start3A_29 = tpu.memref_slice %arg4[%add3A, %dma_start3A, %dma_start3A_28] : memref<32x64x128xf32, #tpu.memory_space<hbm>> -> memref<1x64x128xf32, #tpu.memory_space<hbm>>
      %dma_start3A_30 = tpu.memref_squeeze %dma_start3A_29 : memref<1x64x128xf32, #tpu.memory_space<hbm>> -> memref<64x128xf32, #tpu.memory_space<hbm>>
      %dma_start3A_31 = arith.constant 0 : i32
      %dma_start3A_32 = arith.constant 0 : i32
      %dma_start3A_33 = tpu.memref_slice %arg4[%add3A, %dma_start3A_31, %dma_start3A_32] : memref<32x64x128xf32, #tpu.memory_space<hbm>> -> memref<1x64x128xf32, #tpu.memory_space<hbm>>
      %dma_start3A_34 = tpu.memref_squeeze %dma_start3A_33 : memref<1x64x128xf32, #tpu.memory_space<hbm>> -> memref<64x128xf32, #tpu.memory_space<hbm>>
      tpu.enqueue_dma source(%arg9 : memref<64x128xf32, #tpu.memory_space<vmem>>) target(%dma_start3A_34 : memref<64x128xf32, #tpu.memory_space<hbm>>) target_semaphore(%run_scoped3A : memref<!tpu.dma_semaphore, #tpu.memory_space<semaphore_mem>>)
      %dma_wait3A = arith.constant 0 : i32
      %dma_wait3A_35 = arith.constant 0 : i32
      %dma_wait3A_36 = tpu.memref_slice %arg4[%add3A, %dma_wait3A, %dma_wait3A_35] : memref<32x64x128xf32, #tpu.memory_space<hbm>> -> memref<1x64x128xf32, #tpu.memory_space<hbm>>
      %dma_wait3A_37 = tpu.memref_squeeze %dma_wait3A_36 : memref<1x64x128xf32, #tpu.memory_space<hbm>> -> memref<64x128xf32, #tpu.memory_space<hbm>>
      %dma_wait3A_38 = arith.constant 0 : i32
      %dma_wait3A_39 = arith.constant 0 : i32
      %dma_wait3A_40 = tpu.memref_slice %arg4[%add3A, %dma_wait3A_38, %dma_wait3A_39] : memref<32x64x128xf32, #tpu.memory_space<hbm>> -> memref<1x64x128xf32, #tpu.memory_space<hbm>>
      %dma_wait3A_41 = tpu.memref_squeeze %dma_wait3A_40 : memref<1x64x128xf32, #tpu.memory_space<hbm>> -> memref<64x128xf32, #tpu.memory_space<hbm>>
      tpu.wait_dma2 semaphore(%run_scoped3A : memref<!tpu.dma_semaphore, #tpu.memory_space<semaphore_mem>>) src(%arg9 : memref<64x128xf32, #tpu.memory_space<vmem>>) dst(%dma_wait3A_41 : memref<64x128xf32, #tpu.memory_space<hbm>>)
      tpu.yield
    }) : () -> ()
    "tpu.region"() ({
      %run_scoped3A = tpu.sem_alloc : memref<!tpu.dma_semaphore, #tpu.memory_space<semaphore_mem>>
      %dma_start3A = arith.constant 0 : i32
      %dma_start3A_28 = arith.constant 0 : i32
      %dma_start3A_29 = tpu.memref_slice %arg5[%add3A, %dma_start3A, %dma_start3A_28] : memref<32x64x128xf32, #tpu.memory_space<hbm>> -> memref<1x64x128xf32, #tpu.memory_space<hbm>>
      %dma_start3A_30 = tpu.memref_squeeze %dma_start3A_29 : memref<1x64x128xf32, #tpu.memory_space<hbm>> -> memref<64x128xf32, #tpu.memory_space<hbm>>
      %dma_start3A_31 = arith.constant 0 : i32
      %dma_start3A_32 = arith.constant 0 : i32
      %dma_start3A_33 = tpu.memref_slice %arg5[%add3A, %dma_start3A_31, %dma_start3A_32] : memref<32x64x128xf32, #tpu.memory_space<hbm>> -> memref<1x64x128xf32, #tpu.memory_space<hbm>>
      %dma_start3A_34 = tpu.memref_squeeze %dma_start3A_33 : memref<1x64x128xf32, #tpu.memory_space<hbm>> -> memref<64x128xf32, #tpu.memory_space<hbm>>
      tpu.enqueue_dma source(%arg10 : memref<64x128xf32, #tpu.memory_space<vmem>>) target(%dma_start3A_34 : memref<64x128xf32, #tpu.memory_space<hbm>>) target_semaphore(%run_scoped3A : memref<!tpu.dma_semaphore, #tpu.memory_space<semaphore_mem>>)
      %dma_wait3A = arith.constant 0 : i32
      %dma_wait3A_35 = arith.constant 0 : i32
      %dma_wait3A_36 = tpu.memref_slice %arg5[%add3A, %dma_wait3A, %dma_wait3A_35] : memref<32x64x128xf32, #tpu.memory_space<hbm>> -> memref<1x64x128xf32, #tpu.memory_space<hbm>>
      %dma_wait3A_37 = tpu.memref_squeeze %dma_wait3A_36 : memref<1x64x128xf32, #tpu.memory_space<hbm>> -> memref<64x128xf32, #tpu.memory_space<hbm>>
      %dma_wait3A_38 = arith.constant 0 : i32
      %dma_wait3A_39 = arith.constant 0 : i32
      %dma_wait3A_40 = tpu.memref_slice %arg5[%add3A, %dma_wait3A_38, %dma_wait3A_39] : memref<32x64x128xf32, #tpu.memory_space<hbm>> -> memref<1x64x128xf32, #tpu.memory_space<hbm>>
      %dma_wait3A_41 = tpu.memref_squeeze %dma_wait3A_40 : memref<1x64x128xf32, #tpu.memory_space<hbm>> -> memref<64x128xf32, #tpu.memory_space<hbm>>
      tpu.wait_dma2 semaphore(%run_scoped3A : memref<!tpu.dma_semaphore, #tpu.memory_space<semaphore_mem>>) src(%arg10 : memref<64x128xf32, #tpu.memory_space<vmem>>) dst(%dma_wait3A_41 : memref<64x128xf32, #tpu.memory_space<hbm>>)
      tpu.yield
    }) : () -> ()
    "tpu.region"() ({
      %run_scoped3A = tpu.sem_alloc : memref<!tpu.dma_semaphore, #tpu.memory_space<semaphore_mem>>
      %dma_start3A = arith.constant 0 : i32
      %dma_start3A_28 = arith.constant 0 : i32
      %dma_start3A_29 = tpu.memref_slice %arg6[%add3A, %dma_start3A, %dma_start3A_28] : memref<32x64x16xf32, #tpu.memory_space<hbm>> -> memref<1x64x16xf32, #tpu.memory_space<hbm>>
      %dma_start3A_30 = tpu.memref_squeeze %dma_start3A_29 : memref<1x64x16xf32, #tpu.memory_space<hbm>> -> memref<64x16xf32, #tpu.memory_space<hbm>>
      %dma_start3A_31 = arith.constant 0 : i32
      %dma_start3A_32 = arith.constant 0 : i32
      %dma_start3A_33 = tpu.memref_slice %arg6[%add3A, %dma_start3A_31, %dma_start3A_32] : memref<32x64x16xf32, #tpu.memory_space<hbm>> -> memref<1x64x16xf32, #tpu.memory_space<hbm>>
      %dma_start3A_34 = tpu.memref_squeeze %dma_start3A_33 : memref<1x64x16xf32, #tpu.memory_space<hbm>> -> memref<64x16xf32, #tpu.memory_space<hbm>>
      tpu.enqueue_dma source(%arg11 : memref<64x16xf32, #tpu.memory_space<vmem>>) target(%dma_start3A_34 : memref<64x16xf32, #tpu.memory_space<hbm>>) target_semaphore(%run_scoped3A : memref<!tpu.dma_semaphore, #tpu.memory_space<semaphore_mem>>)
      %dma_wait3A = arith.constant 0 : i32
      %dma_wait3A_35 = arith.constant 0 : i32
      %dma_wait3A_36 = tpu.memref_slice %arg6[%add3A, %dma_wait3A, %dma_wait3A_35] : memref<32x64x16xf32, #tpu.memory_space<hbm>> -> memref<1x64x16xf32, #tpu.memory_space<hbm>>
      %dma_wait3A_37 = tpu.memref_squeeze %dma_wait3A_36 : memref<1x64x16xf32, #tpu.memory_space<hbm>> -> memref<64x16xf32, #tpu.memory_space<hbm>>
      %dma_wait3A_38 = arith.constant 0 : i32
      %dma_wait3A_39 = arith.constant 0 : i32
      %dma_wait3A_40 = tpu.memref_slice %arg6[%add3A, %dma_wait3A_38, %dma_wait3A_39] : memref<32x64x16xf32, #tpu.memory_space<hbm>> -> memref<1x64x16xf32, #tpu.memory_space<hbm>>
      %dma_wait3A_41 = tpu.memref_squeeze %dma_wait3A_40 : memref<1x64x16xf32, #tpu.memory_space<hbm>> -> memref<64x16xf32, #tpu.memory_space<hbm>>
      tpu.wait_dma2 semaphore(%run_scoped3A : memref<!tpu.dma_semaphore, #tpu.memory_space<semaphore_mem>>) src(%arg11 : memref<64x16xf32, #tpu.memory_space<vmem>>) dst(%dma_wait3A_41 : memref<64x16xf32, #tpu.memory_space<hbm>>)
      tpu.yield
    }) : () -> ()
    return
  }
}

module attributes {stable_mosaic.version = 14 : i64} {
  func.func @body(%arg0: i32, %arg1: memref<1000x32xf32, #tpu.memory_space<vmem>>, %arg2: memref<1000x128xf32, #tpu.memory_space<vmem>>, %arg3: memref<128x128xf32, #tpu.memory_space<vmem>>, %arg4: memref<1000x128xf32, #tpu.memory_space<vmem>>, %arg5: memref<1000x128xf32, #tpu.memory_space<vmem>>) attributes {dimension_semantics = [#tpu.dimension_semantics<arbitrary>], iteration_bounds = array<i64: 10>, scalar_prefetch = 0 : i64, scratch_operands = 0 : i64, tpu.core_type = #tpu.core_type<tc>, window_params = [{transform_indices = @transform_0, window_bounds = array<i64: 1000, 32>}, {transform_indices = @transform_1, window_bounds = array<i64: 1000, 128>}, {pipeline_mode = #tpu.pipeline_mode<synchronous>, transform_indices = @transform_2, window_bounds = array<i64: 128, 128>}, {transform_indices = @transform_3, window_bounds = array<i64: 1000, 128>}, {transform_indices = @transform_4, window_bounds = array<i64: 1000, 128>}]} {
    %get3A = arith.constant 0 : index
    %get3A_0 = arith.constant 0 : index
    %get3A_1 = vector.load %arg1[%get3A, %get3A_0] : memref<1000x32xf32, #tpu.memory_space<vmem>>, vector<1000x32xf32>
    %reduce_sum3A = arith.constant dense<0.000000e+00> : vector<1000xf32>
    %reduce_sum3A_2 = vector.multi_reduction <add>, %get3A_1, %reduce_sum3A [1] : vector<1000x32xf32> to vector<1000xf32>
    %broadcast_in_dim3A = vector.shape_cast %reduce_sum3A_2 : vector<1000xf32> to vector<1000x1xf32>
    %add3A = arith.constant 1.000000e+00 : f32
    %add3A_3 = vector.broadcast %add3A : f32 to vector<1000x1xf32>
    %add3A_4 = arith.addf %broadcast_in_dim3A, %add3A_3 : vector<1000x1xf32>
    %rsqrt3A = math.rsqrt %add3A_4 : vector<1000x1xf32>
    %broadcast_in_dim3A_5 = vector.shape_cast %rsqrt3A : vector<1000x1xf32> to vector<1000x1xf32>
    %broadcast_in_dim3A_6 = vector.broadcast %broadcast_in_dim3A_5 : vector<1000x1xf32> to vector<1000x128xf32>
    %swap3A = arith.constant 0 : index
    %swap3A_7 = arith.constant 0 : index
    %swap3A_8 = vector.load %arg4[%swap3A, %swap3A_7] : memref<1000x128xf32, #tpu.memory_space<vmem>>, vector<1000x128xf32>
    tpu.vector_store %arg4[%swap3A, %swap3A_7], %broadcast_in_dim3A_6 {strides = array<i32>} : memref<1000x128xf32, #tpu.memory_space<vmem>>, vector<1000x128xf32>,
    %get3A_9 = arith.constant 0 : index
    %get3A_10 = arith.constant 0 : index
    %get3A_11 = vector.load %arg2[%get3A_9, %get3A_10] : memref<1000x128xf32, #tpu.memory_space<vmem>>, vector<1000x128xf32>
    %get3A_12 = arith.constant 0 : index
    %get3A_13 = arith.constant 0 : index
    %get3A_14 = vector.load %arg3[%get3A_12, %get3A_13] : memref<128x128xf32, #tpu.memory_space<vmem>>, vector<128x128xf32>
    %dot_general3A = arith.constant dense<0.000000e+00> : vector<1000x128xf32>
    %dot_general3A_15 = tpu.matmul %get3A_11, %get3A_14, %dot_general3A {dimension_numbers = #tpu.dot_dimension_numbers<[1], [0], [0], [1], [0, 0, 1, 1], [], []>, transpose_lhs_hint = false} : vector<1000x128xf32>, vector<128x128xf32>, vector<1000x128xf32> -> vector<1000x128xf32>
    %mul3A = arith.mulf %dot_general3A_15, %broadcast_in_dim3A_6 : vector<1000x128xf32>
    %swap3A_16 = arith.constant 0 : index
    %swap3A_17 = arith.constant 0 : index
    %swap3A_18 = vector.load %arg5[%swap3A_16, %swap3A_17] : memref<1000x128xf32, #tpu.memory_space<vmem>>, vector<1000x128xf32>
    tpu.vector_store %arg5[%swap3A_16, %swap3A_17], %mul3A {strides = array<i32>} : memref<1000x128xf32, #tpu.memory_space<vmem>>, vector<1000x128xf32>,
    return
  }
  func.func @transform_0(%arg0: i32) -> (i32, i32) {
    %c0_i32 = arith.constant 0 : i32
    %c0_i32_0 = arith.constant 0 : i32
    return %arg0, %c0_i32 : i32, i32
  }
  func.func @transform_1(%arg0: i32) -> (i32, i32) {
    %c0_i32 = arith.constant 0 : i32
    %c0_i32_0 = arith.constant 0 : i32
    return %arg0, %c0_i32 : i32, i32
  }
  func.func @transform_2(%arg0: i32) -> (i32, i32) {
    %c0_i32 = arith.constant 0 : i32
    %c0_i32_0 = arith.constant 0 : i32
    %c0_i32_1 = arith.constant 0 : i32
    return %c0_i32, %c0_i32_0 : i32, i32
  }
  func.func @transform_3(%arg0: i32) -> (i32, i32) {
    %c0_i32 = arith.constant 0 : i32
    %c0_i32_0 = arith.constant 0 : i32
    return %arg0, %c0_i32 : i32, i32
  }
  func.func @transform_4(%arg0: i32) -> (i32, i32) {
    %c0_i32 = arith.constant 0 : i32
    %c0_i32_0 = arith.constant 0 : i32
    return %arg0, %c0_i32 : i32, i32
  }
}

module attributes {stable_mosaic.version = 14 : i64} {
  func.func @body(%arg0: i32, %arg1: memref<1000x128xf32, #tpu.memory_space<vmem>>, %arg2: memref<1000x128xf32, #tpu.memory_space<vmem>>, %arg3: memref<1000x128xf32, #tpu.memory_space<vmem>>, %arg4: memref<1000x128xf32, #tpu.memory_space<vmem>>, %arg5: memref<1x128xf32, #tpu.memory_space<vmem>>, %arg6: memref<128x128xf32, #tpu.memory_space<vmem>>, %arg7: memref<1000x128xf32, #tpu.memory_space<vmem>>, %arg8: memref<1000x128xf32, #tpu.memory_space<vmem>>) attributes {dimension_semantics = [#tpu.dimension_semantics<arbitrary>], iteration_bounds = array<i64: 10>, scalar_prefetch = 0 : i64, scratch_operands = 0 : i64, tpu.core_type = #tpu.core_type<tc>, window_params = [{transform_indices = @transform_0, window_bounds = array<i64: 1000, 128>}, {transform_indices = @transform_1, window_bounds = array<i64: 1000, 128>}, {transform_indices = @transform_2, window_bounds = array<i64: 1000, 128>}, {transform_indices = @transform_3, window_bounds = array<i64: 1000, 128>}, {pipeline_mode = #tpu.pipeline_mode<synchronous>, transform_indices = @transform_4, window_bounds = array<i64: 1, 128>}, {pipeline_mode = #tpu.pipeline_mode<synchronous>, transform_indices = @transform_5, window_bounds = array<i64: 128, 128>}, {transform_indices = @transform_6, window_bounds = array<i64: 1000, 128>}, {transform_indices = @transform_7, window_bounds = array<i64: 1000, 128>}]} {
    %get3A = arith.constant 0 : index
    %get3A_0 = arith.constant 0 : index
    %get3A_1 = vector.load %arg4[%get3A, %get3A_0] : memref<1000x128xf32, #tpu.memory_space<vmem>>, vector<1000x128xf32>
    %get3A_2 = arith.constant 0 : index
    %get3A_3 = arith.constant 0 : index
    %get3A_4 = vector.load %arg1[%get3A_2, %get3A_3] : memref<1000x128xf32, #tpu.memory_space<vmem>>, vector<1000x128xf32>
    %get3A_5 = arith.constant 0 : index
    %get3A_6 = arith.constant 0 : index
    %get3A_7 = vector.load %arg2[%get3A_5, %get3A_6] : memref<1000x128xf32, #tpu.memory_space<vmem>>, vector<1000x128xf32>
    %add3A = arith.addf %get3A_4, %get3A_7 : vector<1000x128xf32>
    %get3A_8 = arith.constant 0 : index
    %get3A_9 = arith.constant 0 : index
    %get3A_10 = vector.load %arg3[%get3A_8, %get3A_9] : memref<1000x128xf32, #tpu.memory_space<vmem>>, vector<1000x128xf32>
    %add3A_11 = arith.addf %add3A, %get3A_10 : vector<1000x128xf32>
    %mul3A = arith.mulf %add3A_11, %get3A_1 : vector<1000x128xf32>
    %get3A_12 = arith.constant 0 : index
    %get3A_13 = arith.constant 0 : index
    %get3A_14 = vector.load %arg5[%get3A_12, %get3A_13] : memref<1x128xf32, #tpu.memory_space<vmem>>, vector<1x128xf32>
    %add3A_15 = vector.broadcast %get3A_14 : vector<1x128xf32> to vector<1000x128xf32>
    %add3A_16 = arith.addf %mul3A, %add3A_15 : vector<1000x128xf32>
    %max3A = arith.constant 0.000000e+00 : f32
    %max3A_17 = vector.broadcast %max3A : f32 to vector<1000x128xf32>
    %max3A_18 = arith.maximumf %add3A_16, %max3A_17 : vector<1000x128xf32>
    %swap3A = arith.constant 0 : index
    %swap3A_19 = arith.constant 0 : index
    %swap3A_20 = vector.load %arg7[%swap3A, %swap3A_19] : memref<1000x128xf32, #tpu.memory_space<vmem>>, vector<1000x128xf32>
    tpu.vector_store %arg7[%swap3A, %swap3A_19], %max3A_18 {strides = array<i32>} : memref<1000x128xf32, #tpu.memory_space<vmem>>, vector<1000x128xf32>,
    %get3A_21 = arith.constant 0 : index
    %get3A_22 = arith.constant 0 : index
    %get3A_23 = vector.load %arg6[%get3A_21, %get3A_22] : memref<128x128xf32, #tpu.memory_space<vmem>>, vector<128x128xf32>
    %dot_general3A = arith.constant dense<0.000000e+00> : vector<1000x128xf32>
    %dot_general3A_24 = tpu.matmul %max3A_18, %get3A_23, %dot_general3A {dimension_numbers = #tpu.dot_dimension_numbers<[1], [0], [0], [1], [0, 0, 1, 1], [], []>, transpose_lhs_hint = false} : vector<1000x128xf32>, vector<128x128xf32>, vector<1000x128xf32> -> vector<1000x128xf32>
    %mul3A_25 = arith.mulf %dot_general3A_24, %get3A_1 : vector<1000x128xf32>
    %swap3A_26 = arith.constant 0 : index
    %swap3A_27 = arith.constant 0 : index
    %swap3A_28 = vector.load %arg8[%swap3A_26, %swap3A_27] : memref<1000x128xf32, #tpu.memory_space<vmem>>, vector<1000x128xf32>
    tpu.vector_store %arg8[%swap3A_26, %swap3A_27], %mul3A_25 {strides = array<i32>} : memref<1000x128xf32, #tpu.memory_space<vmem>>, vector<1000x128xf32>,
    return
  }
  func.func @transform_0(%arg0: i32) -> (i32, i32) {
    %c0_i32 = arith.constant 0 : i32
    %c0_i32_0 = arith.constant 0 : i32
    return %arg0, %c0_i32 : i32, i32
  }
  func.func @transform_1(%arg0: i32) -> (i32, i32) {
    %c0_i32 = arith.constant 0 : i32
    %c0_i32_0 = arith.constant 0 : i32
    return %arg0, %c0_i32 : i32, i32
  }
  func.func @transform_2(%arg0: i32) -> (i32, i32) {
    %c0_i32 = arith.constant 0 : i32
    %c0_i32_0 = arith.constant 0 : i32
    return %arg0, %c0_i32 : i32, i32
  }
  func.func @transform_3(%arg0: i32) -> (i32, i32) {
    %c0_i32 = arith.constant 0 : i32
    %c0_i32_0 = arith.constant 0 : i32
    return %arg0, %c0_i32 : i32, i32
  }
  func.func @transform_4(%arg0: i32) -> (i32, i32) {
    %c0_i32 = arith.constant 0 : i32
    %c0_i32_0 = arith.constant 0 : i32
    %c0_i32_1 = arith.constant 0 : i32
    return %c0_i32, %c0_i32_0 : i32, i32
  }
  func.func @transform_5(%arg0: i32) -> (i32, i32) {
    %c0_i32 = arith.constant 0 : i32
    %c0_i32_0 = arith.constant 0 : i32
    %c0_i32_1 = arith.constant 0 : i32
    return %c0_i32, %c0_i32_0 : i32, i32
  }
  func.func @transform_6(%arg0: i32) -> (i32, i32) {
    %c0_i32 = arith.constant 0 : i32
    %c0_i32_0 = arith.constant 0 : i32
    return %arg0, %c0_i32 : i32, i32
  }
  func.func @transform_7(%arg0: i32) -> (i32, i32) {
    %c0_i32 = arith.constant 0 : i32
    %c0_i32_0 = arith.constant 0 : i32
    return %arg0, %c0_i32 : i32, i32
  }
}

module attributes {stable_mosaic.version = 14 : i64} {
  func.func @body(%arg0: i32, %arg1: memref<1000x128xf32, #tpu.memory_space<vmem>>, %arg2: memref<1000x128xf32, #tpu.memory_space<vmem>>, %arg3: memref<1000x128xf32, #tpu.memory_space<vmem>>, %arg4: memref<1000x128xf32, #tpu.memory_space<vmem>>, %arg5: memref<1x128xf32, #tpu.memory_space<vmem>>, %arg6: memref<1000x128xf32, #tpu.memory_space<vmem>>, %arg7: memref<128x128xf32, #tpu.memory_space<vmem>>, %arg8: memref<1000x128xf32, #tpu.memory_space<vmem>>, %arg9: memref<1000x128xf32, #tpu.memory_space<vmem>>) attributes {dimension_semantics = [#tpu.dimension_semantics<arbitrary>], iteration_bounds = array<i64: 10>, scalar_prefetch = 0 : i64, scratch_operands = 0 : i64, tpu.core_type = #tpu.core_type<tc>, window_params = [{transform_indices = @transform_0, window_bounds = array<i64: 1000, 128>}, {transform_indices = @transform_1, window_bounds = array<i64: 1000, 128>}, {transform_indices = @transform_2, window_bounds = array<i64: 1000, 128>}, {transform_indices = @transform_3, window_bounds = array<i64: 1000, 128>}, {pipeline_mode = #tpu.pipeline_mode<synchronous>, transform_indices = @transform_4, window_bounds = array<i64: 1, 128>}, {transform_indices = @transform_5, window_bounds = array<i64: 1000, 128>}, {pipeline_mode = #tpu.pipeline_mode<synchronous>, transform_indices = @transform_6, window_bounds = array<i64: 128, 128>}, {transform_indices = @transform_7, window_bounds = array<i64: 1000, 128>}, {transform_indices = @transform_8, window_bounds = array<i64: 1000, 128>}]} {
    %get3A = arith.constant 0 : index
    %get3A_0 = arith.constant 0 : index
    %get3A_1 = vector.load %arg4[%get3A, %get3A_0] : memref<1000x128xf32, #tpu.memory_space<vmem>>, vector<1000x128xf32>
    %get3A_2 = arith.constant 0 : index
    %get3A_3 = arith.constant 0 : index
    %get3A_4 = vector.load %arg1[%get3A_2, %get3A_3] : memref<1000x128xf32, #tpu.memory_space<vmem>>, vector<1000x128xf32>
    %get3A_5 = arith.constant 0 : index
    %get3A_6 = arith.constant 0 : index
    %get3A_7 = vector.load %arg2[%get3A_5, %get3A_6] : memref<1000x128xf32, #tpu.memory_space<vmem>>, vector<1000x128xf32>
    %add3A = arith.addf %get3A_4, %get3A_7 : vector<1000x128xf32>
    %get3A_8 = arith.constant 0 : index
    %get3A_9 = arith.constant 0 : index
    %get3A_10 = vector.load %arg3[%get3A_8, %get3A_9] : memref<1000x128xf32, #tpu.memory_space<vmem>>, vector<1000x128xf32>
    %add3A_11 = arith.addf %add3A, %get3A_10 : vector<1000x128xf32>
    %mul3A = arith.mulf %add3A_11, %get3A_1 : vector<1000x128xf32>
    %get3A_12 = arith.constant 0 : index
    %get3A_13 = arith.constant 0 : index
    %get3A_14 = vector.load %arg5[%get3A_12, %get3A_13] : memref<1x128xf32, #tpu.memory_space<vmem>>, vector<1x128xf32>
    %add3A_15 = vector.broadcast %get3A_14 : vector<1x128xf32> to vector<1000x128xf32>
    %add3A_16 = arith.addf %mul3A, %add3A_15 : vector<1000x128xf32>
    %max3A = arith.constant 0.000000e+00 : f32
    %max3A_17 = vector.broadcast %max3A : f32 to vector<1000x128xf32>
    %max3A_18 = arith.maximumf %add3A_16, %max3A_17 : vector<1000x128xf32>
    %get3A_19 = arith.constant 0 : index
    %get3A_20 = arith.constant 0 : index
    %get3A_21 = vector.load %arg6[%get3A_19, %get3A_20] : memref<1000x128xf32, #tpu.memory_space<vmem>>, vector<1000x128xf32>
    %add3A_22 = arith.addf %max3A_18, %get3A_21 : vector<1000x128xf32>
    %swap3A = arith.constant 0 : index
    %swap3A_23 = arith.constant 0 : index
    %swap3A_24 = vector.load %arg8[%swap3A, %swap3A_23] : memref<1000x128xf32, #tpu.memory_space<vmem>>, vector<1000x128xf32>
    tpu.vector_store %arg8[%swap3A, %swap3A_23], %add3A_22 {strides = array<i32>} : memref<1000x128xf32, #tpu.memory_space<vmem>>, vector<1000x128xf32>,
    %get3A_25 = arith.constant 0 : index
    %get3A_26 = arith.constant 0 : index
    %get3A_27 = vector.load %arg7[%get3A_25, %get3A_26] : memref<128x128xf32, #tpu.memory_space<vmem>>, vector<128x128xf32>
    %dot_general3A = arith.constant dense<0.000000e+00> : vector<1000x128xf32>
    %dot_general3A_28 = tpu.matmul %add3A_22, %get3A_27, %dot_general3A {dimension_numbers = #tpu.dot_dimension_numbers<[1], [0], [0], [1], [0, 0, 1, 1], [], []>, transpose_lhs_hint = false} : vector<1000x128xf32>, vector<128x128xf32>, vector<1000x128xf32> -> vector<1000x128xf32>
    %mul3A_29 = arith.mulf %dot_general3A_28, %get3A_1 : vector<1000x128xf32>
    %swap3A_30 = arith.constant 0 : index
    %swap3A_31 = arith.constant 0 : index
    %swap3A_32 = vector.load %arg9[%swap3A_30, %swap3A_31] : memref<1000x128xf32, #tpu.memory_space<vmem>>, vector<1000x128xf32>
    tpu.vector_store %arg9[%swap3A_30, %swap3A_31], %mul3A_29 {strides = array<i32>} : memref<1000x128xf32, #tpu.memory_space<vmem>>, vector<1000x128xf32>,
    return
  }
  func.func @transform_0(%arg0: i32) -> (i32, i32) {
    %c0_i32 = arith.constant 0 : i32
    %c0_i32_0 = arith.constant 0 : i32
    return %arg0, %c0_i32 : i32, i32
  }
  func.func @transform_1(%arg0: i32) -> (i32, i32) {
    %c0_i32 = arith.constant 0 : i32
    %c0_i32_0 = arith.constant 0 : i32
    return %arg0, %c0_i32 : i32, i32
  }
  func.func @transform_2(%arg0: i32) -> (i32, i32) {
    %c0_i32 = arith.constant 0 : i32
    %c0_i32_0 = arith.constant 0 : i32
    return %arg0, %c0_i32 : i32, i32
  }
  func.func @transform_3(%arg0: i32) -> (i32, i32) {
    %c0_i32 = arith.constant 0 : i32
    %c0_i32_0 = arith.constant 0 : i32
    return %arg0, %c0_i32 : i32, i32
  }
  func.func @transform_4(%arg0: i32) -> (i32, i32) {
    %c0_i32 = arith.constant 0 : i32
    %c0_i32_0 = arith.constant 0 : i32
    %c0_i32_1 = arith.constant 0 : i32
    return %c0_i32, %c0_i32_0 : i32, i32
  }
  func.func @transform_5(%arg0: i32) -> (i32, i32) {
    %c0_i32 = arith.constant 0 : i32
    %c0_i32_0 = arith.constant 0 : i32
    return %arg0, %c0_i32 : i32, i32
  }
  func.func @transform_6(%arg0: i32) -> (i32, i32) {
    %c0_i32 = arith.constant 0 : i32
    %c0_i32_0 = arith.constant 0 : i32
    %c0_i32_1 = arith.constant 0 : i32
    return %c0_i32, %c0_i32_0 : i32, i32
  }
  func.func @transform_7(%arg0: i32) -> (i32, i32) {
    %c0_i32 = arith.constant 0 : i32
    %c0_i32_0 = arith.constant 0 : i32
    return %arg0, %c0_i32 : i32, i32
  }
  func.func @transform_8(%arg0: i32) -> (i32, i32) {
    %c0_i32 = arith.constant 0 : i32
    %c0_i32_0 = arith.constant 0 : i32
    return %arg0, %c0_i32 : i32, i32
  }
}

module attributes {stable_mosaic.version = 14 : i64} {
  func.func @body(%arg0: i32, %arg1: memref<1000x128xf32, #tpu.memory_space<vmem>>, %arg2: memref<1000x128xf32, #tpu.memory_space<vmem>>, %arg3: memref<1000x128xf32, #tpu.memory_space<vmem>>, %arg4: memref<1000x128xf32, #tpu.memory_space<vmem>>, %arg5: memref<1x128xf32, #tpu.memory_space<vmem>>, %arg6: memref<1000x128xf32, #tpu.memory_space<vmem>>, %arg7: memref<1000x128xf32, #tpu.memory_space<vmem>>) attributes {dimension_semantics = [#tpu.dimension_semantics<arbitrary>], iteration_bounds = array<i64: 10>, scalar_prefetch = 0 : i64, scratch_operands = 0 : i64, tpu.core_type = #tpu.core_type<tc>, window_params = [{transform_indices = @transform_0, window_bounds = array<i64: 1000, 128>}, {transform_indices = @transform_1, window_bounds = array<i64: 1000, 128>}, {transform_indices = @transform_2, window_bounds = array<i64: 1000, 128>}, {transform_indices = @transform_3, window_bounds = array<i64: 1000, 128>}, {pipeline_mode = #tpu.pipeline_mode<synchronous>, transform_indices = @transform_4, window_bounds = array<i64: 1, 128>}, {transform_indices = @transform_5, window_bounds = array<i64: 1000, 128>}, {transform_indices = @transform_6, window_bounds = array<i64: 1000, 128>}]} {
    %get3A = arith.constant 0 : index
    %get3A_0 = arith.constant 0 : index
    %get3A_1 = vector.load %arg1[%get3A, %get3A_0] : memref<1000x128xf32, #tpu.memory_space<vmem>>, vector<1000x128xf32>
    %get3A_2 = arith.constant 0 : index
    %get3A_3 = arith.constant 0 : index
    %get3A_4 = vector.load %arg2[%get3A_2, %get3A_3] : memref<1000x128xf32, #tpu.memory_space<vmem>>, vector<1000x128xf32>
    %add3A = arith.addf %get3A_1, %get3A_4 : vector<1000x128xf32>
    %get3A_5 = arith.constant 0 : index
    %get3A_6 = arith.constant 0 : index
    %get3A_7 = vector.load %arg3[%get3A_5, %get3A_6] : memref<1000x128xf32, #tpu.memory_space<vmem>>, vector<1000x128xf32>
    %add3A_8 = arith.addf %add3A, %get3A_7 : vector<1000x128xf32>
    %get3A_9 = arith.constant 0 : index
    %get3A_10 = arith.constant 0 : index
    %get3A_11 = vector.load %arg4[%get3A_9, %get3A_10] : memref<1000x128xf32, #tpu.memory_space<vmem>>, vector<1000x128xf32>
    %mul3A = arith.mulf %add3A_8, %get3A_11 : vector<1000x128xf32>
    %get3A_12 = arith.constant 0 : index
    %get3A_13 = arith.constant 0 : index
    %get3A_14 = vector.load %arg5[%get3A_12, %get3A_13] : memref<1x128xf32, #tpu.memory_space<vmem>>, vector<1x128xf32>
    %add3A_15 = vector.broadcast %get3A_14 : vector<1x128xf32> to vector<1000x128xf32>
    %add3A_16 = arith.addf %mul3A, %add3A_15 : vector<1000x128xf32>
    %max3A = arith.constant 0.000000e+00 : f32
    %max3A_17 = vector.broadcast %max3A : f32 to vector<1000x128xf32>
    %max3A_18 = arith.maximumf %add3A_16, %max3A_17 : vector<1000x128xf32>
    %get3A_19 = arith.constant 0 : index
    %get3A_20 = arith.constant 0 : index
    %get3A_21 = vector.load %arg6[%get3A_19, %get3A_20] : memref<1000x128xf32, #tpu.memory_space<vmem>>, vector<1000x128xf32>
    %add3A_22 = arith.addf %max3A_18, %get3A_21 : vector<1000x128xf32>
    %swap3A = arith.constant 0 : index
    %swap3A_23 = arith.constant 0 : index
    %swap3A_24 = vector.load %arg7[%swap3A, %swap3A_23] : memref<1000x128xf32, #tpu.memory_space<vmem>>, vector<1000x128xf32>
    tpu.vector_store %arg7[%swap3A, %swap3A_23], %add3A_22 {strides = array<i32>} : memref<1000x128xf32, #tpu.memory_space<vmem>>, vector<1000x128xf32>,
    return
  }
  func.func @transform_0(%arg0: i32) -> (i32, i32) {
    %c0_i32 = arith.constant 0 : i32
    %c0_i32_0 = arith.constant 0 : i32
    return %arg0, %c0_i32 : i32, i32
  }
  func.func @transform_1(%arg0: i32) -> (i32, i32) {
    %c0_i32 = arith.constant 0 : i32
    %c0_i32_0 = arith.constant 0 : i32
    return %arg0, %c0_i32 : i32, i32
  }
  func.func @transform_2(%arg0: i32) -> (i32, i32) {
    %c0_i32 = arith.constant 0 : i32
    %c0_i32_0 = arith.constant 0 : i32
    return %arg0, %c0_i32 : i32, i32
  }
  func.func @transform_3(%arg0: i32) -> (i32, i32) {
    %c0_i32 = arith.constant 0 : i32
    %c0_i32_0 = arith.constant 0 : i32
    return %arg0, %c0_i32 : i32, i32
  }
  func.func @transform_4(%arg0: i32) -> (i32, i32) {
    %c0_i32 = arith.constant 0 : i32
    %c0_i32_0 = arith.constant 0 : i32
    %c0_i32_1 = arith.constant 0 : i32
    return %c0_i32, %c0_i32_0 : i32, i32
  }
  func.func @transform_5(%arg0: i32) -> (i32, i32) {
    %c0_i32 = arith.constant 0 : i32
    %c0_i32_0 = arith.constant 0 : i32
    return %arg0, %c0_i32 : i32, i32
  }
  func.func @transform_6(%arg0: i32) -> (i32, i32) {
    %c0_i32 = arith.constant 0 : i32
    %c0_i32_0 = arith.constant 0 : i32
    return %arg0, %c0_i32 : i32, i32
  }
}

module attributes {stable_mosaic.version = 14 : i64} {
  func.func @body(%arg0: memref<32x64x128xf32, #tpu.memory_space<vmem>>, %arg1: memref<32x64x128xf32, #tpu.memory_space<vmem>>, %arg2: memref<32x64x16xf32, #tpu.memory_space<vmem>>, %arg3: memref<256x128xf32, #tpu.memory_space<vmem>>, %arg4: memref<1x128xf32, #tpu.memory_space<vmem>>, %arg5: memref<128x64xf32, #tpu.memory_space<vmem>>, %arg6: memref<1x64xf32, #tpu.memory_space<vmem>>, %arg7: memref<64x1xf32, #tpu.memory_space<vmem>>, %arg8: memref<1x1xf32, #tpu.memory_space<vmem>>, %arg9: memref<64x1xf32, #tpu.memory_space<vmem>>) attributes {dimension_semantics = [], scalar_prefetch = 0 : i64, scratch_operands = 0 : i64, tpu.core_type = #tpu.core_type<tc>} {
    %broadcast_in_dim3A = arith.constant 0.000000e+00 : f32
    %broadcast_in_dim3A_0 = vector.broadcast %broadcast_in_dim3A : f32 to vector<64x128xf32>
    %broadcast_in_dim3A_1 = arith.constant 0xFF800000 : f32
    %broadcast_in_dim3A_2 = vector.broadcast %broadcast_in_dim3A_1 : f32 to vector<64x128xf32>
    %broadcast_in_dim3A_3 = arith.constant 0.000000e+00 : f32
    %broadcast_in_dim3A_4 = vector.broadcast %broadcast_in_dim3A_3 : f32 to vector<64x16xf32>
    %scan3A = arith.constant 0 : i32
    %scan3A_5 = arith.constant 32 : i32
    %scan3A_6 = arith.addi %scan3A, %scan3A_5 : i32
    %scan3A_7 = arith.constant 1 : i32
    %scan3A_8:3 = scf.for %scan3A_54 = %scan3A to %scan3A_6 step %scan3A_7 iter_args(%scan3A_55 = %broadcast_in_dim3A_0, %scan3A_56 = %broadcast_in_dim3A_2, %scan3A_57 = %broadcast_in_dim3A_4) -> (vector<64x128xf32>, vector<64x128xf32>, vector<64x16xf32>)  : i32 {
      %get3A_58 = arith.index_cast %scan3A_54 : i32 to index
      %get3A_59 = arith.constant 0 : index
      %get3A_60 = arith.constant 0 : index
      %get3A_61 = vector.load %arg0[%get3A_58, %get3A_59, %get3A_60] : memref<32x64x128xf32, #tpu.memory_space<vmem>>, vector<1x64x128xf32>
      %get3A_62 = vector.shape_cast %get3A_61 : vector<1x64x128xf32> to vector<64x128xf32>
      %add3A_63 = arith.addf %scan3A_55, %get3A_62 : vector<64x128xf32>
      %get3A_64 = arith.index_cast %scan3A_54 : i32 to index
      %get3A_65 = arith.constant 0 : index
      %get3A_66 = arith.constant 0 : index
      %get3A_67 = vector.load %arg1[%get3A_64, %get3A_65, %get3A_66] : memref<32x64x128xf32, #tpu.memory_space<vmem>>, vector<1x64x128xf32>
      %get3A_68 = vector.shape_cast %get3A_67 : vector<1x64x128xf32> to vector<64x128xf32>
      %max3A_69 = arith.maximumf %scan3A_56, %get3A_68 : vector<64x128xf32>
      %get3A_70 = arith.index_cast %scan3A_54 : i32 to index
      %get3A_71 = arith.constant 0 : index
      %get3A_72 = arith.constant 0 : index
      %get3A_73 = vector.load %arg2[%get3A_70, %get3A_71, %get3A_72] : memref<32x64x16xf32, #tpu.memory_space<vmem>>, vector<1x64x16xf32>
      %get3A_74 = vector.shape_cast %get3A_73 : vector<1x64x16xf32> to vector<64x16xf32>
      %add3A_75 = arith.addf %scan3A_57, %get3A_74 : vector<64x16xf32>
      scf.yield %add3A_63, %max3A_69, %add3A_75 : vector<64x128xf32>, vector<64x128xf32>, vector<64x16xf32>
    }
    %scan3A_9 = arith.constant 32 : i32
    %reduce_sum3A = arith.constant dense<0.000000e+00> : vector<64xf32>
    %reduce_sum3A_10 = vector.multi_reduction <add>, %scan3A_8#2, %reduce_sum3A [1] : vector<64x16xf32> to vector<64xf32>
    %broadcast_in_dim3A_11 = vector.shape_cast %reduce_sum3A_10 : vector<64xf32> to vector<64x1xf32>
    %max3A = arith.constant 1.000000e+00 : f32
    %max3A_12 = vector.broadcast %max3A : f32 to vector<64x1xf32>
    %max3A_13 = arith.maximumf %broadcast_in_dim3A_11, %max3A_12 : vector<64x1xf32>
    %div3A = vector.broadcast %max3A_13 : vector<64x1xf32> to vector<64x128xf32>
    %div3A_14 = arith.divf %scan3A_8#0, %div3A : vector<64x128xf32>
    %get3A = arith.constant 0 : index
    %get3A_15 = arith.constant 0 : index
    %get3A_16 = vector.load %arg3[%get3A, %get3A_15] : memref<256x128xf32, #tpu.memory_space<vmem>>, vector<256x128xf32>
    %slice3A = vector.extract_strided_slice %get3A_16 {offsets = [0, 0], sizes = [128, 128], strides = [1, 1]} : vector<256x128xf32> to vector<128x128xf32>
    %dot_general3A = arith.constant dense<0.000000e+00> : vector<64x128xf32>
    %dot_general3A_17 = tpu.matmul %div3A_14, %slice3A, %dot_general3A {dimension_numbers = #tpu.dot_dimension_numbers<[1], [0], [0], [1], [0, 0, 1, 1], [], []>, transpose_lhs_hint = false} : vector<64x128xf32>, vector<128x128xf32>, vector<64x128xf32> -> vector<64x128xf32>
    %slice3A_18 = vector.extract_strided_slice %get3A_16 {offsets = [128, 0], sizes = [128, 128], strides = [1, 1]} : vector<256x128xf32> to vector<128x128xf32>
    %dot_general3A_19 = arith.constant dense<0.000000e+00> : vector<64x128xf32>
    %dot_general3A_20 = tpu.matmul %scan3A_8#1, %slice3A_18, %dot_general3A_19 {dimension_numbers = #tpu.dot_dimension_numbers<[1], [0], [0], [1], [0, 0, 1, 1], [], []>, transpose_lhs_hint = false} : vector<64x128xf32>, vector<128x128xf32>, vector<64x128xf32> -> vector<64x128xf32>
    %add3A = arith.addf %dot_general3A_17, %dot_general3A_20 : vector<64x128xf32>
    %get3A_21 = arith.constant 0 : index
    %get3A_22 = arith.constant 0 : index
    %get3A_23 = vector.load %arg4[%get3A_21, %get3A_22] : memref<1x128xf32, #tpu.memory_space<vmem>>, vector<1x128xf32>
    %add3A_24 = vector.broadcast %get3A_23 : vector<1x128xf32> to vector<64x128xf32>
    %add3A_25 = arith.addf %add3A, %add3A_24 : vector<64x128xf32>
    %max3A_26 = arith.constant 0.000000e+00 : f32
    %max3A_27 = vector.broadcast %max3A_26 : f32 to vector<64x128xf32>
    %max3A_28 = arith.maximumf %add3A_25, %max3A_27 : vector<64x128xf32>
    %get3A_29 = arith.constant 0 : index
    %get3A_30 = arith.constant 0 : index
    %get3A_31 = vector.load %arg5[%get3A_29, %get3A_30] : memref<128x64xf32, #tpu.memory_space<vmem>>, vector<128x64xf32>
    %dot_general3A_32 = arith.constant dense<0.000000e+00> : vector<64x64xf32>
    %dot_general3A_33 = tpu.matmul %max3A_28, %get3A_31, %dot_general3A_32 {dimension_numbers = #tpu.dot_dimension_numbers<[1], [0], [0], [1], [0, 0, 1, 1], [], []>, transpose_lhs_hint = false} : vector<64x128xf32>, vector<128x64xf32>, vector<64x64xf32> -> vector<64x64xf32>
    %get3A_34 = arith.constant 0 : index
    %get3A_35 = arith.constant 0 : index
    %get3A_36 = vector.load %arg6[%get3A_34, %get3A_35] : memref<1x64xf32, #tpu.memory_space<vmem>>, vector<1x64xf32>
    %add3A_37 = vector.broadcast %get3A_36 : vector<1x64xf32> to vector<64x64xf32>
    %add3A_38 = arith.addf %dot_general3A_33, %add3A_37 : vector<64x64xf32>
    %max3A_39 = arith.constant 0.000000e+00 : f32
    %max3A_40 = vector.broadcast %max3A_39 : f32 to vector<64x64xf32>
    %max3A_41 = arith.maximumf %add3A_38, %max3A_40 : vector<64x64xf32>
    %get3A_42 = arith.constant 0 : index
    %get3A_43 = arith.constant 0 : index
    %get3A_44 = vector.load %arg7[%get3A_42, %get3A_43] : memref<64x1xf32, #tpu.memory_space<vmem>>, vector<64x1xf32>
    %dot_general3A_45 = arith.constant dense<0.000000e+00> : vector<64x1xf32>
    %dot_general3A_46 = tpu.matmul %max3A_41, %get3A_44, %dot_general3A_45 {dimension_numbers = #tpu.dot_dimension_numbers<[1], [0], [0], [1], [0, 0, 1, 1], [], []>, transpose_lhs_hint = false} : vector<64x64xf32>, vector<64x1xf32>, vector<64x1xf32> -> vector<64x1xf32>
    %get3A_47 = arith.constant 0 : index
    %get3A_48 = arith.constant 0 : index
    %get3A_49 = vector.load %arg8[%get3A_47, %get3A_48] : memref<1x1xf32, #tpu.memory_space<vmem>>, vector<1x1xf32>
    %add3A_50 = vector.broadcast %get3A_49 : vector<1x1xf32> to vector<64x1xf32>
    %add3A_51 = arith.addf %dot_general3A_46, %add3A_50 : vector<64x1xf32>
    %swap3A = arith.constant 0 : index
    %swap3A_52 = arith.constant 0 : index
    %swap3A_53 = vector.load %arg9[%swap3A, %swap3A_52] : memref<64x1xf32, #tpu.memory_space<vmem>>, vector<64x1xf32>
    tpu.vector_store %arg9[%swap3A, %swap3A_52], %add3A_51 {strides = array<i32>} : memref<64x1xf32, #tpu.memory_space<vmem>>, vector<64x1xf32>,
    return
  }
}

</mosaic_0001>

<sc_bundles>
// kernel: kernel.12.cloned.1.call-start
scs
__scs_entry_jumppad:
0x0: {  	(pc) =	sbr.rel $0x88, $3  }
0x1: {  	(tag) =	ssettag $0x0;
	lr =	simm.s32 $0x1  }
0x2: {  	[smem:$0x3F92] =	sst lr;
	_ =	strace $0xD0000000  }
0x3: {  	_ = 	snop  }
0x4: {  	_ = 	snop  }
0x5: {  	_ = 	snop  }
0x6: {  	_ = 	snop  }
0x7: {  	_ = 	snop  }
__scs_overlays_trampoline_lowered:
0x8: {  	[smem:$0x3FA1] =	sst s0  }
0x9: {  	[smem:$0x3FA2] =	sst s1  }
0xa: {  	[smem:$0x3FA3] =	sst s2  }
0xb: {  	[smem:$0x3FA4] =	sst s3  }
0xc: {  	[smem:$0x3FA5] =	sst s4  }
0xd: {  	[smem:$0x3FA6] =	sst s5  }
0xe: {  	[smem:$0x3FA7] =	sst s6  }
0xf: {  	[smem:$0x3FA8] =	sst s7  }
0x10: {  	[smem:$0x3FA9] =	sst s8  }
0x11: {  	[smem:$0x3FAA] =	sst s9;
	s0 =	simm.s32 @!p0 $0x0  }
0x12: {  	s1 =	sld [smem:$0x3F90];
	s0 =	simm.s32 @p0 $0x1  }
0x13: {  	[smem:$0x3FAB] =	sst s0;
	s0 =	simm.s32 @!p1 $0x0  }
0x14: {  	s2 =	sld [smem:$0x3F8F];
	s0 =	simm.s32 @p1 $0x1  }
0x15: {  	[smem:$0x3FAC] =	sst s0;
	s0 =	simm.s32 @!p2 $0x0  }
0x16: {  	s3 =	sld [smem:$0x3FDB];
	s0 =	simm.s32 @p2 $0x1  }
0x17: {  	s4 =	simm.s32 $0x1BF5;
	[smem:$0x3FAE] =	sst s0  }
0x18: {  	s0 =	sld [smem:$0x3F91];
	_ =	swait.ge [sflag:s4], $0x0  }
0x19: {  	s7 =	sld [smem:$0x3F92]  }
0x1a: {  	s8 =	sadd.s32 $0xFFFFE003, lr  }
0x1b: {  	s9 =	sadd.s32 $0xFFFFFEF7, lr;
	s5 =	simm.s32 $0xFFFFFFFF;
	p2 =	slt.u32 s8, $0xFFFFF086  }
0x1c: {  	p1 =	slt.u32 s9, $0xF7A;
	s5 =	simm.s32 @!p2 $0x0  }
0x1d: {  	s5 =	simm.s32 @p1 $0x1;
	p0 =	seq.s32 s7, s2  }
0x1e: {  	s7 =	smul.u32 @!p0 $0xF7A, s2;
	p2 =	seq.s32 @!p0 s5, $0x0  }
0x1f: {  	s9 =	smul.u32 $0xF7A, s1;
	s8 =	simm.s32 @!p0 $0x1BF5;
	p2 =	por !p2, p0  }
0x20: {  	[sflag:s8] =	ssyncset.s32 @!p0 $0xFFFFF086;
	s6 =	sadd.s32 @!p0 s3, s7;
	s7 =	simm.s32 @!p0 $0x108  }
0x21: {  	s3 =	sadd.s32 s3, s9;
	s6 =	sadd.s32 @!p0 $0x88, s6;
	s7 =	simm.s32 @p2 $0x1082  }
0x22: {  	[simem:s7], [sflag:s8] =	dma.local @!p0 [hbm:s6], $0xF7A  }
0x23: {  	s9 =	sor.u32 $0xD0000000, s2;
	s6 =	simm.s32 $0x108;
	_ =	swait.ge @!p0 [sflag:s8], $0x0  }
0x24: {  	s3 =	sadd.s32 $0x88, s3;
	s6 =	simm.s32 @!p1 $0x1082;
	[sflag:s4] =	ssyncset.s32 $0xFFFFF086  }
0x25: {  	[simem:s6], [sflag:s4] =	dma.local [hbm:s3], $0xF7A  }
0x26: {  	[smem:$0x3F92] =	sst s1;
	(tag) =	ssettag s2;
	_ =	strace s9  }
0x27: {  	s1 =	sld [smem:$0x3FA2]  }
0x28: {  	s2 =	sld [smem:$0x3FA3]  }
0x29: {  	s4 =	sld [smem:$0x3FA5]  }
0x2a: {  	p0 =	seq.s32 s5, $0x0;
	s5 =	sld [smem:$0x3FA6]  }
0x2b: {  	s6 =	sld [smem:$0x3FA7]  }
0x2c: {  	s7 =	sld [smem:$0x3FA8]  }
0x2d: {  	s3 =	simm.s32 $0x108;
	s8 =	sld [smem:$0x3FA9]  }
0x2e: {  	s3 =	simm.s32 @!p0 $0x1082;
	s9 =	sld [smem:$0x3FAA]  }
0x2f: {  	lr =	sadd.s32 s0, s3;
	s0 =	sld [smem:$0x3FA1]  }
0x30: {  	s3 =	sld [smem:$0x3FA4]  }
0x31: {  	[smem:$0x3FAD] =	sst s10  }
0x32: {  	s10 =	sld [smem:$0x3FAB];
	_ =	sdelay $0x3  }
0x33: {  	p0 =	seq.s32 s10, $0x1;
	s10 =	sld [smem:$0x3FAD];
	_ =	sdelay $0x3  }
0x34: {  	[smem:$0x3FAD] =	sst s10  }
0x35: {  	s10 =	sld [smem:$0x3FAC];
	_ =	sdelay $0x3  }
0x36: {  	p1 =	seq.s32 s10, $0x1;
	s10 =	sld [smem:$0x3FAD];
	_ =	sdelay $0x3  }
0x37: {  	[smem:$0x3FAD] =	sst s10  }
0x38: {  	s10 =	sld [smem:$0x3FAE]  }
0x39: {  	_ = 	snop;
	(pc) =	sbr.ind lr, $3  }
0x3a: {  	_ = 	snop  }
0x3b: {  	_ = 	snop  }
0x3c: {  	p2 =	seq.s32 s10, $0x1;
	s10 =	sld [smem:$0x3FAD]  }
0x3d: {  	_ =	shalt  }
0x3e: {  	_ =	shalt  }
0x3f: {  	_ =	shalt  }
0x40: {  	_ =	shalt  }
0x41: {  	_ =	shalt  }
0x42: {  	_ =	shalt  }
0x43: {  	_ =	shalt  }
0x44: {  	_ =	shalt  }
0x45: {  	_ =	shalt  }
0x46: {  	_ =	shalt  }
0x47: {  	_ =	shalt  }
0x48: {  	_ =	shalt  }
0x49: {  	_ =	shalt  }
0x4a: {  	_ =	shalt  }
0x4b: {  	_ =	shalt  }
0x4c: {  	_ =	shalt  }
0x4d: {  	_ =	shalt  }
0x4e: {  	_ =	shalt  }
0x4f: {  	_ =	shalt  }
0x50: {  	_ =	shalt  }
0x51: {  	_ =	shalt  }
0x52: {  	_ =	shalt  }
0x53: {  	_ =	shalt  }
0x54: {  	_ =	shalt  }
0x55: {  	_ =	shalt  }
0x56: {  	_ =	shalt  }
0x57: {  	_ =	shalt  }
0x58: {  	_ =	shalt  }
0x59: {  	_ =	shalt  }
0x5a: {  	_ =	shalt  }
0x5b: {  	_ =	shalt  }
0x5c: {  	_ =	shalt  }
0x5d: {  	_ =	shalt  }
0x5e: {  	_ =	shalt  }
0x5f: {  	_ =	shalt  }
0x60: {  	_ =	shalt  }
0x61: {  	_ =	shalt  }
0x62: {  	_ =	shalt  }
0x63: {  	_ =	shalt  }
0x64: {  	_ =	shalt  }
0x65: {  	_ =	shalt  }
0x66: {  	_ =	shalt  }
0x67: {  	_ =	shalt  }
0x68: {  	_ =	shalt  }
0x69: {  	_ =	shalt  }
0x6a: {  	_ =	shalt  }
0x6b: {  	_ =	shalt  }
0x6c: {  	_ =	shalt  }
0x6d: {  	_ =	shalt  }
0x6e: {  	_ =	shalt  }
0x6f: {  	_ =	shalt  }
0x70: {  	_ =	shalt  }
0x71: {  	_ =	shalt  }
0x72: {  	_ =	shalt  }
0x73: {  	_ =	shalt  }
0x74: {  	_ =	shalt  }
0x75: {  	_ =	shalt  }
0x76: {  	_ =	shalt  }
0x77: {  	_ =	shalt  }
0x78: {  	_ =	shalt  }
0x79: {  	_ =	shalt  }
0x7a: {  	_ =	shalt  }
0x7b: {  	_ =	shalt  }
0x7c: {  	_ =	shalt  }
0x7d: {  	_ =	shalt  }
0x7e: {  	_ =	shalt  }
0x7f: {  	_ =	shalt  }
0x80: {  	_ =	shalt  }
0x81: {  	_ =	shalt  }
0x82: {  	_ =	shalt  }
0x83: {  	_ =	shalt  }
0x84: {  	_ =	shalt  }
0x85: {  	_ =	shalt  }
0x86: {  	_ =	shalt  }
0x87: {  	_ =	shalt  }
.Lfunc_end0:
.L_simem_size_0:
called_computation_lowered:
.L_overlay_start_0:
0x88: {  	s2 =	sld [smem:$0x3FD9]  }
0x89: {  	s3 =	sld [smem:$0x3FFE];
	_ =	sdelay $0x1  }
0x8a: {  	s1 =	srdreg.scid  }
0x8b: {  	s0 =	sand.u32 $0x1, s1  }
0x8c: {  	s16 =	sshll.u32 s0, $0xA;
	s2 =	sadd.s32 s3, s2  }
0x8d: {  	s2 =	sadd.s32 s2, s16  }
0x8e: {  	[smem:$0x3FB9] =	sst s2  }
0x8f: {  	_ = 	snop  }
0x90: {  	(tm) =	ssettm $0x1  }
0x91: {  	s17 =	sld [smem:$0x3FFB];
	_ =	sdelay $0x3  }
0x92: {  	_ =	strace s17  }
0x93: {  	s2 =	sld [smem:$0x3FFC];
	_ =	sdelay $0x3  }
0x94: {  	_ =	strace s2  }
0x95: {  	s2 =	sld [smem:$0x3FFD];
	_ =	sdelay $0x3  }
0x96: {  	_ =	strace s2  }
0x97: {  	_ =	strace $0x8FFFFFFF  }
0x98: {  	s18 =	sld [smem:$0x3FDB];
	_ =	sdelay $0x1  }
0x99: {  	s19 =	simm.s32 $_scs_section_size  }
0x9a: {  	s4 =	simm.s32 $_size__tile_overlayer_lowered;
	s5 =	simm.s32 $_tile_overlayer_lowered  }
0x9b: {  	s22 =	simm.s32 $0x1BFF;
	s21 =	sshll.u32 s5, $0x1;
	s2 =	sadd.s32 s19, s18  }
0x9c: {  	s6 =	simm.s32 $0x0;
	s20 =	sshll.u32 s4, $0x1;
	s4 =	sadd.s32 s21, s2  }
0x9d: {  	[timem:s6], [sflag:s22] =	dma.local [hbm:s4], s20  }
0x9e: {  	_ =	swait.ge [sflag:s22], s20  }
0x9f: {  	s3 =	ssub.s32 $0x0, s20;
	[sflag:s22] =	ssyncset.done $0x0  }
0xa0: {  	[sflag:s22] =	ssyncadd.s32 s3;
	_ =	sdelay $0x1  }
0xa1: {  	s23 =	simm.s32 $0x1B8B  }
0xa2: {  	_ =	swait.ge [sflag:s23], $0x1  }
0xa3: {  	[sflag:s23] =	ssyncset.done $0x0  }
0xa4: {  	s25 =	simm.s32 $0x1B8E;
	s24 =	sld [smem:$0x3FFE];
	[sflag:s23] =	ssyncadd.s32 $0xFFFFFFFF  }
0xa5: {  	s26 =	simm.s32 $execute0_lowered;
	[smem:$0x3FD2] =	sst s25  }
0xa6: {  	s4 =	sshll.u32 s26, $0x1;
	_ =	strace $0x80000046;
	[dreg:$0x1] =	wrdreg $0xFFFFFFFF  }
0xa7: {  	s28 =	simm.s32 $_size_execute0_lowered;
	s2 =	sadd.s32 s2, s4;
	[dreg:$0x0] =	wrdreg $0x0  }
0xa8: {  	s4 =	sshll.u32 s28, $0x1;
	[dreg:$0x2] =	wrdreg s2  }
0xa9: {  	[dreg:$0x3] =	wrdreg s4  }
0xaa: {  	[dreg:$0x4] =	wrdreg $0xC0  }
0xab: {  	_ =	task [dreg:s6], $0x5FFFF  }
0xac: {  	[dreg:$0x1] =	wrdreg $0xFFFFFFFF  }
0xad: {  	[dreg:$0x0] =	wrdreg $0x60  }
0xae: {  	[dreg:$0x2] =	wrdreg s24  }
0xaf: {  	[dreg:$0x3] =	wrdreg $0x9  }
0xb0: {  	_ =	task.clear_ibuf [dreg:s6], $0x4FFFF;
	_ =	strace $0x90000046  }
0xb1: {  	s29 =	simm.s32 $0x9;
	_ =	strace $0x80000048  }
0xb2: {  	_ =	swait.ge [sflag:s29], $0x1  }
0xb3: {  	[sflag:s29] =	ssyncadd.s32 $0xFFFFFFFF  }
0xb4: {  	_ =	strace $0x90000048  }
0xb5: {  	_ =	sfence  }
0xb6: {  	s30 =	sld [smem:$0x0];
	_ =	sdelay $0x2  }
0xb7: {  	s31 =	sshll.u32 s1, $0xD;
	s1 =	sshrl.u32 s1, $0x2  }
0xb8: {  	s3 =	sand.u32 $0x4000, s31;
	s1 =	sadd.s32 s1, s30  }
0xb9: {  	s0 =	sor.u32 s3, s0;
	s1 =	sshll.u32 s1, $0x11  }
0xba: {  	s0 =	sor.u32 s1, s0  }
0xbb: {  	s0 =	sadd.s32 $0x8F2B, s0  }
0xbc: {  	[sflag:s0] =	ssyncadd.remote.s32 $0x1  }
0xbd: {  	_ =	sfence.sel $0xFFFF  }
0xbe: {  	[dreg:$0x0] =	wrdreg $0xFFFFFFFF;
	(pc) =	sbr.abs _section_cstart, $3  }
0xbf: {  	[dreg:$0x1] =	wrdreg $0xFFFFFFFF  }
0xc0: {  	_ =	task.clear_ibuf [dreg:s6], $0x2FFFF;
	_ =	strace $0x9FFFFFFF  }
0xc1: {  	(tm) =	ssettm $0x7FFFFFFF  }
tec
execute0_lowered:
.L_overlay_start_1:
0x0: {  	(tag) =	ssettag $0x1  }
0x1: {  	s0 =	srdreg.scid  }
0x2: {  	s5 =	rddreg [dreg:$0x0];
	s3 =	sand.u32 $0x1, s0  }
0x3: {  	s2 =	simm.s32 $0x0;
	s0 =	stileid.u32;
	s1 =	sshll.u32 s3, $0x4  }
0x4: {  	s8 =	simm.s32 $0x80;
	s9 =	simm.s32 $0x400;
	s4 =	sor.u32 s0, s1  }
0x5: {  	s10 =	simm.s32 $0x0;
	[smem:$0x7FF] =	sst s2;
	s1 =	sshrl.u32 s4, $0x3  }
0x6: {  	s7 =	sshll.u32 s0, $0x7;
	s3 =	ssub.s32 $0x2, s3;
	s6 =	smul.u32 $0x13C00, s1  }
0x7: {  	s7 =	sand.u32 $0x380, s7;
	s31 =	sshrl.u32 s3, $0x1;
	s4 =	smul.u32 $0x4E2, s4  }
0x8: {  	s1 =	rddreg [dreg:$0x1];
	_ =	strace $0x80000047;
	s6 =	sor.u32 s7, s6  }
0x9: {  	s4 =	sadd.s32 s4, s5;
	s7 =	simm.s32 $0x2780;
	s6 =	sshrl.u32 s6, $0x3  }
0xa: {  	s5 =	sadd.s32 s6, s5;
	s6 =	ssub.s32 s3, s31;
	s3 =	sadd.s32 $0x6E00, s4  }
0xb: {  	v0 =	vimm.f32 $0.0e+00;
	v1 =	vimm.f32 $1.000000000e+00;
	s4 =	sadd.s32 $0x10C00, s5;
	s5 =	smax.u32 s6, $0x1;
	s6 =	simm.s32 $0x1  }
.LBB2_1:
0xc: {  	[tilespmem:s2], [sflag:$0x1] =	stream.linear.gather [hbm4b:s3+s2], $0x2710, $0x38;
	[tilespmem:$0x4F00] =	vst v63  }
0xd: {  	_ =	swait.ge [sflag:s6], $0x2710  }
0xe: {  	[sflag:s6] =	ssyncset.done $0x0  }
0xf: {  	s11 =	simm.s32 $0x0;
	[sflag:s6] =	ssyncadd.s32 $0xFFFFD8F0  }
.LBB2_2:
0x10: {  	p0 =	sne.s32 s11, $0x9C00  }
.Ltmp0:
0x11: {  	_ = 	snop;
	(pc) =	sbr.rel @p0 .LBB2_2-.Ltmp0, $3  }
0x12: {  	_ =	sdelay $0x1  }
0x13: {  	s12 =	sshra.s32 s11, $0x2  }
0x14: {  	s11 =	sadd.s32 $0x40, s11;
	[tilespmem:s12+$0x2780] =	vst v0  }
0x15: {  	s12 =	simm.s32 $0x0;
	s11 =	simm.s32 $0x40  }
.LBB2_4:
0x16: {  	p0 =	sne.s32 s11, $0x9C00;
	v2 =	vld [tilespmem:s12+$0x0];
	_ =	sdelay $0x3  }
.Ltmp1:
0x17: {  	(pc) =	sbr.rel @p0 .LBB2_4-.Ltmp1, $2  }
0x18: {  	_ =	sdelay $0x2  }
0x19: {  	s12 =	sshra.s32 s11, $0x2;
	s11 =	sadd.s32 $0x40, s11;
	[tilespmem:v2+s7+$0x0] =	vst.idx.add.f32.msk $0xffff, v1  }
0x1a: {  	v2 =	vld [tilespmem:s12+$0x0];
	_ =	sdelay $0x5  }
0x1b: {  	s10 =	sadd.s32 $0x1, s10  }
0x1c: {  	p0 =	sne.s32 s10, s5  }
.Ltmp2:
0x1d: {  	[tilespmem:v2+s7+$0x0] =	vst.idx.add.f32.msk $0xffff, v1;
	(pc) =	sbr.rel @p0 .LBB2_1-.Ltmp2, $4  }
0x1e: {  	[hbm4b:s4+s8] =	stream.strided.scatter [tilespmem:s7], [sflag:$0x1], $0x2780, s9, s8, $0x38;
	[tilespmem:$0x4F00] =	vst v63  }
0x1f: {  	_ =	swait.ge [sflag:s6], $0x2780  }
0x20: {  	[sflag:s6] =	ssyncset.done $0x0  }
0x21: {  	[sflag:s6] =	ssyncadd.s32 $0xFFFFD880  }
0x22: {  	_ =	sfence.sel $0x180000  }
0x23: {  	[bflag:$0x0] =	sbarrier.arrive $0xFFFF  }
0x24: {  	p0 =	sne.s32 s0, $0x0;
	_ =	strace $0x90000047  }
0x25: {  	s0 =	sadd.s32 @!p0 $0x100000, s1;
	[bflag:$0x2] =	sbarrier.arrive $0xFFFF  }
0x26: {  	[sflag:s0] =	ssyncadd.tile.s32 @!p0 $0x1;
	_ =	shalt  }
.Lfunc_end2:
_tile_overlayer_lowered:
.L_overlay_start_2:
0x27: {  	(tag) =	ssettag $0x2  }
0x28: {  	s0 =	rddreg [dreg:$0x0];
	s2 =	stileid.u32  }
0x29: {  	s1 =	rddreg [dreg:$0x1];
	p0 =	sne.s32 s2, $0x0  }
0x2a: {  	s3 =	rddreg [dreg:$0x2];
	[bflag:$0x3] =	sbarrier.arrive $0xFFFF;
	s2 =	simm.s32 @!p0 $0x1C01  }
0x2b: {  	[timem:s3], [sflag:s2] =	dma.local @!p0 [hbm:s0], s1  }
0x2c: {  	s0 =	simm.s32 @!p0 $0x1  }
0x2d: {  	_ =	swait.ge @!p0 [sflag:s0], s1  }
0x2e: {  	s1 =	ssub.s32 @!p0 $0x0, s1;
	[sflag:s0] =	ssyncset.done @!p0 $0x0  }
0x2f: {  	[sflag:s0] =	ssyncadd.s32 @!p0 s1  }
0x30: {  	[bflag:$0x3] =	sbarrier.arrive $0xFFFF  }
0x31: {  	_ =	shalt  }

// kernel: kernel.15.cloned.1.call-start
scs
__scs_entry_jumppad:
0x0: {  	(pc) =	sbr.rel $0x88, $3  }
0x1: {  	(tag) =	ssettag $0x0;
	lr =	simm.s32 $0x1  }
0x2: {  	[smem:$0x3F92] =	sst lr;
	_ =	strace $0xD0000000  }
0x3: {  	_ = 	snop  }
0x4: {  	_ = 	snop  }
0x5: {  	_ = 	snop  }
0x6: {  	_ = 	snop  }
0x7: {  	_ = 	snop  }
__scs_overlays_trampoline_lowered:
0x8: {  	[smem:$0x3FA1] =	sst s0  }
0x9: {  	[smem:$0x3FA2] =	sst s1  }
0xa: {  	[smem:$0x3FA3] =	sst s2  }
0xb: {  	[smem:$0x3FA4] =	sst s3  }
0xc: {  	[smem:$0x3FA5] =	sst s4  }
0xd: {  	[smem:$0x3FA6] =	sst s5  }
0xe: {  	[smem:$0x3FA7] =	sst s6  }
0xf: {  	[smem:$0x3FA8] =	sst s7  }
0x10: {  	[smem:$0x3FA9] =	sst s8  }
0x11: {  	[smem:$0x3FAA] =	sst s9;
	s0 =	simm.s32 @!p0 $0x0  }
0x12: {  	s1 =	sld [smem:$0x3F90];
	s0 =	simm.s32 @p0 $0x1  }
0x13: {  	[smem:$0x3FAB] =	sst s0;
	s0 =	simm.s32 @!p1 $0x0  }
0x14: {  	s2 =	sld [smem:$0x3F8F];
	s0 =	simm.s32 @p1 $0x1  }
0x15: {  	[smem:$0x3FAC] =	sst s0;
	s0 =	simm.s32 @!p2 $0x0  }
0x16: {  	s3 =	sld [smem:$0x3FDB];
	s0 =	simm.s32 @p2 $0x1  }
0x17: {  	s4 =	simm.s32 $0x1BF5;
	[smem:$0x3FAE] =	sst s0  }
0x18: {  	s0 =	sld [smem:$0x3F91];
	_ =	swait.ge [sflag:s4], $0x0  }
0x19: {  	s7 =	sld [smem:$0x3F92]  }
0x1a: {  	s8 =	sadd.s32 $0xFFFFE003, lr  }
0x1b: {  	s9 =	sadd.s32 $0xFFFFFEF7, lr;
	s5 =	simm.s32 $0xFFFFFFFF;
	p2 =	slt.u32 s8, $0xFFFFF086  }
0x1c: {  	p1 =	slt.u32 s9, $0xF7A;
	s5 =	simm.s32 @!p2 $0x0  }
0x1d: {  	s5 =	simm.s32 @p1 $0x1;
	p0 =	seq.s32 s7, s2  }
0x1e: {  	s7 =	smul.u32 @!p0 $0xF7A, s2;
	p2 =	seq.s32 @!p0 s5, $0x0  }
0x1f: {  	s9 =	smul.u32 $0xF7A, s1;
	s8 =	simm.s32 @!p0 $0x1BF5;
	p2 =	por !p2, p0  }
0x20: {  	[sflag:s8] =	ssyncset.s32 @!p0 $0xFFFFF086;
	s6 =	sadd.s32 @!p0 s3, s7;
	s7 =	simm.s32 @!p0 $0x108  }
0x21: {  	s3 =	sadd.s32 s3, s9;
	s6 =	sadd.s32 @!p0 $0x88, s6;
	s7 =	simm.s32 @p2 $0x1082  }
0x22: {  	[simem:s7], [sflag:s8] =	dma.local @!p0 [hbm:s6], $0xF7A  }
0x23: {  	s9 =	sor.u32 $0xD0000000, s2;
	s6 =	simm.s32 $0x108;
	_ =	swait.ge @!p0 [sflag:s8], $0x0  }
0x24: {  	s3 =	sadd.s32 $0x88, s3;
	s6 =	simm.s32 @!p1 $0x1082;
	[sflag:s4] =	ssyncset.s32 $0xFFFFF086  }
0x25: {  	[simem:s6], [sflag:s4] =	dma.local [hbm:s3], $0xF7A  }
0x26: {  	[smem:$0x3F92] =	sst s1;
	(tag) =	ssettag s2;
	_ =	strace s9  }
0x27: {  	s1 =	sld [smem:$0x3FA2]  }
0x28: {  	s2 =	sld [smem:$0x3FA3]  }
0x29: {  	s4 =	sld [smem:$0x3FA5]  }
0x2a: {  	p0 =	seq.s32 s5, $0x0;
	s5 =	sld [smem:$0x3FA6]  }
0x2b: {  	s6 =	sld [smem:$0x3FA7]  }
0x2c: {  	s7 =	sld [smem:$0x3FA8]  }
0x2d: {  	s3 =	simm.s32 $0x108;
	s8 =	sld [smem:$0x3FA9]  }
0x2e: {  	s3 =	simm.s32 @!p0 $0x1082;
	s9 =	sld [smem:$0x3FAA]  }
0x2f: {  	lr =	sadd.s32 s0, s3;
	s0 =	sld [smem:$0x3FA1]  }
0x30: {  	s3 =	sld [smem:$0x3FA4]  }
0x31: {  	[smem:$0x3FAD] =	sst s10  }
0x32: {  	s10 =	sld [smem:$0x3FAB];
	_ =	sdelay $0x3  }
0x33: {  	p0 =	seq.s32 s10, $0x1;
	s10 =	sld [smem:$0x3FAD];
	_ =	sdelay $0x3  }
0x34: {  	[smem:$0x3FAD] =	sst s10  }
0x35: {  	s10 =	sld [smem:$0x3FAC];
	_ =	sdelay $0x3  }
0x36: {  	p1 =	seq.s32 s10, $0x1;
	s10 =	sld [smem:$0x3FAD];
	_ =	sdelay $0x3  }
0x37: {  	[smem:$0x3FAD] =	sst s10  }
0x38: {  	s10 =	sld [smem:$0x3FAE]  }
0x39: {  	_ = 	snop;
	(pc) =	sbr.ind lr, $3  }
0x3a: {  	_ = 	snop  }
0x3b: {  	_ = 	snop  }
0x3c: {  	p2 =	seq.s32 s10, $0x1;
	s10 =	sld [smem:$0x3FAD]  }
0x3d: {  	_ =	shalt  }
0x3e: {  	_ =	shalt  }
0x3f: {  	_ =	shalt  }
0x40: {  	_ =	shalt  }
0x41: {  	_ =	shalt  }
0x42: {  	_ =	shalt  }
0x43: {  	_ =	shalt  }
0x44: {  	_ =	shalt  }
0x45: {  	_ =	shalt  }
0x46: {  	_ =	shalt  }
0x47: {  	_ =	shalt  }
0x48: {  	_ =	shalt  }
0x49: {  	_ =	shalt  }
0x4a: {  	_ =	shalt  }
0x4b: {  	_ =	shalt  }
0x4c: {  	_ =	shalt  }
0x4d: {  	_ =	shalt  }
0x4e: {  	_ =	shalt  }
0x4f: {  	_ =	shalt  }
0x50: {  	_ =	shalt  }
0x51: {  	_ =	shalt  }
0x52: {  	_ =	shalt  }
0x53: {  	_ =	shalt  }
0x54: {  	_ =	shalt  }
0x55: {  	_ =	shalt  }
0x56: {  	_ =	shalt  }
0x57: {  	_ =	shalt  }
0x58: {  	_ =	shalt  }
0x59: {  	_ =	shalt  }
0x5a: {  	_ =	shalt  }
0x5b: {  	_ =	shalt  }
0x5c: {  	_ =	shalt  }
0x5d: {  	_ =	shalt  }
0x5e: {  	_ =	shalt  }
0x5f: {  	_ =	shalt  }
0x60: {  	_ =	shalt  }
0x61: {  	_ =	shalt  }
0x62: {  	_ =	shalt  }
0x63: {  	_ =	shalt  }
0x64: {  	_ =	shalt  }
0x65: {  	_ =	shalt  }
0x66: {  	_ =	shalt  }
0x67: {  	_ =	shalt  }
0x68: {  	_ =	shalt  }
0x69: {  	_ =	shalt  }
0x6a: {  	_ =	shalt  }
0x6b: {  	_ =	shalt  }
0x6c: {  	_ =	shalt  }
0x6d: {  	_ =	shalt  }
0x6e: {  	_ =	shalt  }
0x6f: {  	_ =	shalt  }
0x70: {  	_ =	shalt  }
0x71: {  	_ =	shalt  }
0x72: {  	_ =	shalt  }
0x73: {  	_ =	shalt  }
0x74: {  	_ =	shalt  }
0x75: {  	_ =	shalt  }
0x76: {  	_ =	shalt  }
0x77: {  	_ =	shalt  }
0x78: {  	_ =	shalt  }
0x79: {  	_ =	shalt  }
0x7a: {  	_ =	shalt  }
0x7b: {  	_ =	shalt  }
0x7c: {  	_ =	shalt  }
0x7d: {  	_ =	shalt  }
0x7e: {  	_ =	shalt  }
0x7f: {  	_ =	shalt  }
0x80: {  	_ =	shalt  }
0x81: {  	_ =	shalt  }
0x82: {  	_ =	shalt  }
0x83: {  	_ =	shalt  }
0x84: {  	_ =	shalt  }
0x85: {  	_ =	shalt  }
0x86: {  	_ =	shalt  }
0x87: {  	_ =	shalt  }
.Lfunc_end0:
.L_simem_size_0:
called_computation.1_lowered:
.L_overlay_start_0:
0x88: {  	s2 =	sld [smem:$0x3FD9]  }
0x89: {  	s3 =	sld [smem:$0x3FFE];
	_ =	sdelay $0x1  }
0x8a: {  	s1 =	srdreg.scid  }
0x8b: {  	s0 =	sand.u32 $0x1, s1  }
0x8c: {  	s16 =	sshll.u32 s0, $0xA;
	s2 =	sadd.s32 s3, s2  }
0x8d: {  	s2 =	sadd.s32 s2, s16  }
0x8e: {  	[smem:$0x3FB9] =	sst s2  }
0x8f: {  	_ = 	snop  }
0x90: {  	(tm) =	ssettm $0x1  }
0x91: {  	s17 =	sld [smem:$0x3FFB];
	_ =	sdelay $0x3  }
0x92: {  	_ =	strace s17  }
0x93: {  	s2 =	sld [smem:$0x3FFC];
	_ =	sdelay $0x3  }
0x94: {  	_ =	strace s2  }
0x95: {  	s2 =	sld [smem:$0x3FFD];
	_ =	sdelay $0x3  }
0x96: {  	_ =	strace s2  }
0x97: {  	_ =	strace $0x8FFFFFFF  }
0x98: {  	s18 =	sld [smem:$0x3FDB];
	_ =	sdelay $0x1  }
0x99: {  	s19 =	simm.s32 $_scs_section_size  }
0x9a: {  	s4 =	simm.s32 $_size__tile_overlayer_lowered;
	s5 =	simm.s32 $_tile_overlayer_lowered  }
0x9b: {  	s22 =	simm.s32 $0x1BFF;
	s21 =	sshll.u32 s5, $0x1;
	s2 =	sadd.s32 s19, s18  }
0x9c: {  	s6 =	simm.s32 $0x0;
	s20 =	sshll.u32 s4, $0x1;
	s4 =	sadd.s32 s21, s2  }
0x9d: {  	[timem:s6], [sflag:s22] =	dma.local [hbm:s4], s20  }
0x9e: {  	_ =	swait.ge [sflag:s22], s20  }
0x9f: {  	s3 =	ssub.s32 $0x0, s20;
	[sflag:s22] =	ssyncset.done $0x0  }
0xa0: {  	[sflag:s22] =	ssyncadd.s32 s3;
	_ =	sdelay $0x1  }
0xa1: {  	s23 =	simm.s32 $0x1B8B  }
0xa2: {  	_ =	swait.ge [sflag:s23], $0x1  }
0xa3: {  	[sflag:s23] =	ssyncset.done $0x0  }
0xa4: {  	s25 =	simm.s32 $0x1B8E;
	s24 =	sld [smem:$0x3FFE];
	[sflag:s23] =	ssyncadd.s32 $0xFFFFFFFF  }
0xa5: {  	s26 =	simm.s32 $execute0_lowered;
	[smem:$0x3FD2] =	sst s25  }
0xa6: {  	s4 =	sshll.u32 s26, $0x1;
	_ =	strace $0x80000049;
	[dreg:$0x1] =	wrdreg $0xFFFFFFFF  }
0xa7: {  	s28 =	simm.s32 $_size_execute0_lowered;
	s2 =	sadd.s32 s2, s4;
	[dreg:$0x0] =	wrdreg $0x0  }
0xa8: {  	s4 =	sshll.u32 s28, $0x1;
	[dreg:$0x2] =	wrdreg s2  }
0xa9: {  	[dreg:$0x3] =	wrdreg s4  }
0xaa: {  	[dreg:$0x4] =	wrdreg $0xC0  }
0xab: {  	_ =	task [dreg:s6], $0x5FFFF  }
0xac: {  	[dreg:$0x1] =	wrdreg $0xFFFFFFFF  }
0xad: {  	[dreg:$0x0] =	wrdreg $0x60  }
0xae: {  	[dreg:$0x2] =	wrdreg s24  }
0xaf: {  	[dreg:$0x3] =	wrdreg $0x82000  }
0xb0: {  	[dreg:$0x4] =	wrdreg $0x9  }
0xb1: {  	_ =	task.clear_ibuf [dreg:s6], $0x5FFFF;
	_ =	strace $0x90000049  }
0xb2: {  	s29 =	simm.s32 $0x9;
	_ =	strace $0x8000004B  }
0xb3: {  	_ =	swait.ge [sflag:s29], $0x1  }
0xb4: {  	[sflag:s29] =	ssyncadd.s32 $0xFFFFFFFF  }
0xb5: {  	_ =	strace $0x9000004B  }
0xb6: {  	_ =	sfence  }
0xb7: {  	s30 =	sld [smem:$0x0];
	_ =	sdelay $0x2  }
0xb8: {  	s31 =	sshll.u32 s1, $0xD;
	s1 =	sshrl.u32 s1, $0x2  }
0xb9: {  	s3 =	sand.u32 $0x4000, s31;
	s1 =	sadd.s32 s1, s30  }
0xba: {  	s0 =	sor.u32 s3, s0;
	s1 =	sshll.u32 s1, $0x11  }
0xbb: {  	s0 =	sor.u32 s1, s0  }
0xbc: {  	s0 =	sadd.s32 $0x8F2B, s0  }
0xbd: {  	[sflag:s0] =	ssyncadd.remote.s32 $0x1  }
0xbe: {  	_ =	sfence.sel $0xFFFF  }
0xbf: {  	[dreg:$0x0] =	wrdreg $0xFFFFFFFF;
	(pc) =	sbr.abs _section_cstart, $3  }
0xc0: {  	[dreg:$0x1] =	wrdreg $0xFFFFFFFF  }
0xc1: {  	_ =	task.clear_ibuf [dreg:s6], $0x2FFFF;
	_ =	strace $0x9FFFFFFF  }
0xc2: {  	(tm) =	ssettm $0x7FFFFFFF  }
0xc3: {  	_ =	shalt  }
tec
execute0_lowered:
.L_overlay_start_1:
0x0: {  	(tag) =	ssettag $0x1  }
0x1: {  	s0 =	rddreg [dreg:$0x0]  }
0x2: {  	s1 =	rddreg [dreg:$0x1];
	s3 =	simm.s32 $0x0;
	s2 =	stileid.u32  }
0x3: {  	s5 =	srdreg.scid;
	s21 =	simm.s32 $0x5;
	s22 =	simm.s32 $0x80  }
0x4: {  	s28 =	simm.s32 $0x3;
	s29 =	simm.s32 $0x2;
	s30 =	simm.s32 $0x180  }
0x5: {  	s31 =	simm.s32 $0x0;
	[smem:$0x7FF] =	sst s3;
	s4 =	sadd.s32 $0x2EA00, s0  }
0x6: {  	s6 =	smul.u32 $0x4E000, s2;
	s18 =	sadd.s32 $0x1AA00, s0;
	s19 =	sadd.s32 $0x7CE00, s0  }
0x7: {  	s5 =	sand.u32 $0x1, s5;
	s20 =	sadd.s32 $0xA4000, s0;
	s17 =	smul.u32 $0x2700, s2  }
0x8: {  	s12 =	sadd.s32 $0x138000, s1;
	s13 =	sadd.s32 $0x138800, s1;
	s26 =	smul.u32 $0xA00, s2  }
0x9: {  	p1 =	sne.s32 s2, $0xF;
	p2 =	seq.s32 s2, $0xF;
	_ =	strace $0x8000004A  }
0xa: {  	s23 =	ssub.s32 $0x2, s5;
	s9 =	sshll.u32 s5, $0x4;
	s25 =	smul.u32 $0xA000, s5  }
0xb: {  	p0 =	seq.s32 s5, $0x1;
	[dreg:$0x3] =	wrdreg s19;
	s6 =	sshrl.u32 s6, $0x2  }
0xc: {  	s8 =	sshrl.u32 s23, $0x1;
	s24 =	sor.u32 s2, s9;
	s16 =	sadd.s32 s19, s17  }
0xd: {  	s17 =	sadd.s32 s20, s17;
	s7 =	sadd.s32 s6, s1;
	s0 =	ssub.s32 s23, s8  }
0xe: {  	s6 =	smul.u32 $0xA00, s24;
	[dreg:$0x4] =	wrdreg s16;
	s16 =	smov.u32 s20  }
.Ltmp0:
0xf: {  	s20 =	simm.s32 $0x200;
	s23 =	simm.s32 $0x100;
	(pc) =	sbr.rel .LBB2_1-.Ltmp0, $4  }
0x10: {  	s24 =	simm.s32 $0x4;
	s8 =	sadd.s32 $0x4000, s7;
	s9 =	sadd.s32 $0x8000, s7  }
0x11: {  	s10 =	sadd.s32 $0xC000, s7;
	s11 =	sadd.s32 $0x10000, s7;
	s14 =	sadd.s32 s18, s6  }
0x12: {  	s6 =	sadd.s32 s25, s18;
	s18 =	smax.u32 s0, $0x1;
	s25 =	simm.s32 $0x4200  }
0x13: {  	v0 =	vimm.f32 $0.0e+00;
	s15 =	sadd.s32 $0x20, s14;
	s19 =	sadd.s32 s26, s6;
	s26 =	simm.s32 $0x1  }
.LBB2_8:
0x14: {  	s5 =	sadd.s32 $0x27000, s5;
	s6 =	sshrl.u32 s12, $0x3  }
0x15: {  	[hbm:s5], [sflag:s0] =	dma.local [spmem:s6], $0x100  }
0x16: {  	_ =	swait.ge [sflag:s21], $0x100  }
0x17: {  	[sflag:s21] =	ssyncset.done $0x0  }
0x18: {  	[sflag:s21] =	ssyncadd.s32 $0xFFFFFF00  }
.LBB2_9:
0x19: {  	s31 =	sadd.s32 $0x1, s31  }
0x1a: {  	p3 =	sne.s32 s31, s18  }
.Ltmp1:
0x1b: {  	_ = 	snop;
	(pc) =	sbr.rel @!p3 .LBB2_10-.Ltmp1, $1  }
0x1c: {  	_ =	sdelay $0x3  }
.LBB2_1:
0x1d: {  	s0 =	simm.s32 $0x0;
	s5 =	simm.s32 $0x200  }
.LBB2_2:
0x1e: {  	p3 =	sne.s32 s5, $0xFE00;
	[tilespmem:s0+$0x270] =	vst v0  }
0x1f: {  	[tilespmem:s0+$0x200] =	vst v0  }
0x20: {  	[tilespmem:s0+$0x210] =	vst v0  }
.Ltmp2:
0x21: {  	[tilespmem:s0+$0x220] =	vst v0;
	(pc) =	sbr.rel @p3 .LBB2_2-.Ltmp2, $4  }
0x22: {  	[tilespmem:s0+$0x230] =	vst v0  }
0x23: {  	[tilespmem:s0+$0x240] =	vst v0  }
0x24: {  	[tilespmem:s0+$0x250] =	vst v0  }
0x25: {  	[tilespmem:s0+$0x260] =	vst v0;
	s0 =	sshra.s32 s5, $0x2;
	s5 =	sadd.s32 $0x200, s5  }
0x26: {  	[tilespmem:s0+$0x270] =	vst v0  }
0x27: {  	[tilespmem:s0+$0x200] =	vst v0  }
0x28: {  	[tilespmem:s0+$0x210] =	vst v0  }
0x29: {  	[tilespmem:s0+$0x220] =	vst v0  }
0x2a: {  	[tilespmem:s0+$0x230] =	vst v0  }
0x2b: {  	[tilespmem:s0+$0x240] =	vst v0  }
0x2c: {  	[tilespmem:s0+$0x250] =	vst v0  }
0x2d: {  	[tilespmem:s0+$0x260] =	vst v0  }
0x2e: {  	[spmem:s7] =	stream.linear.scatter [tilespmem:s20], [sflag:$0x5], $0x4000, $0x38;
	[tilespmem:$0x1BE80] =	vst v63  }
0x2f: {  	_ =	swait.ge [sflag:s21], $0x4000  }
0x30: {  	[sflag:s21] =	ssyncset.done $0x0  }
0x31: {  	[sflag:s21] =	ssyncadd.s32 $0xFFFFC000  }
0x32: {  	[spmem:s8] =	stream.linear.scatter [tilespmem:s20], [sflag:$0x5], $0x4000, $0x38;
	[tilespmem:$0x1BE80] =	vst v63  }
0x33: {  	_ =	swait.ge [sflag:s21], $0x4000  }
0x34: {  	[sflag:s21] =	ssyncset.done $0x0  }
0x35: {  	[sflag:s21] =	ssyncadd.s32 $0xFFFFC000  }
0x36: {  	[spmem:s9] =	stream.linear.scatter [tilespmem:s20], [sflag:$0x5], $0x4000, $0x38;
	[tilespmem:$0x1BE80] =	vst v63  }
0x37: {  	_ =	swait.ge [sflag:s21], $0x4000  }
0x38: {  	[sflag:s21] =	ssyncset.done $0x0  }
0x39: {  	[sflag:s21] =	ssyncadd.s32 $0xFFFFC000  }
0x3a: {  	[spmem:s10] =	stream.linear.scatter [tilespmem:s20], [sflag:$0x5], $0x4000, $0x38;
	[tilespmem:$0x1BE80] =	vst v63  }
0x3b: {  	_ =	swait.ge [sflag:s21], $0x4000  }
0x3c: {  	[sflag:s21] =	ssyncset.done $0x0  }
0x3d: {  	[sflag:s21] =	ssyncadd.s32 $0xFFFFC000  }
0x3e: {  	[spmem:s11] =	stream.linear.scatter [tilespmem:s20], [sflag:$0x5], $0x3800, $0x38;
	[tilespmem:$0x1BE80] =	vst v63  }
0x3f: {  	_ =	swait.ge [sflag:s21], $0x3800  }
0x40: {  	[sflag:s21] =	ssyncset.done $0x0  }
0x41: {  	s0 =	simm.s32 @!p1 $0x200;
	s5 =	simm.s32 @!p1 $0x5;
	[sflag:s21] =	ssyncadd.s32 $0xFFFFC800  }
0x42: {  	[spmem:s12] =	stream.linear.scatter @!p1 [tilespmem:s0], [sflag:$0x5], $0x800, $0x38;
	[tilespmem:$0x1BE80] =	vst v63  }
0x43: {  	_ =	swait.ge @!p1 [sflag:s5], $0x800  }
0x44: {  	[sflag:s5] =	ssyncset.done @!p1 $0x0  }
0x45: {  	[sflag:s5] =	ssyncadd.s32 @!p1 $0xFFFFF800  }
0x46: {  	[spmem:s13] =	stream.linear.scatter @!p1 [tilespmem:s0], [sflag:$0x5], $0x4000, $0x38;
	[tilespmem:$0x1BE80] =	vst v63  }
0x47: {  	_ =	swait.ge @!p1 [sflag:s5], $0x4000  }
0x48: {  	[sflag:s5] =	ssyncset.done @!p1 $0x0  }
0x49: {  	[sflag:s5] =	ssyncadd.s32 @!p1 $0xFFFFC000  }
0x4a: {  	[bflag:$0x0] =	sbarrier.arrive $0xFFFF  }
0x4b: {  	[tilespmem:s3], [sflag:$0x5] =	stream.linear.gather [hbm4b:s14+s3], $0x100, $0x38;
	[tilespmem:$0x1BE80] =	vst v63  }
0x4c: {  	_ =	swait.ge [sflag:s21], $0x100  }
0x4d: {  	[sflag:s21] =	ssyncset.done $0x0  }
0x4e: {  	[sflag:s21] =	ssyncadd.s32 $0xFFFFFF00  }
0x4f: {  	[tilespmem:s20], [sflag:$0x1] =	stream.indirect.gather [hbm4b:s4+s22], $0x80, s3, s22, $0xb8;
	[tilespmem:$0x1BE80] =	vst v63  }
0x50: {  	_ = 	snop  }
0x51: {  	[tilespmem:s23], [sflag:$0x4] =	stream.linear.gather [hbm4b:s15+s3], $0x100, $0x38;
	[tilespmem:$0x1BE80] =	vst v63  }
0x52: {  	_ =	swait.ge [sflag:s24], $0x100  }
0x53: {  	[sflag:s24] =	ssyncset.done $0x0  }
0x54: {  	[sflag:s24] =	ssyncadd.s32 $0xFFFFFF00  }
0x55: {  	[tilespmem:s25], [sflag:$0x2] =	stream.indirect.gather [hbm4b:s4+s22], $0x80, s23, s22, $0xb8;
	[tilespmem:$0x1BE80] =	vst v63  }
0x56: {  	_ =	swait.ge [sflag:s26], $0x4000  }
0x57: {  	[sflag:s26] =	ssyncset.done $0x0  }
0x58: {  	[sflag:s26] =	ssyncadd.s32 $0xFFFFC000  }
0x59: {  	[spmem:s1] =	stream.indirect.scatter.add.f32 [tilespmem:s20], [sflag:$0x5], $0x80, s22, s22, $0xb8;
	[tilespmem:$0x1BE80] =	vst v63  }
0x5a: {  	_ =	swait.ge [sflag:s21], $0x4000  }
0x5b: {  	s5 =	sadd.s32 $0xFFFFF640, s19;
	[sflag:s21] =	ssyncset.done $0x0  }
0x5c: {  	s6 =	sadd.s32 $0xA00, s5;
	[sflag:s21] =	ssyncadd.s32 $0xFFFFC000  }
0x5d: {  	[tilespmem:s3], [sflag:$0x3] =	stream.linear.gather [hbm4b:s6+s3], $0x100, $0x38;
	[tilespmem:$0x1BE80] =	vst v63  }
0x5e: {  	_ =	swait.ge [sflag:s28], $0x100  }
0x5f: {  	[sflag:s28] =	ssyncset.done $0x0  }
0x60: {  	[sflag:s28] =	ssyncadd.s32 $0xFFFFFF00  }
0x61: {  	[tilespmem:s20], [sflag:$0x1] =	stream.indirect.gather [hbm4b:s4+s22], $0x80, s3, s22, $0xb8;
	[tilespmem:$0x1BE80] =	vst v63  }
0x62: {  	_ =	swait.ge [sflag:s29], $0x4000  }
0x63: {  	[sflag:s29] =	ssyncset.done $0x0  }
0x64: {  	[sflag:s29] =	ssyncadd.s32 $0xFFFFC000  }
0x65: {  	[spmem:s1] =	stream.indirect.scatter.add.f32 [tilespmem:s25], [sflag:$0x5], $0x80, s30, s22, $0xb8;
	[tilespmem:$0x1BE80] =	vst v63  }
0x66: {  	_ =	swait.ge [sflag:s21], $0x4000  }
0x67: {  	[sflag:s21] =	ssyncset.done $0x0  }
0x68: {  	s0 =	simm.s32 $0xFFFFF680;
	s5 =	sadd.s32 $0xA20, s5;
	[sflag:s21] =	ssyncadd.s32 $0xFFFFC000  }
.LBB2_4:
0x69: {  	[tilespmem:s23], [sflag:$0x4] =	stream.linear.gather [hbm4b:s5+s3], $0x100, $0x38;
	[tilespmem:$0x1BE80] =	vst v63  }
0x6a: {  	s5 =	smov.u32 s0  }
0x6b: {  	p3 =	sne.s32 s0, $0xFFFFFFC0;
	s0 =	sadd.s32 $0x40, s0;
	_ =	swait.ge [sflag:s24], $0x100  }
0x6c: {  	[sflag:s24] =	ssyncset.done $0x0  }
0x6d: {  	[sflag:s24] =	ssyncadd.s32 $0xFFFFFF00  }
0x6e: {  	[tilespmem:s25], [sflag:$0x2] =	stream.indirect.gather [hbm4b:s4+s22], $0x80, s23, s22, $0xb8;
	[tilespmem:$0x1BE80] =	vst v63  }
0x6f: {  	_ =	swait.ge [sflag:s26], $0x4000  }
0x70: {  	[sflag:s26] =	ssyncset.done $0x0  }
0x71: {  	[sflag:s26] =	ssyncadd.s32 $0xFFFFC000  }
0x72: {  	[spmem:s1] =	stream.indirect.scatter.add.f32 [tilespmem:s20], [sflag:$0x5], $0x80, s22, s22, $0xb8;
	[tilespmem:$0x1BE80] =	vst v63  }
0x73: {  	_ =	swait.ge [sflag:s21], $0x4000  }
0x74: {  	s5 =	sadd.s32 s5, s19;
	[sflag:s21] =	ssyncset.done $0x0  }
0x75: {  	s6 =	sadd.s32 $0xA00, s5;
	[sflag:s21] =	ssyncadd.s32 $0xFFFFC000  }
0x76: {  	[tilespmem:s3], [sflag:$0x3] =	stream.linear.gather [hbm4b:s6+s3], $0x100, $0x38;
	[tilespmem:$0x1BE80] =	vst v63  }
0x77: {  	_ =	swait.ge [sflag:s28], $0x100  }
0x78: {  	[sflag:s28] =	ssyncset.done $0x0  }
0x79: {  	[sflag:s28] =	ssyncadd.s32 $0xFFFFFF00  }
0x7a: {  	[tilespmem:s20], [sflag:$0x1] =	stream.indirect.gather [hbm4b:s4+s22], $0x80, s3, s22, $0xb8;
	[tilespmem:$0x1BE80] =	vst v63  }
0x7b: {  	_ =	swait.ge [sflag:s29], $0x4000  }
0x7c: {  	[sflag:s29] =	ssyncset.done $0x0  }
.Ltmp3:
0x7d: {  	[sflag:s29] =	ssyncadd.s32 $0xFFFFC000;
	(pc) =	sbr.rel @p3 .LBB2_4-.Ltmp3, $4  }
0x7e: {  	[spmem:s1] =	stream.indirect.scatter.add.f32 [tilespmem:s25], [sflag:$0x5], $0x80, s30, s22, $0xb8;
	[tilespmem:$0x1BE80] =	vst v63  }
0x7f: {  	_ =	swait.ge [sflag:s21], $0x4000  }
0x80: {  	[sflag:s21] =	ssyncset.done $0x0  }
0x81: {  	s5 =	sadd.s32 $0xA20, s5;
	[sflag:s21] =	ssyncadd.s32 $0xFFFFC000  }
0x82: {  	[tilespmem:s23], [sflag:$0x4] =	stream.linear.gather [hbm4b:s5+s3], $0x100, $0x38;
	[tilespmem:$0x1BE80] =	vst v63  }
0x83: {  	_ =	swait.ge [sflag:s24], $0x100  }
0x84: {  	[sflag:s24] =	ssyncset.done $0x0  }
0x85: {  	[sflag:s24] =	ssyncadd.s32 $0xFFFFFF00  }
0x86: {  	[tilespmem:s25], [sflag:$0x2] =	stream.indirect.gather [hbm4b:s4+s22], $0x80, s23, s22, $0xb8;
	[tilespmem:$0x1BE80] =	vst v63  }
0x87: {  	_ =	swait.ge [sflag:s26], $0x4000  }
0x88: {  	[sflag:s26] =	ssyncset.done $0x0  }
0x89: {  	[sflag:s26] =	ssyncadd.s32 $0xFFFFC000  }
0x8a: {  	[spmem:s1] =	stream.indirect.scatter.add.f32 [tilespmem:s20], [sflag:$0x5], $0x80, s22, s22, $0xb8;
	[tilespmem:$0x1BE80] =	vst v63  }
0x8b: {  	_ =	swait.ge [sflag:s21], $0x4000  }
0x8c: {  	[sflag:s21] =	ssyncset.done $0x0  }
0x8d: {  	[sflag:s21] =	ssyncadd.s32 $0xFFFFC000  }
0x8e: {  	_ =	swait.ge [sflag:s29], $0x4000  }
0x8f: {  	[sflag:s29] =	ssyncset.done $0x0  }
0x90: {  	[sflag:s29] =	ssyncadd.s32 $0xFFFFC000  }
0x91: {  	[spmem:s1] =	stream.indirect.scatter.add.f32 [tilespmem:s25], [sflag:$0x5], $0x80, s30, s22, $0xb8;
	[tilespmem:$0x1BE80] =	vst v63  }
.Ltmp4:
0x92: {  	_ =	swait.ge [sflag:s21], $0x4000;
	(pc) =	sbr.rel @!p0 .LBB2_6-.Ltmp4, $4  }
0x93: {  	[sflag:s21] =	ssyncset.done $0x0  }
0x94: {  	[sflag:s21] =	ssyncadd.s32 $0xFFFFC000  }
0x95: {  	s6 =	sshll.u32 s2, $0x6;
	[bflag:$0x0] =	sbarrier.arrive $0xFFFF  }
0x96: {  	s5 =	sshrl.u32 s7, $0x3;
	s0 =	sor.u32 $0x1C05, s6  }
0x97: {  	s0 =	sor.u32 $0x1C05, s6  }
0x98: {  	[hbm:s17], [sflag:s0] =	dma.local [spmem:s5], $0x2700  }
.Ltmp5:
0x99: {  	_ = 	snop;
	(pc) =	sbr.rel @p1 .LBB2_9-.Ltmp5, $4  }
.Ltmp6:
0x9a: {  	_ = 	snop;
	(pc) =	sbr.rel @!p1 .LBB2_8-.Ltmp6, $4  }
0x9b: {  	_ =	swait.ge [sflag:s21], $0x2700  }
0x9c: {  	[sflag:s21] =	ssyncset.done $0x0  }
0x9d: {  	s5 =	smov.u32 s16;
	[sflag:s21] =	ssyncadd.s32 $0xFFFFD900  }
0x9e: {  	_ = 	snop  }
.LBB2_6:
0x9f: {  	s6 =	rddreg [dreg:$0x4]  }
0xa0: {  	[hbm:s6], [sflag:s0] =	dma.local [spmem:s5], $0x2700  }
.Ltmp7:
0xa1: {  	_ = 	snop;
	(pc) =	sbr.rel @p2 .LBB2_8-.Ltmp7, $4  }
.Ltmp8:
0xa2: {  	_ = 	snop;
	(pc) =	sbr.rel @!p2 .LBB2_9-.Ltmp8, $4  }
0xa3: {  	_ =	swait.ge [sflag:s21], $0x2700  }
0xa4: {  	[sflag:s21] =	ssyncset.done $0x0  }
0xa5: {  	s5 =	rddreg [dreg:$0x3];
	[sflag:s21] =	ssyncadd.s32 $0xFFFFD900  }
0xa6: {  	_ = 	snop  }
.LBB2_10:
0xa7: {  	_ =	sfence.sel $0x180000  }
0xa8: {  	[bflag:$0x0] =	sbarrier.arrive $0xFFFF  }
0xa9: {  	_ =	strace $0x9000004A  }
0xaa: {  	[bflag:$0x2] =	sbarrier.arrive $0xFFFF  }
0xab: {  	p0 =	sne.s32 s2, $0x0;
	s0 =	rddreg [dreg:$0x2]  }
0xac: {  	s0 =	sadd.s32 @!p0 $0x100000, s0  }
0xad: {  	[sflag:s0] =	ssyncadd.tile.s32 @!p0 $0x1;
	_ =	shalt  }
.Lfunc_end2:
_tile_overlayer_lowered:
.L_overlay_start_2:
0xae: {  	(tag) =	ssettag $0x2  }
0xaf: {  	s0 =	rddreg [dreg:$0x0];
	s2 =	stileid.u32  }
0xb0: {  	s1 =	rddreg [dreg:$0x1];
	p0 =	sne.s32 s2, $0x0  }
0xb1: {  	s3 =	rddreg [dreg:$0x2];
	[bflag:$0x3] =	sbarrier.arrive $0xFFFF;
	s2 =	simm.s32 @!p0 $0x1C05  }
0xb2: {  	[timem:s3], [sflag:s2] =	dma.local @!p0 [hbm:s0], s1  }
0xb3: {  	s0 =	simm.s32 @!p0 $0x5  }
0xb4: {  	_ =	swait.ge @!p0 [sflag:s0], s1  }
0xb5: {  	s1 =	ssub.s32 @!p0 $0x0, s1;
	[sflag:s0] =	ssyncset.done @!p0 $0x0  }
0xb6: {  	[sflag:s0] =	ssyncadd.s32 @!p0 s1  }
0xb7: {  	[bflag:$0x3] =	sbarrier.arrive $0xFFFF  }
0xb8: {  	_ =	shalt  }

// kernel: kernel.18.cloned.1.call-start
scs
__scs_entry_jumppad:
0x0: {  	(pc) =	sbr.rel $0x88, $3  }
0x1: {  	(tag) =	ssettag $0x0;
	lr =	simm.s32 $0x1  }
0x2: {  	[smem:$0x3F92] =	sst lr;
	_ =	strace $0xD0000000  }
0x3: {  	_ = 	snop  }
0x4: {  	_ = 	snop  }
0x5: {  	_ = 	snop  }
0x6: {  	_ = 	snop  }
0x7: {  	_ = 	snop  }
__scs_overlays_trampoline_lowered:
0x8: {  	[smem:$0x3FA1] =	sst s0  }
0x9: {  	[smem:$0x3FA2] =	sst s1  }
0xa: {  	[smem:$0x3FA3] =	sst s2  }
0xb: {  	[smem:$0x3FA4] =	sst s3  }
0xc: {  	[smem:$0x3FA5] =	sst s4  }
0xd: {  	[smem:$0x3FA6] =	sst s5  }
0xe: {  	[smem:$0x3FA7] =	sst s6  }
0xf: {  	[smem:$0x3FA8] =	sst s7  }
0x10: {  	[smem:$0x3FA9] =	sst s8  }
0x11: {  	[smem:$0x3FAA] =	sst s9;
	s0 =	simm.s32 @!p0 $0x0  }
0x12: {  	s1 =	sld [smem:$0x3F90];
	s0 =	simm.s32 @p0 $0x1  }
0x13: {  	[smem:$0x3FAB] =	sst s0;
	s0 =	simm.s32 @!p1 $0x0  }
0x14: {  	s2 =	sld [smem:$0x3F8F];
	s0 =	simm.s32 @p1 $0x1  }
0x15: {  	[smem:$0x3FAC] =	sst s0;
	s0 =	simm.s32 @!p2 $0x0  }
0x16: {  	s3 =	sld [smem:$0x3FDB];
	s0 =	simm.s32 @p2 $0x1  }
0x17: {  	s4 =	simm.s32 $0x1BF5;
	[smem:$0x3FAE] =	sst s0  }
0x18: {  	s0 =	sld [smem:$0x3F91];
	_ =	swait.ge [sflag:s4], $0x0  }
0x19: {  	s7 =	sld [smem:$0x3F92]  }
0x1a: {  	s8 =	sadd.s32 $0xFFFFE003, lr  }
0x1b: {  	s9 =	sadd.s32 $0xFFFFFEF7, lr;
	s5 =	simm.s32 $0xFFFFFFFF;
	p2 =	slt.u32 s8, $0xFFFFF086  }
0x1c: {  	p1 =	slt.u32 s9, $0xF7A;
	s5 =	simm.s32 @!p2 $0x0  }
0x1d: {  	s5 =	simm.s32 @p1 $0x1;
	p0 =	seq.s32 s7, s2  }
0x1e: {  	s7 =	smul.u32 @!p0 $0xF7A, s2;
	p2 =	seq.s32 @!p0 s5, $0x0  }
0x1f: {  	s9 =	smul.u32 $0xF7A, s1;
	s8 =	simm.s32 @!p0 $0x1BF5;
	p2 =	por !p2, p0  }
0x20: {  	[sflag:s8] =	ssyncset.s32 @!p0 $0xFFFFF086;
	s6 =	sadd.s32 @!p0 s3, s7;
	s7 =	simm.s32 @!p0 $0x108  }
0x21: {  	s3 =	sadd.s32 s3, s9;
	s6 =	sadd.s32 @!p0 $0x88, s6;
	s7 =	simm.s32 @p2 $0x1082  }
0x22: {  	[simem:s7], [sflag:s8] =	dma.local @!p0 [hbm:s6], $0xF7A  }
0x23: {  	s9 =	sor.u32 $0xD0000000, s2;
	s6 =	simm.s32 $0x108;
	_ =	swait.ge @!p0 [sflag:s8], $0x0  }
0x24: {  	s3 =	sadd.s32 $0x88, s3;
	s6 =	simm.s32 @!p1 $0x1082;
	[sflag:s4] =	ssyncset.s32 $0xFFFFF086  }
0x25: {  	[simem:s6], [sflag:s4] =	dma.local [hbm:s3], $0xF7A  }
0x26: {  	[smem:$0x3F92] =	sst s1;
	(tag) =	ssettag s2;
	_ =	strace s9  }
0x27: {  	s1 =	sld [smem:$0x3FA2]  }
0x28: {  	s2 =	sld [smem:$0x3FA3]  }
0x29: {  	s4 =	sld [smem:$0x3FA5]  }
0x2a: {  	p0 =	seq.s32 s5, $0x0;
	s5 =	sld [smem:$0x3FA6]  }
0x2b: {  	s6 =	sld [smem:$0x3FA7]  }
0x2c: {  	s7 =	sld [smem:$0x3FA8]  }
0x2d: {  	s3 =	simm.s32 $0x108;
	s8 =	sld [smem:$0x3FA9]  }
0x2e: {  	s3 =	simm.s32 @!p0 $0x1082;
	s9 =	sld [smem:$0x3FAA]  }
0x2f: {  	lr =	sadd.s32 s0, s3;
	s0 =	sld [smem:$0x3FA1]  }
0x30: {  	s3 =	sld [smem:$0x3FA4]  }
0x31: {  	[smem:$0x3FAD] =	sst s10  }
0x32: {  	s10 =	sld [smem:$0x3FAB];
	_ =	sdelay $0x3  }
0x33: {  	p0 =	seq.s32 s10, $0x1;
	s10 =	sld [smem:$0x3FAD];
	_ =	sdelay $0x3  }
0x34: {  	[smem:$0x3FAD] =	sst s10  }
0x35: {  	s10 =	sld [smem:$0x3FAC];
	_ =	sdelay $0x3  }
0x36: {  	p1 =	seq.s32 s10, $0x1;
	s10 =	sld [smem:$0x3FAD];
	_ =	sdelay $0x3  }
0x37: {  	[smem:$0x3FAD] =	sst s10  }
0x38: {  	s10 =	sld [smem:$0x3FAE]  }
0x39: {  	_ = 	snop;
	(pc) =	sbr.ind lr, $3  }
0x3a: {  	_ = 	snop  }
0x3b: {  	_ = 	snop  }
0x3c: {  	p2 =	seq.s32 s10, $0x1;
	s10 =	sld [smem:$0x3FAD]  }
0x3d: {  	_ =	shalt  }
0x3e: {  	_ =	shalt  }
0x3f: {  	_ =	shalt  }
0x40: {  	_ =	shalt  }
0x41: {  	_ =	shalt  }
0x42: {  	_ =	shalt  }
0x43: {  	_ =	shalt  }
0x44: {  	_ =	shalt  }
0x45: {  	_ =	shalt  }
0x46: {  	_ =	shalt  }
0x47: {  	_ =	shalt  }
0x48: {  	_ =	shalt  }
0x49: {  	_ =	shalt  }
0x4a: {  	_ =	shalt  }
0x4b: {  	_ =	shalt  }
0x4c: {  	_ =	shalt  }
0x4d: {  	_ =	shalt  }
0x4e: {  	_ =	shalt  }
0x4f: {  	_ =	shalt  }
0x50: {  	_ =	shalt  }
0x51: {  	_ =	shalt  }
0x52: {  	_ =	shalt  }
0x53: {  	_ =	shalt  }
0x54: {  	_ =	shalt  }
0x55: {  	_ =	shalt  }
0x56: {  	_ =	shalt  }
0x57: {  	_ =	shalt  }
0x58: {  	_ =	shalt  }
0x59: {  	_ =	shalt  }
0x5a: {  	_ =	shalt  }
0x5b: {  	_ =	shalt  }
0x5c: {  	_ =	shalt  }
0x5d: {  	_ =	shalt  }
0x5e: {  	_ =	shalt  }
0x5f: {  	_ =	shalt  }
0x60: {  	_ =	shalt  }
0x61: {  	_ =	shalt  }
0x62: {  	_ =	shalt  }
0x63: {  	_ =	shalt  }
0x64: {  	_ =	shalt  }
0x65: {  	_ =	shalt  }
0x66: {  	_ =	shalt  }
0x67: {  	_ =	shalt  }
0x68: {  	_ =	shalt  }
0x69: {  	_ =	shalt  }
0x6a: {  	_ =	shalt  }
0x6b: {  	_ =	shalt  }
0x6c: {  	_ =	shalt  }
0x6d: {  	_ =	shalt  }
0x6e: {  	_ =	shalt  }
0x6f: {  	_ =	shalt  }
0x70: {  	_ =	shalt  }
0x71: {  	_ =	shalt  }
0x72: {  	_ =	shalt  }
0x73: {  	_ =	shalt  }
0x74: {  	_ =	shalt  }
0x75: {  	_ =	shalt  }
0x76: {  	_ =	shalt  }
0x77: {  	_ =	shalt  }
0x78: {  	_ =	shalt  }
0x79: {  	_ =	shalt  }
0x7a: {  	_ =	shalt  }
0x7b: {  	_ =	shalt  }
0x7c: {  	_ =	shalt  }
0x7d: {  	_ =	shalt  }
0x7e: {  	_ =	shalt  }
0x7f: {  	_ =	shalt  }
0x80: {  	_ =	shalt  }
0x81: {  	_ =	shalt  }
0x82: {  	_ =	shalt  }
0x83: {  	_ =	shalt  }
0x84: {  	_ =	shalt  }
0x85: {  	_ =	shalt  }
0x86: {  	_ =	shalt  }
0x87: {  	_ =	shalt  }
.Lfunc_end0:
.L_simem_size_0:
called_computation.2_lowered:
.L_overlay_start_0:
0x88: {  	s2 =	sld [smem:$0x3FD9]  }
0x89: {  	s3 =	sld [smem:$0x3FFE];
	_ =	sdelay $0x1  }
0x8a: {  	s1 =	srdreg.scid  }
0x8b: {  	s0 =	sand.u32 $0x1, s1  }
0x8c: {  	s16 =	sshll.u32 s0, $0xA;
	s2 =	sadd.s32 s3, s2  }
0x8d: {  	s2 =	sadd.s32 s2, s16  }
0x8e: {  	[smem:$0x3FB9] =	sst s2  }
0x8f: {  	_ = 	snop  }
0x90: {  	(tm) =	ssettm $0x1  }
0x91: {  	s17 =	sld [smem:$0x3FFB];
	_ =	sdelay $0x3  }
0x92: {  	_ =	strace s17  }
0x93: {  	s2 =	sld [smem:$0x3FFC];
	_ =	sdelay $0x3  }
0x94: {  	_ =	strace s2  }
0x95: {  	s2 =	sld [smem:$0x3FFD];
	_ =	sdelay $0x3  }
0x96: {  	_ =	strace s2  }
0x97: {  	_ =	strace $0x8FFFFFFF  }
0x98: {  	s18 =	sld [smem:$0x3FDB];
	_ =	sdelay $0x1  }
0x99: {  	s19 =	simm.s32 $_scs_section_size  }
0x9a: {  	s4 =	simm.s32 $_size__tile_overlayer_lowered;
	s5 =	simm.s32 $_tile_overlayer_lowered  }
0x9b: {  	s22 =	simm.s32 $0x1BFF;
	s21 =	sshll.u32 s5, $0x1;
	s2 =	sadd.s32 s19, s18  }
0x9c: {  	s6 =	simm.s32 $0x0;
	s20 =	sshll.u32 s4, $0x1;
	s4 =	sadd.s32 s21, s2  }
0x9d: {  	[timem:s6], [sflag:s22] =	dma.local [hbm:s4], s20  }
0x9e: {  	_ =	swait.ge [sflag:s22], s20  }
0x9f: {  	s3 =	ssub.s32 $0x0, s20;
	[sflag:s22] =	ssyncset.done $0x0  }
0xa0: {  	[sflag:s22] =	ssyncadd.s32 s3;
	_ =	sdelay $0x1  }
0xa1: {  	s23 =	simm.s32 $0x1B8B  }
0xa2: {  	_ =	swait.ge [sflag:s23], $0x1  }
0xa3: {  	[sflag:s23] =	ssyncset.done $0x0  }
0xa4: {  	s25 =	simm.s32 $0x1B8E;
	s24 =	sld [smem:$0x3FFE];
	[sflag:s23] =	ssyncadd.s32 $0xFFFFFFFF  }
0xa5: {  	s26 =	simm.s32 $execute0_lowered;
	[smem:$0x3FD2] =	sst s25  }
0xa6: {  	s4 =	sshll.u32 s26, $0x1;
	_ =	strace $0x8000004C;
	[dreg:$0x1] =	wrdreg $0xFFFFFFFF  }
0xa7: {  	s28 =	simm.s32 $_size_execute0_lowered;
	s2 =	sadd.s32 s2, s4;
	[dreg:$0x0] =	wrdreg $0x0  }
0xa8: {  	s4 =	sshll.u32 s28, $0x1;
	[dreg:$0x2] =	wrdreg s2  }
0xa9: {  	[dreg:$0x3] =	wrdreg s4  }
0xaa: {  	[dreg:$0x4] =	wrdreg $0xC0  }
0xab: {  	_ =	task [dreg:s6], $0x5FFFF  }
0xac: {  	[dreg:$0x1] =	wrdreg $0xFFFFFFFF  }
0xad: {  	[dreg:$0x0] =	wrdreg $0x60  }
0xae: {  	[dreg:$0x2] =	wrdreg s24  }
0xaf: {  	[dreg:$0x3] =	wrdreg $0x82000  }
0xb0: {  	[dreg:$0x4] =	wrdreg $0x9  }
0xb1: {  	_ =	task.clear_ibuf [dreg:s6], $0x5FFFF;
	_ =	strace $0x9000004C  }
0xb2: {  	s29 =	simm.s32 $0x9;
	_ =	strace $0x8000004E  }
0xb3: {  	_ =	swait.ge [sflag:s29], $0x1  }
0xb4: {  	[sflag:s29] =	ssyncadd.s32 $0xFFFFFFFF  }
0xb5: {  	_ =	strace $0x9000004E  }
0xb6: {  	_ =	sfence  }
0xb7: {  	s30 =	sld [smem:$0x0];
	_ =	sdelay $0x2  }
0xb8: {  	s31 =	sshll.u32 s1, $0xD;
	s1 =	sshrl.u32 s1, $0x2  }
0xb9: {  	s3 =	sand.u32 $0x4000, s31;
	s1 =	sadd.s32 s1, s30  }
0xba: {  	s0 =	sor.u32 s3, s0;
	s1 =	sshll.u32 s1, $0x11  }
0xbb: {  	s0 =	sor.u32 s1, s0  }
0xbc: {  	s0 =	sadd.s32 $0x8F2B, s0  }
0xbd: {  	[sflag:s0] =	ssyncadd.remote.s32 $0x1  }
0xbe: {  	_ =	sfence.sel $0xFFFF  }
0xbf: {  	[dreg:$0x0] =	wrdreg $0xFFFFFFFF;
	(pc) =	sbr.abs _section_cstart, $3  }
0xc0: {  	[dreg:$0x1] =	wrdreg $0xFFFFFFFF  }
0xc1: {  	_ =	task.clear_ibuf [dreg:s6], $0x2FFFF;
	_ =	strace $0x9FFFFFFF  }
0xc2: {  	(tm) =	ssettm $0x7FFFFFFF  }
0xc3: {  	_ =	shalt  }
tec
execute0_lowered:
.L_overlay_start_1:
0x0: {  	(tag) =	ssettag $0x1  }
0x1: {  	s0 =	rddreg [dreg:$0x0]  }
0x2: {  	s1 =	rddreg [dreg:$0x1];
	s3 =	simm.s32 $0x0;
	s2 =	stileid.u32  }
0x3: {  	s5 =	srdreg.scid;
	s21 =	simm.s32 $0x5;
	s22 =	simm.s32 $0x80  }
0x4: {  	s28 =	simm.s32 $0x3;
	s29 =	simm.s32 $0x2;
	s30 =	simm.s32 $0x180  }
0x5: {  	s31 =	simm.s32 $0x0;
	[smem:$0x7FF] =	sst s3;
	s4 =	sadd.s32 $0x2EA00, s0  }
0x6: {  	s6 =	smul.u32 $0x4E000, s2;
	s18 =	sadd.s32 $0x1AA00, s0;
	s19 =	sadd.s32 $0xA4000, s0  }
0x7: {  	s5 =	sand.u32 $0x1, s5;
	s20 =	sadd.s32 $0xCB200, s0;
	s17 =	smul.u32 $0x2700, s2  }
0x8: {  	s12 =	sadd.s32 $0x138000, s1;
	s13 =	sadd.s32 $0x138800, s1;
	s26 =	smul.u32 $0xA00, s2  }
0x9: {  	p1 =	sne.s32 s2, $0xF;
	p2 =	seq.s32 s2, $0xF;
	_ =	strace $0x8000004D  }
0xa: {  	s23 =	ssub.s32 $0x2, s5;
	s9 =	sshll.u32 s5, $0x4;
	s25 =	smul.u32 $0xA000, s5  }
0xb: {  	p0 =	seq.s32 s5, $0x1;
	[dreg:$0x3] =	wrdreg s19;
	s6 =	sshrl.u32 s6, $0x2  }
0xc: {  	s8 =	sshrl.u32 s23, $0x1;
	s24 =	sor.u32 s2, s9;
	s16 =	sadd.s32 s19, s17  }
0xd: {  	s17 =	sadd.s32 s20, s17;
	s7 =	sadd.s32 s6, s1;
	s0 =	ssub.s32 s23, s8  }
0xe: {  	s6 =	smul.u32 $0xA00, s24;
	[dreg:$0x4] =	wrdreg s16;
	s16 =	smov.u32 s20  }
.Ltmp0:
0xf: {  	s20 =	simm.s32 $0x200;
	s23 =	simm.s32 $0x100;
	(pc) =	sbr.rel .LBB2_1-.Ltmp0, $4  }
0x10: {  	s24 =	simm.s32 $0x4;
	s8 =	sadd.s32 $0x4000, s7;
	s9 =	sadd.s32 $0x8000, s7  }
0x11: {  	s10 =	sadd.s32 $0xC000, s7;
	s11 =	sadd.s32 $0x10000, s7;
	s14 =	sadd.s32 s18, s6  }
0x12: {  	s6 =	sadd.s32 s25, s18;
	s18 =	smax.u32 s0, $0x1;
	s25 =	simm.s32 $0x4200  }
0x13: {  	v0 =	vimm.f32 $0.0e+00;
	s15 =	sadd.s32 $0x20, s14;
	s19 =	sadd.s32 s26, s6;
	s26 =	simm.s32 $0x1  }
.LBB2_8:
0x14: {  	s5 =	sadd.s32 $0x27000, s5;
	s6 =	sshrl.u32 s12, $0x3  }
0x15: {  	[hbm:s5], [sflag:s0] =	dma.local [spmem:s6], $0x100  }
0x16: {  	_ =	swait.ge [sflag:s21], $0x100  }
0x17: {  	[sflag:s21] =	ssyncset.done $0x0  }
0x18: {  	[sflag:s21] =	ssyncadd.s32 $0xFFFFFF00  }
.LBB2_9:
0x19: {  	s31 =	sadd.s32 $0x1, s31  }
0x1a: {  	p3 =	sne.s32 s31, s18  }
.Ltmp1:
0x1b: {  	_ = 	snop;
	(pc) =	sbr.rel @!p3 .LBB2_10-.Ltmp1, $1  }
0x1c: {  	_ =	sdelay $0x3  }
.LBB2_1:
0x1d: {  	s0 =	simm.s32 $0x0;
	s5 =	simm.s32 $0x200  }
.LBB2_2:
0x1e: {  	p3 =	sne.s32 s5, $0xFE00;
	[tilespmem:s0+$0x270] =	vst v0  }
0x1f: {  	[tilespmem:s0+$0x200] =	vst v0  }
0x20: {  	[tilespmem:s0+$0x210] =	vst v0  }
.Ltmp2:
0x21: {  	[tilespmem:s0+$0x220] =	vst v0;
	(pc) =	sbr.rel @p3 .LBB2_2-.Ltmp2, $4  }
0x22: {  	[tilespmem:s0+$0x230] =	vst v0  }
0x23: {  	[tilespmem:s0+$0x240] =	vst v0  }
0x24: {  	[tilespmem:s0+$0x250] =	vst v0  }
0x25: {  	[tilespmem:s0+$0x260] =	vst v0;
	s0 =	sshra.s32 s5, $0x2;
	s5 =	sadd.s32 $0x200, s5  }
0x26: {  	[tilespmem:s0+$0x270] =	vst v0  }
0x27: {  	[tilespmem:s0+$0x200] =	vst v0  }
0x28: {  	[tilespmem:s0+$0x210] =	vst v0  }
0x29: {  	[tilespmem:s0+$0x220] =	vst v0  }
0x2a: {  	[tilespmem:s0+$0x230] =	vst v0  }
0x2b: {  	[tilespmem:s0+$0x240] =	vst v0  }
0x2c: {  	[tilespmem:s0+$0x250] =	vst v0  }
0x2d: {  	[tilespmem:s0+$0x260] =	vst v0  }
0x2e: {  	[spmem:s7] =	stream.linear.scatter [tilespmem:s20], [sflag:$0x5], $0x4000, $0x38;
	[tilespmem:$0x1BE80] =	vst v63  }
0x2f: {  	_ =	swait.ge [sflag:s21], $0x4000  }
0x30: {  	[sflag:s21] =	ssyncset.done $0x0  }
0x31: {  	[sflag:s21] =	ssyncadd.s32 $0xFFFFC000  }
0x32: {  	[spmem:s8] =	stream.linear.scatter [tilespmem:s20], [sflag:$0x5], $0x4000, $0x38;
	[tilespmem:$0x1BE80] =	vst v63  }
0x33: {  	_ =	swait.ge [sflag:s21], $0x4000  }
0x34: {  	[sflag:s21] =	ssyncset.done $0x0  }
0x35: {  	[sflag:s21] =	ssyncadd.s32 $0xFFFFC000  }
0x36: {  	[spmem:s9] =	stream.linear.scatter [tilespmem:s20], [sflag:$0x5], $0x4000, $0x38;
	[tilespmem:$0x1BE80] =	vst v63  }
0x37: {  	_ =	swait.ge [sflag:s21], $0x4000  }
0x38: {  	[sflag:s21] =	ssyncset.done $0x0  }
0x39: {  	[sflag:s21] =	ssyncadd.s32 $0xFFFFC000  }
0x3a: {  	[spmem:s10] =	stream.linear.scatter [tilespmem:s20], [sflag:$0x5], $0x4000, $0x38;
	[tilespmem:$0x1BE80] =	vst v63  }
0x3b: {  	_ =	swait.ge [sflag:s21], $0x4000  }
0x3c: {  	[sflag:s21] =	ssyncset.done $0x0  }
0x3d: {  	[sflag:s21] =	ssyncadd.s32 $0xFFFFC000  }
0x3e: {  	[spmem:s11] =	stream.linear.scatter [tilespmem:s20], [sflag:$0x5], $0x3800, $0x38;
	[tilespmem:$0x1BE80] =	vst v63  }
0x3f: {  	_ =	swait.ge [sflag:s21], $0x3800  }
0x40: {  	[sflag:s21] =	ssyncset.done $0x0  }
0x41: {  	s0 =	simm.s32 @!p1 $0x200;
	s5 =	simm.s32 @!p1 $0x5;
	[sflag:s21] =	ssyncadd.s32 $0xFFFFC800  }
0x42: {  	[spmem:s12] =	stream.linear.scatter @!p1 [tilespmem:s0], [sflag:$0x5], $0x800, $0x38;
	[tilespmem:$0x1BE80] =	vst v63  }
0x43: {  	_ =	swait.ge @!p1 [sflag:s5], $0x800  }
0x44: {  	[sflag:s5] =	ssyncset.done @!p1 $0x0  }
0x45: {  	[sflag:s5] =	ssyncadd.s32 @!p1 $0xFFFFF800  }
0x46: {  	[spmem:s13] =	stream.linear.scatter @!p1 [tilespmem:s0], [sflag:$0x5], $0x4000, $0x38;
	[tilespmem:$0x1BE80] =	vst v63  }
0x47: {  	_ =	swait.ge @!p1 [sflag:s5], $0x4000  }
0x48: {  	[sflag:s5] =	ssyncset.done @!p1 $0x0  }
0x49: {  	[sflag:s5] =	ssyncadd.s32 @!p1 $0xFFFFC000  }
0x4a: {  	[bflag:$0x0] =	sbarrier.arrive $0xFFFF  }
0x4b: {  	[tilespmem:s3], [sflag:$0x5] =	stream.linear.gather [hbm4b:s14+s3], $0x100, $0x38;
	[tilespmem:$0x1BE80] =	vst v63  }
0x4c: {  	_ =	swait.ge [sflag:s21], $0x100  }
0x4d: {  	[sflag:s21] =	ssyncset.done $0x0  }
0x4e: {  	[sflag:s21] =	ssyncadd.s32 $0xFFFFFF00  }
0x4f: {  	[tilespmem:s20], [sflag:$0x1] =	stream.indirect.gather [hbm4b:s4+s22], $0x80, s3, s22, $0xb8;
	[tilespmem:$0x1BE80] =	vst v63  }
0x50: {  	_ = 	snop  }
0x51: {  	[tilespmem:s23], [sflag:$0x4] =	stream.linear.gather [hbm4b:s15+s3], $0x100, $0x38;
	[tilespmem:$0x1BE80] =	vst v63  }
0x52: {  	_ =	swait.ge [sflag:s24], $0x100  }
0x53: {  	[sflag:s24] =	ssyncset.done $0x0  }
0x54: {  	[sflag:s24] =	ssyncadd.s32 $0xFFFFFF00  }
0x55: {  	[tilespmem:s25], [sflag:$0x2] =	stream.indirect.gather [hbm4b:s4+s22], $0x80, s23, s22, $0xb8;
	[tilespmem:$0x1BE80] =	vst v63  }
0x56: {  	_ =	swait.ge [sflag:s26], $0x4000  }
0x57: {  	[sflag:s26] =	ssyncset.done $0x0  }
0x58: {  	[sflag:s26] =	ssyncadd.s32 $0xFFFFC000  }
0x59: {  	[spmem:s1] =	stream.indirect.scatter.add.f32 [tilespmem:s20], [sflag:$0x5], $0x80, s22, s22, $0xb8;
	[tilespmem:$0x1BE80] =	vst v63  }
0x5a: {  	_ =	swait.ge [sflag:s21], $0x4000  }
0x5b: {  	s5 =	sadd.s32 $0xFFFFF640, s19;
	[sflag:s21] =	ssyncset.done $0x0  }
0x5c: {  	s6 =	sadd.s32 $0xA00, s5;
	[sflag:s21] =	ssyncadd.s32 $0xFFFFC000  }
0x5d: {  	[tilespmem:s3], [sflag:$0x3] =	stream.linear.gather [hbm4b:s6+s3], $0x100, $0x38;
	[tilespmem:$0x1BE80] =	vst v63  }
0x5e: {  	_ =	swait.ge [sflag:s28], $0x100  }
0x5f: {  	[sflag:s28] =	ssyncset.done $0x0  }
0x60: {  	[sflag:s28] =	ssyncadd.s32 $0xFFFFFF00  }
0x61: {  	[tilespmem:s20], [sflag:$0x1] =	stream.indirect.gather [hbm4b:s4+s22], $0x80, s3, s22, $0xb8;
	[tilespmem:$0x1BE80] =	vst v63  }
0x62: {  	_ =	swait.ge [sflag:s29], $0x4000  }
0x63: {  	[sflag:s29] =	ssyncset.done $0x0  }
0x64: {  	[sflag:s29] =	ssyncadd.s32 $0xFFFFC000  }
0x65: {  	[spmem:s1] =	stream.indirect.scatter.add.f32 [tilespmem:s25], [sflag:$0x5], $0x80, s30, s22, $0xb8;
	[tilespmem:$0x1BE80] =	vst v63  }
0x66: {  	_ =	swait.ge [sflag:s21], $0x4000  }
0x67: {  	[sflag:s21] =	ssyncset.done $0x0  }
0x68: {  	s0 =	simm.s32 $0xFFFFF680;
	s5 =	sadd.s32 $0xA20, s5;
	[sflag:s21] =	ssyncadd.s32 $0xFFFFC000  }
.LBB2_4:
0x69: {  	[tilespmem:s23], [sflag:$0x4] =	stream.linear.gather [hbm4b:s5+s3], $0x100, $0x38;
	[tilespmem:$0x1BE80] =	vst v63  }
0x6a: {  	s5 =	smov.u32 s0  }
0x6b: {  	p3 =	sne.s32 s0, $0xFFFFFFC0;
	s0 =	sadd.s32 $0x40, s0;
	_ =	swait.ge [sflag:s24], $0x100  }
0x6c: {  	[sflag:s24] =	ssyncset.done $0x0  }
0x6d: {  	[sflag:s24] =	ssyncadd.s32 $0xFFFFFF00  }
0x6e: {  	[tilespmem:s25], [sflag:$0x2] =	stream.indirect.gather [hbm4b:s4+s22], $0x80, s23, s22, $0xb8;
	[tilespmem:$0x1BE80] =	vst v63  }
0x6f: {  	_ =	swait.ge [sflag:s26], $0x4000  }
0x70: {  	[sflag:s26] =	ssyncset.done $0x0  }
0x71: {  	[sflag:s26] =	ssyncadd.s32 $0xFFFFC000  }
0x72: {  	[spmem:s1] =	stream.indirect.scatter.add.f32 [tilespmem:s20], [sflag:$0x5], $0x80, s22, s22, $0xb8;
	[tilespmem:$0x1BE80] =	vst v63  }
0x73: {  	_ =	swait.ge [sflag:s21], $0x4000  }
0x74: {  	s5 =	sadd.s32 s5, s19;
	[sflag:s21] =	ssyncset.done $0x0  }
0x75: {  	s6 =	sadd.s32 $0xA00, s5;
	[sflag:s21] =	ssyncadd.s32 $0xFFFFC000  }
0x76: {  	[tilespmem:s3], [sflag:$0x3] =	stream.linear.gather [hbm4b:s6+s3], $0x100, $0x38;
	[tilespmem:$0x1BE80] =	vst v63  }
0x77: {  	_ =	swait.ge [sflag:s28], $0x100  }
0x78: {  	[sflag:s28] =	ssyncset.done $0x0  }
0x79: {  	[sflag:s28] =	ssyncadd.s32 $0xFFFFFF00  }
0x7a: {  	[tilespmem:s20], [sflag:$0x1] =	stream.indirect.gather [hbm4b:s4+s22], $0x80, s3, s22, $0xb8;
	[tilespmem:$0x1BE80] =	vst v63  }
0x7b: {  	_ =	swait.ge [sflag:s29], $0x4000  }
0x7c: {  	[sflag:s29] =	ssyncset.done $0x0  }
.Ltmp3:
0x7d: {  	[sflag:s29] =	ssyncadd.s32 $0xFFFFC000;
	(pc) =	sbr.rel @p3 .LBB2_4-.Ltmp3, $4  }
0x7e: {  	[spmem:s1] =	stream.indirect.scatter.add.f32 [tilespmem:s25], [sflag:$0x5], $0x80, s30, s22, $0xb8;
	[tilespmem:$0x1BE80] =	vst v63  }
0x7f: {  	_ =	swait.ge [sflag:s21], $0x4000  }
0x80: {  	[sflag:s21] =	ssyncset.done $0x0  }
0x81: {  	s5 =	sadd.s32 $0xA20, s5;
	[sflag:s21] =	ssyncadd.s32 $0xFFFFC000  }
0x82: {  	[tilespmem:s23], [sflag:$0x4] =	stream.linear.gather [hbm4b:s5+s3], $0x100, $0x38;
	[tilespmem:$0x1BE80] =	vst v63  }
0x83: {  	_ =	swait.ge [sflag:s24], $0x100  }
0x84: {  	[sflag:s24] =	ssyncset.done $0x0  }
0x85: {  	[sflag:s24] =	ssyncadd.s32 $0xFFFFFF00  }
0x86: {  	[tilespmem:s25], [sflag:$0x2] =	stream.indirect.gather [hbm4b:s4+s22], $0x80, s23, s22, $0xb8;
	[tilespmem:$0x1BE80] =	vst v63  }
0x87: {  	_ =	swait.ge [sflag:s26], $0x4000  }
0x88: {  	[sflag:s26] =	ssyncset.done $0x0  }
0x89: {  	[sflag:s26] =	ssyncadd.s32 $0xFFFFC000  }
0x8a: {  	[spmem:s1] =	stream.indirect.scatter.add.f32 [tilespmem:s20], [sflag:$0x5], $0x80, s22, s22, $0xb8;
	[tilespmem:$0x1BE80] =	vst v63  }
0x8b: {  	_ =	swait.ge [sflag:s21], $0x4000  }
0x8c: {  	[sflag:s21] =	ssyncset.done $0x0  }
0x8d: {  	[sflag:s21] =	ssyncadd.s32 $0xFFFFC000  }
0x8e: {  	_ =	swait.ge [sflag:s29], $0x4000  }
0x8f: {  	[sflag:s29] =	ssyncset.done $0x0  }
0x90: {  	[sflag:s29] =	ssyncadd.s32 $0xFFFFC000  }
0x91: {  	[spmem:s1] =	stream.indirect.scatter.add.f32 [tilespmem:s25], [sflag:$0x5], $0x80, s30, s22, $0xb8;
	[tilespmem:$0x1BE80] =	vst v63  }
.Ltmp4:
0x92: {  	_ =	swait.ge [sflag:s21], $0x4000;
	(pc) =	sbr.rel @!p0 .LBB2_6-.Ltmp4, $4  }
0x93: {  	[sflag:s21] =	ssyncset.done $0x0  }
0x94: {  	[sflag:s21] =	ssyncadd.s32 $0xFFFFC000  }
0x95: {  	s6 =	sshll.u32 s2, $0x6;
	[bflag:$0x0] =	sbarrier.arrive $0xFFFF  }
0x96: {  	s5 =	sshrl.u32 s7, $0x3;
	s0 =	sor.u32 $0x1C05, s6  }
0x97: {  	s0 =	sor.u32 $0x1C05, s6  }
0x98: {  	[hbm:s17], [sflag:s0] =	dma.local [spmem:s5], $0x2700  }
.Ltmp5:
0x99: {  	_ = 	snop;
	(pc) =	sbr.rel @p1 .LBB2_9-.Ltmp5, $4  }
.Ltmp6:
0x9a: {  	_ = 	snop;
	(pc) =	sbr.rel @!p1 .LBB2_8-.Ltmp6, $4  }
0x9b: {  	_ =	swait.ge [sflag:s21], $0x2700  }
0x9c: {  	[sflag:s21] =	ssyncset.done $0x0  }
0x9d: {  	s5 =	smov.u32 s16;
	[sflag:s21] =	ssyncadd.s32 $0xFFFFD900  }
0x9e: {  	_ = 	snop  }
.LBB2_6:
0x9f: {  	s6 =	rddreg [dreg:$0x4]  }
0xa0: {  	[hbm:s6], [sflag:s0] =	dma.local [spmem:s5], $0x2700  }
.Ltmp7:
0xa1: {  	_ = 	snop;
	(pc) =	sbr.rel @p2 .LBB2_8-.Ltmp7, $4  }
.Ltmp8:
0xa2: {  	_ = 	snop;
	(pc) =	sbr.rel @!p2 .LBB2_9-.Ltmp8, $4  }
0xa3: {  	_ =	swait.ge [sflag:s21], $0x2700  }
0xa4: {  	[sflag:s21] =	ssyncset.done $0x0  }
0xa5: {  	s5 =	rddreg [dreg:$0x3];
	[sflag:s21] =	ssyncadd.s32 $0xFFFFD900  }
0xa6: {  	_ = 	snop  }
.LBB2_10:
0xa7: {  	_ =	sfence.sel $0x180000  }
0xa8: {  	[bflag:$0x0] =	sbarrier.arrive $0xFFFF  }
0xa9: {  	_ =	strace $0x9000004D  }
0xaa: {  	[bflag:$0x2] =	sbarrier.arrive $0xFFFF  }
0xab: {  	p0 =	sne.s32 s2, $0x0;
	s0 =	rddreg [dreg:$0x2]  }
0xac: {  	s0 =	sadd.s32 @!p0 $0x100000, s0  }
0xad: {  	[sflag:s0] =	ssyncadd.tile.s32 @!p0 $0x1;
	_ =	shalt  }
.Lfunc_end2:
_tile_overlayer_lowered:
.L_overlay_start_2:
0xae: {  	(tag) =	ssettag $0x2  }
0xaf: {  	s0 =	rddreg [dreg:$0x0];
	s2 =	stileid.u32  }
0xb0: {  	s1 =	rddreg [dreg:$0x1];
	p0 =	sne.s32 s2, $0x0  }
0xb1: {  	s3 =	rddreg [dreg:$0x2];
	[bflag:$0x3] =	sbarrier.arrive $0xFFFF;
	s2 =	simm.s32 @!p0 $0x1C05  }
0xb2: {  	[timem:s3], [sflag:s2] =	dma.local @!p0 [hbm:s0], s1  }
0xb3: {  	s0 =	simm.s32 @!p0 $0x5  }
0xb4: {  	_ =	swait.ge @!p0 [sflag:s0], s1  }
0xb5: {  	s1 =	ssub.s32 @!p0 $0x0, s1;
	[sflag:s0] =	ssyncset.done @!p0 $0x0  }
0xb6: {  	[sflag:s0] =	ssyncadd.s32 @!p0 s1  }
0xb7: {  	[bflag:$0x3] =	sbarrier.arrive $0xFFFF  }
0xb8: {  	_ =	shalt  }

// kernel: kernel.21.cloned.1.call-start
scs
__scs_entry_jumppad:
0x0: {  	(pc) =	sbr.rel $0x88, $3  }
0x1: {  	(tag) =	ssettag $0x0;
	lr =	simm.s32 $0x1  }
0x2: {  	[smem:$0x3F92] =	sst lr;
	_ =	strace $0xD0000000  }
0x3: {  	_ = 	snop  }
0x4: {  	_ = 	snop  }
0x5: {  	_ = 	snop  }
0x6: {  	_ = 	snop  }
0x7: {  	_ = 	snop  }
__scs_overlays_trampoline_lowered:
0x8: {  	[smem:$0x3FA1] =	sst s0  }
0x9: {  	[smem:$0x3FA2] =	sst s1  }
0xa: {  	[smem:$0x3FA3] =	sst s2  }
0xb: {  	[smem:$0x3FA4] =	sst s3  }
0xc: {  	[smem:$0x3FA5] =	sst s4  }
0xd: {  	[smem:$0x3FA6] =	sst s5  }
0xe: {  	[smem:$0x3FA7] =	sst s6  }
0xf: {  	[smem:$0x3FA8] =	sst s7  }
0x10: {  	[smem:$0x3FA9] =	sst s8  }
0x11: {  	[smem:$0x3FAA] =	sst s9;
	s0 =	simm.s32 @!p0 $0x0  }
0x12: {  	s1 =	sld [smem:$0x3F90];
	s0 =	simm.s32 @p0 $0x1  }
0x13: {  	[smem:$0x3FAB] =	sst s0;
	s0 =	simm.s32 @!p1 $0x0  }
0x14: {  	s2 =	sld [smem:$0x3F8F];
	s0 =	simm.s32 @p1 $0x1  }
0x15: {  	[smem:$0x3FAC] =	sst s0;
	s0 =	simm.s32 @!p2 $0x0  }
0x16: {  	s3 =	sld [smem:$0x3FDB];
	s0 =	simm.s32 @p2 $0x1  }
0x17: {  	s4 =	simm.s32 $0x1BF5;
	[smem:$0x3FAE] =	sst s0  }
0x18: {  	s0 =	sld [smem:$0x3F91];
	_ =	swait.ge [sflag:s4], $0x0  }
0x19: {  	s7 =	sld [smem:$0x3F92]  }
0x1a: {  	s8 =	sadd.s32 $0xFFFFE003, lr  }
0x1b: {  	s9 =	sadd.s32 $0xFFFFFEF7, lr;
	s5 =	simm.s32 $0xFFFFFFFF;
	p2 =	slt.u32 s8, $0xFFFFF086  }
0x1c: {  	p1 =	slt.u32 s9, $0xF7A;
	s5 =	simm.s32 @!p2 $0x0  }
0x1d: {  	s5 =	simm.s32 @p1 $0x1;
	p0 =	seq.s32 s7, s2  }
0x1e: {  	s7 =	smul.u32 @!p0 $0xF7A, s2;
	p2 =	seq.s32 @!p0 s5, $0x0  }
0x1f: {  	s9 =	smul.u32 $0xF7A, s1;
	s8 =	simm.s32 @!p0 $0x1BF5;
	p2 =	por !p2, p0  }
0x20: {  	[sflag:s8] =	ssyncset.s32 @!p0 $0xFFFFF086;
	s6 =	sadd.s32 @!p0 s3, s7;
	s7 =	simm.s32 @!p0 $0x108  }
0x21: {  	s3 =	sadd.s32 s3, s9;
	s6 =	sadd.s32 @!p0 $0x88, s6;
	s7 =	simm.s32 @p2 $0x1082  }
0x22: {  	[simem:s7], [sflag:s8] =	dma.local @!p0 [hbm:s6], $0xF7A  }
0x23: {  	s9 =	sor.u32 $0xD0000000, s2;
	s6 =	simm.s32 $0x108;
	_ =	swait.ge @!p0 [sflag:s8], $0x0  }
0x24: {  	s3 =	sadd.s32 $0x88, s3;
	s6 =	simm.s32 @!p1 $0x1082;
	[sflag:s4] =	ssyncset.s32 $0xFFFFF086  }
0x25: {  	[simem:s6], [sflag:s4] =	dma.local [hbm:s3], $0xF7A  }
0x26: {  	[smem:$0x3F92] =	sst s1;
	(tag) =	ssettag s2;
	_ =	strace s9  }
0x27: {  	s1 =	sld [smem:$0x3FA2]  }
0x28: {  	s2 =	sld [smem:$0x3FA3]  }
0x29: {  	s4 =	sld [smem:$0x3FA5]  }
0x2a: {  	p0 =	seq.s32 s5, $0x0;
	s5 =	sld [smem:$0x3FA6]  }
0x2b: {  	s6 =	sld [smem:$0x3FA7]  }
0x2c: {  	s7 =	sld [smem:$0x3FA8]  }
0x2d: {  	s3 =	simm.s32 $0x108;
	s8 =	sld [smem:$0x3FA9]  }
0x2e: {  	s3 =	simm.s32 @!p0 $0x1082;
	s9 =	sld [smem:$0x3FAA]  }
0x2f: {  	lr =	sadd.s32 s0, s3;
	s0 =	sld [smem:$0x3FA1]  }
0x30: {  	s3 =	sld [smem:$0x3FA4]  }
0x31: {  	[smem:$0x3FAD] =	sst s10  }
0x32: {  	s10 =	sld [smem:$0x3FAB];
	_ =	sdelay $0x3  }
0x33: {  	p0 =	seq.s32 s10, $0x1;
	s10 =	sld [smem:$0x3FAD];
	_ =	sdelay $0x3  }
0x34: {  	[smem:$0x3FAD] =	sst s10  }
0x35: {  	s10 =	sld [smem:$0x3FAC];
	_ =	sdelay $0x3  }
0x36: {  	p1 =	seq.s32 s10, $0x1;
	s10 =	sld [smem:$0x3FAD];
	_ =	sdelay $0x3  }
0x37: {  	[smem:$0x3FAD] =	sst s10  }
0x38: {  	s10 =	sld [smem:$0x3FAE]  }
0x39: {  	_ = 	snop;
	(pc) =	sbr.ind lr, $3  }
0x3a: {  	_ = 	snop  }
0x3b: {  	_ = 	snop  }
0x3c: {  	p2 =	seq.s32 s10, $0x1;
	s10 =	sld [smem:$0x3FAD]  }
0x3d: {  	_ =	shalt  }
0x3e: {  	_ =	shalt  }
0x3f: {  	_ =	shalt  }
0x40: {  	_ =	shalt  }
0x41: {  	_ =	shalt  }
0x42: {  	_ =	shalt  }
0x43: {  	_ =	shalt  }
0x44: {  	_ =	shalt  }
0x45: {  	_ =	shalt  }
0x46: {  	_ =	shalt  }
0x47: {  	_ =	shalt  }
0x48: {  	_ =	shalt  }
0x49: {  	_ =	shalt  }
0x4a: {  	_ =	shalt  }
0x4b: {  	_ =	shalt  }
0x4c: {  	_ =	shalt  }
0x4d: {  	_ =	shalt  }
0x4e: {  	_ =	shalt  }
0x4f: {  	_ =	shalt  }
0x50: {  	_ =	shalt  }
0x51: {  	_ =	shalt  }
0x52: {  	_ =	shalt  }
0x53: {  	_ =	shalt  }
0x54: {  	_ =	shalt  }
0x55: {  	_ =	shalt  }
0x56: {  	_ =	shalt  }
0x57: {  	_ =	shalt  }
0x58: {  	_ =	shalt  }
0x59: {  	_ =	shalt  }
0x5a: {  	_ =	shalt  }
0x5b: {  	_ =	shalt  }
0x5c: {  	_ =	shalt  }
0x5d: {  	_ =	shalt  }
0x5e: {  	_ =	shalt  }
0x5f: {  	_ =	shalt  }
0x60: {  	_ =	shalt  }
0x61: {  	_ =	shalt  }
0x62: {  	_ =	shalt  }
0x63: {  	_ =	shalt  }
0x64: {  	_ =	shalt  }
0x65: {  	_ =	shalt  }
0x66: {  	_ =	shalt  }
0x67: {  	_ =	shalt  }
0x68: {  	_ =	shalt  }
0x69: {  	_ =	shalt  }
0x6a: {  	_ =	shalt  }
0x6b: {  	_ =	shalt  }
0x6c: {  	_ =	shalt  }
0x6d: {  	_ =	shalt  }
0x6e: {  	_ =	shalt  }
0x6f: {  	_ =	shalt  }
0x70: {  	_ =	shalt  }
0x71: {  	_ =	shalt  }
0x72: {  	_ =	shalt  }
0x73: {  	_ =	shalt  }
0x74: {  	_ =	shalt  }
0x75: {  	_ =	shalt  }
0x76: {  	_ =	shalt  }
0x77: {  	_ =	shalt  }
0x78: {  	_ =	shalt  }
0x79: {  	_ =	shalt  }
0x7a: {  	_ =	shalt  }
0x7b: {  	_ =	shalt  }
0x7c: {  	_ =	shalt  }
0x7d: {  	_ =	shalt  }
0x7e: {  	_ =	shalt  }
0x7f: {  	_ =	shalt  }
0x80: {  	_ =	shalt  }
0x81: {  	_ =	shalt  }
0x82: {  	_ =	shalt  }
0x83: {  	_ =	shalt  }
0x84: {  	_ =	shalt  }
0x85: {  	_ =	shalt  }
0x86: {  	_ =	shalt  }
0x87: {  	_ =	shalt  }
.Lfunc_end0:
.L_simem_size_0:
called_computation.3_lowered:
.L_overlay_start_0:
0x88: {  	s2 =	sld [smem:$0x3FD9]  }
0x89: {  	s3 =	sld [smem:$0x3FFE];
	_ =	sdelay $0x1  }
0x8a: {  	s1 =	srdreg.scid  }
0x8b: {  	s0 =	sand.u32 $0x1, s1  }
0x8c: {  	s16 =	sshll.u32 s0, $0xA;
	s2 =	sadd.s32 s3, s2  }
0x8d: {  	s2 =	sadd.s32 s2, s16  }
0x8e: {  	[smem:$0x3FB9] =	sst s2  }
0x8f: {  	_ = 	snop  }
0x90: {  	(tm) =	ssettm $0x1  }
0x91: {  	s17 =	sld [smem:$0x3FFB];
	_ =	sdelay $0x3  }
0x92: {  	_ =	strace s17  }
0x93: {  	s2 =	sld [smem:$0x3FFC];
	_ =	sdelay $0x3  }
0x94: {  	_ =	strace s2  }
0x95: {  	s2 =	sld [smem:$0x3FFD];
	_ =	sdelay $0x3  }
0x96: {  	_ =	strace s2  }
0x97: {  	_ =	strace $0x8FFFFFFF  }
0x98: {  	s18 =	sld [smem:$0x3FDB];
	_ =	sdelay $0x1  }
0x99: {  	s19 =	simm.s32 $_scs_section_size  }
0x9a: {  	s4 =	simm.s32 $_size__tile_overlayer_lowered;
	s5 =	simm.s32 $_tile_overlayer_lowered  }
0x9b: {  	s22 =	simm.s32 $0x1BFF;
	s21 =	sshll.u32 s5, $0x1;
	s2 =	sadd.s32 s19, s18  }
0x9c: {  	s6 =	simm.s32 $0x0;
	s20 =	sshll.u32 s4, $0x1;
	s4 =	sadd.s32 s21, s2  }
0x9d: {  	[timem:s6], [sflag:s22] =	dma.local [hbm:s4], s20  }
0x9e: {  	_ =	swait.ge [sflag:s22], s20  }
0x9f: {  	s3 =	ssub.s32 $0x0, s20;
	[sflag:s22] =	ssyncset.done $0x0  }
0xa0: {  	[sflag:s22] =	ssyncadd.s32 s3;
	_ =	sdelay $0x1  }
0xa1: {  	s23 =	simm.s32 $0x1B8B  }
0xa2: {  	_ =	swait.ge [sflag:s23], $0x1  }
0xa3: {  	[sflag:s23] =	ssyncset.done $0x0  }
0xa4: {  	s25 =	simm.s32 $0x1B8E;
	s24 =	sld [smem:$0x3FFE];
	[sflag:s23] =	ssyncadd.s32 $0xFFFFFFFF  }
0xa5: {  	s26 =	simm.s32 $execute0_lowered;
	[smem:$0x3FD2] =	sst s25  }
0xa6: {  	s4 =	sshll.u32 s26, $0x1;
	_ =	strace $0x8000004F;
	[dreg:$0x1] =	wrdreg $0xFFFFFFFF  }
0xa7: {  	s28 =	simm.s32 $_size_execute0_lowered;
	s2 =	sadd.s32 s2, s4;
	[dreg:$0x0] =	wrdreg $0x0  }
0xa8: {  	s4 =	sshll.u32 s28, $0x1;
	[dreg:$0x2] =	wrdreg s2  }
0xa9: {  	[dreg:$0x3] =	wrdreg s4  }
0xaa: {  	[dreg:$0x4] =	wrdreg $0xC0  }
0xab: {  	_ =	task [dreg:s6], $0x5FFFF  }
0xac: {  	[dreg:$0x1] =	wrdreg $0xFFFFFFFF  }
0xad: {  	[dreg:$0x0] =	wrdreg $0x60  }
0xae: {  	[dreg:$0x2] =	wrdreg s24  }
0xaf: {  	[dreg:$0x3] =	wrdreg $0x82000  }
0xb0: {  	[dreg:$0x4] =	wrdreg $0x9  }
0xb1: {  	_ =	task.clear_ibuf [dreg:s6], $0x5FFFF;
	_ =	strace $0x9000004F  }
0xb2: {  	s29 =	simm.s32 $0x9;
	_ =	strace $0x80000051  }
0xb3: {  	_ =	swait.ge [sflag:s29], $0x1  }
0xb4: {  	[sflag:s29] =	ssyncadd.s32 $0xFFFFFFFF  }
0xb5: {  	_ =	strace $0x90000051  }
0xb6: {  	_ =	sfence  }
0xb7: {  	s30 =	sld [smem:$0x0];
	_ =	sdelay $0x2  }
0xb8: {  	s31 =	sshll.u32 s1, $0xD;
	s1 =	sshrl.u32 s1, $0x2  }
0xb9: {  	s3 =	sand.u32 $0x4000, s31;
	s1 =	sadd.s32 s1, s30  }
0xba: {  	s0 =	sor.u32 s3, s0;
	s1 =	sshll.u32 s1, $0x11  }
0xbb: {  	s0 =	sor.u32 s1, s0  }
0xbc: {  	s0 =	sadd.s32 $0x8F2B, s0  }
0xbd: {  	[sflag:s0] =	ssyncadd.remote.s32 $0x1  }
0xbe: {  	_ =	sfence.sel $0xFFFF  }
0xbf: {  	[dreg:$0x0] =	wrdreg $0xFFFFFFFF;
	(pc) =	sbr.abs _section_cstart, $3  }
0xc0: {  	[dreg:$0x1] =	wrdreg $0xFFFFFFFF  }
0xc1: {  	_ =	task.clear_ibuf [dreg:s6], $0x2FFFF;
	_ =	strace $0x9FFFFFFF  }
0xc2: {  	(tm) =	ssettm $0x7FFFFFFF  }
0xc3: {  	_ =	shalt  }
tec
execute0_lowered:
.L_overlay_start_1:
0x0: {  	(tag) =	ssettag $0x1  }
0x1: {  	s0 =	rddreg [dreg:$0x0]  }
0x2: {  	s1 =	rddreg [dreg:$0x1];
	s3 =	simm.s32 $0x0;
	s2 =	stileid.u32  }
0x3: {  	s5 =	srdreg.scid;
	s21 =	simm.s32 $0x5;
	s22 =	simm.s32 $0x80  }
0x4: {  	s28 =	simm.s32 $0x3;
	s29 =	simm.s32 $0x2;
	s30 =	simm.s32 $0x180  }
0x5: {  	s31 =	simm.s32 $0x0;
	[smem:$0x7FF] =	sst s3;
	s4 =	sadd.s32 $0x2EA00, s0  }
0x6: {  	s6 =	smul.u32 $0x4E000, s2;
	s18 =	sadd.s32 $0x1AA00, s0;
	s19 =	sadd.s32 $0xA4000, s0  }
0x7: {  	s5 =	sand.u32 $0x1, s5;
	s20 =	sadd.s32 $0xCB200, s0;
	s17 =	smul.u32 $0x2700, s2  }
0x8: {  	s12 =	sadd.s32 $0x138000, s1;
	s13 =	sadd.s32 $0x138800, s1;
	s26 =	smul.u32 $0xA00, s2  }
0x9: {  	p1 =	sne.s32 s2, $0xF;
	p2 =	seq.s32 s2, $0xF;
	_ =	strace $0x80000050  }
0xa: {  	s23 =	ssub.s32 $0x2, s5;
	s9 =	sshll.u32 s5, $0x4;
	s25 =	smul.u32 $0xA000, s5  }
0xb: {  	p0 =	seq.s32 s5, $0x1;
	[dreg:$0x3] =	wrdreg s19;
	s6 =	sshrl.u32 s6, $0x2  }
0xc: {  	s8 =	sshrl.u32 s23, $0x1;
	s24 =	sor.u32 s2, s9;
	s16 =	sadd.s32 s19, s17  }
0xd: {  	s17 =	sadd.s32 s20, s17;
	s7 =	sadd.s32 s6, s1;
	s0 =	ssub.s32 s23, s8  }
0xe: {  	s6 =	smul.u32 $0xA00, s24;
	[dreg:$0x4] =	wrdreg s16;
	s16 =	smov.u32 s20  }
.Ltmp0:
0xf: {  	s20 =	simm.s32 $0x200;
	s23 =	simm.s32 $0x100;
	(pc) =	sbr.rel .LBB2_1-.Ltmp0, $4  }
0x10: {  	s24 =	simm.s32 $0x4;
	s8 =	sadd.s32 $0x4000, s7;
	s9 =	sadd.s32 $0x8000, s7  }
0x11: {  	s10 =	sadd.s32 $0xC000, s7;
	s11 =	sadd.s32 $0x10000, s7;
	s14 =	sadd.s32 s18, s6  }
0x12: {  	s6 =	sadd.s32 s25, s18;
	s18 =	smax.u32 s0, $0x1;
	s25 =	simm.s32 $0x4200  }
0x13: {  	v0 =	vimm.f32 $0.0e+00;
	s15 =	sadd.s32 $0x20, s14;
	s19 =	sadd.s32 s26, s6;
	s26 =	simm.s32 $0x1  }
.LBB2_8:
0x14: {  	s5 =	sadd.s32 $0x27000, s5;
	s6 =	sshrl.u32 s12, $0x3  }
0x15: {  	[hbm:s5], [sflag:s0] =	dma.local [spmem:s6], $0x100  }
0x16: {  	_ =	swait.ge [sflag:s21], $0x100  }
0x17: {  	[sflag:s21] =	ssyncset.done $0x0  }
0x18: {  	[sflag:s21] =	ssyncadd.s32 $0xFFFFFF00  }
.LBB2_9:
0x19: {  	s31 =	sadd.s32 $0x1, s31  }
0x1a: {  	p3 =	sne.s32 s31, s18  }
.Ltmp1:
0x1b: {  	_ = 	snop;
	(pc) =	sbr.rel @!p3 .LBB2_10-.Ltmp1, $1  }
0x1c: {  	_ =	sdelay $0x3  }
.LBB2_1:
0x1d: {  	s0 =	simm.s32 $0x0;
	s5 =	simm.s32 $0x200  }
.LBB2_2:
0x1e: {  	p3 =	sne.s32 s5, $0xFE00;
	[tilespmem:s0+$0x270] =	vst v0  }
0x1f: {  	[tilespmem:s0+$0x200] =	vst v0  }
0x20: {  	[tilespmem:s0+$0x210] =	vst v0  }
.Ltmp2:
0x21: {  	[tilespmem:s0+$0x220] =	vst v0;
	(pc) =	sbr.rel @p3 .LBB2_2-.Ltmp2, $4  }
0x22: {  	[tilespmem:s0+$0x230] =	vst v0  }
0x23: {  	[tilespmem:s0+$0x240] =	vst v0  }
0x24: {  	[tilespmem:s0+$0x250] =	vst v0  }
0x25: {  	[tilespmem:s0+$0x260] =	vst v0;
	s0 =	sshra.s32 s5, $0x2;
	s5 =	sadd.s32 $0x200, s5  }
0x26: {  	[tilespmem:s0+$0x270] =	vst v0  }
0x27: {  	[tilespmem:s0+$0x200] =	vst v0  }
0x28: {  	[tilespmem:s0+$0x210] =	vst v0  }
0x29: {  	[tilespmem:s0+$0x220] =	vst v0  }
0x2a: {  	[tilespmem:s0+$0x230] =	vst v0  }
0x2b: {  	[tilespmem:s0+$0x240] =	vst v0  }
0x2c: {  	[tilespmem:s0+$0x250] =	vst v0  }
0x2d: {  	[tilespmem:s0+$0x260] =	vst v0  }
0x2e: {  	[spmem:s7] =	stream.linear.scatter [tilespmem:s20], [sflag:$0x5], $0x4000, $0x38;
	[tilespmem:$0x1BE80] =	vst v63  }
0x2f: {  	_ =	swait.ge [sflag:s21], $0x4000  }
0x30: {  	[sflag:s21] =	ssyncset.done $0x0  }
0x31: {  	[sflag:s21] =	ssyncadd.s32 $0xFFFFC000  }
0x32: {  	[spmem:s8] =	stream.linear.scatter [tilespmem:s20], [sflag:$0x5], $0x4000, $0x38;
	[tilespmem:$0x1BE80] =	vst v63  }
0x33: {  	_ =	swait.ge [sflag:s21], $0x4000  }
0x34: {  	[sflag:s21] =	ssyncset.done $0x0  }
0x35: {  	[sflag:s21] =	ssyncadd.s32 $0xFFFFC000  }
0x36: {  	[spmem:s9] =	stream.linear.scatter [tilespmem:s20], [sflag:$0x5], $0x4000, $0x38;
	[tilespmem:$0x1BE80] =	vst v63  }
0x37: {  	_ =	swait.ge [sflag:s21], $0x4000  }
0x38: {  	[sflag:s21] =	ssyncset.done $0x0  }
0x39: {  	[sflag:s21] =	ssyncadd.s32 $0xFFFFC000  }
0x3a: {  	[spmem:s10] =	stream.linear.scatter [tilespmem:s20], [sflag:$0x5], $0x4000, $0x38;
	[tilespmem:$0x1BE80] =	vst v63  }
0x3b: {  	_ =	swait.ge [sflag:s21], $0x4000  }
0x3c: {  	[sflag:s21] =	ssyncset.done $0x0  }
0x3d: {  	[sflag:s21] =	ssyncadd.s32 $0xFFFFC000  }
0x3e: {  	[spmem:s11] =	stream.linear.scatter [tilespmem:s20], [sflag:$0x5], $0x3800, $0x38;
	[tilespmem:$0x1BE80] =	vst v63  }
0x3f: {  	_ =	swait.ge [sflag:s21], $0x3800  }
0x40: {  	[sflag:s21] =	ssyncset.done $0x0  }
0x41: {  	s0 =	simm.s32 @!p1 $0x200;
	s5 =	simm.s32 @!p1 $0x5;
	[sflag:s21] =	ssyncadd.s32 $0xFFFFC800  }
0x42: {  	[spmem:s12] =	stream.linear.scatter @!p1 [tilespmem:s0], [sflag:$0x5], $0x800, $0x38;
	[tilespmem:$0x1BE80] =	vst v63  }
0x43: {  	_ =	swait.ge @!p1 [sflag:s5], $0x800  }
0x44: {  	[sflag:s5] =	ssyncset.done @!p1 $0x0  }
0x45: {  	[sflag:s5] =	ssyncadd.s32 @!p1 $0xFFFFF800  }
0x46: {  	[spmem:s13] =	stream.linear.scatter @!p1 [tilespmem:s0], [sflag:$0x5], $0x4000, $0x38;
	[tilespmem:$0x1BE80] =	vst v63  }
0x47: {  	_ =	swait.ge @!p1 [sflag:s5], $0x4000  }
0x48: {  	[sflag:s5] =	ssyncset.done @!p1 $0x0  }
0x49: {  	[sflag:s5] =	ssyncadd.s32 @!p1 $0xFFFFC000  }
0x4a: {  	[bflag:$0x0] =	sbarrier.arrive $0xFFFF  }
0x4b: {  	[tilespmem:s3], [sflag:$0x5] =	stream.linear.gather [hbm4b:s14+s3], $0x100, $0x38;
	[tilespmem:$0x1BE80] =	vst v63  }
0x4c: {  	_ =	swait.ge [sflag:s21], $0x100  }
0x4d: {  	[sflag:s21] =	ssyncset.done $0x0  }
0x4e: {  	[sflag:s21] =	ssyncadd.s32 $0xFFFFFF00  }
0x4f: {  	[tilespmem:s20], [sflag:$0x1] =	stream.indirect.gather [hbm4b:s4+s22], $0x80, s3, s22, $0xb8;
	[tilespmem:$0x1BE80] =	vst v63  }
0x50: {  	_ = 	snop  }
0x51: {  	[tilespmem:s23], [sflag:$0x4] =	stream.linear.gather [hbm4b:s15+s3], $0x100, $0x38;
	[tilespmem:$0x1BE80] =	vst v63  }
0x52: {  	_ =	swait.ge [sflag:s24], $0x100  }
0x53: {  	[sflag:s24] =	ssyncset.done $0x0  }
0x54: {  	[sflag:s24] =	ssyncadd.s32 $0xFFFFFF00  }
0x55: {  	[tilespmem:s25], [sflag:$0x2] =	stream.indirect.gather [hbm4b:s4+s22], $0x80, s23, s22, $0xb8;
	[tilespmem:$0x1BE80] =	vst v63  }
0x56: {  	_ =	swait.ge [sflag:s26], $0x4000  }
0x57: {  	[sflag:s26] =	ssyncset.done $0x0  }
0x58: {  	[sflag:s26] =	ssyncadd.s32 $0xFFFFC000  }
0x59: {  	[spmem:s1] =	stream.indirect.scatter.add.f32 [tilespmem:s20], [sflag:$0x5], $0x80, s22, s22, $0xb8;
	[tilespmem:$0x1BE80] =	vst v63  }
0x5a: {  	_ =	swait.ge [sflag:s21], $0x4000  }
0x5b: {  	s5 =	sadd.s32 $0xFFFFF640, s19;
	[sflag:s21] =	ssyncset.done $0x0  }
0x5c: {  	s6 =	sadd.s32 $0xA00, s5;
	[sflag:s21] =	ssyncadd.s32 $0xFFFFC000  }
0x5d: {  	[tilespmem:s3], [sflag:$0x3] =	stream.linear.gather [hbm4b:s6+s3], $0x100, $0x38;
	[tilespmem:$0x1BE80] =	vst v63  }
0x5e: {  	_ =	swait.ge [sflag:s28], $0x100  }
0x5f: {  	[sflag:s28] =	ssyncset.done $0x0  }
0x60: {  	[sflag:s28] =	ssyncadd.s32 $0xFFFFFF00  }
0x61: {  	[tilespmem:s20], [sflag:$0x1] =	stream.indirect.gather [hbm4b:s4+s22], $0x80, s3, s22, $0xb8;
	[tilespmem:$0x1BE80] =	vst v63  }
0x62: {  	_ =	swait.ge [sflag:s29], $0x4000  }
0x63: {  	[sflag:s29] =	ssyncset.done $0x0  }
0x64: {  	[sflag:s29] =	ssyncadd.s32 $0xFFFFC000  }
0x65: {  	[spmem:s1] =	stream.indirect.scatter.add.f32 [tilespmem:s25], [sflag:$0x5], $0x80, s30, s22, $0xb8;
	[tilespmem:$0x1BE80] =	vst v63  }
0x66: {  	_ =	swait.ge [sflag:s21], $0x4000  }
0x67: {  	[sflag:s21] =	ssyncset.done $0x0  }
0x68: {  	s0 =	simm.s32 $0xFFFFF680;
	s5 =	sadd.s32 $0xA20, s5;
	[sflag:s21] =	ssyncadd.s32 $0xFFFFC000  }
.LBB2_4:
0x69: {  	[tilespmem:s23], [sflag:$0x4] =	stream.linear.gather [hbm4b:s5+s3], $0x100, $0x38;
	[tilespmem:$0x1BE80] =	vst v63  }
0x6a: {  	s5 =	smov.u32 s0  }
0x6b: {  	p3 =	sne.s32 s0, $0xFFFFFFC0;
	s0 =	sadd.s32 $0x40, s0;
	_ =	swait.ge [sflag:s24], $0x100  }
0x6c: {  	[sflag:s24] =	ssyncset.done $0x0  }
0x6d: {  	[sflag:s24] =	ssyncadd.s32 $0xFFFFFF00  }
0x6e: {  	[tilespmem:s25], [sflag:$0x2] =	stream.indirect.gather [hbm4b:s4+s22], $0x80, s23, s22, $0xb8;
	[tilespmem:$0x1BE80] =	vst v63  }
0x6f: {  	_ =	swait.ge [sflag:s26], $0x4000  }
0x70: {  	[sflag:s26] =	ssyncset.done $0x0  }
0x71: {  	[sflag:s26] =	ssyncadd.s32 $0xFFFFC000  }
0x72: {  	[spmem:s1] =	stream.indirect.scatter.add.f32 [tilespmem:s20], [sflag:$0x5], $0x80, s22, s22, $0xb8;
	[tilespmem:$0x1BE80] =	vst v63  }
0x73: {  	_ =	swait.ge [sflag:s21], $0x4000  }
0x74: {  	s5 =	sadd.s32 s5, s19;
	[sflag:s21] =	ssyncset.done $0x0  }
0x75: {  	s6 =	sadd.s32 $0xA00, s5;
	[sflag:s21] =	ssyncadd.s32 $0xFFFFC000  }
0x76: {  	[tilespmem:s3], [sflag:$0x3] =	stream.linear.gather [hbm4b:s6+s3], $0x100, $0x38;
	[tilespmem:$0x1BE80] =	vst v63  }
0x77: {  	_ =	swait.ge [sflag:s28], $0x100  }
0x78: {  	[sflag:s28] =	ssyncset.done $0x0  }
0x79: {  	[sflag:s28] =	ssyncadd.s32 $0xFFFFFF00  }
0x7a: {  	[tilespmem:s20], [sflag:$0x1] =	stream.indirect.gather [hbm4b:s4+s22], $0x80, s3, s22, $0xb8;
	[tilespmem:$0x1BE80] =	vst v63  }
0x7b: {  	_ =	swait.ge [sflag:s29], $0x4000  }
0x7c: {  	[sflag:s29] =	ssyncset.done $0x0  }
.Ltmp3:
0x7d: {  	[sflag:s29] =	ssyncadd.s32 $0xFFFFC000;
	(pc) =	sbr.rel @p3 .LBB2_4-.Ltmp3, $4  }
0x7e: {  	[spmem:s1] =	stream.indirect.scatter.add.f32 [tilespmem:s25], [sflag:$0x5], $0x80, s30, s22, $0xb8;
	[tilespmem:$0x1BE80] =	vst v63  }
0x7f: {  	_ =	swait.ge [sflag:s21], $0x4000  }
0x80: {  	[sflag:s21] =	ssyncset.done $0x0  }
0x81: {  	s5 =	sadd.s32 $0xA20, s5;
	[sflag:s21] =	ssyncadd.s32 $0xFFFFC000  }
0x82: {  	[tilespmem:s23], [sflag:$0x4] =	stream.linear.gather [hbm4b:s5+s3], $0x100, $0x38;
	[tilespmem:$0x1BE80] =	vst v63  }
0x83: {  	_ =	swait.ge [sflag:s24], $0x100  }
0x84: {  	[sflag:s24] =	ssyncset.done $0x0  }
0x85: {  	[sflag:s24] =	ssyncadd.s32 $0xFFFFFF00  }
0x86: {  	[tilespmem:s25], [sflag:$0x2] =	stream.indirect.gather [hbm4b:s4+s22], $0x80, s23, s22, $0xb8;
	[tilespmem:$0x1BE80] =	vst v63  }
0x87: {  	_ =	swait.ge [sflag:s26], $0x4000  }
0x88: {  	[sflag:s26] =	ssyncset.done $0x0  }
0x89: {  	[sflag:s26] =	ssyncadd.s32 $0xFFFFC000  }
0x8a: {  	[spmem:s1] =	stream.indirect.scatter.add.f32 [tilespmem:s20], [sflag:$0x5], $0x80, s22, s22, $0xb8;
	[tilespmem:$0x1BE80] =	vst v63  }
0x8b: {  	_ =	swait.ge [sflag:s21], $0x4000  }
0x8c: {  	[sflag:s21] =	ssyncset.done $0x0  }
0x8d: {  	[sflag:s21] =	ssyncadd.s32 $0xFFFFC000  }
0x8e: {  	_ =	swait.ge [sflag:s29], $0x4000  }
0x8f: {  	[sflag:s29] =	ssyncset.done $0x0  }
0x90: {  	[sflag:s29] =	ssyncadd.s32 $0xFFFFC000  }
0x91: {  	[spmem:s1] =	stream.indirect.scatter.add.f32 [tilespmem:s25], [sflag:$0x5], $0x80, s30, s22, $0xb8;
	[tilespmem:$0x1BE80] =	vst v63  }
.Ltmp4:
0x92: {  	_ =	swait.ge [sflag:s21], $0x4000;
	(pc) =	sbr.rel @!p0 .LBB2_6-.Ltmp4, $4  }
0x93: {  	[sflag:s21] =	ssyncset.done $0x0  }
0x94: {  	[sflag:s21] =	ssyncadd.s32 $0xFFFFC000  }
0x95: {  	s6 =	sshll.u32 s2, $0x6;
	[bflag:$0x0] =	sbarrier.arrive $0xFFFF  }
0x96: {  	s5 =	sshrl.u32 s7, $0x3;
	s0 =	sor.u32 $0x1C05, s6  }
0x97: {  	s0 =	sor.u32 $0x1C05, s6  }
0x98: {  	[hbm:s17], [sflag:s0] =	dma.local [spmem:s5], $0x2700  }
.Ltmp5:
0x99: {  	_ = 	snop;
	(pc) =	sbr.rel @p1 .LBB2_9-.Ltmp5, $4  }
.Ltmp6:
0x9a: {  	_ = 	snop;
	(pc) =	sbr.rel @!p1 .LBB2_8-.Ltmp6, $4  }
0x9b: {  	_ =	swait.ge [sflag:s21], $0x2700  }
0x9c: {  	[sflag:s21] =	ssyncset.done $0x0  }
0x9d: {  	s5 =	smov.u32 s16;
	[sflag:s21] =	ssyncadd.s32 $0xFFFFD900  }
0x9e: {  	_ = 	snop  }
.LBB2_6:
0x9f: {  	s6 =	rddreg [dreg:$0x4]  }
0xa0: {  	[hbm:s6], [sflag:s0] =	dma.local [spmem:s5], $0x2700  }
.Ltmp7:
0xa1: {  	_ = 	snop;
	(pc) =	sbr.rel @p2 .LBB2_8-.Ltmp7, $4  }
.Ltmp8:
0xa2: {  	_ = 	snop;
	(pc) =	sbr.rel @!p2 .LBB2_9-.Ltmp8, $4  }
0xa3: {  	_ =	swait.ge [sflag:s21], $0x2700  }
0xa4: {  	[sflag:s21] =	ssyncset.done $0x0  }
0xa5: {  	s5 =	rddreg [dreg:$0x3];
	[sflag:s21] =	ssyncadd.s32 $0xFFFFD900  }
0xa6: {  	_ = 	snop  }
.LBB2_10:
0xa7: {  	_ =	sfence.sel $0x180000  }
0xa8: {  	[bflag:$0x0] =	sbarrier.arrive $0xFFFF  }
0xa9: {  	_ =	strace $0x90000050  }
0xaa: {  	[bflag:$0x2] =	sbarrier.arrive $0xFFFF  }
0xab: {  	p0 =	sne.s32 s2, $0x0;
	s0 =	rddreg [dreg:$0x2]  }
0xac: {  	s0 =	sadd.s32 @!p0 $0x100000, s0  }
0xad: {  	[sflag:s0] =	ssyncadd.tile.s32 @!p0 $0x1;
	_ =	shalt  }
.Lfunc_end2:
_tile_overlayer_lowered:
.L_overlay_start_2:
0xae: {  	(tag) =	ssettag $0x2  }
0xaf: {  	s0 =	rddreg [dreg:$0x0];
	s2 =	stileid.u32  }
0xb0: {  	s1 =	rddreg [dreg:$0x1];
	p0 =	sne.s32 s2, $0x0  }
0xb1: {  	s3 =	rddreg [dreg:$0x2];
	[bflag:$0x3] =	sbarrier.arrive $0xFFFF;
	s2 =	simm.s32 @!p0 $0x1C05  }
0xb2: {  	[timem:s3], [sflag:s2] =	dma.local @!p0 [hbm:s0], s1  }
0xb3: {  	s0 =	simm.s32 @!p0 $0x5  }
0xb4: {  	_ =	swait.ge @!p0 [sflag:s0], s1  }
0xb5: {  	s1 =	ssub.s32 @!p0 $0x0, s1;
	[sflag:s0] =	ssyncset.done @!p0 $0x0  }
0xb6: {  	[sflag:s0] =	ssyncadd.s32 @!p0 s1  }
0xb7: {  	[bflag:$0x3] =	sbarrier.arrive $0xFFFF  }
0xb8: {  	_ =	shalt  }

// kernel: kernel.24.cloned.1.call-start
scs
__scs_entry_jumppad:
0x0: {  	(pc) =	sbr.rel $0x88, $3  }
0x1: {  	(tag) =	ssettag $0x0;
	lr =	simm.s32 $0x1  }
0x2: {  	[smem:$0x3F92] =	sst lr;
	_ =	strace $0xD0000000  }
0x3: {  	_ = 	snop  }
0x4: {  	_ = 	snop  }
0x5: {  	_ = 	snop  }
0x6: {  	_ = 	snop  }
0x7: {  	_ = 	snop  }
__scs_overlays_trampoline_lowered:
0x8: {  	[smem:$0x3FA1] =	sst s0  }
0x9: {  	[smem:$0x3FA2] =	sst s1  }
0xa: {  	[smem:$0x3FA3] =	sst s2  }
0xb: {  	[smem:$0x3FA4] =	sst s3  }
0xc: {  	[smem:$0x3FA5] =	sst s4  }
0xd: {  	[smem:$0x3FA6] =	sst s5  }
0xe: {  	[smem:$0x3FA7] =	sst s6  }
0xf: {  	[smem:$0x3FA8] =	sst s7  }
0x10: {  	[smem:$0x3FA9] =	sst s8  }
0x11: {  	[smem:$0x3FAA] =	sst s9;
	s0 =	simm.s32 @!p0 $0x0  }
0x12: {  	s1 =	sld [smem:$0x3F90];
	s0 =	simm.s32 @p0 $0x1  }
0x13: {  	[smem:$0x3FAB] =	sst s0;
	s0 =	simm.s32 @!p1 $0x0  }
0x14: {  	s2 =	sld [smem:$0x3F8F];
	s0 =	simm.s32 @p1 $0x1  }
0x15: {  	[smem:$0x3FAC] =	sst s0;
	s0 =	simm.s32 @!p2 $0x0  }
0x16: {  	s3 =	sld [smem:$0x3FDB];
	s0 =	simm.s32 @p2 $0x1  }
0x17: {  	s4 =	simm.s32 $0x1BF5;
	[smem:$0x3FAE] =	sst s0  }
0x18: {  	s0 =	sld [smem:$0x3F91];
	_ =	swait.ge [sflag:s4], $0x0  }
0x19: {  	s7 =	sld [smem:$0x3F92]  }
0x1a: {  	s8 =	sadd.s32 $0xFFFFE003, lr  }
0x1b: {  	s9 =	sadd.s32 $0xFFFFFEF7, lr;
	s5 =	simm.s32 $0xFFFFFFFF;
	p2 =	slt.u32 s8, $0xFFFFF086  }
0x1c: {  	p1 =	slt.u32 s9, $0xF7A;
	s5 =	simm.s32 @!p2 $0x0  }
0x1d: {  	s5 =	simm.s32 @p1 $0x1;
	p0 =	seq.s32 s7, s2  }
0x1e: {  	s7 =	smul.u32 @!p0 $0xF7A, s2;
	p2 =	seq.s32 @!p0 s5, $0x0  }
0x1f: {  	s9 =	smul.u32 $0xF7A, s1;
	s8 =	simm.s32 @!p0 $0x1BF5;
	p2 =	por !p2, p0  }
0x20: {  	[sflag:s8] =	ssyncset.s32 @!p0 $0xFFFFF086;
	s6 =	sadd.s32 @!p0 s3, s7;
	s7 =	simm.s32 @!p0 $0x108  }
0x21: {  	s3 =	sadd.s32 s3, s9;
	s6 =	sadd.s32 @!p0 $0x88, s6;
	s7 =	simm.s32 @p2 $0x1082  }
0x22: {  	[simem:s7], [sflag:s8] =	dma.local @!p0 [hbm:s6], $0xF7A  }
0x23: {  	s9 =	sor.u32 $0xD0000000, s2;
	s6 =	simm.s32 $0x108;
	_ =	swait.ge @!p0 [sflag:s8], $0x0  }
0x24: {  	s3 =	sadd.s32 $0x88, s3;
	s6 =	simm.s32 @!p1 $0x1082;
	[sflag:s4] =	ssyncset.s32 $0xFFFFF086  }
0x25: {  	[simem:s6], [sflag:s4] =	dma.local [hbm:s3], $0xF7A  }
0x26: {  	[smem:$0x3F92] =	sst s1;
	(tag) =	ssettag s2;
	_ =	strace s9  }
0x27: {  	s1 =	sld [smem:$0x3FA2]  }
0x28: {  	s2 =	sld [smem:$0x3FA3]  }
0x29: {  	s4 =	sld [smem:$0x3FA5]  }
0x2a: {  	p0 =	seq.s32 s5, $0x0;
	s5 =	sld [smem:$0x3FA6]  }
0x2b: {  	s6 =	sld [smem:$0x3FA7]  }
0x2c: {  	s7 =	sld [smem:$0x3FA8]  }
0x2d: {  	s3 =	simm.s32 $0x108;
	s8 =	sld [smem:$0x3FA9]  }
0x2e: {  	s3 =	simm.s32 @!p0 $0x1082;
	s9 =	sld [smem:$0x3FAA]  }
0x2f: {  	lr =	sadd.s32 s0, s3;
	s0 =	sld [smem:$0x3FA1]  }
0x30: {  	s3 =	sld [smem:$0x3FA4]  }
0x31: {  	[smem:$0x3FAD] =	sst s10  }
0x32: {  	s10 =	sld [smem:$0x3FAB];
	_ =	sdelay $0x3  }
0x33: {  	p0 =	seq.s32 s10, $0x1;
	s10 =	sld [smem:$0x3FAD];
	_ =	sdelay $0x3  }
0x34: {  	[smem:$0x3FAD] =	sst s10  }
0x35: {  	s10 =	sld [smem:$0x3FAC];
	_ =	sdelay $0x3  }
0x36: {  	p1 =	seq.s32 s10, $0x1;
	s10 =	sld [smem:$0x3FAD];
	_ =	sdelay $0x3  }
0x37: {  	[smem:$0x3FAD] =	sst s10  }
0x38: {  	s10 =	sld [smem:$0x3FAE]  }
0x39: {  	_ = 	snop;
	(pc) =	sbr.ind lr, $3  }
0x3a: {  	_ = 	snop  }
0x3b: {  	_ = 	snop  }
0x3c: {  	p2 =	seq.s32 s10, $0x1;
	s10 =	sld [smem:$0x3FAD]  }
0x3d: {  	_ =	shalt  }
0x3e: {  	_ =	shalt  }
0x3f: {  	_ =	shalt  }
0x40: {  	_ =	shalt  }
0x41: {  	_ =	shalt  }
0x42: {  	_ =	shalt  }
0x43: {  	_ =	shalt  }
0x44: {  	_ =	shalt  }
0x45: {  	_ =	shalt  }
0x46: {  	_ =	shalt  }
0x47: {  	_ =	shalt  }
0x48: {  	_ =	shalt  }
0x49: {  	_ =	shalt  }
0x4a: {  	_ =	shalt  }
0x4b: {  	_ =	shalt  }
0x4c: {  	_ =	shalt  }
0x4d: {  	_ =	shalt  }
0x4e: {  	_ =	shalt  }
0x4f: {  	_ =	shalt  }
0x50: {  	_ =	shalt  }
0x51: {  	_ =	shalt  }
0x52: {  	_ =	shalt  }
0x53: {  	_ =	shalt  }
0x54: {  	_ =	shalt  }
0x55: {  	_ =	shalt  }
0x56: {  	_ =	shalt  }
0x57: {  	_ =	shalt  }
0x58: {  	_ =	shalt  }
0x59: {  	_ =	shalt  }
0x5a: {  	_ =	shalt  }
0x5b: {  	_ =	shalt  }
0x5c: {  	_ =	shalt  }
0x5d: {  	_ =	shalt  }
0x5e: {  	_ =	shalt  }
0x5f: {  	_ =	shalt  }
0x60: {  	_ =	shalt  }
0x61: {  	_ =	shalt  }
0x62: {  	_ =	shalt  }
0x63: {  	_ =	shalt  }
0x64: {  	_ =	shalt  }
0x65: {  	_ =	shalt  }
0x66: {  	_ =	shalt  }
0x67: {  	_ =	shalt  }
0x68: {  	_ =	shalt  }
0x69: {  	_ =	shalt  }
0x6a: {  	_ =	shalt  }
0x6b: {  	_ =	shalt  }
0x6c: {  	_ =	shalt  }
0x6d: {  	_ =	shalt  }
0x6e: {  	_ =	shalt  }
0x6f: {  	_ =	shalt  }
0x70: {  	_ =	shalt  }
0x71: {  	_ =	shalt  }
0x72: {  	_ =	shalt  }
0x73: {  	_ =	shalt  }
0x74: {  	_ =	shalt  }
0x75: {  	_ =	shalt  }
0x76: {  	_ =	shalt  }
0x77: {  	_ =	shalt  }
0x78: {  	_ =	shalt  }
0x79: {  	_ =	shalt  }
0x7a: {  	_ =	shalt  }
0x7b: {  	_ =	shalt  }
0x7c: {  	_ =	shalt  }
0x7d: {  	_ =	shalt  }
0x7e: {  	_ =	shalt  }
0x7f: {  	_ =	shalt  }
0x80: {  	_ =	shalt  }
0x81: {  	_ =	shalt  }
0x82: {  	_ =	shalt  }
0x83: {  	_ =	shalt  }
0x84: {  	_ =	shalt  }
0x85: {  	_ =	shalt  }
0x86: {  	_ =	shalt  }
0x87: {  	_ =	shalt  }
.Lfunc_end0:
.L_simem_size_0:
called_computation.4_lowered:
.L_overlay_start_0:
0x88: {  	s2 =	sld [smem:$0x3FD9]  }
0x89: {  	s3 =	sld [smem:$0x3FFE];
	_ =	sdelay $0x1  }
0x8a: {  	s1 =	srdreg.scid  }
0x8b: {  	s0 =	sand.u32 $0x1, s1  }
0x8c: {  	s17 =	sshll.u32 s0, $0xA;
	s2 =	sadd.s32 s3, s2  }
0x8d: {  	s2 =	sadd.s32 s2, s17  }
0x8e: {  	[smem:$0x3FB9] =	sst s2  }
0x8f: {  	_ = 	snop  }
0x90: {  	s2 =	sld [smem:$0x3FC7];
	(tm) =	ssettm $0x1  }
0x91: {  	s18 =	sld [smem:$0x3FFB];
	_ =	sdelay $0x3  }
0x92: {  	_ =	strace s18  }
0x93: {  	s3 =	sld [smem:$0x3FFC];
	_ =	sdelay $0x3  }
0x94: {  	_ =	strace s3  }
0x95: {  	s3 =	sld [smem:$0x3FFD];
	_ =	sdelay $0x3  }
0x96: {  	_ =	strace s3  }
0x97: {  	_ =	strace $0x8FFFFFFF  }
0x98: {  	s19 =	sld [smem:$0x3FDB];
	_ =	sdelay $0x1  }
0x99: {  	s4 =	simm.s32 $_scs_section_size  }
0x9a: {  	s5 =	simm.s32 $_size__tile_overlayer_lowered;
	s6 =	simm.s32 $_tile_overlayer_lowered  }
0x9b: {  	s22 =	simm.s32 $0x1BFF;
	s21 =	sshll.u32 s6, $0x1;
	s3 =	sadd.s32 s4, s19  }
0x9c: {  	s7 =	simm.s32 $0x0;
	s20 =	sshll.u32 s5, $0x1;
	s5 =	sadd.s32 s21, s3  }
0x9d: {  	[timem:s7], [sflag:s22] =	dma.local [hbm:s5], s20  }
0x9e: {  	_ =	swait.ge [sflag:s22], s20  }
0x9f: {  	s4 =	ssub.s32 $0x0, s20;
	[sflag:s22] =	ssyncset.done $0x0  }
0xa0: {  	[sflag:s22] =	ssyncadd.s32 s4;
	_ =	sdelay $0x1  }
0xa1: {  	s23 =	simm.s32 $0x1B8B  }
0xa2: {  	_ =	swait.ge [sflag:s23], $0x1  }
0xa3: {  	[sflag:s23] =	ssyncset.done $0x0  }
0xa4: {  	s25 =	simm.s32 $0x1B8E;
	s24 =	sld [smem:$0x3FFE];
	[sflag:s23] =	ssyncadd.s32 $0xFFFFFFFF  }
0xa5: {  	s26 =	simm.s32 $execute0_lowered;
	[smem:$0x3FD2] =	sst s25  }
0xa6: {  	s5 =	sshll.u32 s26, $0x1;
	_ =	strace $0x80000052;
	[dreg:$0x1] =	wrdreg $0xFFFFFFFF  }
0xa7: {  	s28 =	simm.s32 $_size_execute0_lowered;
	s3 =	sadd.s32 s3, s5;
	[dreg:$0x0] =	wrdreg $0x0  }
0xa8: {  	s5 =	sshll.u32 s28, $0x1;
	[dreg:$0x2] =	wrdreg s3  }
0xa9: {  	[dreg:$0x3] =	wrdreg s5  }
0xaa: {  	[dreg:$0x4] =	wrdreg $0xC0  }
0xab: {  	_ =	task [dreg:s7], $0x5FFFF  }
0xac: {  	[dreg:$0x1] =	wrdreg $0xFFFFFFFF  }
0xad: {  	[dreg:$0x0] =	wrdreg $0x60  }
0xae: {  	[dreg:$0x2] =	wrdreg s24  }
0xaf: {  	[dreg:$0x3] =	wrdreg s2  }
0xb0: {  	[dreg:$0x4] =	wrdreg $0x9  }
0xb1: {  	_ =	task.clear_ibuf [dreg:s7], $0x5FFFF;
	_ =	strace $0x90000052  }
0xb2: {  	s29 =	simm.s32 $0x9;
	_ =	strace $0x80000054  }
0xb3: {  	_ =	swait.ge [sflag:s29], $0x1  }
0xb4: {  	[sflag:s29] =	ssyncadd.s32 $0xFFFFFFFF  }
0xb5: {  	_ =	strace $0x90000054  }
0xb6: {  	_ =	sfence  }
0xb7: {  	s30 =	sld [smem:$0x0];
	_ =	sdelay $0x2  }
0xb8: {  	s31 =	sshll.u32 s1, $0xD;
	s1 =	sshrl.u32 s1, $0x2  }
0xb9: {  	s3 =	sand.u32 $0x4000, s31;
	s1 =	sadd.s32 s1, s30  }
0xba: {  	s0 =	sor.u32 s3, s0;
	s1 =	sshll.u32 s1, $0x11  }
0xbb: {  	s0 =	sor.u32 s1, s0  }
0xbc: {  	s0 =	sadd.s32 $0x8F2B, s0  }
0xbd: {  	[sflag:s0] =	ssyncadd.remote.s32 $0x1  }
0xbe: {  	_ =	sfence.sel $0xFFFF  }
0xbf: {  	[dreg:$0x0] =	wrdreg $0xFFFFFFFF;
	(pc) =	sbr.abs _section_cstart, $3  }
0xc0: {  	[dreg:$0x1] =	wrdreg $0xFFFFFFFF  }
0xc1: {  	_ =	task.clear_ibuf [dreg:s7], $0x2FFFF;
	_ =	strace $0x9FFFFFFF  }
0xc2: {  	(tm) =	ssettm $0x7FFFFFFF  }
0xc3: {  	_ =	shalt  }
tec
execute0_lowered:
.L_overlay_start_1:
0x0: {  	(tag) =	ssettag $0x1  }
0x1: {  	s6 =	rddreg [dreg:$0x0]  }
0x2: {  	s5 =	rddreg [dreg:$0x1]  }
0x3: {  	s1 =	srdreg.scid;
	s0 =	rddreg [dreg:$0x2];
	s2 =	simm.s32 $0x0  }
0x4: {  	s13 =	simm.s32 $0xA580;
	s14 =	simm.s32 $0xC580;
	s3 =	sand.u32 $0x1, s1  }
0x5: {  	s15 =	simm.s32 $0xE580;
	s1 =	stileid.u32;
	s4 =	sshll.u32 s3, $0x4  }
0x6: {  	s16 =	simm.s32 $0x0;
	[smem:$0x7FF] =	sst s2;
	s11 =	sor.u32 s1, s4  }
0x7: {  	_ =	strace $0x80000053;
	s3 =	ssub.s32 $0x2, s3;
	s4 =	smul.u32 $0x1380, s11  }
0x8: {  	s8 =	sshrl.u32 s3, $0x1;
	s7 =	sshll.u32 s11, $0xA;
	s9 =	smul.u32 $0x27, s11  }
.Ltmp0:
0x9: {  	s12 =	ssub.s32 s3, s8;
	p0 =	sne.s32 s11, $0x1F;
	(pc) =	sbr.rel .LBB2_1-.Ltmp0, $4  }
0xa: {  	s11 =	simm.s32 $0x1;
	s10 =	sadd.s32 s7, s6;
	s4 =	sadd.s32 s4, s6  }
0xb: {  	s3 =	sadd.s32 s5, s9;
	s5 =	sadd.s32 $0x4E0, s5;
	s6 =	sadd.s32 $0x2DE00, s6  }
0xc: {  	s7 =	sadd.s32 $0x2E000, s10;
	s8 =	sadd.s32 $0x36000, s10;
	s9 =	sadd.s32 $0x3E000, s10  }
0xd: {  	v0 =	vimm.f32 $0.0e+00;
	v1 =	vimm.f32 $-Inf;
	s10 =	smax.u32 s12, $0x1;
	s12 =	simm.s32 $0x180;
	s4 =	sadd.s32 $0x6E00, s4  }
.LBB2_8:
0xe: {  	[tilespmem:s18+$0xC5F0] =	vst v3  }
0xf: {  	[tilespmem:s18+$0xA5F0] =	vst v2  }
.LBB2_9:
0x10: {  	[hbm4b:s7+s2] =	stream.linear.scatter [tilespmem:s13], [sflag:$0x1], $0x2000, $0x38;
	[tilespmem:$0x10580] =	vst v63  }
0x11: {  	_ =	swait.ge [sflag:s11], $0x2000  }
0x12: {  	[sflag:s11] =	ssyncset.done $0x0  }
0x13: {  	[sflag:s11] =	ssyncadd.s32 $0xFFFFE000  }
0x14: {  	[hbm4b:s8+s2] =	stream.linear.scatter [tilespmem:s14], [sflag:$0x1], $0x2000, $0x38;
	[tilespmem:$0x10580] =	vst v63  }
0x15: {  	s16 =	sadd.s32 $0x1, s16;
	_ =	swait.ge [sflag:s11], $0x2000  }
0x16: {  	p1 =	sne.s32 s16, s10;
	[sflag:s11] =	ssyncset.done $0x0  }
.Ltmp1:
0x17: {  	[sflag:s11] =	ssyncadd.s32 $0xFFFFE000;
	(pc) =	sbr.rel @!p1 .LBB2_10-.Ltmp1, $4  }
0x18: {  	[hbm4b:s9+s2] =	stream.linear.scatter [tilespmem:s15], [sflag:$0x1], $0x2000, $0x38;
	[tilespmem:$0x10580] =	vst v63  }
0x19: {  	_ =	swait.ge [sflag:s11], $0x2000  }
0x1a: {  	[sflag:s11] =	ssyncset.done $0x0  }
0x1b: {  	[sflag:s11] =	ssyncadd.s32 $0xFFFFE000  }
.LBB2_1:
0x1c: {  	[tilespmem:s2], [sflag:$0x1] =	stream.linear.gather [hbm4b:s3+s2], $0x138, $0x38;
	[tilespmem:$0x10580] =	vst v63  }
0x1d: {  	_ =	swait.ge [sflag:s11], $0x138  }
0x1e: {  	[sflag:s11] =	ssyncset.done $0x0  }
0x1f: {  	[sflag:s11] =	ssyncadd.s32 $0xFFFFFEC8  }
0x20: {  	[tilespmem:s12], [sflag:$0x1] =	stream.linear.gather [hbm4b:s4+s2], $0x9C00, $0x38;
	[tilespmem:$0x10580] =	vst v63  }
0x21: {  	_ =	swait.ge [sflag:s11], $0x9C00  }
0x22: {  	[sflag:s11] =	ssyncset.done $0x0  }
0x23: {  	s17 =	simm.s32 @!p0 $0x0;
	s18 =	simm.s32 @!p0 $0x138;
	[sflag:s11] =	ssyncadd.s32 $0xFFFF6400  }
0x24: {  	[tilespmem:s18], [sflag:$0x1] =	stream.linear.gather @!p0 [hbm4b:s5+s17], $0x10, $0x38;
	[tilespmem:$0x10580] =	vst v63  }
0x25: {  	s18 =	simm.s32 @!p0 $0x1  }
0x26: {  	_ =	swait.ge @!p0 [sflag:s18], $0x10  }
0x27: {  	[sflag:s18] =	ssyncset.done @!p0 $0x0  }
0x28: {  	s19 =	simm.s32 @!p0 $0x9D80;
	[sflag:s18] =	ssyncadd.s32 @!p0 $0xFFFFFFF0  }
0x29: {  	[tilespmem:s19], [sflag:$0x1] =	stream.linear.gather @!p0 [hbm4b:s6+s17], $0x800, $0x38;
	[tilespmem:$0x10580] =	vst v63  }
0x2a: {  	_ =	swait.ge @!p0 [sflag:s18], $0x800  }
0x2b: {  	[sflag:s18] =	ssyncset.done @!p0 $0x0  }
0x2c: {  	s17 =	simm.s32 $0x0;
	[sflag:s18] =	ssyncadd.s32 @!p0 $0xFFFFF800;
	s18 =	simm.s32 $0x200  }
.LBB2_2:
0x2d: {  	p1 =	sne.s32 s18, $0x7E00;
	[tilespmem:s17+$0xE580] =	vst v0  }
0x2e: {  	[tilespmem:s17+$0xA580] =	vst v0  }
0x2f: {  	[tilespmem:s17+$0xC580] =	vst v1  }
0x30: {  	[tilespmem:s17+$0xA590] =	vst v0  }
0x31: {  	[tilespmem:s17+$0xC590] =	vst v1  }
0x32: {  	[tilespmem:s17+$0xA5A0] =	vst v0  }
0x33: {  	[tilespmem:s17+$0xC5A0] =	vst v1  }
0x34: {  	[tilespmem:s17+$0xA5B0] =	vst v0  }
0x35: {  	[tilespmem:s17+$0xC5B0] =	vst v1  }
0x36: {  	[tilespmem:s17+$0xA5C0] =	vst v0  }
0x37: {  	[tilespmem:s17+$0xC5C0] =	vst v1  }
0x38: {  	[tilespmem:s17+$0xA5D0] =	vst v0  }
.Ltmp2:
0x39: {  	[tilespmem:s17+$0xC5D0] =	vst v1;
	(pc) =	sbr.rel @p1 .LBB2_2-.Ltmp2, $4  }
0x3a: {  	[tilespmem:s17+$0xA5E0] =	vst v0  }
0x3b: {  	[tilespmem:s17+$0xC5E0] =	vst v1  }
0x3c: {  	[tilespmem:s17+$0xA5F0] =	vst v0  }
0x3d: {  	[tilespmem:s17+$0xC5F0] =	vst v1;
	s17 =	sshra.s32 s18, $0x2;
	s18 =	sadd.s32 $0x200, s18  }
0x3e: {  	[tilespmem:s17+$0xE580] =	vst v0  }
0x3f: {  	[tilespmem:s17+$0xA580] =	vst v0  }
0x40: {  	[tilespmem:s17+$0xC580] =	vst v1  }
0x41: {  	[tilespmem:s17+$0xA590] =	vst v0  }
0x42: {  	[tilespmem:s17+$0xC590] =	vst v1  }
0x43: {  	[tilespmem:s17+$0xA5A0] =	vst v0  }
0x44: {  	[tilespmem:s17+$0xC5A0] =	vst v1  }
0x45: {  	[tilespmem:s17+$0xA5B0] =	vst v0  }
0x46: {  	[tilespmem:s17+$0xC5B0] =	vst v1  }
0x47: {  	[tilespmem:s17+$0xA5C0] =	vst v0  }
0x48: {  	[tilespmem:s17+$0xC5C0] =	vst v1  }
0x49: {  	[tilespmem:s17+$0xA5D0] =	vst v0  }
0x4a: {  	[tilespmem:s17+$0xC5D0] =	vst v1  }
0x4b: {  	[tilespmem:s17+$0xA5E0] =	vst v0  }
0x4c: {  	[tilespmem:s17+$0xC5E0] =	vst v1  }
0x4d: {  	[tilespmem:s17+$0xA5F0] =	vst v0  }
0x4e: {  	[tilespmem:s17+$0xC5F0] =	vst v1;
	s31 =	simm.s32 $0x0  }
0x4f: {  	v2 =	vld [tilespmem:s31+$0x0];
	_ =	sdelay $0x4  }
0x50: {  	(v2sf) =	vpush v2, $0x0;
	_ =	sdelay $0xe  }
0x51: {  	s17 =	simm.s32 $0x1C0;
	s18 =	spop (v2sf)  }
0x52: {  	v2 =	vld [tilespmem:s17+$0xFFFFFFC0];
	s18 =	sshll.u32 s18, $0x7  }
0x53: {  	v3 =	vld [tilespmem:s18+$0xA580]  }
0x54: {  	v4 =	vld [tilespmem:s18+$0xC580];
	_ =	sdelay $0x4  }
0x55: {  	v3 =	vadd.f32 v3, v2;
	v2 =	vmax.f32 v4, v2  }
0x56: {  	v4 =	vld [tilespmem:s18+$0xA590];
	[tilespmem:s18+$0xC580] =	vst v2  }
0x57: {  	[tilespmem:s18+$0xA580] =	vst v3;
	v3 =	vld [tilespmem:s18+$0xC590]  }
0x58: {  	v2 =	vld [tilespmem:s17+$0xFFFFFFD0];
	_ =	sdelay $0x4  }
0x59: {  	v3 =	vmax.f32 v3, v2;
	v2 =	vadd.f32 v4, v2  }
0x5a: {  	v4 =	vld [tilespmem:s18+$0xA5A0];
	[tilespmem:s18+$0xC590] =	vst v3  }
0x5b: {  	v3 =	vld [tilespmem:s18+$0xC5A0];
	[tilespmem:s18+$0xA590] =	vst v2  }
0x5c: {  	v2 =	vld [tilespmem:s17+$0xFFFFFFE0];
	_ =	sdelay $0x4  }
0x5d: {  	v3 =	vmax.f32 v3, v2;
	v2 =	vadd.f32 v4, v2  }
0x5e: {  	v4 =	vld [tilespmem:s18+$0xA5B0];
	[tilespmem:s18+$0xC5A0] =	vst v3  }
0x5f: {  	v3 =	vld [tilespmem:s18+$0xC5B0];
	[tilespmem:s18+$0xA5A0] =	vst v2  }
0x60: {  	v2 =	vld [tilespmem:s17+$0xFFFFFFF0];
	_ =	sdelay $0x4  }
0x61: {  	v3 =	vmax.f32 v3, v2;
	v2 =	vadd.f32 v4, v2  }
0x62: {  	v4 =	vld [tilespmem:s18+$0xA5C0];
	[tilespmem:s18+$0xC5B0] =	vst v3  }
0x63: {  	v3 =	vld [tilespmem:s18+$0xC5C0];
	[tilespmem:s18+$0xA5B0] =	vst v2  }
0x64: {  	v2 =	vld [tilespmem:s17+$0x0];
	_ =	sdelay $0x4  }
0x65: {  	v3 =	vmax.f32 v3, v2;
	v2 =	vadd.f32 v4, v2  }
0x66: {  	v4 =	vld [tilespmem:s18+$0xA5D0];
	[tilespmem:s18+$0xC5C0] =	vst v3  }
0x67: {  	v3 =	vld [tilespmem:s18+$0xC5D0];
	[tilespmem:s18+$0xA5C0] =	vst v2  }
0x68: {  	v2 =	vld [tilespmem:s17+$0x10];
	_ =	sdelay $0x4  }
0x69: {  	v3 =	vmax.f32 v3, v2;
	v2 =	vadd.f32 v4, v2  }
0x6a: {  	v4 =	vld [tilespmem:s18+$0xA5E0];
	[tilespmem:s18+$0xC5D0] =	vst v3  }
0x6b: {  	v3 =	vld [tilespmem:s18+$0xC5E0];
	[tilespmem:s18+$0xA5D0] =	vst v2  }
0x6c: {  	v2 =	vld [tilespmem:s17+$0x20];
	_ =	sdelay $0x4  }
0x6d: {  	v5 =	vld [tilespmem:s18+$0xE580];
	v3 =	vmax.f32 v3, v2;
	v2 =	vadd.f32 v4, v2  }
0x6e: {  	[tilespmem:s18+$0xC5E0] =	vst v3;
	v3 =	vld [tilespmem:s18+$0xC5F0]  }
0x6f: {  	[tilespmem:s18+$0xA5E0] =	vst v2;
	v2 =	vld [tilespmem:s18+$0xA5F0]  }
0x70: {  	v4 =	vld [tilespmem:s17+$0x30];
	_ =	sdelay $0x2  }
0x71: {  	v5 =	vadd.f32 $6.250000000e-02, v5;
	_ =	sdelay $0x1  }
0x72: {  	s19 =	simm.s32 $0x4;
	[tilespmem:s18+$0xE580] =	vst v5;
	v2 =	vadd.f32 v2, v4;
	v3 =	vmax.f32 v3, v4  }
.LBB2_4:
0x73: {  	p1 =	sne.s32 s19, $0x4DC  }
0x74: {  	[tilespmem:s18+$0xC5F0] =	vst v3;
	s17 =	sadd.s32 $0x80, s17;
	s20 =	smov.u32 s19;
	s19 =	sadd.s32 $0x4, s19  }
0x75: {  	s20 =	sshra.s32 s20, $0x2;
	[tilespmem:s18+$0xA5F0] =	vst v2  }
0x76: {  	v2 =	vld [tilespmem:s20+$0x0];
	_ =	sdelay $0x4  }
0x77: {  	(v2sf) =	vpush v2, $0x0;
	_ =	sdelay $0xe  }
0x78: {  	s18 =	spop (v2sf)  }
0x79: {  	v2 =	vld [tilespmem:s17+$0xFFFFFFC0];
	s18 =	sshll.u32 s18, $0x7  }
0x7a: {  	v3 =	vld [tilespmem:s18+$0xA580]  }
0x7b: {  	v4 =	vld [tilespmem:s18+$0xC580];
	_ =	sdelay $0x3  }
0x7c: {  	v3 =	vadd.f32 v3, v2  }
0x7d: {  	v2 =	vmax.f32 v4, v2  }
0x7e: {  	[tilespmem:s18+$0xA580] =	vst v3;
	v3 =	vld [tilespmem:s18+$0xC590]  }
0x7f: {  	[tilespmem:s18+$0xC580] =	vst v2;
	v2 =	vld [tilespmem:s18+$0xA590]  }
0x80: {  	v4 =	vld [tilespmem:s17+$0xFFFFFFD0];
	_ =	sdelay $0x4  }
0x81: {  	v2 =	vadd.f32 v2, v4;
	v3 =	vmax.f32 v3, v4  }
0x82: {  	[tilespmem:s18+$0xC590] =	vst v3;
	v3 =	vld [tilespmem:s18+$0xC5A0]  }
0x83: {  	[tilespmem:s18+$0xA590] =	vst v2;
	v2 =	vld [tilespmem:s18+$0xA5A0]  }
0x84: {  	v4 =	vld [tilespmem:s17+$0xFFFFFFE0];
	_ =	sdelay $0x4  }
0x85: {  	v2 =	vadd.f32 v2, v4;
	v3 =	vmax.f32 v3, v4  }
0x86: {  	[tilespmem:s18+$0xC5A0] =	vst v3;
	v3 =	vld [tilespmem:s18+$0xC5B0]  }
0x87: {  	[tilespmem:s18+$0xA5A0] =	vst v2;
	v2 =	vld [tilespmem:s18+$0xA5B0]  }
0x88: {  	v4 =	vld [tilespmem:s17+$0xFFFFFFF0];
	_ =	sdelay $0x4  }
0x89: {  	v2 =	vadd.f32 v2, v4;
	v3 =	vmax.f32 v3, v4  }
0x8a: {  	[tilespmem:s18+$0xC5B0] =	vst v3;
	v3 =	vld [tilespmem:s18+$0xC5C0]  }
0x8b: {  	[tilespmem:s18+$0xA5B0] =	vst v2;
	v2 =	vld [tilespmem:s18+$0xA5C0]  }
0x8c: {  	v4 =	vld [tilespmem:s17+$0x0];
	_ =	sdelay $0x4  }
0x8d: {  	v2 =	vadd.f32 v2, v4;
	v3 =	vmax.f32 v3, v4  }
0x8e: {  	[tilespmem:s18+$0xC5C0] =	vst v3;
	v3 =	vld [tilespmem:s18+$0xC5D0]  }
0x8f: {  	[tilespmem:s18+$0xA5C0] =	vst v2;
	v2 =	vld [tilespmem:s18+$0xA5D0]  }
0x90: {  	v4 =	vld [tilespmem:s17+$0x10];
	_ =	sdelay $0x4  }
0x91: {  	v2 =	vadd.f32 v2, v4;
	v3 =	vmax.f32 v3, v4  }
0x92: {  	[tilespmem:s18+$0xC5D0] =	vst v3;
	v3 =	vld [tilespmem:s18+$0xC5E0]  }
0x93: {  	[tilespmem:s18+$0xA5D0] =	vst v2;
	v2 =	vld [tilespmem:s18+$0xA5E0]  }
0x94: {  	v4 =	vld [tilespmem:s17+$0x20];
	_ =	sdelay $0x1  }
0x95: {  	v5 =	vld [tilespmem:s18+$0xE580];
	_ =	sdelay $0x2  }
0x96: {  	v2 =	vadd.f32 v2, v4;
	v3 =	vmax.f32 v3, v4  }
0x97: {  	[tilespmem:s18+$0xC5E0] =	vst v3;
	v3 =	vld [tilespmem:s18+$0xC5F0]  }
0x98: {  	[tilespmem:s18+$0xA5E0] =	vst v2;
	v2 =	vld [tilespmem:s18+$0xA5F0];
	v4 =	vadd.f32 $6.250000000e-02, v5  }
0x99: {  	v5 =	vld [tilespmem:s17+$0x30]  }
.Ltmp3:
0x9a: {  	[tilespmem:s18+$0xE580] =	vst v4;
	(pc) =	sbr.rel @p1 .LBB2_4-.Ltmp3, $2  }
0x9b: {  	_ =	sdelay $0x2  }
0x9c: {  	v2 =	vadd.f32 v2, v5;
	v3 =	vmax.f32 v3, v5  }
.Ltmp4:
0x9d: {  	(pc) =	sbr.rel @p0 .LBB2_9-.Ltmp4, $3  }
0x9e: {  	_ =	sdelay $0x1  }
0x9f: {  	[tilespmem:s18+$0xC5F0] =	vst v3  }
0xa0: {  	[tilespmem:s18+$0xA5F0] =	vst v2  }
0xa1: {  	s17 =	simm.s32 $0x138  }
0xa2: {  	v2 =	vld [tilespmem:s17+$0x0];
	_ =	sdelay $0x4  }
0xa3: {  	(v2sf) =	vpush v2, $0x0;
	_ =	sdelay $0xe  }
0xa4: {  	s19 =	simm.s32 $0x0;
	s18 =	spop (v2sf)  }
0xa5: {  	v2 =	vld [tilespmem:s19+$0x9D80];
	s18 =	sshll.u32 s18, $0x7  }
0xa6: {  	v3 =	vld [tilespmem:s18+$0xA580]  }
0xa7: {  	v4 =	vld [tilespmem:s18+$0xC580];
	_ =	sdelay $0x4  }
0xa8: {  	v3 =	vadd.f32 v3, v2;
	v2 =	vmax.f32 v4, v2  }
0xa9: {  	v4 =	vld [tilespmem:s18+$0xA590];
	[tilespmem:s18+$0xC580] =	vst v2  }
0xaa: {  	[tilespmem:s18+$0xA580] =	vst v3;
	v3 =	vld [tilespmem:s18+$0xC590]  }
0xab: {  	v2 =	vld [tilespmem:s19+$0x9D90];
	_ =	sdelay $0x4  }
0xac: {  	v3 =	vmax.f32 v3, v2;
	v2 =	vadd.f32 v4, v2  }
0xad: {  	v4 =	vld [tilespmem:s18+$0xA5A0];
	[tilespmem:s18+$0xC590] =	vst v3  }
0xae: {  	v3 =	vld [tilespmem:s18+$0xC5A0];
	[tilespmem:s18+$0xA590] =	vst v2  }
0xaf: {  	v2 =	vld [tilespmem:s19+$0x9DA0];
	_ =	sdelay $0x4  }
0xb0: {  	v3 =	vmax.f32 v3, v2;
	v2 =	vadd.f32 v4, v2  }
0xb1: {  	v4 =	vld [tilespmem:s18+$0xA5B0];
	[tilespmem:s18+$0xC5A0] =	vst v3  }
0xb2: {  	v3 =	vld [tilespmem:s18+$0xC5B0];
	[tilespmem:s18+$0xA5A0] =	vst v2  }
0xb3: {  	v2 =	vld [tilespmem:s19+$0x9DB0];
	_ =	sdelay $0x4  }
0xb4: {  	v3 =	vmax.f32 v3, v2;
	v2 =	vadd.f32 v4, v2  }
0xb5: {  	v4 =	vld [tilespmem:s18+$0xA5C0];
	[tilespmem:s18+$0xC5B0] =	vst v3  }
0xb6: {  	v3 =	vld [tilespmem:s18+$0xC5C0];
	[tilespmem:s18+$0xA5B0] =	vst v2  }
0xb7: {  	v2 =	vld [tilespmem:s19+$0x9DC0];
	_ =	sdelay $0x4  }
0xb8: {  	v3 =	vmax.f32 v3, v2;
	v2 =	vadd.f32 v4, v2  }
0xb9: {  	v4 =	vld [tilespmem:s18+$0xA5D0];
	[tilespmem:s18+$0xC5C0] =	vst v3  }
0xba: {  	v3 =	vld [tilespmem:s18+$0xC5D0];
	[tilespmem:s18+$0xA5C0] =	vst v2  }
0xbb: {  	v2 =	vld [tilespmem:s19+$0x9DD0];
	_ =	sdelay $0x4  }
0xbc: {  	v3 =	vmax.f32 v3, v2;
	v2 =	vadd.f32 v4, v2  }
0xbd: {  	v4 =	vld [tilespmem:s18+$0xA5E0];
	[tilespmem:s18+$0xC5D0] =	vst v3  }
0xbe: {  	v3 =	vld [tilespmem:s18+$0xC5E0];
	[tilespmem:s18+$0xA5D0] =	vst v2  }
0xbf: {  	v2 =	vld [tilespmem:s19+$0x9DE0];
	_ =	sdelay $0x4  }
0xc0: {  	v5 =	vld [tilespmem:s18+$0xE580];
	v3 =	vmax.f32 v3, v2;
	v2 =	vadd.f32 v4, v2  }
0xc1: {  	[tilespmem:s18+$0xC5E0] =	vst v3;
	v3 =	vld [tilespmem:s18+$0xC5F0]  }
0xc2: {  	[tilespmem:s18+$0xA5E0] =	vst v2;
	v2 =	vld [tilespmem:s18+$0xA5F0]  }
0xc3: {  	v4 =	vld [tilespmem:s19+$0x9DF0];
	_ =	sdelay $0x2  }
0xc4: {  	v5 =	vadd.f32 $6.250000000e-02, v5;
	_ =	sdelay $0x1  }
0xc5: {  	s19 =	simm.s32 $0x200;
	[tilespmem:s18+$0xE580] =	vst v5;
	v2 =	vadd.f32 v2, v4;
	v3 =	vmax.f32 v3, v4  }
.LBB2_7:
0xc6: {  	p1 =	sne.s32 s19, $0x1E00  }
0xc7: {  	[tilespmem:s18+$0xC5F0] =	vst v3;
	s17 =	sadd.s32 $0x1, s17;
	s20 =	smov.u32 s19;
	s19 =	sadd.s32 $0x200, s19  }
0xc8: {  	[tilespmem:s18+$0xA5F0] =	vst v2  }
0xc9: {  	v2 =	vld [tilespmem:s17+$0x0];
	_ =	sdelay $0x4  }
0xca: {  	(v2sf) =	vpush v2, $0x0;
	_ =	sdelay $0xe  }
0xcb: {  	s20 =	sshra.s32 s20, $0x2;
	s18 =	spop (v2sf)  }
0xcc: {  	v2 =	vld [tilespmem:s20+$0x9D80];
	s18 =	sshll.u32 s18, $0x7  }
0xcd: {  	v3 =	vld [tilespmem:s18+$0xA580]  }
0xce: {  	v4 =	vld [tilespmem:s18+$0xC580];
	_ =	sdelay $0x3  }
0xcf: {  	v3 =	vadd.f32 v3, v2  }
0xd0: {  	v2 =	vmax.f32 v4, v2  }
0xd1: {  	[tilespmem:s18+$0xA580] =	vst v3;
	v3 =	vld [tilespmem:s18+$0xC590]  }
0xd2: {  	[tilespmem:s18+$0xC580] =	vst v2;
	v2 =	vld [tilespmem:s18+$0xA590]  }
0xd3: {  	v4 =	vld [tilespmem:s20+$0x9D90];
	_ =	sdelay $0x4  }
0xd4: {  	v2 =	vadd.f32 v2, v4;
	v3 =	vmax.f32 v3, v4  }
0xd5: {  	[tilespmem:s18+$0xC590] =	vst v3;
	v3 =	vld [tilespmem:s18+$0xC5A0]  }
0xd6: {  	[tilespmem:s18+$0xA590] =	vst v2;
	v2 =	vld [tilespmem:s18+$0xA5A0]  }
0xd7: {  	v4 =	vld [tilespmem:s20+$0x9DA0];
	_ =	sdelay $0x4  }
0xd8: {  	v2 =	vadd.f32 v2, v4;
	v3 =	vmax.f32 v3, v4  }
0xd9: {  	[tilespmem:s18+$0xC5A0] =	vst v3;
	v3 =	vld [tilespmem:s18+$0xC5B0]  }
0xda: {  	[tilespmem:s18+$0xA5A0] =	vst v2;
	v2 =	vld [tilespmem:s18+$0xA5B0]  }
0xdb: {  	v4 =	vld [tilespmem:s20+$0x9DB0];
	_ =	sdelay $0x4  }
0xdc: {  	v2 =	vadd.f32 v2, v4;
	v3 =	vmax.f32 v3, v4  }
0xdd: {  	[tilespmem:s18+$0xC5B0] =	vst v3;
	v3 =	vld [tilespmem:s18+$0xC5C0]  }
0xde: {  	[tilespmem:s18+$0xA5B0] =	vst v2;
	v2 =	vld [tilespmem:s18+$0xA5C0]  }
0xdf: {  	v4 =	vld [tilespmem:s20+$0x9DC0];
	_ =	sdelay $0x4  }
0xe0: {  	v2 =	vadd.f32 v2, v4;
	v3 =	vmax.f32 v3, v4  }
0xe1: {  	[tilespmem:s18+$0xC5C0] =	vst v3;
	v3 =	vld [tilespmem:s18+$0xC5D0]  }
0xe2: {  	[tilespmem:s18+$0xA5C0] =	vst v2;
	v2 =	vld [tilespmem:s18+$0xA5D0]  }
0xe3: {  	v4 =	vld [tilespmem:s20+$0x9DD0];
	_ =	sdelay $0x4  }
0xe4: {  	v2 =	vadd.f32 v2, v4;
	v3 =	vmax.f32 v3, v4  }
0xe5: {  	[tilespmem:s18+$0xC5D0] =	vst v3;
	v3 =	vld [tilespmem:s18+$0xC5E0]  }
0xe6: {  	[tilespmem:s18+$0xA5D0] =	vst v2;
	v2 =	vld [tilespmem:s18+$0xA5E0]  }
0xe7: {  	v4 =	vld [tilespmem:s20+$0x9DE0];
	_ =	sdelay $0x1  }
0xe8: {  	v5 =	vld [tilespmem:s18+$0xE580];
	_ =	sdelay $0x2  }
0xe9: {  	v2 =	vadd.f32 v2, v4;
	v3 =	vmax.f32 v3, v4  }
0xea: {  	[tilespmem:s18+$0xC5E0] =	vst v3;
	v3 =	vld [tilespmem:s18+$0xC5F0]  }
0xeb: {  	[tilespmem:s18+$0xA5E0] =	vst v2;
	v2 =	vld [tilespmem:s18+$0xA5F0];
	v4 =	vadd.f32 $6.250000000e-02, v5  }
0xec: {  	v5 =	vld [tilespmem:s20+$0x9DF0]  }
.Ltmp5:
0xed: {  	[tilespmem:s18+$0xE580] =	vst v4;
	(pc) =	sbr.rel @p1 .LBB2_7-.Ltmp5, $2  }
0xee: {  	_ =	sdelay $0x2  }
0xef: {  	v2 =	vadd.f32 v2, v5;
	v3 =	vmax.f32 v3, v5  }
.Ltmp6:
0xf0: {  	_ = 	snop;
	(pc) =	sbr.rel .LBB2_8-.Ltmp6, $1  }
0xf1: {  	_ =	sdelay $0x3  }
.LBB2_10:
0xf2: {  	_ =	sfence.sel $0x180000  }
0xf3: {  	[bflag:$0x0] =	sbarrier.arrive $0xFFFF  }
0xf4: {  	p0 =	sne.s32 s1, $0x0;
	_ =	strace $0x90000053  }
0xf5: {  	s0 =	sadd.s32 @!p0 $0x100000, s0;
	[bflag:$0x2] =	sbarrier.arrive $0xFFFF  }
0xf6: {  	[sflag:s0] =	ssyncadd.tile.s32 @!p0 $0x1;
	_ =	shalt  }
.Lfunc_end2:
_tile_overlayer_lowered:
.L_overlay_start_2:
0xf7: {  	(tag) =	ssettag $0x2  }
0xf8: {  	s0 =	rddreg [dreg:$0x0];
	s2 =	stileid.u32  }
0xf9: {  	s1 =	rddreg [dreg:$0x1];
	p0 =	sne.s32 s2, $0x0  }
0xfa: {  	s3 =	rddreg [dreg:$0x2];
	[bflag:$0x3] =	sbarrier.arrive $0xFFFF;
	s2 =	simm.s32 @!p0 $0x1C01  }
0xfb: {  	[timem:s3], [sflag:s2] =	dma.local @!p0 [hbm:s0], s1  }
0xfc: {  	s0 =	simm.s32 @!p0 $0x1  }
0xfd: {  	_ =	swait.ge @!p0 [sflag:s0], s1  }
0xfe: {  	s1 =	ssub.s32 @!p0 $0x0, s1;
	[sflag:s0] =	ssyncset.done @!p0 $0x0  }
0xff: {  	[sflag:s0] =	ssyncadd.s32 @!p0 s1  }
0x100: {  	[bflag:$0x3] =	sbarrier.arrive $0xFFFF  }
0x101: {  	_ =	shalt  }

</sc_bundles>
